<compile_context>
chip_gen: v7x
topology: tpu7x:2x2x1
jax: 0.10.2.dev20260603
libtpu: 0.0.44.dev20260713+nightly
codegen_flags: <defaults>
</compile_context>

<pallas_src>
import functools

import jax
import jax.numpy as jnp
from jax import lax
from jax.experimental import pallas as pl
from jax.experimental.pallas import tpu as pltpu
from jax.experimental.pallas import tpu_sc as plsc

N_NODES = 10000
NIN = 128
NOUT = 128
N_EDGES = 320000
NH = NIN // 2

_NC = 2
_NS = 16
_NW = _NC * _NS
_K = 5
_EK = N_EDGES // _K
_EW = _EK // _NW
_C = 80
_CH = _EW // _C



def _node_body(x_ref, wlt_ref, bl_ref, w1at_ref, y_ref):
    xl = jnp.dot(x_ref[...], wlt_ref[...], preferred_element_type=jnp.float32)
    xl = xl + bl_ref[...]
    y = jnp.dot(xl, w1at_ref[...], preferred_element_type=jnp.float32)
    yb = y.astype(jnp.bfloat16)
    lo16 = lax.bitcast_convert_type(yb[:, :NH], jnp.uint16)
    hi16 = lax.bitcast_convert_type(yb[:, NH:], jnp.uint16)
    packed = (hi16.astype(jnp.uint32) << 16) | lo16.astype(jnp.uint32)
    y_ref[...] = lax.bitcast_convert_type(packed, jnp.int32)


def _node_precompute(x, WlT, bl2, W1aT):
    return pl.pallas_call(
        _node_body,
        out_shape=jax.ShapeDtypeStruct((N_NODES, NH), jnp.int32),
    )(x, WlT, bl2, W1aT)



_ILV = plsc.PackFormat.INTERLEAVED


def _gather_add_body(y_hbm, src_hbm, dst_hbm, g_hbm,
                     ytab, sidx, didx, sbuf0, dbuf0, sbuf1, dbuf1, obuf,
                     sem_s0, sem_d0, sem_s1, sem_d1):
    cid = lax.axis_index("c")
    sid = lax.axis_index("s")
    wid = sid * _NC + cid

    @pl.when(sid == 0)
    def _():
        pltpu.sync_copy(y_hbm, ytab)

    pltpu.sync_copy(src_hbm.at[wid], sidx)
    pltpu.sync_copy(dst_hbm.at[wid], didx)
    plsc.subcore_barrier()

    def issue(i, sbuf, dbuf, ss, sd):
        pltpu.make_async_copy(ytab.at[sidx.at[i]], sbuf, ss).start()
        pltpu.make_async_copy(ytab.at[didx.at[i]], dbuf, sd).start()

    def drain(sbuf, dbuf, ss, sd):
        pltpu.make_async_copy(y_hbm.at[sidx.at[0]], sbuf, ss).wait()
        pltpu.make_async_copy(y_hbm.at[didx.at[0]], dbuf, sd).wait()

    def compute_store(i, srows, drows):
        def pair(rr, _):
            e0 = rr * 2
            e1 = e0 + 1

            def kchunk(k, _):
                c = k * 16
                s0 = plsc.bitcast(srows[e0, pl.ds(c, 16)], jnp.bfloat16)
                d0 = plsc.bitcast(drows[e0, pl.ds(c, 16)], jnp.bfloat16)
                s1 = plsc.bitcast(srows[e1, pl.ds(c, 16)], jnp.bfloat16)
                d1 = plsc.bitcast(drows[e1, pl.ds(c, 16)], jnp.bfloat16)
                sa0, sb0 = plsc.unpack(s0, format=_ILV)
                da0, db0 = plsc.unpack(d0, format=_ILV)
                sa1, sb1 = plsc.unpack(s1, format=_ILV)
                da1, db1 = plsc.unpack(d1, format=_ILV)
                fa0 = sa0 + da0
                fb0 = sb0 + db0
                fa1 = sa1 + da1
                fb1 = sb1 + db1
                lo_pair = plsc.bitcast(plsc.pack(fa0, fa1, format=_ILV),
                                       jnp.int32)
                hi_pair = plsc.bitcast(plsc.pack(fb0, fb1, format=_ILV),
                                       jnp.int32)
                obuf[rr, pl.ds(c, 16)] = lo_pair
                obuf[rr, pl.ds(NH + c, 16)] = hi_pair
                return 0

            return lax.fori_loop(0, NH // 16, kchunk, 0)

        lax.fori_loop(0, _C // 2, pair, 0)
        base2 = wid * (_EW // 2) + i * (_C // 2)
        pltpu.sync_copy(obuf, g_hbm.at[pl.ds(base2, _C // 2)])

    issue(0, sbuf0, dbuf0, sem_s0, sem_d0)

    def outer(i, _):
        nxt = jnp.minimum(i + 1, _CH - 1)

        @pl.when(i % 2 == 0)
        def _():
            issue(nxt, sbuf1, dbuf1, sem_s1, sem_d1)
            drain(sbuf0, dbuf0, sem_s0, sem_d0)
            compute_store(i, sbuf0, dbuf0)

        @pl.when(i % 2 == 1)
        def _():
            issue(nxt, sbuf0, dbuf0, sem_s0, sem_d0)
            drain(sbuf1, dbuf1, sem_s1, sem_d1)
            compute_store(i, sbuf1, dbuf1)

        return 0

    lax.fori_loop(0, _CH, outer, 0)
    drain(sbuf1, dbuf1, sem_s1, sem_d1)


def _gather_add(y, src3, dst3):
    mesh = plsc.VectorSubcoreMesh(core_axis_name="c", subcore_axis_name="s")
    fn = functools.partial(
        pl.kernel, mesh=mesh,
        compiler_params=pltpu.CompilerParams(
            needs_layout_passes=False, use_tc_tiling_on_sc=False),
        out_type=jax.ShapeDtypeStruct((_EK // 2, NIN), jnp.int32),
        scratch_types=[
            pltpu.VMEM_SHARED((N_NODES, NH), jnp.int32),
            pltpu.VMEM((_CH, _C), jnp.int32),
            pltpu.VMEM((_CH, _C), jnp.int32),
            pltpu.VMEM((_C, NH), jnp.int32),
            pltpu.VMEM((_C, NH), jnp.int32),
            pltpu.VMEM((_C, NH), jnp.int32),
            pltpu.VMEM((_C, NH), jnp.int32),
            pltpu.VMEM((_C // 2, NIN), jnp.int32),
            pltpu.SemaphoreType.DMA,
            pltpu.SemaphoreType.DMA,
            pltpu.SemaphoreType.DMA,
            pltpu.SemaphoreType.DMA,
        ],
    )(_gather_add_body)
    return fn(y, src3, dst3)



_EB = 12800
_NBK = _EK // _EB


def _edge_body(g_ref, ea_ref, w1et_ref, b1_ref, w2t_ref, b2_ref, out_ref):
    gbf = pltpu.bitcast(g_ref[...], jnp.bfloat16)
    gf = gbf.astype(jnp.float32)
    u = jnp.dot(ea_ref[...], w1et_ref[...],
                preferred_element_type=jnp.float32) + b1_ref[...]
    h = jnp.maximum(u + gf, 0.0)
    o = jnp.dot(h, w2t_ref[...], preferred_element_type=jnp.float32) + b2_ref[...]
    out_ref[...] = jnp.maximum(o, 0.0)


def _edge_body_prev(g_ref, ea_ref, w1et_ref, b1_ref, w2t_ref, b2_ref,
                    prev_ref, out_ref):
    del prev_ref
    _edge_body(g_ref, ea_ref, w1et_ref, b1_ref, w2t_ref, b2_ref, out_ref)


def _edge_mlp_slice(k, g_k, edge_attr, W1eT, b12, W2T, b22, out_prev):
    off = k * _NBK
    in_specs = [
        pl.BlockSpec((_EB // 2, NIN), lambda i: (i, 0)),
        pl.BlockSpec((_EB, NIN), lambda i, o=off: (i + o, 0)),
        pl.BlockSpec((NIN, NOUT), lambda i: (0, 0)),
        pl.BlockSpec((1, NOUT), lambda i: (0, 0)),
        pl.BlockSpec((NOUT, NOUT), lambda i: (0, 0)),
        pl.BlockSpec((1, NOUT), lambda i: (0, 0)),
    ]
    args = [g_k, edge_attr, W1eT, b12, W2T, b22]
    body = _edge_body
    aliases = {}
    if out_prev is not None:
        in_specs.append(pl.BlockSpec(memory_space=pl.MemorySpace.ANY))
        args.append(out_prev)
        body = _edge_body_prev
        aliases = {6: 0}
    return pl.pallas_call(
        body,
        grid=(_NBK,),
        in_specs=in_specs,
        out_specs=pl.BlockSpec((_EB, NOUT), lambda i, o=off: (i + o, 0)),
        out_shape=jax.ShapeDtypeStruct((N_EDGES, NOUT), jnp.float32),
        input_output_aliases=aliases,
    )(*args)



def kernel(x, edge_index, edge_attr, Wl, bl, W1, b1, W2, b2):
    src4 = edge_index[0].astype(jnp.int32).reshape(_K, _NW, _CH, _C)
    dst4 = edge_index[1].astype(jnp.int32).reshape(_K, _NW, _CH, _C)
    WlT = Wl.T
    W1aT = W1[:, :NIN].T
    W1eT = W1[:, NIN:].T
    W2T = W2.T
    b12 = b1.reshape(1, NOUT)
    b22 = b2.reshape(1, NOUT)

    y = _node_precompute(x, WlT, bl.reshape(1, NIN), W1aT)
    gs = [_gather_add(y, src4[k], dst4[k]) for k in range(_K)]
    out = None
    for k in range(_K):
        out = _edge_mlp_slice(k, gs[k], edge_attr, W1eT, b12, W2T, b22, out)
    return out

# --- scband reference (transcript-rebuilt; emitter-appended) ---
"""Pipeline reference for scband-edge-updater-69028714381392 (READ-ONLY COPY).

The authoritative reference and input builder live on the scoring server;
editing this copy changes nothing except your own understanding.
"""

import jax, jax.numpy as jnp
import numpy as np

NIN = 128
NOUT = 128
N_NODES = 10000
N_EDGES = 320000


def setup_inputs(seed: int = 0) -> dict:
    key = jax.random.key(seed)
    ks = jax.random.split(key, 10)
    x = jax.random.normal(ks[0], (N_NODES, NIN), dtype=jnp.float32)
    edge_index = jax.random.randint(ks[1], (2, N_EDGES), 0, N_NODES, dtype=jnp.int64 if jax.config.jax_enable_x64 else jnp.int32)
    edge_attr = jax.random.normal(ks[2], (N_EDGES, NIN), dtype=jnp.float32)
    # nn.Linear(nin, nin)
    s_l = 1.0 / np.sqrt(NIN)
    Wl = jax.random.uniform(ks[3], (NIN, NIN), minval=-s_l, maxval=s_l, dtype=jnp.float32)
    bl = jax.random.uniform(ks[4], (NIN,), minval=-s_l, maxval=s_l, dtype=jnp.float32)
    # MLP(2*nin, nout, nlayer=2, with_final_activation=True):
    # layer1: Linear(2*nin -> nout) + ReLU; layer2: Linear(nout -> nout) + ReLU
    s_1 = 1.0 / np.sqrt(2 * NIN)
    W1 = jax.random.uniform(ks[5], (NOUT, 2 * NIN), minval=-s_1, maxval=s_1, dtype=jnp.float32)
    b1 = jax.random.uniform(ks[6], (NOUT,), minval=-s_1, maxval=s_1, dtype=jnp.float32)
    s_2 = 1.0 / np.sqrt(NOUT)
    W2 = jax.random.uniform(ks[7], (NOUT, NOUT), minval=-s_2, maxval=s_2, dtype=jnp.float32)
    b2 = jax.random.uniform(ks[8], (NOUT,), minval=-s_2, maxval=s_2, dtype=jnp.float32)
    return {"x": x, "edge_index": edge_index, "edge_attr": edge_attr,
            "Wl": Wl, "bl": bl, "W1": W1, "b1": b1, "W2": W2, "b2": b2}


def reference(x, edge_index, edge_attr, Wl, bl, W1, b1, W2, b2):
    # self.linear(x)
    xl = x @ Wl.T + bl
    # gather at src and dst endpoints, elementwise add
    aggregated = jnp.take(xl, edge_index[0], axis=0) + jnp.take(xl, edge_index[1], axis=0)
    h = jnp.concatenate([aggregated, edge_attr], axis=-1)
    # combiner MLP (2 layers, final activation)
    h = jax.nn.relu(h @ W1.T + b1)
    h = jax.nn.relu(h @ W2.T + b2)
    return h

if __name__ == "__main__":
    import jax
    _d = setup_inputs()
    print(jax.jit(kernel)(*tuple(_d.values())))

</pallas_src>

<mosaic_0001>
#map = affine_map<(d0, d1) -> (0, 0)>
#map1 = affine_map<(d0, d1) -> (0, 0, 0)>
module attributes {stable_mosaic.version = 14 : i64} {
  func.func @_gather_add_body(%arg0: i32, %arg1: i32, %arg2: memref<10000x64xi32, #tpu.memory_space<hbm>>, %arg3: memref<32x25x80xi32, #tpu.memory_space<hbm>>, %arg4: memref<32x25x80xi32, #tpu.memory_space<hbm>>, %arg5: memref<32000x128xi32, #tpu.memory_space<hbm>>, %arg6: memref<10000x64xi32, #tpu.memory_space<vmem_shared>>, %arg7: memref<25x80xi32, #tpu.memory_space<vmem>>, %arg8: memref<25x80xi32, #tpu.memory_space<vmem>>, %arg9: memref<80x64xi32, #tpu.memory_space<vmem>>, %arg10: memref<80x64xi32, #tpu.memory_space<vmem>>, %arg11: memref<80x64xi32, #tpu.memory_space<vmem>>, %arg12: memref<80x64xi32, #tpu.memory_space<vmem>>, %arg13: memref<40x128xi32, #tpu.memory_space<vmem>>, %arg14: memref<!tpu.dma_semaphore, #tpu.memory_space<semaphore_mem>>, %arg15: memref<!tpu.dma_semaphore, #tpu.memory_space<semaphore_mem>>, %arg16: memref<!tpu.dma_semaphore, #tpu.memory_space<semaphore_mem>>, %arg17: memref<!tpu.dma_semaphore, #tpu.memory_space<semaphore_mem>>) attributes {dimension_semantics = [#tpu.dimension_semantics<core_parallel>, #tpu.dimension_semantics<subcore_parallel>], iteration_bounds = array<i64: 2, 16>, scalar_prefetch = 0 : i64, scratch_operands = 12 : i64, tpu.core_type = #tpu.core_type<sc_vector_subcore>, window_params = [{transform_indices = #map}, {transform_indices = #map1}, {transform_indices = #map1}, {transform_indices = #map}]} {
    %mul3A = arith.constant 2 : i32
    %mul3A_0 = arith.muli %arg1, %mul3A : i32
    %add3A = arith.addi %mul3A_0, %arg0 : i32
    %eq3A = arith.constant 0 : i32
    %eq3A_1 = arith.cmpi eq, %arg1, %eq3A : i32
    %convert_element_type3A = arith.extui %eq3A_1 : i1 to i32
    %cond3A = arith.constant 0 : i32
    %cond3A_2 = arith.cmpi ne, %convert_element_type3A, %cond3A : i32
    scf.if %cond3A_2 {
      "tpu.region"() ({
        %run_scoped3A = tpu.sem_alloc : memref<!tpu.dma_semaphore, #tpu.memory_space<semaphore_mem>>
        tpu.enqueue_dma source(%arg2 : memref<10000x64xi32, #tpu.memory_space<hbm>>) target(%arg6 : memref<10000x64xi32, #tpu.memory_space<vmem_shared>>) target_semaphore(%run_scoped3A : memref<!tpu.dma_semaphore, #tpu.memory_space<semaphore_mem>>)
        tpu.wait_dma2 semaphore(%run_scoped3A : memref<!tpu.dma_semaphore, #tpu.memory_space<semaphore_mem>>) src(%arg2 : memref<10000x64xi32, #tpu.memory_space<hbm>>) dst(%arg6 : memref<10000x64xi32, #tpu.memory_space<vmem_shared>>)
        tpu.yield
      }) : () -> ()
    } else {
    }
    "tpu.region"() ({
      %run_scoped3A = tpu.sem_alloc : memref<!tpu.dma_semaphore, #tpu.memory_space<semaphore_mem>>
      %dma_start3A_35 = arith.constant 0 : i32
      %dma_start3A_36 = arith.constant 0 : i32
      %dma_start3A_37 = tpu.memref_slice %arg3[%add3A, %dma_start3A_35, %dma_start3A_36] : memref<32x25x80xi32, #tpu.memory_space<hbm>> -> memref<1x25x80xi32, #tpu.memory_space<hbm>>
      %dma_start3A_38 = tpu.memref_squeeze %dma_start3A_37 : memref<1x25x80xi32, #tpu.memory_space<hbm>> -> memref<25x80xi32, #tpu.memory_space<hbm>>
      %dma_start3A_39 = arith.constant 0 : i32
      %dma_start3A_40 = arith.constant 0 : i32
      %dma_start3A_41 = tpu.memref_slice %arg3[%add3A, %dma_start3A_39, %dma_start3A_40] : memref<32x25x80xi32, #tpu.memory_space<hbm>> -> memref<1x25x80xi32, #tpu.memory_space<hbm>>
      %dma_start3A_42 = tpu.memref_squeeze %dma_start3A_41 : memref<1x25x80xi32, #tpu.memory_space<hbm>> -> memref<25x80xi32, #tpu.memory_space<hbm>>
      tpu.enqueue_dma source(%dma_start3A_42 : memref<25x80xi32, #tpu.memory_space<hbm>>) target(%arg7 : memref<25x80xi32, #tpu.memory_space<vmem>>) target_semaphore(%run_scoped3A : memref<!tpu.dma_semaphore, #tpu.memory_space<semaphore_mem>>)
      %dma_wait3A_43 = arith.constant 0 : i32
      %dma_wait3A_44 = arith.constant 0 : i32
      %dma_wait3A_45 = tpu.memref_slice %arg3[%add3A, %dma_wait3A_43, %dma_wait3A_44] : memref<32x25x80xi32, #tpu.memory_space<hbm>> -> memref<1x25x80xi32, #tpu.memory_space<hbm>>
      %dma_wait3A_46 = tpu.memref_squeeze %dma_wait3A_45 : memref<1x25x80xi32, #tpu.memory_space<hbm>> -> memref<25x80xi32, #tpu.memory_space<hbm>>
      %dma_wait3A_47 = arith.constant 0 : i32
      %dma_wait3A_48 = arith.constant 0 : i32
      %dma_wait3A_49 = tpu.memref_slice %arg3[%add3A, %dma_wait3A_47, %dma_wait3A_48] : memref<32x25x80xi32, #tpu.memory_space<hbm>> -> memref<1x25x80xi32, #tpu.memory_space<hbm>>
      %dma_wait3A_50 = tpu.memref_squeeze %dma_wait3A_49 : memref<1x25x80xi32, #tpu.memory_space<hbm>> -> memref<25x80xi32, #tpu.memory_space<hbm>>
      tpu.wait_dma2 semaphore(%run_scoped3A : memref<!tpu.dma_semaphore, #tpu.memory_space<semaphore_mem>>) src(%dma_wait3A_50 : memref<25x80xi32, #tpu.memory_space<hbm>>) dst(%arg7 : memref<25x80xi32, #tpu.memory_space<vmem>>)
      tpu.yield
    }) : () -> ()
    "tpu.region"() ({
      %run_scoped3A = tpu.sem_alloc : memref<!tpu.dma_semaphore, #tpu.memory_space<semaphore_mem>>
      %dma_start3A_35 = arith.constant 0 : i32
      %dma_start3A_36 = arith.constant 0 : i32
      %dma_start3A_37 = tpu.memref_slice %arg4[%add3A, %dma_start3A_35, %dma_start3A_36] : memref<32x25x80xi32, #tpu.memory_space<hbm>> -> memref<1x25x80xi32, #tpu.memory_space<hbm>>
      %dma_start3A_38 = tpu.memref_squeeze %dma_start3A_37 : memref<1x25x80xi32, #tpu.memory_space<hbm>> -> memref<25x80xi32, #tpu.memory_space<hbm>>
      %dma_start3A_39 = arith.constant 0 : i32
      %dma_start3A_40 = arith.constant 0 : i32
      %dma_start3A_41 = tpu.memref_slice %arg4[%add3A, %dma_start3A_39, %dma_start3A_40] : memref<32x25x80xi32, #tpu.memory_space<hbm>> -> memref<1x25x80xi32, #tpu.memory_space<hbm>>
      %dma_start3A_42 = tpu.memref_squeeze %dma_start3A_41 : memref<1x25x80xi32, #tpu.memory_space<hbm>> -> memref<25x80xi32, #tpu.memory_space<hbm>>
      tpu.enqueue_dma source(%dma_start3A_42 : memref<25x80xi32, #tpu.memory_space<hbm>>) target(%arg8 : memref<25x80xi32, #tpu.memory_space<vmem>>) target_semaphore(%run_scoped3A : memref<!tpu.dma_semaphore, #tpu.memory_space<semaphore_mem>>)
      %dma_wait3A_43 = arith.constant 0 : i32
      %dma_wait3A_44 = arith.constant 0 : i32
      %dma_wait3A_45 = tpu.memref_slice %arg4[%add3A, %dma_wait3A_43, %dma_wait3A_44] : memref<32x25x80xi32, #tpu.memory_space<hbm>> -> memref<1x25x80xi32, #tpu.memory_space<hbm>>
      %dma_wait3A_46 = tpu.memref_squeeze %dma_wait3A_45 : memref<1x25x80xi32, #tpu.memory_space<hbm>> -> memref<25x80xi32, #tpu.memory_space<hbm>>
      %dma_wait3A_47 = arith.constant 0 : i32
      %dma_wait3A_48 = arith.constant 0 : i32
      %dma_wait3A_49 = tpu.memref_slice %arg4[%add3A, %dma_wait3A_47, %dma_wait3A_48] : memref<32x25x80xi32, #tpu.memory_space<hbm>> -> memref<1x25x80xi32, #tpu.memory_space<hbm>>
      %dma_wait3A_50 = tpu.memref_squeeze %dma_wait3A_49 : memref<1x25x80xi32, #tpu.memory_space<hbm>> -> memref<25x80xi32, #tpu.memory_space<hbm>>
      tpu.wait_dma2 semaphore(%run_scoped3A : memref<!tpu.dma_semaphore, #tpu.memory_space<semaphore_mem>>) src(%dma_wait3A_50 : memref<25x80xi32, #tpu.memory_space<hbm>>) dst(%arg8 : memref<25x80xi32, #tpu.memory_space<vmem>>)
      tpu.yield
    }) : () -> ()
    %barrier3A = arith.constant 0 : index
    tpu.barrier barrier_id(%barrier3A)
    %dma_start3A = arith.constant 0 : i32
    %dma_start3A_3 = arith.constant 0 : i32
    %dma_start3A_4 = tpu.memref_slice %arg7[%dma_start3A, %dma_start3A_3] : memref<25x80xi32, #tpu.memory_space<vmem>> -> memref<1x80xi32, #tpu.memory_space<vmem>>
    %dma_start3A_5 = tpu.memref_squeeze %dma_start3A_4 : memref<1x80xi32, #tpu.memory_space<vmem>> -> memref<80xi32, #tpu.memory_space<vmem>>
    %dma_start3A_6 = arith.constant 0 : i32
    %dma_start3A_7 = arith.constant 0 : i32
    %dma_start3A_8 = tpu.memref_slice %arg6[%dma_start3A_6, %dma_start3A_7] : memref<10000x64xi32, #tpu.memory_space<vmem_shared>> -> memref<10000x64xi32, #tpu.memory_space<vmem_shared>>
    tpu.enqueue_indirect_dma source(%dma_start3A_8 : memref<10000x64xi32, #tpu.memory_space<vmem_shared>>) target(%arg9 : memref<80x64xi32, #tpu.memory_space<vmem>>) offsets(%dma_start3A_5 : memref<80xi32, #tpu.memory_space<vmem>>) semaphore(%arg14 : memref<!tpu.dma_semaphore, #tpu.memory_space<semaphore_mem>>)
    %dma_start3A_9 = arith.constant 0 : i32
    %dma_start3A_10 = arith.constant 0 : i32
    %dma_start3A_11 = tpu.memref_slice %arg8[%dma_start3A_9, %dma_start3A_10] : memref<25x80xi32, #tpu.memory_space<vmem>> -> memref<1x80xi32, #tpu.memory_space<vmem>>
    %dma_start3A_12 = tpu.memref_squeeze %dma_start3A_11 : memref<1x80xi32, #tpu.memory_space<vmem>> -> memref<80xi32, #tpu.memory_space<vmem>>
    %dma_start3A_13 = arith.constant 0 : i32
    %dma_start3A_14 = arith.constant 0 : i32
    %dma_start3A_15 = tpu.memref_slice %arg6[%dma_start3A_13, %dma_start3A_14] : memref<10000x64xi32, #tpu.memory_space<vmem_shared>> -> memref<10000x64xi32, #tpu.memory_space<vmem_shared>>
    tpu.enqueue_indirect_dma source(%dma_start3A_15 : memref<10000x64xi32, #tpu.memory_space<vmem_shared>>) target(%arg10 : memref<80x64xi32, #tpu.memory_space<vmem>>) offsets(%dma_start3A_12 : memref<80xi32, #tpu.memory_space<vmem>>) semaphore(%arg15 : memref<!tpu.dma_semaphore, #tpu.memory_space<semaphore_mem>>)
    %scan3A = arith.constant 0 : i32
    %scan3A_16 = arith.constant 0 : i32
    %scan3A_17 = arith.constant 25 : i32
    %scan3A_18 = arith.addi %scan3A_16, %scan3A_17 : i32
    %scan3A_19 = arith.constant 1 : i32
    %scan3A_20 = scf.for %scan3A_35 = %scan3A_16 to %scan3A_18 step %scan3A_19 iter_args(%scan3A_36 = %scan3A) -> (i32)  : i32 {
      %add3A_37 = arith.constant 1 : i32
      %add3A_38 = arith.addi %scan3A_35, %add3A_37 : i32
      %min3A = arith.constant 24 : i32
      %min3A_39 = arith.minsi %add3A_38, %min3A : i32
      %jit3A = arith.constant 2 : i32
      %eq3A_40 = arith.constant 0 : i32
      %eq3A_41 = arith.cmpi eq, %jit3A, %eq3A_40 : i32
      %jit3A_42 = arith.constant 1 : i32
      %select_n3A = arith.select %eq3A_41, %jit3A_42, %jit3A : i32
      %rem3A = arith.remsi %scan3A_35, %select_n3A : i32
      %ne3A = arith.constant 0 : i32
      %ne3A_43 = arith.cmpi ne, %rem3A, %ne3A : i32
      %lt3A = arith.constant 0 : i32
      %lt3A_44 = arith.cmpi slt, %rem3A, %lt3A : i32
      %lt3A_45 = arith.constant 0 : i32
      %lt3A_46 = arith.cmpi slt, %select_n3A, %lt3A_45 : i32
      %ne3A_47 = arith.xori %lt3A_44, %lt3A_46 : i1
      %and3A = arith.andi %ne3A_47, %ne3A_43 : i1
      %add3A_48 = arith.addi %rem3A, %select_n3A : i32
      %select_n3A_49 = arith.select %and3A, %add3A_48, %rem3A : i32
      %eq3A_50 = arith.constant 0 : i32
      %eq3A_51 = arith.cmpi eq, %select_n3A_49, %eq3A_50 : i32
      %convert_element_type3A_52 = arith.extui %eq3A_51 : i1 to i32
      %cond3A_53 = arith.constant 0 : i32
      %cond3A_54 = arith.cmpi ne, %convert_element_type3A_52, %cond3A_53 : i32
      scf.if %cond3A_54 {
        %dma_start3A_77 = arith.constant 0 : i32
        %dma_start3A_78 = tpu.memref_slice %arg7[%min3A_39, %dma_start3A_77] : memref<25x80xi32, #tpu.memory_space<vmem>> -> memref<1x80xi32, #tpu.memory_space<vmem>>
        %dma_start3A_79 = tpu.memref_squeeze %dma_start3A_78 : memref<1x80xi32, #tpu.memory_space<vmem>> -> memref<80xi32, #tpu.memory_space<vmem>>
        %dma_start3A_80 = arith.constant 0 : i32
        %dma_start3A_81 = arith.constant 0 : i32
        %dma_start3A_82 = tpu.memref_slice %arg6[%dma_start3A_80, %dma_start3A_81] : memref<10000x64xi32, #tpu.memory_space<vmem_shared>> -> memref<10000x64xi32, #tpu.memory_space<vmem_shared>>
        tpu.enqueue_indirect_dma source(%dma_start3A_82 : memref<10000x64xi32, #tpu.memory_space<vmem_shared>>) target(%arg11 : memref<80x64xi32, #tpu.memory_space<vmem>>) offsets(%dma_start3A_79 : memref<80xi32, #tpu.memory_space<vmem>>) semaphore(%arg16 : memref<!tpu.dma_semaphore, #tpu.memory_space<semaphore_mem>>)
        %dma_start3A_83 = arith.constant 0 : i32
        %dma_start3A_84 = tpu.memref_slice %arg8[%min3A_39, %dma_start3A_83] : memref<25x80xi32, #tpu.memory_space<vmem>> -> memref<1x80xi32, #tpu.memory_space<vmem>>
        %dma_start3A_85 = tpu.memref_squeeze %dma_start3A_84 : memref<1x80xi32, #tpu.memory_space<vmem>> -> memref<80xi32, #tpu.memory_space<vmem>>
        %dma_start3A_86 = arith.constant 0 : i32
        %dma_start3A_87 = arith.constant 0 : i32
        %dma_start3A_88 = tpu.memref_slice %arg6[%dma_start3A_86, %dma_start3A_87] : memref<10000x64xi32, #tpu.memory_space<vmem_shared>> -> memref<10000x64xi32, #tpu.memory_space<vmem_shared>>
        tpu.enqueue_indirect_dma source(%dma_start3A_88 : memref<10000x64xi32, #tpu.memory_space<vmem_shared>>) target(%arg12 : memref<80x64xi32, #tpu.memory_space<vmem>>) offsets(%dma_start3A_85 : memref<80xi32, #tpu.memory_space<vmem>>) semaphore(%arg17 : memref<!tpu.dma_semaphore, #tpu.memory_space<semaphore_mem>>)
        %dma_wait3A_89 = arith.constant 0 : i32
        %dma_wait3A_90 = arith.constant 0 : i32
        %dma_wait3A_91 = tpu.memref_slice %arg7[%dma_wait3A_89, %dma_wait3A_90] : memref<25x80xi32, #tpu.memory_space<vmem>> -> memref<1x80xi32, #tpu.memory_space<vmem>>
        %dma_wait3A_92 = tpu.memref_squeeze %dma_wait3A_91 : memref<1x80xi32, #tpu.memory_space<vmem>> -> memref<80xi32, #tpu.memory_space<vmem>>
        %dma_wait3A_93 = arith.constant 0 : i32
        %dma_wait3A_94 = arith.constant 0 : i32
        %dma_wait3A_95 = tpu.memref_slice %arg2[%dma_wait3A_93, %dma_wait3A_94] : memref<10000x64xi32, #tpu.memory_space<hbm>> -> memref<10000x64xi32, #tpu.memory_space<hbm>>
        tpu.wait_indirect_dma semaphore(%arg14 : memref<!tpu.dma_semaphore, #tpu.memory_space<semaphore_mem>>) src(%dma_wait3A_95 : memref<10000x64xi32, #tpu.memory_space<hbm>>) dst(%arg9 : memref<80x64xi32, #tpu.memory_space<vmem>>)
        %dma_wait3A_96 = arith.constant 0 : i32
        %dma_wait3A_97 = arith.constant 0 : i32
        %dma_wait3A_98 = tpu.memref_slice %arg8[%dma_wait3A_96, %dma_wait3A_97] : memref<25x80xi32, #tpu.memory_space<vmem>> -> memref<1x80xi32, #tpu.memory_space<vmem>>
        %dma_wait3A_99 = tpu.memref_squeeze %dma_wait3A_98 : memref<1x80xi32, #tpu.memory_space<vmem>> -> memref<80xi32, #tpu.memory_space<vmem>>
        %dma_wait3A_100 = arith.constant 0 : i32
        %dma_wait3A_101 = arith.constant 0 : i32
        %dma_wait3A_102 = tpu.memref_slice %arg2[%dma_wait3A_100, %dma_wait3A_101] : memref<10000x64xi32, #tpu.memory_space<hbm>> -> memref<10000x64xi32, #tpu.memory_space<hbm>>
        tpu.wait_indirect_dma semaphore(%arg15 : memref<!tpu.dma_semaphore, #tpu.memory_space<semaphore_mem>>) src(%dma_wait3A_102 : memref<10000x64xi32, #tpu.memory_space<hbm>>) dst(%arg10 : memref<80x64xi32, #tpu.memory_space<vmem>>)
        %scan3A_103 = arith.constant 0 : i32
        %scan3A_104 = arith.constant 0 : i32
        %scan3A_105 = arith.constant 40 : i32
        %scan3A_106 = arith.addi %scan3A_104, %scan3A_105 : i32
        %scan3A_107 = arith.constant 1 : i32
        %scan3A_108 = scf.for %scan3A_115 = %scan3A_104 to %scan3A_106 step %scan3A_107 iter_args(%scan3A_116 = %scan3A_103) -> (i32)  : i32 {
          %mul3A_117 = arith.constant 2 : i32
          %mul3A_118 = arith.muli %scan3A_115, %mul3A_117 : i32
          %add3A_119 = arith.constant 1 : i32
          %add3A_120 = arith.addi %mul3A_118, %add3A_119 : i32
          %scan3A_121 = arith.constant 0 : i32
          %scan3A_122 = arith.constant 0 : i32
          %scan3A_123 = arith.constant 4 : i32
          %scan3A_124 = arith.addi %scan3A_122, %scan3A_123 : i32
          %scan3A_125 = arith.constant 1 : i32
          %scan3A_126 = scf.for %scan3A_128 = %scan3A_122 to %scan3A_124 step %scan3A_125 iter_args(%scan3A_129 = %scan3A_121) -> (i32)  : i32 {
            %mul3A_130 = arith.constant 16 : i32
            %mul3A_131 = arith.muli %scan3A_128, %mul3A_130 : i32
            %get3A = arith.index_cast %mul3A_118 : i32 to index
            %get3A_132 = arith.index_cast %mul3A_131 : i32 to index
            %get3A_133 = tpu.vector_load %arg9[%get3A, %get3A_132] {strides = array<i32>} : memref<80x64xi32, #tpu.memory_space<vmem>>, vector<16xi32>,
            %bitcast3A = vector.bitcast %get3A_133 : vector<16xi32> to vector<32xbf16>
            %get3A_134 = arith.index_cast %mul3A_118 : i32 to index
            %get3A_135 = arith.index_cast %mul3A_131 : i32 to index
            %get3A_136 = tpu.vector_load %arg10[%get3A_134, %get3A_135] {strides = array<i32>} : memref<80x64xi32, #tpu.memory_space<vmem>>, vector<16xi32>,
            %bitcast3A_137 = vector.bitcast %get3A_136 : vector<16xi32> to vector<32xbf16>
            %get3A_138 = arith.index_cast %add3A_120 : i32 to index
            %get3A_139 = arith.index_cast %mul3A_131 : i32 to index
            %get3A_140 = tpu.vector_load %arg9[%get3A_138, %get3A_139] {strides = array<i32>} : memref<80x64xi32, #tpu.memory_space<vmem>>, vector<16xi32>,
            %bitcast3A_141 = vector.bitcast %get3A_140 : vector<16xi32> to vector<32xbf16>
            %get3A_142 = arith.index_cast %add3A_120 : i32 to index
            %get3A_143 = arith.index_cast %mul3A_131 : i32 to index
            %get3A_144 = tpu.vector_load %arg10[%get3A_142, %get3A_143] {strides = array<i32>} : memref<80x64xi32, #tpu.memory_space<vmem>>, vector<16xi32>,
            %bitcast3A_145 = vector.bitcast %get3A_144 : vector<16xi32> to vector<32xbf16>
            %unpack3A = tpu.unpack_subelements %bitcast3A, 0 {pack_format = #tpu.pack_format<interleaved>} : vector<32xbf16> -> vector<16xf32>
            %unpack3A_146 = tpu.unpack_subelements %bitcast3A, 1 {pack_format = #tpu.pack_format<interleaved>} : vector<32xbf16> -> vector<16xf32>
            %unpack3A_147 = tpu.unpack_subelements %bitcast3A_137, 0 {pack_format = #tpu.pack_format<interleaved>} : vector<32xbf16> -> vector<16xf32>
            %unpack3A_148 = tpu.unpack_subelements %bitcast3A_137, 1 {pack_format = #tpu.pack_format<interleaved>} : vector<32xbf16> -> vector<16xf32>
            %unpack3A_149 = tpu.unpack_subelements %bitcast3A_141, 0 {pack_format = #tpu.pack_format<interleaved>} : vector<32xbf16> -> vector<16xf32>
            %unpack3A_150 = tpu.unpack_subelements %bitcast3A_141, 1 {pack_format = #tpu.pack_format<interleaved>} : vector<32xbf16> -> vector<16xf32>
            %unpack3A_151 = tpu.unpack_subelements %bitcast3A_145, 0 {pack_format = #tpu.pack_format<interleaved>} : vector<32xbf16> -> vector<16xf32>
            %unpack3A_152 = tpu.unpack_subelements %bitcast3A_145, 1 {pack_format = #tpu.pack_format<interleaved>} : vector<32xbf16> -> vector<16xf32>
            %add3A_153 = arith.addf %unpack3A, %unpack3A_147 : vector<16xf32>
            %add3A_154 = arith.addf %unpack3A_146, %unpack3A_148 : vector<16xf32>
            %add3A_155 = arith.addf %unpack3A_149, %unpack3A_151 : vector<16xf32>
            %add3A_156 = arith.addf %unpack3A_150, %unpack3A_152 : vector<16xf32>
            %pack3A = tpu.pack_subelements %add3A_153, %add3A_155 {pack_format = #tpu.pack_format<interleaved>, positions = array<i32: 0, 1>} : vector<16xf32>, vector<16xf32> -> vector<32xbf16>
            %bitcast3A_157 = vector.bitcast %pack3A : vector<32xbf16> to vector<16xi32>
            %pack3A_158 = tpu.pack_subelements %add3A_154, %add3A_156 {pack_format = #tpu.pack_format<interleaved>, positions = array<i32: 0, 1>} : vector<16xf32>, vector<16xf32> -> vector<32xbf16>
            %bitcast3A_159 = vector.bitcast %pack3A_158 : vector<32xbf16> to vector<16xi32>
            %swap3A = arith.index_cast %scan3A_115 : i32 to index
            %swap3A_160 = arith.index_cast %mul3A_131 : i32 to index
            %swap3A_161 = tpu.vector_load %arg13[%swap3A, %swap3A_160] {strides = array<i32>} : memref<40x128xi32, #tpu.memory_space<vmem>>, vector<16xi32>,
            tpu.vector_store %arg13[%swap3A, %swap3A_160], %bitcast3A_157 {strides = array<i32>} : memref<40x128xi32, #tpu.memory_space<vmem>>, vector<16xi32>,
            %add3A_162 = arith.constant 64 : i32
            %add3A_163 = arith.addi %add3A_162, %mul3A_131 : i32
            %swap3A_164 = arith.index_cast %scan3A_115 : i32 to index
            %swap3A_165 = arith.index_cast %add3A_163 : i32 to index
            %swap3A_166 = tpu.vector_load %arg13[%swap3A_164, %swap3A_165] {strides = array<i32>} : memref<40x128xi32, #tpu.memory_space<vmem>>, vector<16xi32>,
            tpu.vector_store %arg13[%swap3A_164, %swap3A_165], %bitcast3A_159 {strides = array<i32>} : memref<40x128xi32, #tpu.memory_space<vmem>>, vector<16xi32>,
            %scan3A_167 = arith.constant 0 : i32
            scf.yield %scan3A_167 : i32
          }
          %scan3A_127 = arith.constant 4 : i32
          scf.yield %scan3A_126 : i32
        }
        %scan3A_109 = arith.constant 40 : i32
        %mul3A_110 = arith.constant 1000 : i32
        %mul3A_111 = arith.muli %add3A, %mul3A_110 : i32
        %mul3A_112 = arith.constant 40 : i32
        %mul3A_113 = arith.muli %scan3A_35, %mul3A_112 : i32
        %add3A_114 = arith.addi %mul3A_111, %mul3A_113 : i32
        "tpu.region"() ({
          %run_scoped3A = tpu.sem_alloc : memref<!tpu.dma_semaphore, #tpu.memory_space<semaphore_mem>>
          %dma_start3A_115 = arith.constant 0 : i32
          %dma_start3A_116 = tpu.memref_slice %arg5[%add3A_114, %dma_start3A_115] : memref<32000x128xi32, #tpu.memory_space<hbm>> -> memref<40x128xi32, #tpu.memory_space<hbm>>
          %dma_start3A_117 = arith.constant 0 : i32
          %dma_start3A_118 = tpu.memref_slice %arg5[%add3A_114, %dma_start3A_117] : memref<32000x128xi32, #tpu.memory_space<hbm>> -> memref<40x128xi32, #tpu.memory_space<hbm>>
          tpu.enqueue_dma source(%arg13 : memref<40x128xi32, #tpu.memory_space<vmem>>) target(%dma_start3A_118 : memref<40x128xi32, #tpu.memory_space<hbm>>) target_semaphore(%run_scoped3A : memref<!tpu.dma_semaphore, #tpu.memory_space<semaphore_mem>>)
          %dma_wait3A_119 = arith.constant 0 : i32
          %dma_wait3A_120 = tpu.memref_slice %arg5[%add3A_114, %dma_wait3A_119] : memref<32000x128xi32, #tpu.memory_space<hbm>> -> memref<40x128xi32, #tpu.memory_space<hbm>>
          %dma_wait3A_121 = arith.constant 0 : i32
          %dma_wait3A_122 = tpu.memref_slice %arg5[%add3A_114, %dma_wait3A_121] : memref<32000x128xi32, #tpu.memory_space<hbm>> -> memref<40x128xi32, #tpu.memory_space<hbm>>
          tpu.wait_dma2 semaphore(%run_scoped3A : memref<!tpu.dma_semaphore, #tpu.memory_space<semaphore_mem>>) src(%arg13 : memref<40x128xi32, #tpu.memory_space<vmem>>) dst(%dma_wait3A_122 : memref<40x128xi32, #tpu.memory_space<hbm>>)
          tpu.yield
        }) : () -> ()
      } else {
      }
      %jit3A_55 = arith.constant 2 : i32
      %eq3A_56 = arith.constant 0 : i32
      %eq3A_57 = arith.cmpi eq, %jit3A_55, %eq3A_56 : i32
      %jit3A_58 = arith.constant 1 : i32
      %select_n3A_59 = arith.select %eq3A_57, %jit3A_58, %jit3A_55 : i32
      %rem3A_60 = arith.remsi %scan3A_35, %select_n3A_59 : i32
      %ne3A_61 = arith.constant 0 : i32
      %ne3A_62 = arith.cmpi ne, %rem3A_60, %ne3A_61 : i32
      %lt3A_63 = arith.constant 0 : i32
      %lt3A_64 = arith.cmpi slt, %rem3A_60, %lt3A_63 : i32
      %lt3A_65 = arith.constant 0 : i32
      %lt3A_66 = arith.cmpi slt, %select_n3A_59, %lt3A_65 : i32
      %ne3A_67 = arith.xori %lt3A_64, %lt3A_66 : i1
      %and3A_68 = arith.andi %ne3A_67, %ne3A_62 : i1
      %add3A_69 = arith.addi %rem3A_60, %select_n3A_59 : i32
      %select_n3A_70 = arith.select %and3A_68, %add3A_69, %rem3A_60 : i32
      %eq3A_71 = arith.constant 1 : i32
      %eq3A_72 = arith.cmpi eq, %select_n3A_70, %eq3A_71 : i32
      %convert_element_type3A_73 = arith.extui %eq3A_72 : i1 to i32
      %cond3A_74 = arith.constant 0 : i32
      %cond3A_75 = arith.cmpi ne, %convert_element_type3A_73, %cond3A_74 : i32
      scf.if %cond3A_75 {
        %dma_start3A_77 = arith.constant 0 : i32
        %dma_start3A_78 = tpu.memref_slice %arg7[%min3A_39, %dma_start3A_77] : memref<25x80xi32, #tpu.memory_space<vmem>> -> memref<1x80xi32, #tpu.memory_space<vmem>>
        %dma_start3A_79 = tpu.memref_squeeze %dma_start3A_78 : memref<1x80xi32, #tpu.memory_space<vmem>> -> memref<80xi32, #tpu.memory_space<vmem>>
        %dma_start3A_80 = arith.constant 0 : i32
        %dma_start3A_81 = arith.constant 0 : i32
        %dma_start3A_82 = tpu.memref_slice %arg6[%dma_start3A_80, %dma_start3A_81] : memref<10000x64xi32, #tpu.memory_space<vmem_shared>> -> memref<10000x64xi32, #tpu.memory_space<vmem_shared>>
        tpu.enqueue_indirect_dma source(%dma_start3A_82 : memref<10000x64xi32, #tpu.memory_space<vmem_shared>>) target(%arg9 : memref<80x64xi32, #tpu.memory_space<vmem>>) offsets(%dma_start3A_79 : memref<80xi32, #tpu.memory_space<vmem>>) semaphore(%arg14 : memref<!tpu.dma_semaphore, #tpu.memory_space<semaphore_mem>>)
        %dma_start3A_83 = arith.constant 0 : i32
        %dma_start3A_84 = tpu.memref_slice %arg8[%min3A_39, %dma_start3A_83] : memref<25x80xi32, #tpu.memory_space<vmem>> -> memref<1x80xi32, #tpu.memory_space<vmem>>
        %dma_start3A_85 = tpu.memref_squeeze %dma_start3A_84 : memref<1x80xi32, #tpu.memory_space<vmem>> -> memref<80xi32, #tpu.memory_space<vmem>>
        %dma_start3A_86 = arith.constant 0 : i32
        %dma_start3A_87 = arith.constant 0 : i32
        %dma_start3A_88 = tpu.memref_slice %arg6[%dma_start3A_86, %dma_start3A_87] : memref<10000x64xi32, #tpu.memory_space<vmem_shared>> -> memref<10000x64xi32, #tpu.memory_space<vmem_shared>>
        tpu.enqueue_indirect_dma source(%dma_start3A_88 : memref<10000x64xi32, #tpu.memory_space<vmem_shared>>) target(%arg10 : memref<80x64xi32, #tpu.memory_space<vmem>>) offsets(%dma_start3A_85 : memref<80xi32, #tpu.memory_space<vmem>>) semaphore(%arg15 : memref<!tpu.dma_semaphore, #tpu.memory_space<semaphore_mem>>)
        %dma_wait3A_89 = arith.constant 0 : i32
        %dma_wait3A_90 = arith.constant 0 : i32
        %dma_wait3A_91 = tpu.memref_slice %arg7[%dma_wait3A_89, %dma_wait3A_90] : memref<25x80xi32, #tpu.memory_space<vmem>> -> memref<1x80xi32, #tpu.memory_space<vmem>>
        %dma_wait3A_92 = tpu.memref_squeeze %dma_wait3A_91 : memref<1x80xi32, #tpu.memory_space<vmem>> -> memref<80xi32, #tpu.memory_space<vmem>>
        %dma_wait3A_93 = arith.constant 0 : i32
        %dma_wait3A_94 = arith.constant 0 : i32
        %dma_wait3A_95 = tpu.memref_slice %arg2[%dma_wait3A_93, %dma_wait3A_94] : memref<10000x64xi32, #tpu.memory_space<hbm>> -> memref<10000x64xi32, #tpu.memory_space<hbm>>
        tpu.wait_indirect_dma semaphore(%arg16 : memref<!tpu.dma_semaphore, #tpu.memory_space<semaphore_mem>>) src(%dma_wait3A_95 : memref<10000x64xi32, #tpu.memory_space<hbm>>) dst(%arg11 : memref<80x64xi32, #tpu.memory_space<vmem>>)
        %dma_wait3A_96 = arith.constant 0 : i32
        %dma_wait3A_97 = arith.constant 0 : i32
        %dma_wait3A_98 = tpu.memref_slice %arg8[%dma_wait3A_96, %dma_wait3A_97] : memref<25x80xi32, #tpu.memory_space<vmem>> -> memref<1x80xi32, #tpu.memory_space<vmem>>
        %dma_wait3A_99 = tpu.memref_squeeze %dma_wait3A_98 : memref<1x80xi32, #tpu.memory_space<vmem>> -> memref<80xi32, #tpu.memory_space<vmem>>
        %dma_wait3A_100 = arith.constant 0 : i32
        %dma_wait3A_101 = arith.constant 0 : i32
        %dma_wait3A_102 = tpu.memref_slice %arg2[%dma_wait3A_100, %dma_wait3A_101] : memref<10000x64xi32, #tpu.memory_space<hbm>> -> memref<10000x64xi32, #tpu.memory_space<hbm>>
        tpu.wait_indirect_dma semaphore(%arg17 : memref<!tpu.dma_semaphore, #tpu.memory_space<semaphore_mem>>) src(%dma_wait3A_102 : memref<10000x64xi32, #tpu.memory_space<hbm>>) dst(%arg12 : memref<80x64xi32, #tpu.memory_space<vmem>>)
        %scan3A_103 = arith.constant 0 : i32
        %scan3A_104 = arith.constant 0 : i32
        %scan3A_105 = arith.constant 40 : i32
        %scan3A_106 = arith.addi %scan3A_104, %scan3A_105 : i32
        %scan3A_107 = arith.constant 1 : i32
        %scan3A_108 = scf.for %scan3A_115 = %scan3A_104 to %scan3A_106 step %scan3A_107 iter_args(%scan3A_116 = %scan3A_103) -> (i32)  : i32 {
          %mul3A_117 = arith.constant 2 : i32
          %mul3A_118 = arith.muli %scan3A_115, %mul3A_117 : i32
          %add3A_119 = arith.constant 1 : i32
          %add3A_120 = arith.addi %mul3A_118, %add3A_119 : i32
          %scan3A_121 = arith.constant 0 : i32
          %scan3A_122 = arith.constant 0 : i32
          %scan3A_123 = arith.constant 4 : i32
          %scan3A_124 = arith.addi %scan3A_122, %scan3A_123 : i32
          %scan3A_125 = arith.constant 1 : i32
          %scan3A_126 = scf.for %scan3A_128 = %scan3A_122 to %scan3A_124 step %scan3A_125 iter_args(%scan3A_129 = %scan3A_121) -> (i32)  : i32 {
            %mul3A_130 = arith.constant 16 : i32
            %mul3A_131 = arith.muli %scan3A_128, %mul3A_130 : i32
            %get3A = arith.index_cast %mul3A_118 : i32 to index
            %get3A_132 = arith.index_cast %mul3A_131 : i32 to index
            %get3A_133 = tpu.vector_load %arg11[%get3A, %get3A_132] {strides = array<i32>} : memref<80x64xi32, #tpu.memory_space<vmem>>, vector<16xi32>,
            %bitcast3A = vector.bitcast %get3A_133 : vector<16xi32> to vector<32xbf16>
            %get3A_134 = arith.index_cast %mul3A_118 : i32 to index
            %get3A_135 = arith.index_cast %mul3A_131 : i32 to index
            %get3A_136 = tpu.vector_load %arg12[%get3A_134, %get3A_135] {strides = array<i32>} : memref<80x64xi32, #tpu.memory_space<vmem>>, vector<16xi32>,
            %bitcast3A_137 = vector.bitcast %get3A_136 : vector<16xi32> to vector<32xbf16>
            %get3A_138 = arith.index_cast %add3A_120 : i32 to index
            %get3A_139 = arith.index_cast %mul3A_131 : i32 to index
            %get3A_140 = tpu.vector_load %arg11[%get3A_138, %get3A_139] {strides = array<i32>} : memref<80x64xi32, #tpu.memory_space<vmem>>, vector<16xi32>,
            %bitcast3A_141 = vector.bitcast %get3A_140 : vector<16xi32> to vector<32xbf16>
            %get3A_142 = arith.index_cast %add3A_120 : i32 to index
            %get3A_143 = arith.index_cast %mul3A_131 : i32 to index
            %get3A_144 = tpu.vector_load %arg12[%get3A_142, %get3A_143] {strides = array<i32>} : memref<80x64xi32, #tpu.memory_space<vmem>>, vector<16xi32>,
            %bitcast3A_145 = vector.bitcast %get3A_144 : vector<16xi32> to vector<32xbf16>
            %unpack3A = tpu.unpack_subelements %bitcast3A, 0 {pack_format = #tpu.pack_format<interleaved>} : vector<32xbf16> -> vector<16xf32>
            %unpack3A_146 = tpu.unpack_subelements %bitcast3A, 1 {pack_format = #tpu.pack_format<interleaved>} : vector<32xbf16> -> vector<16xf32>
            %unpack3A_147 = tpu.unpack_subelements %bitcast3A_137, 0 {pack_format = #tpu.pack_format<interleaved>} : vector<32xbf16> -> vector<16xf32>
            %unpack3A_148 = tpu.unpack_subelements %bitcast3A_137, 1 {pack_format = #tpu.pack_format<interleaved>} : vector<32xbf16> -> vector<16xf32>
            %unpack3A_149 = tpu.unpack_subelements %bitcast3A_141, 0 {pack_format = #tpu.pack_format<interleaved>} : vector<32xbf16> -> vector<16xf32>
            %unpack3A_150 = tpu.unpack_subelements %bitcast3A_141, 1 {pack_format = #tpu.pack_format<interleaved>} : vector<32xbf16> -> vector<16xf32>
            %unpack3A_151 = tpu.unpack_subelements %bitcast3A_145, 0 {pack_format = #tpu.pack_format<interleaved>} : vector<32xbf16> -> vector<16xf32>
            %unpack3A_152 = tpu.unpack_subelements %bitcast3A_145, 1 {pack_format = #tpu.pack_format<interleaved>} : vector<32xbf16> -> vector<16xf32>
            %add3A_153 = arith.addf %unpack3A, %unpack3A_147 : vector<16xf32>
            %add3A_154 = arith.addf %unpack3A_146, %unpack3A_148 : vector<16xf32>
            %add3A_155 = arith.addf %unpack3A_149, %unpack3A_151 : vector<16xf32>
            %add3A_156 = arith.addf %unpack3A_150, %unpack3A_152 : vector<16xf32>
            %pack3A = tpu.pack_subelements %add3A_153, %add3A_155 {pack_format = #tpu.pack_format<interleaved>, positions = array<i32: 0, 1>} : vector<16xf32>, vector<16xf32> -> vector<32xbf16>
            %bitcast3A_157 = vector.bitcast %pack3A : vector<32xbf16> to vector<16xi32>
            %pack3A_158 = tpu.pack_subelements %add3A_154, %add3A_156 {pack_format = #tpu.pack_format<interleaved>, positions = array<i32: 0, 1>} : vector<16xf32>, vector<16xf32> -> vector<32xbf16>
            %bitcast3A_159 = vector.bitcast %pack3A_158 : vector<32xbf16> to vector<16xi32>
            %swap3A = arith.index_cast %scan3A_115 : i32 to index
            %swap3A_160 = arith.index_cast %mul3A_131 : i32 to index
            %swap3A_161 = tpu.vector_load %arg13[%swap3A, %swap3A_160] {strides = array<i32>} : memref<40x128xi32, #tpu.memory_space<vmem>>, vector<16xi32>,
            tpu.vector_store %arg13[%swap3A, %swap3A_160], %bitcast3A_157 {strides = array<i32>} : memref<40x128xi32, #tpu.memory_space<vmem>>, vector<16xi32>,
            %add3A_162 = arith.constant 64 : i32
            %add3A_163 = arith.addi %add3A_162, %mul3A_131 : i32
            %swap3A_164 = arith.index_cast %scan3A_115 : i32 to index
            %swap3A_165 = arith.index_cast %add3A_163 : i32 to index
            %swap3A_166 = tpu.vector_load %arg13[%swap3A_164, %swap3A_165] {strides = array<i32>} : memref<40x128xi32, #tpu.memory_space<vmem>>, vector<16xi32>,
            tpu.vector_store %arg13[%swap3A_164, %swap3A_165], %bitcast3A_159 {strides = array<i32>} : memref<40x128xi32, #tpu.memory_space<vmem>>, vector<16xi32>,
            %scan3A_167 = arith.constant 0 : i32
            scf.yield %scan3A_167 : i32
          }
          %scan3A_127 = arith.constant 4 : i32
          scf.yield %scan3A_126 : i32
        }
        %scan3A_109 = arith.constant 40 : i32
        %mul3A_110 = arith.constant 1000 : i32
        %mul3A_111 = arith.muli %add3A, %mul3A_110 : i32
        %mul3A_112 = arith.constant 40 : i32
        %mul3A_113 = arith.muli %scan3A_35, %mul3A_112 : i32
        %add3A_114 = arith.addi %mul3A_111, %mul3A_113 : i32
        "tpu.region"() ({
          %run_scoped3A = tpu.sem_alloc : memref<!tpu.dma_semaphore, #tpu.memory_space<semaphore_mem>>
          %dma_start3A_115 = arith.constant 0 : i32
          %dma_start3A_116 = tpu.memref_slice %arg5[%add3A_114, %dma_start3A_115] : memref<32000x128xi32, #tpu.memory_space<hbm>> -> memref<40x128xi32, #tpu.memory_space<hbm>>
          %dma_start3A_117 = arith.constant 0 : i32
          %dma_start3A_118 = tpu.memref_slice %arg5[%add3A_114, %dma_start3A_117] : memref<32000x128xi32, #tpu.memory_space<hbm>> -> memref<40x128xi32, #tpu.memory_space<hbm>>
          tpu.enqueue_dma source(%arg13 : memref<40x128xi32, #tpu.memory_space<vmem>>) target(%dma_start3A_118 : memref<40x128xi32, #tpu.memory_space<hbm>>) target_semaphore(%run_scoped3A : memref<!tpu.dma_semaphore, #tpu.memory_space<semaphore_mem>>)
          %dma_wait3A_119 = arith.constant 0 : i32
          %dma_wait3A_120 = tpu.memref_slice %arg5[%add3A_114, %dma_wait3A_119] : memref<32000x128xi32, #tpu.memory_space<hbm>> -> memref<40x128xi32, #tpu.memory_space<hbm>>
          %dma_wait3A_121 = arith.constant 0 : i32
          %dma_wait3A_122 = tpu.memref_slice %arg5[%add3A_114, %dma_wait3A_121] : memref<32000x128xi32, #tpu.memory_space<hbm>> -> memref<40x128xi32, #tpu.memory_space<hbm>>
          tpu.wait_dma2 semaphore(%run_scoped3A : memref<!tpu.dma_semaphore, #tpu.memory_space<semaphore_mem>>) src(%arg13 : memref<40x128xi32, #tpu.memory_space<vmem>>) dst(%dma_wait3A_122 : memref<40x128xi32, #tpu.memory_space<hbm>>)
          tpu.yield
        }) : () -> ()
      } else {
      }
      %scan3A_76 = arith.constant 0 : i32
      scf.yield %scan3A_76 : i32
    }
    %scan3A_21 = arith.constant 25 : i32
    %dma_wait3A = arith.constant 0 : i32
    %dma_wait3A_22 = arith.constant 0 : i32
    %dma_wait3A_23 = tpu.memref_slice %arg7[%dma_wait3A, %dma_wait3A_22] : memref<25x80xi32, #tpu.memory_space<vmem>> -> memref<1x80xi32, #tpu.memory_space<vmem>>
    %dma_wait3A_24 = tpu.memref_squeeze %dma_wait3A_23 : memref<1x80xi32, #tpu.memory_space<vmem>> -> memref<80xi32, #tpu.memory_space<vmem>>
    %dma_wait3A_25 = arith.constant 0 : i32
    %dma_wait3A_26 = arith.constant 0 : i32
    %dma_wait3A_27 = tpu.memref_slice %arg2[%dma_wait3A_25, %dma_wait3A_26] : memref<10000x64xi32, #tpu.memory_space<hbm>> -> memref<10000x64xi32, #tpu.memory_space<hbm>>
    tpu.wait_indirect_dma semaphore(%arg16 : memref<!tpu.dma_semaphore, #tpu.memory_space<semaphore_mem>>) src(%dma_wait3A_27 : memref<10000x64xi32, #tpu.memory_space<hbm>>) dst(%arg11 : memref<80x64xi32, #tpu.memory_space<vmem>>)
    %dma_wait3A_28 = arith.constant 0 : i32
    %dma_wait3A_29 = arith.constant 0 : i32
    %dma_wait3A_30 = tpu.memref_slice %arg8[%dma_wait3A_28, %dma_wait3A_29] : memref<25x80xi32, #tpu.memory_space<vmem>> -> memref<1x80xi32, #tpu.memory_space<vmem>>
    %dma_wait3A_31 = tpu.memref_squeeze %dma_wait3A_30 : memref<1x80xi32, #tpu.memory_space<vmem>> -> memref<80xi32, #tpu.memory_space<vmem>>
    %dma_wait3A_32 = arith.constant 0 : i32
    %dma_wait3A_33 = arith.constant 0 : i32
    %dma_wait3A_34 = tpu.memref_slice %arg2[%dma_wait3A_32, %dma_wait3A_33] : memref<10000x64xi32, #tpu.memory_space<hbm>> -> memref<10000x64xi32, #tpu.memory_space<hbm>>
    tpu.wait_indirect_dma semaphore(%arg17 : memref<!tpu.dma_semaphore, #tpu.memory_space<semaphore_mem>>) src(%dma_wait3A_34 : memref<10000x64xi32, #tpu.memory_space<hbm>>) dst(%arg12 : memref<80x64xi32, #tpu.memory_space<vmem>>)
    return
  }
}

#map = affine_map<(d0, d1) -> (0, 0)>
#map1 = affine_map<(d0, d1) -> (0, 0, 0)>
module attributes {stable_mosaic.version = 14 : i64} {
  func.func @_gather_add_body(%arg0: i32, %arg1: i32, %arg2: memref<10000x64xi32, #tpu.memory_space<hbm>>, %arg3: memref<32x25x80xi32, #tpu.memory_space<hbm>>, %arg4: memref<32x25x80xi32, #tpu.memory_space<hbm>>, %arg5: memref<32000x128xi32, #tpu.memory_space<hbm>>, %arg6: memref<10000x64xi32, #tpu.memory_space<vmem_shared>>, %arg7: memref<25x80xi32, #tpu.memory_space<vmem>>, %arg8: memref<25x80xi32, #tpu.memory_space<vmem>>, %arg9: memref<80x64xi32, #tpu.memory_space<vmem>>, %arg10: memref<80x64xi32, #tpu.memory_space<vmem>>, %arg11: memref<80x64xi32, #tpu.memory_space<vmem>>, %arg12: memref<80x64xi32, #tpu.memory_space<vmem>>, %arg13: memref<40x128xi32, #tpu.memory_space<vmem>>, %arg14: memref<!tpu.dma_semaphore, #tpu.memory_space<semaphore_mem>>, %arg15: memref<!tpu.dma_semaphore, #tpu.memory_space<semaphore_mem>>, %arg16: memref<!tpu.dma_semaphore, #tpu.memory_space<semaphore_mem>>, %arg17: memref<!tpu.dma_semaphore, #tpu.memory_space<semaphore_mem>>) attributes {dimension_semantics = [#tpu.dimension_semantics<core_parallel>, #tpu.dimension_semantics<subcore_parallel>], iteration_bounds = array<i64: 2, 16>, scalar_prefetch = 0 : i64, scratch_operands = 12 : i64, tpu.core_type = #tpu.core_type<sc_vector_subcore>, window_params = [{transform_indices = #map}, {transform_indices = #map1}, {transform_indices = #map1}, {transform_indices = #map}]} {
    %mul3A = arith.constant 2 : i32
    %mul3A_0 = arith.muli %arg1, %mul3A : i32
    %add3A = arith.addi %mul3A_0, %arg0 : i32
    %eq3A = arith.constant 0 : i32
    %eq3A_1 = arith.cmpi eq, %arg1, %eq3A : i32
    %convert_element_type3A = arith.extui %eq3A_1 : i1 to i32
    %cond3A = arith.constant 0 : i32
    %cond3A_2 = arith.cmpi ne, %convert_element_type3A, %cond3A : i32
    scf.if %cond3A_2 {
      "tpu.region"() ({
        %run_scoped3A = tpu.sem_alloc : memref<!tpu.dma_semaphore, #tpu.memory_space<semaphore_mem>>
        tpu.enqueue_dma source(%arg2 : memref<10000x64xi32, #tpu.memory_space<hbm>>) target(%arg6 : memref<10000x64xi32, #tpu.memory_space<vmem_shared>>) target_semaphore(%run_scoped3A : memref<!tpu.dma_semaphore, #tpu.memory_space<semaphore_mem>>)
        tpu.wait_dma2 semaphore(%run_scoped3A : memref<!tpu.dma_semaphore, #tpu.memory_space<semaphore_mem>>) src(%arg2 : memref<10000x64xi32, #tpu.memory_space<hbm>>) dst(%arg6 : memref<10000x64xi32, #tpu.memory_space<vmem_shared>>)
        tpu.yield
      }) : () -> ()
    } else {
    }
    "tpu.region"() ({
      %run_scoped3A = tpu.sem_alloc : memref<!tpu.dma_semaphore, #tpu.memory_space<semaphore_mem>>
      %dma_start3A_35 = arith.constant 0 : i32
      %dma_start3A_36 = arith.constant 0 : i32
      %dma_start3A_37 = tpu.memref_slice %arg3[%add3A, %dma_start3A_35, %dma_start3A_36] : memref<32x25x80xi32, #tpu.memory_space<hbm>> -> memref<1x25x80xi32, #tpu.memory_space<hbm>>
      %dma_start3A_38 = tpu.memref_squeeze %dma_start3A_37 : memref<1x25x80xi32, #tpu.memory_space<hbm>> -> memref<25x80xi32, #tpu.memory_space<hbm>>
      %dma_start3A_39 = arith.constant 0 : i32
      %dma_start3A_40 = arith.constant 0 : i32
      %dma_start3A_41 = tpu.memref_slice %arg3[%add3A, %dma_start3A_39, %dma_start3A_40] : memref<32x25x80xi32, #tpu.memory_space<hbm>> -> memref<1x25x80xi32, #tpu.memory_space<hbm>>
      %dma_start3A_42 = tpu.memref_squeeze %dma_start3A_41 : memref<1x25x80xi32, #tpu.memory_space<hbm>> -> memref<25x80xi32, #tpu.memory_space<hbm>>
      tpu.enqueue_dma source(%dma_start3A_42 : memref<25x80xi32, #tpu.memory_space<hbm>>) target(%arg7 : memref<25x80xi32, #tpu.memory_space<vmem>>) target_semaphore(%run_scoped3A : memref<!tpu.dma_semaphore, #tpu.memory_space<semaphore_mem>>)
      %dma_wait3A_43 = arith.constant 0 : i32
      %dma_wait3A_44 = arith.constant 0 : i32
      %dma_wait3A_45 = tpu.memref_slice %arg3[%add3A, %dma_wait3A_43, %dma_wait3A_44] : memref<32x25x80xi32, #tpu.memory_space<hbm>> -> memref<1x25x80xi32, #tpu.memory_space<hbm>>
      %dma_wait3A_46 = tpu.memref_squeeze %dma_wait3A_45 : memref<1x25x80xi32, #tpu.memory_space<hbm>> -> memref<25x80xi32, #tpu.memory_space<hbm>>
      %dma_wait3A_47 = arith.constant 0 : i32
      %dma_wait3A_48 = arith.constant 0 : i32
      %dma_wait3A_49 = tpu.memref_slice %arg3[%add3A, %dma_wait3A_47, %dma_wait3A_48] : memref<32x25x80xi32, #tpu.memory_space<hbm>> -> memref<1x25x80xi32, #tpu.memory_space<hbm>>
      %dma_wait3A_50 = tpu.memref_squeeze %dma_wait3A_49 : memref<1x25x80xi32, #tpu.memory_space<hbm>> -> memref<25x80xi32, #tpu.memory_space<hbm>>
      tpu.wait_dma2 semaphore(%run_scoped3A : memref<!tpu.dma_semaphore, #tpu.memory_space<semaphore_mem>>) src(%dma_wait3A_50 : memref<25x80xi32, #tpu.memory_space<hbm>>) dst(%arg7 : memref<25x80xi32, #tpu.memory_space<vmem>>)
      tpu.yield
    }) : () -> ()
    "tpu.region"() ({
      %run_scoped3A = tpu.sem_alloc : memref<!tpu.dma_semaphore, #tpu.memory_space<semaphore_mem>>
      %dma_start3A_35 = arith.constant 0 : i32
      %dma_start3A_36 = arith.constant 0 : i32
      %dma_start3A_37 = tpu.memref_slice %arg4[%add3A, %dma_start3A_35, %dma_start3A_36] : memref<32x25x80xi32, #tpu.memory_space<hbm>> -> memref<1x25x80xi32, #tpu.memory_space<hbm>>
      %dma_start3A_38 = tpu.memref_squeeze %dma_start3A_37 : memref<1x25x80xi32, #tpu.memory_space<hbm>> -> memref<25x80xi32, #tpu.memory_space<hbm>>
      %dma_start3A_39 = arith.constant 0 : i32
      %dma_start3A_40 = arith.constant 0 : i32
      %dma_start3A_41 = tpu.memref_slice %arg4[%add3A, %dma_start3A_39, %dma_start3A_40] : memref<32x25x80xi32, #tpu.memory_space<hbm>> -> memref<1x25x80xi32, #tpu.memory_space<hbm>>
      %dma_start3A_42 = tpu.memref_squeeze %dma_start3A_41 : memref<1x25x80xi32, #tpu.memory_space<hbm>> -> memref<25x80xi32, #tpu.memory_space<hbm>>
      tpu.enqueue_dma source(%dma_start3A_42 : memref<25x80xi32, #tpu.memory_space<hbm>>) target(%arg8 : memref<25x80xi32, #tpu.memory_space<vmem>>) target_semaphore(%run_scoped3A : memref<!tpu.dma_semaphore, #tpu.memory_space<semaphore_mem>>)
      %dma_wait3A_43 = arith.constant 0 : i32
      %dma_wait3A_44 = arith.constant 0 : i32
      %dma_wait3A_45 = tpu.memref_slice %arg4[%add3A, %dma_wait3A_43, %dma_wait3A_44] : memref<32x25x80xi32, #tpu.memory_space<hbm>> -> memref<1x25x80xi32, #tpu.memory_space<hbm>>
      %dma_wait3A_46 = tpu.memref_squeeze %dma_wait3A_45 : memref<1x25x80xi32, #tpu.memory_space<hbm>> -> memref<25x80xi32, #tpu.memory_space<hbm>>
      %dma_wait3A_47 = arith.constant 0 : i32
      %dma_wait3A_48 = arith.constant 0 : i32
      %dma_wait3A_49 = tpu.memref_slice %arg4[%add3A, %dma_wait3A_47, %dma_wait3A_48] : memref<32x25x80xi32, #tpu.memory_space<hbm>> -> memref<1x25x80xi32, #tpu.memory_space<hbm>>
      %dma_wait3A_50 = tpu.memref_squeeze %dma_wait3A_49 : memref<1x25x80xi32, #tpu.memory_space<hbm>> -> memref<25x80xi32, #tpu.memory_space<hbm>>
      tpu.wait_dma2 semaphore(%run_scoped3A : memref<!tpu.dma_semaphore, #tpu.memory_space<semaphore_mem>>) src(%dma_wait3A_50 : memref<25x80xi32, #tpu.memory_space<hbm>>) dst(%arg8 : memref<25x80xi32, #tpu.memory_space<vmem>>)
      tpu.yield
    }) : () -> ()
    %barrier3A = arith.constant 0 : index
    tpu.barrier barrier_id(%barrier3A)
    %dma_start3A = arith.constant 0 : i32
    %dma_start3A_3 = arith.constant 0 : i32
    %dma_start3A_4 = tpu.memref_slice %arg7[%dma_start3A, %dma_start3A_3] : memref<25x80xi32, #tpu.memory_space<vmem>> -> memref<1x80xi32, #tpu.memory_space<vmem>>
    %dma_start3A_5 = tpu.memref_squeeze %dma_start3A_4 : memref<1x80xi32, #tpu.memory_space<vmem>> -> memref<80xi32, #tpu.memory_space<vmem>>
    %dma_start3A_6 = arith.constant 0 : i32
    %dma_start3A_7 = arith.constant 0 : i32
    %dma_start3A_8 = tpu.memref_slice %arg6[%dma_start3A_6, %dma_start3A_7] : memref<10000x64xi32, #tpu.memory_space<vmem_shared>> -> memref<10000x64xi32, #tpu.memory_space<vmem_shared>>
    tpu.enqueue_indirect_dma source(%dma_start3A_8 : memref<10000x64xi32, #tpu.memory_space<vmem_shared>>) target(%arg9 : memref<80x64xi32, #tpu.memory_space<vmem>>) offsets(%dma_start3A_5 : memref<80xi32, #tpu.memory_space<vmem>>) semaphore(%arg14 : memref<!tpu.dma_semaphore, #tpu.memory_space<semaphore_mem>>)
    %dma_start3A_9 = arith.constant 0 : i32
    %dma_start3A_10 = arith.constant 0 : i32
    %dma_start3A_11 = tpu.memref_slice %arg8[%dma_start3A_9, %dma_start3A_10] : memref<25x80xi32, #tpu.memory_space<vmem>> -> memref<1x80xi32, #tpu.memory_space<vmem>>
    %dma_start3A_12 = tpu.memref_squeeze %dma_start3A_11 : memref<1x80xi32, #tpu.memory_space<vmem>> -> memref<80xi32, #tpu.memory_space<vmem>>
    %dma_start3A_13 = arith.constant 0 : i32
    %dma_start3A_14 = arith.constant 0 : i32
    %dma_start3A_15 = tpu.memref_slice %arg6[%dma_start3A_13, %dma_start3A_14] : memref<10000x64xi32, #tpu.memory_space<vmem_shared>> -> memref<10000x64xi32, #tpu.memory_space<vmem_shared>>
    tpu.enqueue_indirect_dma source(%dma_start3A_15 : memref<10000x64xi32, #tpu.memory_space<vmem_shared>>) target(%arg10 : memref<80x64xi32, #tpu.memory_space<vmem>>) offsets(%dma_start3A_12 : memref<80xi32, #tpu.memory_space<vmem>>) semaphore(%arg15 : memref<!tpu.dma_semaphore, #tpu.memory_space<semaphore_mem>>)
    %scan3A = arith.constant 0 : i32
    %scan3A_16 = arith.constant 0 : i32
    %scan3A_17 = arith.constant 25 : i32
    %scan3A_18 = arith.addi %scan3A_16, %scan3A_17 : i32
    %scan3A_19 = arith.constant 1 : i32
    %scan3A_20 = scf.for %scan3A_35 = %scan3A_16 to %scan3A_18 step %scan3A_19 iter_args(%scan3A_36 = %scan3A) -> (i32)  : i32 {
      %add3A_37 = arith.constant 1 : i32
      %add3A_38 = arith.addi %scan3A_35, %add3A_37 : i32
      %min3A = arith.constant 24 : i32
      %min3A_39 = arith.minsi %add3A_38, %min3A : i32
      %jit3A = arith.constant 2 : i32
      %eq3A_40 = arith.constant 0 : i32
      %eq3A_41 = arith.cmpi eq, %jit3A, %eq3A_40 : i32
      %jit3A_42 = arith.constant 1 : i32
      %select_n3A = arith.select %eq3A_41, %jit3A_42, %jit3A : i32
      %rem3A = arith.remsi %scan3A_35, %select_n3A : i32
      %ne3A = arith.constant 0 : i32
      %ne3A_43 = arith.cmpi ne, %rem3A, %ne3A : i32
      %lt3A = arith.constant 0 : i32
      %lt3A_44 = arith.cmpi slt, %rem3A, %lt3A : i32
      %lt3A_45 = arith.constant 0 : i32
      %lt3A_46 = arith.cmpi slt, %select_n3A, %lt3A_45 : i32
      %ne3A_47 = arith.xori %lt3A_44, %lt3A_46 : i1
      %and3A = arith.andi %ne3A_47, %ne3A_43 : i1
      %add3A_48 = arith.addi %rem3A, %select_n3A : i32
      %select_n3A_49 = arith.select %and3A, %add3A_48, %rem3A : i32
      %eq3A_50 = arith.constant 0 : i32
      %eq3A_51 = arith.cmpi eq, %select_n3A_49, %eq3A_50 : i32
      %convert_element_type3A_52 = arith.extui %eq3A_51 : i1 to i32
      %cond3A_53 = arith.constant 0 : i32
      %cond3A_54 = arith.cmpi ne, %convert_element_type3A_52, %cond3A_53 : i32
      scf.if %cond3A_54 {
        %dma_start3A_77 = arith.constant 0 : i32
        %dma_start3A_78 = tpu.memref_slice %arg7[%min3A_39, %dma_start3A_77] : memref<25x80xi32, #tpu.memory_space<vmem>> -> memref<1x80xi32, #tpu.memory_space<vmem>>
        %dma_start3A_79 = tpu.memref_squeeze %dma_start3A_78 : memref<1x80xi32, #tpu.memory_space<vmem>> -> memref<80xi32, #tpu.memory_space<vmem>>
        %dma_start3A_80 = arith.constant 0 : i32
        %dma_start3A_81 = arith.constant 0 : i32
        %dma_start3A_82 = tpu.memref_slice %arg6[%dma_start3A_80, %dma_start3A_81] : memref<10000x64xi32, #tpu.memory_space<vmem_shared>> -> memref<10000x64xi32, #tpu.memory_space<vmem_shared>>
        tpu.enqueue_indirect_dma source(%dma_start3A_82 : memref<10000x64xi32, #tpu.memory_space<vmem_shared>>) target(%arg11 : memref<80x64xi32, #tpu.memory_space<vmem>>) offsets(%dma_start3A_79 : memref<80xi32, #tpu.memory_space<vmem>>) semaphore(%arg16 : memref<!tpu.dma_semaphore, #tpu.memory_space<semaphore_mem>>)
        %dma_start3A_83 = arith.constant 0 : i32
        %dma_start3A_84 = tpu.memref_slice %arg8[%min3A_39, %dma_start3A_83] : memref<25x80xi32, #tpu.memory_space<vmem>> -> memref<1x80xi32, #tpu.memory_space<vmem>>
        %dma_start3A_85 = tpu.memref_squeeze %dma_start3A_84 : memref<1x80xi32, #tpu.memory_space<vmem>> -> memref<80xi32, #tpu.memory_space<vmem>>
        %dma_start3A_86 = arith.constant 0 : i32
        %dma_start3A_87 = arith.constant 0 : i32
        %dma_start3A_88 = tpu.memref_slice %arg6[%dma_start3A_86, %dma_start3A_87] : memref<10000x64xi32, #tpu.memory_space<vmem_shared>> -> memref<10000x64xi32, #tpu.memory_space<vmem_shared>>
        tpu.enqueue_indirect_dma source(%dma_start3A_88 : memref<10000x64xi32, #tpu.memory_space<vmem_shared>>) target(%arg12 : memref<80x64xi32, #tpu.memory_space<vmem>>) offsets(%dma_start3A_85 : memref<80xi32, #tpu.memory_space<vmem>>) semaphore(%arg17 : memref<!tpu.dma_semaphore, #tpu.memory_space<semaphore_mem>>)
        %dma_wait3A_89 = arith.constant 0 : i32
        %dma_wait3A_90 = arith.constant 0 : i32
        %dma_wait3A_91 = tpu.memref_slice %arg7[%dma_wait3A_89, %dma_wait3A_90] : memref<25x80xi32, #tpu.memory_space<vmem>> -> memref<1x80xi32, #tpu.memory_space<vmem>>
        %dma_wait3A_92 = tpu.memref_squeeze %dma_wait3A_91 : memref<1x80xi32, #tpu.memory_space<vmem>> -> memref<80xi32, #tpu.memory_space<vmem>>
        %dma_wait3A_93 = arith.constant 0 : i32
        %dma_wait3A_94 = arith.constant 0 : i32
        %dma_wait3A_95 = tpu.memref_slice %arg2[%dma_wait3A_93, %dma_wait3A_94] : memref<10000x64xi32, #tpu.memory_space<hbm>> -> memref<10000x64xi32, #tpu.memory_space<hbm>>
        tpu.wait_indirect_dma semaphore(%arg14 : memref<!tpu.dma_semaphore, #tpu.memory_space<semaphore_mem>>) src(%dma_wait3A_95 : memref<10000x64xi32, #tpu.memory_space<hbm>>) dst(%arg9 : memref<80x64xi32, #tpu.memory_space<vmem>>)
        %dma_wait3A_96 = arith.constant 0 : i32
        %dma_wait3A_97 = arith.constant 0 : i32
        %dma_wait3A_98 = tpu.memref_slice %arg8[%dma_wait3A_96, %dma_wait3A_97] : memref<25x80xi32, #tpu.memory_space<vmem>> -> memref<1x80xi32, #tpu.memory_space<vmem>>
        %dma_wait3A_99 = tpu.memref_squeeze %dma_wait3A_98 : memref<1x80xi32, #tpu.memory_space<vmem>> -> memref<80xi32, #tpu.memory_space<vmem>>
        %dma_wait3A_100 = arith.constant 0 : i32
        %dma_wait3A_101 = arith.constant 0 : i32
        %dma_wait3A_102 = tpu.memref_slice %arg2[%dma_wait3A_100, %dma_wait3A_101] : memref<10000x64xi32, #tpu.memory_space<hbm>> -> memref<10000x64xi32, #tpu.memory_space<hbm>>
        tpu.wait_indirect_dma semaphore(%arg15 : memref<!tpu.dma_semaphore, #tpu.memory_space<semaphore_mem>>) src(%dma_wait3A_102 : memref<10000x64xi32, #tpu.memory_space<hbm>>) dst(%arg10 : memref<80x64xi32, #tpu.memory_space<vmem>>)
        %scan3A_103 = arith.constant 0 : i32
        %scan3A_104 = arith.constant 0 : i32
        %scan3A_105 = arith.constant 40 : i32
        %scan3A_106 = arith.addi %scan3A_104, %scan3A_105 : i32
        %scan3A_107 = arith.constant 1 : i32
        %scan3A_108 = scf.for %scan3A_115 = %scan3A_104 to %scan3A_106 step %scan3A_107 iter_args(%scan3A_116 = %scan3A_103) -> (i32)  : i32 {
          %mul3A_117 = arith.constant 2 : i32
          %mul3A_118 = arith.muli %scan3A_115, %mul3A_117 : i32
          %add3A_119 = arith.constant 1 : i32
          %add3A_120 = arith.addi %mul3A_118, %add3A_119 : i32
          %scan3A_121 = arith.constant 0 : i32
          %scan3A_122 = arith.constant 0 : i32
          %scan3A_123 = arith.constant 4 : i32
          %scan3A_124 = arith.addi %scan3A_122, %scan3A_123 : i32
          %scan3A_125 = arith.constant 1 : i32
          %scan3A_126 = scf.for %scan3A_128 = %scan3A_122 to %scan3A_124 step %scan3A_125 iter_args(%scan3A_129 = %scan3A_121) -> (i32)  : i32 {
            %mul3A_130 = arith.constant 16 : i32
            %mul3A_131 = arith.muli %scan3A_128, %mul3A_130 : i32
            %get3A = arith.index_cast %mul3A_118 : i32 to index
            %get3A_132 = arith.index_cast %mul3A_131 : i32 to index
            %get3A_133 = tpu.vector_load %arg9[%get3A, %get3A_132] {strides = array<i32>} : memref<80x64xi32, #tpu.memory_space<vmem>>, vector<16xi32>,
            %bitcast3A = vector.bitcast %get3A_133 : vector<16xi32> to vector<32xbf16>
            %get3A_134 = arith.index_cast %mul3A_118 : i32 to index
            %get3A_135 = arith.index_cast %mul3A_131 : i32 to index
            %get3A_136 = tpu.vector_load %arg10[%get3A_134, %get3A_135] {strides = array<i32>} : memref<80x64xi32, #tpu.memory_space<vmem>>, vector<16xi32>,
            %bitcast3A_137 = vector.bitcast %get3A_136 : vector<16xi32> to vector<32xbf16>
            %get3A_138 = arith.index_cast %add3A_120 : i32 to index
            %get3A_139 = arith.index_cast %mul3A_131 : i32 to index
            %get3A_140 = tpu.vector_load %arg9[%get3A_138, %get3A_139] {strides = array<i32>} : memref<80x64xi32, #tpu.memory_space<vmem>>, vector<16xi32>,
            %bitcast3A_141 = vector.bitcast %get3A_140 : vector<16xi32> to vector<32xbf16>
            %get3A_142 = arith.index_cast %add3A_120 : i32 to index
            %get3A_143 = arith.index_cast %mul3A_131 : i32 to index
            %get3A_144 = tpu.vector_load %arg10[%get3A_142, %get3A_143] {strides = array<i32>} : memref<80x64xi32, #tpu.memory_space<vmem>>, vector<16xi32>,
            %bitcast3A_145 = vector.bitcast %get3A_144 : vector<16xi32> to vector<32xbf16>
            %unpack3A = tpu.unpack_subelements %bitcast3A, 0 {pack_format = #tpu.pack_format<interleaved>} : vector<32xbf16> -> vector<16xf32>
            %unpack3A_146 = tpu.unpack_subelements %bitcast3A, 1 {pack_format = #tpu.pack_format<interleaved>} : vector<32xbf16> -> vector<16xf32>
            %unpack3A_147 = tpu.unpack_subelements %bitcast3A_137, 0 {pack_format = #tpu.pack_format<interleaved>} : vector<32xbf16> -> vector<16xf32>
            %unpack3A_148 = tpu.unpack_subelements %bitcast3A_137, 1 {pack_format = #tpu.pack_format<interleaved>} : vector<32xbf16> -> vector<16xf32>
            %unpack3A_149 = tpu.unpack_subelements %bitcast3A_141, 0 {pack_format = #tpu.pack_format<interleaved>} : vector<32xbf16> -> vector<16xf32>
            %unpack3A_150 = tpu.unpack_subelements %bitcast3A_141, 1 {pack_format = #tpu.pack_format<interleaved>} : vector<32xbf16> -> vector<16xf32>
            %unpack3A_151 = tpu.unpack_subelements %bitcast3A_145, 0 {pack_format = #tpu.pack_format<interleaved>} : vector<32xbf16> -> vector<16xf32>
            %unpack3A_152 = tpu.unpack_subelements %bitcast3A_145, 1 {pack_format = #tpu.pack_format<interleaved>} : vector<32xbf16> -> vector<16xf32>
            %add3A_153 = arith.addf %unpack3A, %unpack3A_147 : vector<16xf32>
            %add3A_154 = arith.addf %unpack3A_146, %unpack3A_148 : vector<16xf32>
            %add3A_155 = arith.addf %unpack3A_149, %unpack3A_151 : vector<16xf32>
            %add3A_156 = arith.addf %unpack3A_150, %unpack3A_152 : vector<16xf32>
            %pack3A = tpu.pack_subelements %add3A_153, %add3A_155 {pack_format = #tpu.pack_format<interleaved>, positions = array<i32: 0, 1>} : vector<16xf32>, vector<16xf32> -> vector<32xbf16>
            %bitcast3A_157 = vector.bitcast %pack3A : vector<32xbf16> to vector<16xi32>
            %pack3A_158 = tpu.pack_subelements %add3A_154, %add3A_156 {pack_format = #tpu.pack_format<interleaved>, positions = array<i32: 0, 1>} : vector<16xf32>, vector<16xf32> -> vector<32xbf16>
            %bitcast3A_159 = vector.bitcast %pack3A_158 : vector<32xbf16> to vector<16xi32>
            %swap3A = arith.index_cast %scan3A_115 : i32 to index
            %swap3A_160 = arith.index_cast %mul3A_131 : i32 to index
            %swap3A_161 = tpu.vector_load %arg13[%swap3A, %swap3A_160] {strides = array<i32>} : memref<40x128xi32, #tpu.memory_space<vmem>>, vector<16xi32>,
            tpu.vector_store %arg13[%swap3A, %swap3A_160], %bitcast3A_157 {strides = array<i32>} : memref<40x128xi32, #tpu.memory_space<vmem>>, vector<16xi32>,
            %add3A_162 = arith.constant 64 : i32
            %add3A_163 = arith.addi %add3A_162, %mul3A_131 : i32
            %swap3A_164 = arith.index_cast %scan3A_115 : i32 to index
            %swap3A_165 = arith.index_cast %add3A_163 : i32 to index
            %swap3A_166 = tpu.vector_load %arg13[%swap3A_164, %swap3A_165] {strides = array<i32>} : memref<40x128xi32, #tpu.memory_space<vmem>>, vector<16xi32>,
            tpu.vector_store %arg13[%swap3A_164, %swap3A_165], %bitcast3A_159 {strides = array<i32>} : memref<40x128xi32, #tpu.memory_space<vmem>>, vector<16xi32>,
            %scan3A_167 = arith.constant 0 : i32
            scf.yield %scan3A_167 : i32
          }
          %scan3A_127 = arith.constant 4 : i32
          scf.yield %scan3A_126 : i32
        }
        %scan3A_109 = arith.constant 40 : i32
        %mul3A_110 = arith.constant 1000 : i32
        %mul3A_111 = arith.muli %add3A, %mul3A_110 : i32
        %mul3A_112 = arith.constant 40 : i32
        %mul3A_113 = arith.muli %scan3A_35, %mul3A_112 : i32
        %add3A_114 = arith.addi %mul3A_111, %mul3A_113 : i32
        "tpu.region"() ({
          %run_scoped3A = tpu.sem_alloc : memref<!tpu.dma_semaphore, #tpu.memory_space<semaphore_mem>>
          %dma_start3A_115 = arith.constant 0 : i32
          %dma_start3A_116 = tpu.memref_slice %arg5[%add3A_114, %dma_start3A_115] : memref<32000x128xi32, #tpu.memory_space<hbm>> -> memref<40x128xi32, #tpu.memory_space<hbm>>
          %dma_start3A_117 = arith.constant 0 : i32
          %dma_start3A_118 = tpu.memref_slice %arg5[%add3A_114, %dma_start3A_117] : memref<32000x128xi32, #tpu.memory_space<hbm>> -> memref<40x128xi32, #tpu.memory_space<hbm>>
          tpu.enqueue_dma source(%arg13 : memref<40x128xi32, #tpu.memory_space<vmem>>) target(%dma_start3A_118 : memref<40x128xi32, #tpu.memory_space<hbm>>) target_semaphore(%run_scoped3A : memref<!tpu.dma_semaphore, #tpu.memory_space<semaphore_mem>>)
          %dma_wait3A_119 = arith.constant 0 : i32
          %dma_wait3A_120 = tpu.memref_slice %arg5[%add3A_114, %dma_wait3A_119] : memref<32000x128xi32, #tpu.memory_space<hbm>> -> memref<40x128xi32, #tpu.memory_space<hbm>>
          %dma_wait3A_121 = arith.constant 0 : i32
          %dma_wait3A_122 = tpu.memref_slice %arg5[%add3A_114, %dma_wait3A_121] : memref<32000x128xi32, #tpu.memory_space<hbm>> -> memref<40x128xi32, #tpu.memory_space<hbm>>
          tpu.wait_dma2 semaphore(%run_scoped3A : memref<!tpu.dma_semaphore, #tpu.memory_space<semaphore_mem>>) src(%arg13 : memref<40x128xi32, #tpu.memory_space<vmem>>) dst(%dma_wait3A_122 : memref<40x128xi32, #tpu.memory_space<hbm>>)
          tpu.yield
        }) : () -> ()
      } else {
      }
      %jit3A_55 = arith.constant 2 : i32
      %eq3A_56 = arith.constant 0 : i32
      %eq3A_57 = arith.cmpi eq, %jit3A_55, %eq3A_56 : i32
      %jit3A_58 = arith.constant 1 : i32
      %select_n3A_59 = arith.select %eq3A_57, %jit3A_58, %jit3A_55 : i32
      %rem3A_60 = arith.remsi %scan3A_35, %select_n3A_59 : i32
      %ne3A_61 = arith.constant 0 : i32
      %ne3A_62 = arith.cmpi ne, %rem3A_60, %ne3A_61 : i32
      %lt3A_63 = arith.constant 0 : i32
      %lt3A_64 = arith.cmpi slt, %rem3A_60, %lt3A_63 : i32
      %lt3A_65 = arith.constant 0 : i32
      %lt3A_66 = arith.cmpi slt, %select_n3A_59, %lt3A_65 : i32
      %ne3A_67 = arith.xori %lt3A_64, %lt3A_66 : i1
      %and3A_68 = arith.andi %ne3A_67, %ne3A_62 : i1
      %add3A_69 = arith.addi %rem3A_60, %select_n3A_59 : i32
      %select_n3A_70 = arith.select %and3A_68, %add3A_69, %rem3A_60 : i32
      %eq3A_71 = arith.constant 1 : i32
      %eq3A_72 = arith.cmpi eq, %select_n3A_70, %eq3A_71 : i32
      %convert_element_type3A_73 = arith.extui %eq3A_72 : i1 to i32
      %cond3A_74 = arith.constant 0 : i32
      %cond3A_75 = arith.cmpi ne, %convert_element_type3A_73, %cond3A_74 : i32
      scf.if %cond3A_75 {
        %dma_start3A_77 = arith.constant 0 : i32
        %dma_start3A_78 = tpu.memref_slice %arg7[%min3A_39, %dma_start3A_77] : memref<25x80xi32, #tpu.memory_space<vmem>> -> memref<1x80xi32, #tpu.memory_space<vmem>>
        %dma_start3A_79 = tpu.memref_squeeze %dma_start3A_78 : memref<1x80xi32, #tpu.memory_space<vmem>> -> memref<80xi32, #tpu.memory_space<vmem>>
        %dma_start3A_80 = arith.constant 0 : i32
        %dma_start3A_81 = arith.constant 0 : i32
        %dma_start3A_82 = tpu.memref_slice %arg6[%dma_start3A_80, %dma_start3A_81] : memref<10000x64xi32, #tpu.memory_space<vmem_shared>> -> memref<10000x64xi32, #tpu.memory_space<vmem_shared>>
        tpu.enqueue_indirect_dma source(%dma_start3A_82 : memref<10000x64xi32, #tpu.memory_space<vmem_shared>>) target(%arg9 : memref<80x64xi32, #tpu.memory_space<vmem>>) offsets(%dma_start3A_79 : memref<80xi32, #tpu.memory_space<vmem>>) semaphore(%arg14 : memref<!tpu.dma_semaphore, #tpu.memory_space<semaphore_mem>>)
        %dma_start3A_83 = arith.constant 0 : i32
        %dma_start3A_84 = tpu.memref_slice %arg8[%min3A_39, %dma_start3A_83] : memref<25x80xi32, #tpu.memory_space<vmem>> -> memref<1x80xi32, #tpu.memory_space<vmem>>
        %dma_start3A_85 = tpu.memref_squeeze %dma_start3A_84 : memref<1x80xi32, #tpu.memory_space<vmem>> -> memref<80xi32, #tpu.memory_space<vmem>>
        %dma_start3A_86 = arith.constant 0 : i32
        %dma_start3A_87 = arith.constant 0 : i32
        %dma_start3A_88 = tpu.memref_slice %arg6[%dma_start3A_86, %dma_start3A_87] : memref<10000x64xi32, #tpu.memory_space<vmem_shared>> -> memref<10000x64xi32, #tpu.memory_space<vmem_shared>>
        tpu.enqueue_indirect_dma source(%dma_start3A_88 : memref<10000x64xi32, #tpu.memory_space<vmem_shared>>) target(%arg10 : memref<80x64xi32, #tpu.memory_space<vmem>>) offsets(%dma_start3A_85 : memref<80xi32, #tpu.memory_space<vmem>>) semaphore(%arg15 : memref<!tpu.dma_semaphore, #tpu.memory_space<semaphore_mem>>)
        %dma_wait3A_89 = arith.constant 0 : i32
        %dma_wait3A_90 = arith.constant 0 : i32
        %dma_wait3A_91 = tpu.memref_slice %arg7[%dma_wait3A_89, %dma_wait3A_90] : memref<25x80xi32, #tpu.memory_space<vmem>> -> memref<1x80xi32, #tpu.memory_space<vmem>>
        %dma_wait3A_92 = tpu.memref_squeeze %dma_wait3A_91 : memref<1x80xi32, #tpu.memory_space<vmem>> -> memref<80xi32, #tpu.memory_space<vmem>>
        %dma_wait3A_93 = arith.constant 0 : i32
        %dma_wait3A_94 = arith.constant 0 : i32
        %dma_wait3A_95 = tpu.memref_slice %arg2[%dma_wait3A_93, %dma_wait3A_94] : memref<10000x64xi32, #tpu.memory_space<hbm>> -> memref<10000x64xi32, #tpu.memory_space<hbm>>
        tpu.wait_indirect_dma semaphore(%arg16 : memref<!tpu.dma_semaphore, #tpu.memory_space<semaphore_mem>>) src(%dma_wait3A_95 : memref<10000x64xi32, #tpu.memory_space<hbm>>) dst(%arg11 : memref<80x64xi32, #tpu.memory_space<vmem>>)
        %dma_wait3A_96 = arith.constant 0 : i32
        %dma_wait3A_97 = arith.constant 0 : i32
        %dma_wait3A_98 = tpu.memref_slice %arg8[%dma_wait3A_96, %dma_wait3A_97] : memref<25x80xi32, #tpu.memory_space<vmem>> -> memref<1x80xi32, #tpu.memory_space<vmem>>
        %dma_wait3A_99 = tpu.memref_squeeze %dma_wait3A_98 : memref<1x80xi32, #tpu.memory_space<vmem>> -> memref<80xi32, #tpu.memory_space<vmem>>
        %dma_wait3A_100 = arith.constant 0 : i32
        %dma_wait3A_101 = arith.constant 0 : i32
        %dma_wait3A_102 = tpu.memref_slice %arg2[%dma_wait3A_100, %dma_wait3A_101] : memref<10000x64xi32, #tpu.memory_space<hbm>> -> memref<10000x64xi32, #tpu.memory_space<hbm>>
        tpu.wait_indirect_dma semaphore(%arg17 : memref<!tpu.dma_semaphore, #tpu.memory_space<semaphore_mem>>) src(%dma_wait3A_102 : memref<10000x64xi32, #tpu.memory_space<hbm>>) dst(%arg12 : memref<80x64xi32, #tpu.memory_space<vmem>>)
        %scan3A_103 = arith.constant 0 : i32
        %scan3A_104 = arith.constant 0 : i32
        %scan3A_105 = arith.constant 40 : i32
        %scan3A_106 = arith.addi %scan3A_104, %scan3A_105 : i32
        %scan3A_107 = arith.constant 1 : i32
        %scan3A_108 = scf.for %scan3A_115 = %scan3A_104 to %scan3A_106 step %scan3A_107 iter_args(%scan3A_116 = %scan3A_103) -> (i32)  : i32 {
          %mul3A_117 = arith.constant 2 : i32
          %mul3A_118 = arith.muli %scan3A_115, %mul3A_117 : i32
          %add3A_119 = arith.constant 1 : i32
          %add3A_120 = arith.addi %mul3A_118, %add3A_119 : i32
          %scan3A_121 = arith.constant 0 : i32
          %scan3A_122 = arith.constant 0 : i32
          %scan3A_123 = arith.constant 4 : i32
          %scan3A_124 = arith.addi %scan3A_122, %scan3A_123 : i32
          %scan3A_125 = arith.constant 1 : i32
          %scan3A_126 = scf.for %scan3A_128 = %scan3A_122 to %scan3A_124 step %scan3A_125 iter_args(%scan3A_129 = %scan3A_121) -> (i32)  : i32 {
            %mul3A_130 = arith.constant 16 : i32
            %mul3A_131 = arith.muli %scan3A_128, %mul3A_130 : i32
            %get3A = arith.index_cast %mul3A_118 : i32 to index
            %get3A_132 = arith.index_cast %mul3A_131 : i32 to index
            %get3A_133 = tpu.vector_load %arg11[%get3A, %get3A_132] {strides = array<i32>} : memref<80x64xi32, #tpu.memory_space<vmem>>, vector<16xi32>,
            %bitcast3A = vector.bitcast %get3A_133 : vector<16xi32> to vector<32xbf16>
            %get3A_134 = arith.index_cast %mul3A_118 : i32 to index
            %get3A_135 = arith.index_cast %mul3A_131 : i32 to index
            %get3A_136 = tpu.vector_load %arg12[%get3A_134, %get3A_135] {strides = array<i32>} : memref<80x64xi32, #tpu.memory_space<vmem>>, vector<16xi32>,
            %bitcast3A_137 = vector.bitcast %get3A_136 : vector<16xi32> to vector<32xbf16>
            %get3A_138 = arith.index_cast %add3A_120 : i32 to index
            %get3A_139 = arith.index_cast %mul3A_131 : i32 to index
            %get3A_140 = tpu.vector_load %arg11[%get3A_138, %get3A_139] {strides = array<i32>} : memref<80x64xi32, #tpu.memory_space<vmem>>, vector<16xi32>,
            %bitcast3A_141 = vector.bitcast %get3A_140 : vector<16xi32> to vector<32xbf16>
            %get3A_142 = arith.index_cast %add3A_120 : i32 to index
            %get3A_143 = arith.index_cast %mul3A_131 : i32 to index
            %get3A_144 = tpu.vector_load %arg12[%get3A_142, %get3A_143] {strides = array<i32>} : memref<80x64xi32, #tpu.memory_space<vmem>>, vector<16xi32>,
            %bitcast3A_145 = vector.bitcast %get3A_144 : vector<16xi32> to vector<32xbf16>
            %unpack3A = tpu.unpack_subelements %bitcast3A, 0 {pack_format = #tpu.pack_format<interleaved>} : vector<32xbf16> -> vector<16xf32>
            %unpack3A_146 = tpu.unpack_subelements %bitcast3A, 1 {pack_format = #tpu.pack_format<interleaved>} : vector<32xbf16> -> vector<16xf32>
            %unpack3A_147 = tpu.unpack_subelements %bitcast3A_137, 0 {pack_format = #tpu.pack_format<interleaved>} : vector<32xbf16> -> vector<16xf32>
            %unpack3A_148 = tpu.unpack_subelements %bitcast3A_137, 1 {pack_format = #tpu.pack_format<interleaved>} : vector<32xbf16> -> vector<16xf32>
            %unpack3A_149 = tpu.unpack_subelements %bitcast3A_141, 0 {pack_format = #tpu.pack_format<interleaved>} : vector<32xbf16> -> vector<16xf32>
            %unpack3A_150 = tpu.unpack_subelements %bitcast3A_141, 1 {pack_format = #tpu.pack_format<interleaved>} : vector<32xbf16> -> vector<16xf32>
            %unpack3A_151 = tpu.unpack_subelements %bitcast3A_145, 0 {pack_format = #tpu.pack_format<interleaved>} : vector<32xbf16> -> vector<16xf32>
            %unpack3A_152 = tpu.unpack_subelements %bitcast3A_145, 1 {pack_format = #tpu.pack_format<interleaved>} : vector<32xbf16> -> vector<16xf32>
            %add3A_153 = arith.addf %unpack3A, %unpack3A_147 : vector<16xf32>
            %add3A_154 = arith.addf %unpack3A_146, %unpack3A_148 : vector<16xf32>
            %add3A_155 = arith.addf %unpack3A_149, %unpack3A_151 : vector<16xf32>
            %add3A_156 = arith.addf %unpack3A_150, %unpack3A_152 : vector<16xf32>
            %pack3A = tpu.pack_subelements %add3A_153, %add3A_155 {pack_format = #tpu.pack_format<interleaved>, positions = array<i32: 0, 1>} : vector<16xf32>, vector<16xf32> -> vector<32xbf16>
            %bitcast3A_157 = vector.bitcast %pack3A : vector<32xbf16> to vector<16xi32>
            %pack3A_158 = tpu.pack_subelements %add3A_154, %add3A_156 {pack_format = #tpu.pack_format<interleaved>, positions = array<i32: 0, 1>} : vector<16xf32>, vector<16xf32> -> vector<32xbf16>
            %bitcast3A_159 = vector.bitcast %pack3A_158 : vector<32xbf16> to vector<16xi32>
            %swap3A = arith.index_cast %scan3A_115 : i32 to index
            %swap3A_160 = arith.index_cast %mul3A_131 : i32 to index
            %swap3A_161 = tpu.vector_load %arg13[%swap3A, %swap3A_160] {strides = array<i32>} : memref<40x128xi32, #tpu.memory_space<vmem>>, vector<16xi32>,
            tpu.vector_store %arg13[%swap3A, %swap3A_160], %bitcast3A_157 {strides = array<i32>} : memref<40x128xi32, #tpu.memory_space<vmem>>, vector<16xi32>,
            %add3A_162 = arith.constant 64 : i32
            %add3A_163 = arith.addi %add3A_162, %mul3A_131 : i32
            %swap3A_164 = arith.index_cast %scan3A_115 : i32 to index
            %swap3A_165 = arith.index_cast %add3A_163 : i32 to index
            %swap3A_166 = tpu.vector_load %arg13[%swap3A_164, %swap3A_165] {strides = array<i32>} : memref<40x128xi32, #tpu.memory_space<vmem>>, vector<16xi32>,
            tpu.vector_store %arg13[%swap3A_164, %swap3A_165], %bitcast3A_159 {strides = array<i32>} : memref<40x128xi32, #tpu.memory_space<vmem>>, vector<16xi32>,
            %scan3A_167 = arith.constant 0 : i32
            scf.yield %scan3A_167 : i32
          }
          %scan3A_127 = arith.constant 4 : i32
          scf.yield %scan3A_126 : i32
        }
        %scan3A_109 = arith.constant 40 : i32
        %mul3A_110 = arith.constant 1000 : i32
        %mul3A_111 = arith.muli %add3A, %mul3A_110 : i32
        %mul3A_112 = arith.constant 40 : i32
        %mul3A_113 = arith.muli %scan3A_35, %mul3A_112 : i32
        %add3A_114 = arith.addi %mul3A_111, %mul3A_113 : i32
        "tpu.region"() ({
          %run_scoped3A = tpu.sem_alloc : memref<!tpu.dma_semaphore, #tpu.memory_space<semaphore_mem>>
          %dma_start3A_115 = arith.constant 0 : i32
          %dma_start3A_116 = tpu.memref_slice %arg5[%add3A_114, %dma_start3A_115] : memref<32000x128xi32, #tpu.memory_space<hbm>> -> memref<40x128xi32, #tpu.memory_space<hbm>>
          %dma_start3A_117 = arith.constant 0 : i32
          %dma_start3A_118 = tpu.memref_slice %arg5[%add3A_114, %dma_start3A_117] : memref<32000x128xi32, #tpu.memory_space<hbm>> -> memref<40x128xi32, #tpu.memory_space<hbm>>
          tpu.enqueue_dma source(%arg13 : memref<40x128xi32, #tpu.memory_space<vmem>>) target(%dma_start3A_118 : memref<40x128xi32, #tpu.memory_space<hbm>>) target_semaphore(%run_scoped3A : memref<!tpu.dma_semaphore, #tpu.memory_space<semaphore_mem>>)
          %dma_wait3A_119 = arith.constant 0 : i32
          %dma_wait3A_120 = tpu.memref_slice %arg5[%add3A_114, %dma_wait3A_119] : memref<32000x128xi32, #tpu.memory_space<hbm>> -> memref<40x128xi32, #tpu.memory_space<hbm>>
          %dma_wait3A_121 = arith.constant 0 : i32
          %dma_wait3A_122 = tpu.memref_slice %arg5[%add3A_114, %dma_wait3A_121] : memref<32000x128xi32, #tpu.memory_space<hbm>> -> memref<40x128xi32, #tpu.memory_space<hbm>>
          tpu.wait_dma2 semaphore(%run_scoped3A : memref<!tpu.dma_semaphore, #tpu.memory_space<semaphore_mem>>) src(%arg13 : memref<40x128xi32, #tpu.memory_space<vmem>>) dst(%dma_wait3A_122 : memref<40x128xi32, #tpu.memory_space<hbm>>)
          tpu.yield
        }) : () -> ()
      } else {
      }
      %scan3A_76 = arith.constant 0 : i32
      scf.yield %scan3A_76 : i32
    }
    %scan3A_21 = arith.constant 25 : i32
    %dma_wait3A = arith.constant 0 : i32
    %dma_wait3A_22 = arith.constant 0 : i32
    %dma_wait3A_23 = tpu.memref_slice %arg7[%dma_wait3A, %dma_wait3A_22] : memref<25x80xi32, #tpu.memory_space<vmem>> -> memref<1x80xi32, #tpu.memory_space<vmem>>
    %dma_wait3A_24 = tpu.memref_squeeze %dma_wait3A_23 : memref<1x80xi32, #tpu.memory_space<vmem>> -> memref<80xi32, #tpu.memory_space<vmem>>
    %dma_wait3A_25 = arith.constant 0 : i32
    %dma_wait3A_26 = arith.constant 0 : i32
    %dma_wait3A_27 = tpu.memref_slice %arg2[%dma_wait3A_25, %dma_wait3A_26] : memref<10000x64xi32, #tpu.memory_space<hbm>> -> memref<10000x64xi32, #tpu.memory_space<hbm>>
    tpu.wait_indirect_dma semaphore(%arg16 : memref<!tpu.dma_semaphore, #tpu.memory_space<semaphore_mem>>) src(%dma_wait3A_27 : memref<10000x64xi32, #tpu.memory_space<hbm>>) dst(%arg11 : memref<80x64xi32, #tpu.memory_space<vmem>>)
    %dma_wait3A_28 = arith.constant 0 : i32
    %dma_wait3A_29 = arith.constant 0 : i32
    %dma_wait3A_30 = tpu.memref_slice %arg8[%dma_wait3A_28, %dma_wait3A_29] : memref<25x80xi32, #tpu.memory_space<vmem>> -> memref<1x80xi32, #tpu.memory_space<vmem>>
    %dma_wait3A_31 = tpu.memref_squeeze %dma_wait3A_30 : memref<1x80xi32, #tpu.memory_space<vmem>> -> memref<80xi32, #tpu.memory_space<vmem>>
    %dma_wait3A_32 = arith.constant 0 : i32
    %dma_wait3A_33 = arith.constant 0 : i32
    %dma_wait3A_34 = tpu.memref_slice %arg2[%dma_wait3A_32, %dma_wait3A_33] : memref<10000x64xi32, #tpu.memory_space<hbm>> -> memref<10000x64xi32, #tpu.memory_space<hbm>>
    tpu.wait_indirect_dma semaphore(%arg17 : memref<!tpu.dma_semaphore, #tpu.memory_space<semaphore_mem>>) src(%dma_wait3A_34 : memref<10000x64xi32, #tpu.memory_space<hbm>>) dst(%arg12 : memref<80x64xi32, #tpu.memory_space<vmem>>)
    return
  }
}

#map = affine_map<(d0, d1) -> (0, 0)>
#map1 = affine_map<(d0, d1) -> (0, 0, 0)>
module attributes {stable_mosaic.version = 14 : i64} {
  func.func @_gather_add_body(%arg0: i32, %arg1: i32, %arg2: memref<10000x64xi32, #tpu.memory_space<hbm>>, %arg3: memref<32x25x80xi32, #tpu.memory_space<hbm>>, %arg4: memref<32x25x80xi32, #tpu.memory_space<hbm>>, %arg5: memref<32000x128xi32, #tpu.memory_space<hbm>>, %arg6: memref<10000x64xi32, #tpu.memory_space<vmem_shared>>, %arg7: memref<25x80xi32, #tpu.memory_space<vmem>>, %arg8: memref<25x80xi32, #tpu.memory_space<vmem>>, %arg9: memref<80x64xi32, #tpu.memory_space<vmem>>, %arg10: memref<80x64xi32, #tpu.memory_space<vmem>>, %arg11: memref<80x64xi32, #tpu.memory_space<vmem>>, %arg12: memref<80x64xi32, #tpu.memory_space<vmem>>, %arg13: memref<40x128xi32, #tpu.memory_space<vmem>>, %arg14: memref<!tpu.dma_semaphore, #tpu.memory_space<semaphore_mem>>, %arg15: memref<!tpu.dma_semaphore, #tpu.memory_space<semaphore_mem>>, %arg16: memref<!tpu.dma_semaphore, #tpu.memory_space<semaphore_mem>>, %arg17: memref<!tpu.dma_semaphore, #tpu.memory_space<semaphore_mem>>) attributes {dimension_semantics = [#tpu.dimension_semantics<core_parallel>, #tpu.dimension_semantics<subcore_parallel>], iteration_bounds = array<i64: 2, 16>, scalar_prefetch = 0 : i64, scratch_operands = 12 : i64, tpu.core_type = #tpu.core_type<sc_vector_subcore>, window_params = [{transform_indices = #map}, {transform_indices = #map1}, {transform_indices = #map1}, {transform_indices = #map}]} {
    %mul3A = arith.constant 2 : i32
    %mul3A_0 = arith.muli %arg1, %mul3A : i32
    %add3A = arith.addi %mul3A_0, %arg0 : i32
    %eq3A = arith.constant 0 : i32
    %eq3A_1 = arith.cmpi eq, %arg1, %eq3A : i32
    %convert_element_type3A = arith.extui %eq3A_1 : i1 to i32
    %cond3A = arith.constant 0 : i32
    %cond3A_2 = arith.cmpi ne, %convert_element_type3A, %cond3A : i32
    scf.if %cond3A_2 {
      "tpu.region"() ({
        %run_scoped3A = tpu.sem_alloc : memref<!tpu.dma_semaphore, #tpu.memory_space<semaphore_mem>>
        tpu.enqueue_dma source(%arg2 : memref<10000x64xi32, #tpu.memory_space<hbm>>) target(%arg6 : memref<10000x64xi32, #tpu.memory_space<vmem_shared>>) target_semaphore(%run_scoped3A : memref<!tpu.dma_semaphore, #tpu.memory_space<semaphore_mem>>)
        tpu.wait_dma2 semaphore(%run_scoped3A : memref<!tpu.dma_semaphore, #tpu.memory_space<semaphore_mem>>) src(%arg2 : memref<10000x64xi32, #tpu.memory_space<hbm>>) dst(%arg6 : memref<10000x64xi32, #tpu.memory_space<vmem_shared>>)
        tpu.yield
      }) : () -> ()
    } else {
    }
    "tpu.region"() ({
      %run_scoped3A = tpu.sem_alloc : memref<!tpu.dma_semaphore, #tpu.memory_space<semaphore_mem>>
      %dma_start3A_35 = arith.constant 0 : i32
      %dma_start3A_36 = arith.constant 0 : i32
      %dma_start3A_37 = tpu.memref_slice %arg3[%add3A, %dma_start3A_35, %dma_start3A_36] : memref<32x25x80xi32, #tpu.memory_space<hbm>> -> memref<1x25x80xi32, #tpu.memory_space<hbm>>
      %dma_start3A_38 = tpu.memref_squeeze %dma_start3A_37 : memref<1x25x80xi32, #tpu.memory_space<hbm>> -> memref<25x80xi32, #tpu.memory_space<hbm>>
      %dma_start3A_39 = arith.constant 0 : i32
      %dma_start3A_40 = arith.constant 0 : i32
      %dma_start3A_41 = tpu.memref_slice %arg3[%add3A, %dma_start3A_39, %dma_start3A_40] : memref<32x25x80xi32, #tpu.memory_space<hbm>> -> memref<1x25x80xi32, #tpu.memory_space<hbm>>
      %dma_start3A_42 = tpu.memref_squeeze %dma_start3A_41 : memref<1x25x80xi32, #tpu.memory_space<hbm>> -> memref<25x80xi32, #tpu.memory_space<hbm>>
      tpu.enqueue_dma source(%dma_start3A_42 : memref<25x80xi32, #tpu.memory_space<hbm>>) target(%arg7 : memref<25x80xi32, #tpu.memory_space<vmem>>) target_semaphore(%run_scoped3A : memref<!tpu.dma_semaphore, #tpu.memory_space<semaphore_mem>>)
      %dma_wait3A_43 = arith.constant 0 : i32
      %dma_wait3A_44 = arith.constant 0 : i32
      %dma_wait3A_45 = tpu.memref_slice %arg3[%add3A, %dma_wait3A_43, %dma_wait3A_44] : memref<32x25x80xi32, #tpu.memory_space<hbm>> -> memref<1x25x80xi32, #tpu.memory_space<hbm>>
      %dma_wait3A_46 = tpu.memref_squeeze %dma_wait3A_45 : memref<1x25x80xi32, #tpu.memory_space<hbm>> -> memref<25x80xi32, #tpu.memory_space<hbm>>
      %dma_wait3A_47 = arith.constant 0 : i32
      %dma_wait3A_48 = arith.constant 0 : i32
      %dma_wait3A_49 = tpu.memref_slice %arg3[%add3A, %dma_wait3A_47, %dma_wait3A_48] : memref<32x25x80xi32, #tpu.memory_space<hbm>> -> memref<1x25x80xi32, #tpu.memory_space<hbm>>
      %dma_wait3A_50 = tpu.memref_squeeze %dma_wait3A_49 : memref<1x25x80xi32, #tpu.memory_space<hbm>> -> memref<25x80xi32, #tpu.memory_space<hbm>>
      tpu.wait_dma2 semaphore(%run_scoped3A : memref<!tpu.dma_semaphore, #tpu.memory_space<semaphore_mem>>) src(%dma_wait3A_50 : memref<25x80xi32, #tpu.memory_space<hbm>>) dst(%arg7 : memref<25x80xi32, #tpu.memory_space<vmem>>)
      tpu.yield
    }) : () -> ()
    "tpu.region"() ({
      %run_scoped3A = tpu.sem_alloc : memref<!tpu.dma_semaphore, #tpu.memory_space<semaphore_mem>>
      %dma_start3A_35 = arith.constant 0 : i32
      %dma_start3A_36 = arith.constant 0 : i32
      %dma_start3A_37 = tpu.memref_slice %arg4[%add3A, %dma_start3A_35, %dma_start3A_36] : memref<32x25x80xi32, #tpu.memory_space<hbm>> -> memref<1x25x80xi32, #tpu.memory_space<hbm>>
      %dma_start3A_38 = tpu.memref_squeeze %dma_start3A_37 : memref<1x25x80xi32, #tpu.memory_space<hbm>> -> memref<25x80xi32, #tpu.memory_space<hbm>>
      %dma_start3A_39 = arith.constant 0 : i32
      %dma_start3A_40 = arith.constant 0 : i32
      %dma_start3A_41 = tpu.memref_slice %arg4[%add3A, %dma_start3A_39, %dma_start3A_40] : memref<32x25x80xi32, #tpu.memory_space<hbm>> -> memref<1x25x80xi32, #tpu.memory_space<hbm>>
      %dma_start3A_42 = tpu.memref_squeeze %dma_start3A_41 : memref<1x25x80xi32, #tpu.memory_space<hbm>> -> memref<25x80xi32, #tpu.memory_space<hbm>>
      tpu.enqueue_dma source(%dma_start3A_42 : memref<25x80xi32, #tpu.memory_space<hbm>>) target(%arg8 : memref<25x80xi32, #tpu.memory_space<vmem>>) target_semaphore(%run_scoped3A : memref<!tpu.dma_semaphore, #tpu.memory_space<semaphore_mem>>)
      %dma_wait3A_43 = arith.constant 0 : i32
      %dma_wait3A_44 = arith.constant 0 : i32
      %dma_wait3A_45 = tpu.memref_slice %arg4[%add3A, %dma_wait3A_43, %dma_wait3A_44] : memref<32x25x80xi32, #tpu.memory_space<hbm>> -> memref<1x25x80xi32, #tpu.memory_space<hbm>>
      %dma_wait3A_46 = tpu.memref_squeeze %dma_wait3A_45 : memref<1x25x80xi32, #tpu.memory_space<hbm>> -> memref<25x80xi32, #tpu.memory_space<hbm>>
      %dma_wait3A_47 = arith.constant 0 : i32
      %dma_wait3A_48 = arith.constant 0 : i32
      %dma_wait3A_49 = tpu.memref_slice %arg4[%add3A, %dma_wait3A_47, %dma_wait3A_48] : memref<32x25x80xi32, #tpu.memory_space<hbm>> -> memref<1x25x80xi32, #tpu.memory_space<hbm>>
      %dma_wait3A_50 = tpu.memref_squeeze %dma_wait3A_49 : memref<1x25x80xi32, #tpu.memory_space<hbm>> -> memref<25x80xi32, #tpu.memory_space<hbm>>
      tpu.wait_dma2 semaphore(%run_scoped3A : memref<!tpu.dma_semaphore, #tpu.memory_space<semaphore_mem>>) src(%dma_wait3A_50 : memref<25x80xi32, #tpu.memory_space<hbm>>) dst(%arg8 : memref<25x80xi32, #tpu.memory_space<vmem>>)
      tpu.yield
    }) : () -> ()
    %barrier3A = arith.constant 0 : index
    tpu.barrier barrier_id(%barrier3A)
    %dma_start3A = arith.constant 0 : i32
    %dma_start3A_3 = arith.constant 0 : i32
    %dma_start3A_4 = tpu.memref_slice %arg7[%dma_start3A, %dma_start3A_3] : memref<25x80xi32, #tpu.memory_space<vmem>> -> memref<1x80xi32, #tpu.memory_space<vmem>>
    %dma_start3A_5 = tpu.memref_squeeze %dma_start3A_4 : memref<1x80xi32, #tpu.memory_space<vmem>> -> memref<80xi32, #tpu.memory_space<vmem>>
    %dma_start3A_6 = arith.constant 0 : i32
    %dma_start3A_7 = arith.constant 0 : i32
    %dma_start3A_8 = tpu.memref_slice %arg6[%dma_start3A_6, %dma_start3A_7] : memref<10000x64xi32, #tpu.memory_space<vmem_shared>> -> memref<10000x64xi32, #tpu.memory_space<vmem_shared>>
    tpu.enqueue_indirect_dma source(%dma_start3A_8 : memref<10000x64xi32, #tpu.memory_space<vmem_shared>>) target(%arg9 : memref<80x64xi32, #tpu.memory_space<vmem>>) offsets(%dma_start3A_5 : memref<80xi32, #tpu.memory_space<vmem>>) semaphore(%arg14 : memref<!tpu.dma_semaphore, #tpu.memory_space<semaphore_mem>>)
    %dma_start3A_9 = arith.constant 0 : i32
    %dma_start3A_10 = arith.constant 0 : i32
    %dma_start3A_11 = tpu.memref_slice %arg8[%dma_start3A_9, %dma_start3A_10] : memref<25x80xi32, #tpu.memory_space<vmem>> -> memref<1x80xi32, #tpu.memory_space<vmem>>
    %dma_start3A_12 = tpu.memref_squeeze %dma_start3A_11 : memref<1x80xi32, #tpu.memory_space<vmem>> -> memref<80xi32, #tpu.memory_space<vmem>>
    %dma_start3A_13 = arith.constant 0 : i32
    %dma_start3A_14 = arith.constant 0 : i32
    %dma_start3A_15 = tpu.memref_slice %arg6[%dma_start3A_13, %dma_start3A_14] : memref<10000x64xi32, #tpu.memory_space<vmem_shared>> -> memref<10000x64xi32, #tpu.memory_space<vmem_shared>>
    tpu.enqueue_indirect_dma source(%dma_start3A_15 : memref<10000x64xi32, #tpu.memory_space<vmem_shared>>) target(%arg10 : memref<80x64xi32, #tpu.memory_space<vmem>>) offsets(%dma_start3A_12 : memref<80xi32, #tpu.memory_space<vmem>>) semaphore(%arg15 : memref<!tpu.dma_semaphore, #tpu.memory_space<semaphore_mem>>)
    %scan3A = arith.constant 0 : i32
    %scan3A_16 = arith.constant 0 : i32
    %scan3A_17 = arith.constant 25 : i32
    %scan3A_18 = arith.addi %scan3A_16, %scan3A_17 : i32
    %scan3A_19 = arith.constant 1 : i32
    %scan3A_20 = scf.for %scan3A_35 = %scan3A_16 to %scan3A_18 step %scan3A_19 iter_args(%scan3A_36 = %scan3A) -> (i32)  : i32 {
      %add3A_37 = arith.constant 1 : i32
      %add3A_38 = arith.addi %scan3A_35, %add3A_37 : i32
      %min3A = arith.constant 24 : i32
      %min3A_39 = arith.minsi %add3A_38, %min3A : i32
      %jit3A = arith.constant 2 : i32
      %eq3A_40 = arith.constant 0 : i32
      %eq3A_41 = arith.cmpi eq, %jit3A, %eq3A_40 : i32
      %jit3A_42 = arith.constant 1 : i32
      %select_n3A = arith.select %eq3A_41, %jit3A_42, %jit3A : i32
      %rem3A = arith.remsi %scan3A_35, %select_n3A : i32
      %ne3A = arith.constant 0 : i32
      %ne3A_43 = arith.cmpi ne, %rem3A, %ne3A : i32
      %lt3A = arith.constant 0 : i32
      %lt3A_44 = arith.cmpi slt, %rem3A, %lt3A : i32
      %lt3A_45 = arith.constant 0 : i32
      %lt3A_46 = arith.cmpi slt, %select_n3A, %lt3A_45 : i32
      %ne3A_47 = arith.xori %lt3A_44, %lt3A_46 : i1
      %and3A = arith.andi %ne3A_47, %ne3A_43 : i1
      %add3A_48 = arith.addi %rem3A, %select_n3A : i32
      %select_n3A_49 = arith.select %and3A, %add3A_48, %rem3A : i32
      %eq3A_50 = arith.constant 0 : i32
      %eq3A_51 = arith.cmpi eq, %select_n3A_49, %eq3A_50 : i32
      %convert_element_type3A_52 = arith.extui %eq3A_51 : i1 to i32
      %cond3A_53 = arith.constant 0 : i32
      %cond3A_54 = arith.cmpi ne, %convert_element_type3A_52, %cond3A_53 : i32
      scf.if %cond3A_54 {
        %dma_start3A_77 = arith.constant 0 : i32
        %dma_start3A_78 = tpu.memref_slice %arg7[%min3A_39, %dma_start3A_77] : memref<25x80xi32, #tpu.memory_space<vmem>> -> memref<1x80xi32, #tpu.memory_space<vmem>>
        %dma_start3A_79 = tpu.memref_squeeze %dma_start3A_78 : memref<1x80xi32, #tpu.memory_space<vmem>> -> memref<80xi32, #tpu.memory_space<vmem>>
        %dma_start3A_80 = arith.constant 0 : i32
        %dma_start3A_81 = arith.constant 0 : i32
        %dma_start3A_82 = tpu.memref_slice %arg6[%dma_start3A_80, %dma_start3A_81] : memref<10000x64xi32, #tpu.memory_space<vmem_shared>> -> memref<10000x64xi32, #tpu.memory_space<vmem_shared>>
        tpu.enqueue_indirect_dma source(%dma_start3A_82 : memref<10000x64xi32, #tpu.memory_space<vmem_shared>>) target(%arg11 : memref<80x64xi32, #tpu.memory_space<vmem>>) offsets(%dma_start3A_79 : memref<80xi32, #tpu.memory_space<vmem>>) semaphore(%arg16 : memref<!tpu.dma_semaphore, #tpu.memory_space<semaphore_mem>>)
        %dma_start3A_83 = arith.constant 0 : i32
        %dma_start3A_84 = tpu.memref_slice %arg8[%min3A_39, %dma_start3A_83] : memref<25x80xi32, #tpu.memory_space<vmem>> -> memref<1x80xi32, #tpu.memory_space<vmem>>
        %dma_start3A_85 = tpu.memref_squeeze %dma_start3A_84 : memref<1x80xi32, #tpu.memory_space<vmem>> -> memref<80xi32, #tpu.memory_space<vmem>>
        %dma_start3A_86 = arith.constant 0 : i32
        %dma_start3A_87 = arith.constant 0 : i32
        %dma_start3A_88 = tpu.memref_slice %arg6[%dma_start3A_86, %dma_start3A_87] : memref<10000x64xi32, #tpu.memory_space<vmem_shared>> -> memref<10000x64xi32, #tpu.memory_space<vmem_shared>>
        tpu.enqueue_indirect_dma source(%dma_start3A_88 : memref<10000x64xi32, #tpu.memory_space<vmem_shared>>) target(%arg12 : memref<80x64xi32, #tpu.memory_space<vmem>>) offsets(%dma_start3A_85 : memref<80xi32, #tpu.memory_space<vmem>>) semaphore(%arg17 : memref<!tpu.dma_semaphore, #tpu.memory_space<semaphore_mem>>)
        %dma_wait3A_89 = arith.constant 0 : i32
        %dma_wait3A_90 = arith.constant 0 : i32
        %dma_wait3A_91 = tpu.memref_slice %arg7[%dma_wait3A_89, %dma_wait3A_90] : memref<25x80xi32, #tpu.memory_space<vmem>> -> memref<1x80xi32, #tpu.memory_space<vmem>>
        %dma_wait3A_92 = tpu.memref_squeeze %dma_wait3A_91 : memref<1x80xi32, #tpu.memory_space<vmem>> -> memref<80xi32, #tpu.memory_space<vmem>>
        %dma_wait3A_93 = arith.constant 0 : i32
        %dma_wait3A_94 = arith.constant 0 : i32
        %dma_wait3A_95 = tpu.memref_slice %arg2[%dma_wait3A_93, %dma_wait3A_94] : memref<10000x64xi32, #tpu.memory_space<hbm>> -> memref<10000x64xi32, #tpu.memory_space<hbm>>
        tpu.wait_indirect_dma semaphore(%arg14 : memref<!tpu.dma_semaphore, #tpu.memory_space<semaphore_mem>>) src(%dma_wait3A_95 : memref<10000x64xi32, #tpu.memory_space<hbm>>) dst(%arg9 : memref<80x64xi32, #tpu.memory_space<vmem>>)
        %dma_wait3A_96 = arith.constant 0 : i32
        %dma_wait3A_97 = arith.constant 0 : i32
        %dma_wait3A_98 = tpu.memref_slice %arg8[%dma_wait3A_96, %dma_wait3A_97] : memref<25x80xi32, #tpu.memory_space<vmem>> -> memref<1x80xi32, #tpu.memory_space<vmem>>
        %dma_wait3A_99 = tpu.memref_squeeze %dma_wait3A_98 : memref<1x80xi32, #tpu.memory_space<vmem>> -> memref<80xi32, #tpu.memory_space<vmem>>
        %dma_wait3A_100 = arith.constant 0 : i32
        %dma_wait3A_101 = arith.constant 0 : i32
        %dma_wait3A_102 = tpu.memref_slice %arg2[%dma_wait3A_100, %dma_wait3A_101] : memref<10000x64xi32, #tpu.memory_space<hbm>> -> memref<10000x64xi32, #tpu.memory_space<hbm>>
        tpu.wait_indirect_dma semaphore(%arg15 : memref<!tpu.dma_semaphore, #tpu.memory_space<semaphore_mem>>) src(%dma_wait3A_102 : memref<10000x64xi32, #tpu.memory_space<hbm>>) dst(%arg10 : memref<80x64xi32, #tpu.memory_space<vmem>>)
        %scan3A_103 = arith.constant 0 : i32
        %scan3A_104 = arith.constant 0 : i32
        %scan3A_105 = arith.constant 40 : i32
        %scan3A_106 = arith.addi %scan3A_104, %scan3A_105 : i32
        %scan3A_107 = arith.constant 1 : i32
        %scan3A_108 = scf.for %scan3A_115 = %scan3A_104 to %scan3A_106 step %scan3A_107 iter_args(%scan3A_116 = %scan3A_103) -> (i32)  : i32 {
          %mul3A_117 = arith.constant 2 : i32
          %mul3A_118 = arith.muli %scan3A_115, %mul3A_117 : i32
          %add3A_119 = arith.constant 1 : i32
          %add3A_120 = arith.addi %mul3A_118, %add3A_119 : i32
          %scan3A_121 = arith.constant 0 : i32
          %scan3A_122 = arith.constant 0 : i32
          %scan3A_123 = arith.constant 4 : i32
          %scan3A_124 = arith.addi %scan3A_122, %scan3A_123 : i32
          %scan3A_125 = arith.constant 1 : i32
          %scan3A_126 = scf.for %scan3A_128 = %scan3A_122 to %scan3A_124 step %scan3A_125 iter_args(%scan3A_129 = %scan3A_121) -> (i32)  : i32 {
            %mul3A_130 = arith.constant 16 : i32
            %mul3A_131 = arith.muli %scan3A_128, %mul3A_130 : i32
            %get3A = arith.index_cast %mul3A_118 : i32 to index
            %get3A_132 = arith.index_cast %mul3A_131 : i32 to index
            %get3A_133 = tpu.vector_load %arg9[%get3A, %get3A_132] {strides = array<i32>} : memref<80x64xi32, #tpu.memory_space<vmem>>, vector<16xi32>,
            %bitcast3A = vector.bitcast %get3A_133 : vector<16xi32> to vector<32xbf16>
            %get3A_134 = arith.index_cast %mul3A_118 : i32 to index
            %get3A_135 = arith.index_cast %mul3A_131 : i32 to index
            %get3A_136 = tpu.vector_load %arg10[%get3A_134, %get3A_135] {strides = array<i32>} : memref<80x64xi32, #tpu.memory_space<vmem>>, vector<16xi32>,
            %bitcast3A_137 = vector.bitcast %get3A_136 : vector<16xi32> to vector<32xbf16>
            %get3A_138 = arith.index_cast %add3A_120 : i32 to index
            %get3A_139 = arith.index_cast %mul3A_131 : i32 to index
            %get3A_140 = tpu.vector_load %arg9[%get3A_138, %get3A_139] {strides = array<i32>} : memref<80x64xi32, #tpu.memory_space<vmem>>, vector<16xi32>,
            %bitcast3A_141 = vector.bitcast %get3A_140 : vector<16xi32> to vector<32xbf16>
            %get3A_142 = arith.index_cast %add3A_120 : i32 to index
            %get3A_143 = arith.index_cast %mul3A_131 : i32 to index
            %get3A_144 = tpu.vector_load %arg10[%get3A_142, %get3A_143] {strides = array<i32>} : memref<80x64xi32, #tpu.memory_space<vmem>>, vector<16xi32>,
            %bitcast3A_145 = vector.bitcast %get3A_144 : vector<16xi32> to vector<32xbf16>
            %unpack3A = tpu.unpack_subelements %bitcast3A, 0 {pack_format = #tpu.pack_format<interleaved>} : vector<32xbf16> -> vector<16xf32>
            %unpack3A_146 = tpu.unpack_subelements %bitcast3A, 1 {pack_format = #tpu.pack_format<interleaved>} : vector<32xbf16> -> vector<16xf32>
            %unpack3A_147 = tpu.unpack_subelements %bitcast3A_137, 0 {pack_format = #tpu.pack_format<interleaved>} : vector<32xbf16> -> vector<16xf32>
            %unpack3A_148 = tpu.unpack_subelements %bitcast3A_137, 1 {pack_format = #tpu.pack_format<interleaved>} : vector<32xbf16> -> vector<16xf32>
            %unpack3A_149 = tpu.unpack_subelements %bitcast3A_141, 0 {pack_format = #tpu.pack_format<interleaved>} : vector<32xbf16> -> vector<16xf32>
            %unpack3A_150 = tpu.unpack_subelements %bitcast3A_141, 1 {pack_format = #tpu.pack_format<interleaved>} : vector<32xbf16> -> vector<16xf32>
            %unpack3A_151 = tpu.unpack_subelements %bitcast3A_145, 0 {pack_format = #tpu.pack_format<interleaved>} : vector<32xbf16> -> vector<16xf32>
            %unpack3A_152 = tpu.unpack_subelements %bitcast3A_145, 1 {pack_format = #tpu.pack_format<interleaved>} : vector<32xbf16> -> vector<16xf32>
            %add3A_153 = arith.addf %unpack3A, %unpack3A_147 : vector<16xf32>
            %add3A_154 = arith.addf %unpack3A_146, %unpack3A_148 : vector<16xf32>
            %add3A_155 = arith.addf %unpack3A_149, %unpack3A_151 : vector<16xf32>
            %add3A_156 = arith.addf %unpack3A_150, %unpack3A_152 : vector<16xf32>
            %pack3A = tpu.pack_subelements %add3A_153, %add3A_155 {pack_format = #tpu.pack_format<interleaved>, positions = array<i32: 0, 1>} : vector<16xf32>, vector<16xf32> -> vector<32xbf16>
            %bitcast3A_157 = vector.bitcast %pack3A : vector<32xbf16> to vector<16xi32>
            %pack3A_158 = tpu.pack_subelements %add3A_154, %add3A_156 {pack_format = #tpu.pack_format<interleaved>, positions = array<i32: 0, 1>} : vector<16xf32>, vector<16xf32> -> vector<32xbf16>
            %bitcast3A_159 = vector.bitcast %pack3A_158 : vector<32xbf16> to vector<16xi32>
            %swap3A = arith.index_cast %scan3A_115 : i32 to index
            %swap3A_160 = arith.index_cast %mul3A_131 : i32 to index
            %swap3A_161 = tpu.vector_load %arg13[%swap3A, %swap3A_160] {strides = array<i32>} : memref<40x128xi32, #tpu.memory_space<vmem>>, vector<16xi32>,
            tpu.vector_store %arg13[%swap3A, %swap3A_160], %bitcast3A_157 {strides = array<i32>} : memref<40x128xi32, #tpu.memory_space<vmem>>, vector<16xi32>,
            %add3A_162 = arith.constant 64 : i32
            %add3A_163 = arith.addi %add3A_162, %mul3A_131 : i32
            %swap3A_164 = arith.index_cast %scan3A_115 : i32 to index
            %swap3A_165 = arith.index_cast %add3A_163 : i32 to index
            %swap3A_166 = tpu.vector_load %arg13[%swap3A_164, %swap3A_165] {strides = array<i32>} : memref<40x128xi32, #tpu.memory_space<vmem>>, vector<16xi32>,
            tpu.vector_store %arg13[%swap3A_164, %swap3A_165], %bitcast3A_159 {strides = array<i32>} : memref<40x128xi32, #tpu.memory_space<vmem>>, vector<16xi32>,
            %scan3A_167 = arith.constant 0 : i32
            scf.yield %scan3A_167 : i32
          }
          %scan3A_127 = arith.constant 4 : i32
          scf.yield %scan3A_126 : i32
        }
        %scan3A_109 = arith.constant 40 : i32
        %mul3A_110 = arith.constant 1000 : i32
        %mul3A_111 = arith.muli %add3A, %mul3A_110 : i32
        %mul3A_112 = arith.constant 40 : i32
        %mul3A_113 = arith.muli %scan3A_35, %mul3A_112 : i32
        %add3A_114 = arith.addi %mul3A_111, %mul3A_113 : i32
        "tpu.region"() ({
          %run_scoped3A = tpu.sem_alloc : memref<!tpu.dma_semaphore, #tpu.memory_space<semaphore_mem>>
          %dma_start3A_115 = arith.constant 0 : i32
          %dma_start3A_116 = tpu.memref_slice %arg5[%add3A_114, %dma_start3A_115] : memref<32000x128xi32, #tpu.memory_space<hbm>> -> memref<40x128xi32, #tpu.memory_space<hbm>>
          %dma_start3A_117 = arith.constant 0 : i32
          %dma_start3A_118 = tpu.memref_slice %arg5[%add3A_114, %dma_start3A_117] : memref<32000x128xi32, #tpu.memory_space<hbm>> -> memref<40x128xi32, #tpu.memory_space<hbm>>
          tpu.enqueue_dma source(%arg13 : memref<40x128xi32, #tpu.memory_space<vmem>>) target(%dma_start3A_118 : memref<40x128xi32, #tpu.memory_space<hbm>>) target_semaphore(%run_scoped3A : memref<!tpu.dma_semaphore, #tpu.memory_space<semaphore_mem>>)
          %dma_wait3A_119 = arith.constant 0 : i32
          %dma_wait3A_120 = tpu.memref_slice %arg5[%add3A_114, %dma_wait3A_119] : memref<32000x128xi32, #tpu.memory_space<hbm>> -> memref<40x128xi32, #tpu.memory_space<hbm>>
          %dma_wait3A_121 = arith.constant 0 : i32
          %dma_wait3A_122 = tpu.memref_slice %arg5[%add3A_114, %dma_wait3A_121] : memref<32000x128xi32, #tpu.memory_space<hbm>> -> memref<40x128xi32, #tpu.memory_space<hbm>>
          tpu.wait_dma2 semaphore(%run_scoped3A : memref<!tpu.dma_semaphore, #tpu.memory_space<semaphore_mem>>) src(%arg13 : memref<40x128xi32, #tpu.memory_space<vmem>>) dst(%dma_wait3A_122 : memref<40x128xi32, #tpu.memory_space<hbm>>)
          tpu.yield
        }) : () -> ()
      } else {
      }
      %jit3A_55 = arith.constant 2 : i32
      %eq3A_56 = arith.constant 0 : i32
      %eq3A_57 = arith.cmpi eq, %jit3A_55, %eq3A_56 : i32
      %jit3A_58 = arith.constant 1 : i32
      %select_n3A_59 = arith.select %eq3A_57, %jit3A_58, %jit3A_55 : i32
      %rem3A_60 = arith.remsi %scan3A_35, %select_n3A_59 : i32
      %ne3A_61 = arith.constant 0 : i32
      %ne3A_62 = arith.cmpi ne, %rem3A_60, %ne3A_61 : i32
      %lt3A_63 = arith.constant 0 : i32
      %lt3A_64 = arith.cmpi slt, %rem3A_60, %lt3A_63 : i32
      %lt3A_65 = arith.constant 0 : i32
      %lt3A_66 = arith.cmpi slt, %select_n3A_59, %lt3A_65 : i32
      %ne3A_67 = arith.xori %lt3A_64, %lt3A_66 : i1
      %and3A_68 = arith.andi %ne3A_67, %ne3A_62 : i1
      %add3A_69 = arith.addi %rem3A_60, %select_n3A_59 : i32
      %select_n3A_70 = arith.select %and3A_68, %add3A_69, %rem3A_60 : i32
      %eq3A_71 = arith.constant 1 : i32
      %eq3A_72 = arith.cmpi eq, %select_n3A_70, %eq3A_71 : i32
      %convert_element_type3A_73 = arith.extui %eq3A_72 : i1 to i32
      %cond3A_74 = arith.constant 0 : i32
      %cond3A_75 = arith.cmpi ne, %convert_element_type3A_73, %cond3A_74 : i32
      scf.if %cond3A_75 {
        %dma_start3A_77 = arith.constant 0 : i32
        %dma_start3A_78 = tpu.memref_slice %arg7[%min3A_39, %dma_start3A_77] : memref<25x80xi32, #tpu.memory_space<vmem>> -> memref<1x80xi32, #tpu.memory_space<vmem>>
        %dma_start3A_79 = tpu.memref_squeeze %dma_start3A_78 : memref<1x80xi32, #tpu.memory_space<vmem>> -> memref<80xi32, #tpu.memory_space<vmem>>
        %dma_start3A_80 = arith.constant 0 : i32
        %dma_start3A_81 = arith.constant 0 : i32
        %dma_start3A_82 = tpu.memref_slice %arg6[%dma_start3A_80, %dma_start3A_81] : memref<10000x64xi32, #tpu.memory_space<vmem_shared>> -> memref<10000x64xi32, #tpu.memory_space<vmem_shared>>
        tpu.enqueue_indirect_dma source(%dma_start3A_82 : memref<10000x64xi32, #tpu.memory_space<vmem_shared>>) target(%arg9 : memref<80x64xi32, #tpu.memory_space<vmem>>) offsets(%dma_start3A_79 : memref<80xi32, #tpu.memory_space<vmem>>) semaphore(%arg14 : memref<!tpu.dma_semaphore, #tpu.memory_space<semaphore_mem>>)
        %dma_start3A_83 = arith.constant 0 : i32
        %dma_start3A_84 = tpu.memref_slice %arg8[%min3A_39, %dma_start3A_83] : memref<25x80xi32, #tpu.memory_space<vmem>> -> memref<1x80xi32, #tpu.memory_space<vmem>>
        %dma_start3A_85 = tpu.memref_squeeze %dma_start3A_84 : memref<1x80xi32, #tpu.memory_space<vmem>> -> memref<80xi32, #tpu.memory_space<vmem>>
        %dma_start3A_86 = arith.constant 0 : i32
        %dma_start3A_87 = arith.constant 0 : i32
        %dma_start3A_88 = tpu.memref_slice %arg6[%dma_start3A_86, %dma_start3A_87] : memref<10000x64xi32, #tpu.memory_space<vmem_shared>> -> memref<10000x64xi32, #tpu.memory_space<vmem_shared>>
        tpu.enqueue_indirect_dma source(%dma_start3A_88 : memref<10000x64xi32, #tpu.memory_space<vmem_shared>>) target(%arg10 : memref<80x64xi32, #tpu.memory_space<vmem>>) offsets(%dma_start3A_85 : memref<80xi32, #tpu.memory_space<vmem>>) semaphore(%arg15 : memref<!tpu.dma_semaphore, #tpu.memory_space<semaphore_mem>>)
        %dma_wait3A_89 = arith.constant 0 : i32
        %dma_wait3A_90 = arith.constant 0 : i32
        %dma_wait3A_91 = tpu.memref_slice %arg7[%dma_wait3A_89, %dma_wait3A_90] : memref<25x80xi32, #tpu.memory_space<vmem>> -> memref<1x80xi32, #tpu.memory_space<vmem>>
        %dma_wait3A_92 = tpu.memref_squeeze %dma_wait3A_91 : memref<1x80xi32, #tpu.memory_space<vmem>> -> memref<80xi32, #tpu.memory_space<vmem>>
        %dma_wait3A_93 = arith.constant 0 : i32
        %dma_wait3A_94 = arith.constant 0 : i32
        %dma_wait3A_95 = tpu.memref_slice %arg2[%dma_wait3A_93, %dma_wait3A_94] : memref<10000x64xi32, #tpu.memory_space<hbm>> -> memref<10000x64xi32, #tpu.memory_space<hbm>>
        tpu.wait_indirect_dma semaphore(%arg16 : memref<!tpu.dma_semaphore, #tpu.memory_space<semaphore_mem>>) src(%dma_wait3A_95 : memref<10000x64xi32, #tpu.memory_space<hbm>>) dst(%arg11 : memref<80x64xi32, #tpu.memory_space<vmem>>)
        %dma_wait3A_96 = arith.constant 0 : i32
        %dma_wait3A_97 = arith.constant 0 : i32
        %dma_wait3A_98 = tpu.memref_slice %arg8[%dma_wait3A_96, %dma_wait3A_97] : memref<25x80xi32, #tpu.memory_space<vmem>> -> memref<1x80xi32, #tpu.memory_space<vmem>>
        %dma_wait3A_99 = tpu.memref_squeeze %dma_wait3A_98 : memref<1x80xi32, #tpu.memory_space<vmem>> -> memref<80xi32, #tpu.memory_space<vmem>>
        %dma_wait3A_100 = arith.constant 0 : i32
        %dma_wait3A_101 = arith.constant 0 : i32
        %dma_wait3A_102 = tpu.memref_slice %arg2[%dma_wait3A_100, %dma_wait3A_101] : memref<10000x64xi32, #tpu.memory_space<hbm>> -> memref<10000x64xi32, #tpu.memory_space<hbm>>
        tpu.wait_indirect_dma semaphore(%arg17 : memref<!tpu.dma_semaphore, #tpu.memory_space<semaphore_mem>>) src(%dma_wait3A_102 : memref<10000x64xi32, #tpu.memory_space<hbm>>) dst(%arg12 : memref<80x64xi32, #tpu.memory_space<vmem>>)
        %scan3A_103 = arith.constant 0 : i32
        %scan3A_104 = arith.constant 0 : i32
        %scan3A_105 = arith.constant 40 : i32
        %scan3A_106 = arith.addi %scan3A_104, %scan3A_105 : i32
        %scan3A_107 = arith.constant 1 : i32
        %scan3A_108 = scf.for %scan3A_115 = %scan3A_104 to %scan3A_106 step %scan3A_107 iter_args(%scan3A_116 = %scan3A_103) -> (i32)  : i32 {
          %mul3A_117 = arith.constant 2 : i32
          %mul3A_118 = arith.muli %scan3A_115, %mul3A_117 : i32
          %add3A_119 = arith.constant 1 : i32
          %add3A_120 = arith.addi %mul3A_118, %add3A_119 : i32
          %scan3A_121 = arith.constant 0 : i32
          %scan3A_122 = arith.constant 0 : i32
          %scan3A_123 = arith.constant 4 : i32
          %scan3A_124 = arith.addi %scan3A_122, %scan3A_123 : i32
          %scan3A_125 = arith.constant 1 : i32
          %scan3A_126 = scf.for %scan3A_128 = %scan3A_122 to %scan3A_124 step %scan3A_125 iter_args(%scan3A_129 = %scan3A_121) -> (i32)  : i32 {
            %mul3A_130 = arith.constant 16 : i32
            %mul3A_131 = arith.muli %scan3A_128, %mul3A_130 : i32
            %get3A = arith.index_cast %mul3A_118 : i32 to index
            %get3A_132 = arith.index_cast %mul3A_131 : i32 to index
            %get3A_133 = tpu.vector_load %arg11[%get3A, %get3A_132] {strides = array<i32>} : memref<80x64xi32, #tpu.memory_space<vmem>>, vector<16xi32>,
            %bitcast3A = vector.bitcast %get3A_133 : vector<16xi32> to vector<32xbf16>
            %get3A_134 = arith.index_cast %mul3A_118 : i32 to index
            %get3A_135 = arith.index_cast %mul3A_131 : i32 to index
            %get3A_136 = tpu.vector_load %arg12[%get3A_134, %get3A_135] {strides = array<i32>} : memref<80x64xi32, #tpu.memory_space<vmem>>, vector<16xi32>,
            %bitcast3A_137 = vector.bitcast %get3A_136 : vector<16xi32> to vector<32xbf16>
            %get3A_138 = arith.index_cast %add3A_120 : i32 to index
            %get3A_139 = arith.index_cast %mul3A_131 : i32 to index
            %get3A_140 = tpu.vector_load %arg11[%get3A_138, %get3A_139] {strides = array<i32>} : memref<80x64xi32, #tpu.memory_space<vmem>>, vector<16xi32>,
            %bitcast3A_141 = vector.bitcast %get3A_140 : vector<16xi32> to vector<32xbf16>
            %get3A_142 = arith.index_cast %add3A_120 : i32 to index
            %get3A_143 = arith.index_cast %mul3A_131 : i32 to index
            %get3A_144 = tpu.vector_load %arg12[%get3A_142, %get3A_143] {strides = array<i32>} : memref<80x64xi32, #tpu.memory_space<vmem>>, vector<16xi32>,
            %bitcast3A_145 = vector.bitcast %get3A_144 : vector<16xi32> to vector<32xbf16>
            %unpack3A = tpu.unpack_subelements %bitcast3A, 0 {pack_format = #tpu.pack_format<interleaved>} : vector<32xbf16> -> vector<16xf32>
            %unpack3A_146 = tpu.unpack_subelements %bitcast3A, 1 {pack_format = #tpu.pack_format<interleaved>} : vector<32xbf16> -> vector<16xf32>
            %unpack3A_147 = tpu.unpack_subelements %bitcast3A_137, 0 {pack_format = #tpu.pack_format<interleaved>} : vector<32xbf16> -> vector<16xf32>
            %unpack3A_148 = tpu.unpack_subelements %bitcast3A_137, 1 {pack_format = #tpu.pack_format<interleaved>} : vector<32xbf16> -> vector<16xf32>
            %unpack3A_149 = tpu.unpack_subelements %bitcast3A_141, 0 {pack_format = #tpu.pack_format<interleaved>} : vector<32xbf16> -> vector<16xf32>
            %unpack3A_150 = tpu.unpack_subelements %bitcast3A_141, 1 {pack_format = #tpu.pack_format<interleaved>} : vector<32xbf16> -> vector<16xf32>
            %unpack3A_151 = tpu.unpack_subelements %bitcast3A_145, 0 {pack_format = #tpu.pack_format<interleaved>} : vector<32xbf16> -> vector<16xf32>
            %unpack3A_152 = tpu.unpack_subelements %bitcast3A_145, 1 {pack_format = #tpu.pack_format<interleaved>} : vector<32xbf16> -> vector<16xf32>
            %add3A_153 = arith.addf %unpack3A, %unpack3A_147 : vector<16xf32>
            %add3A_154 = arith.addf %unpack3A_146, %unpack3A_148 : vector<16xf32>
            %add3A_155 = arith.addf %unpack3A_149, %unpack3A_151 : vector<16xf32>
            %add3A_156 = arith.addf %unpack3A_150, %unpack3A_152 : vector<16xf32>
            %pack3A = tpu.pack_subelements %add3A_153, %add3A_155 {pack_format = #tpu.pack_format<interleaved>, positions = array<i32: 0, 1>} : vector<16xf32>, vector<16xf32> -> vector<32xbf16>
            %bitcast3A_157 = vector.bitcast %pack3A : vector<32xbf16> to vector<16xi32>
            %pack3A_158 = tpu.pack_subelements %add3A_154, %add3A_156 {pack_format = #tpu.pack_format<interleaved>, positions = array<i32: 0, 1>} : vector<16xf32>, vector<16xf32> -> vector<32xbf16>
            %bitcast3A_159 = vector.bitcast %pack3A_158 : vector<32xbf16> to vector<16xi32>
            %swap3A = arith.index_cast %scan3A_115 : i32 to index
            %swap3A_160 = arith.index_cast %mul3A_131 : i32 to index
            %swap3A_161 = tpu.vector_load %arg13[%swap3A, %swap3A_160] {strides = array<i32>} : memref<40x128xi32, #tpu.memory_space<vmem>>, vector<16xi32>,
            tpu.vector_store %arg13[%swap3A, %swap3A_160], %bitcast3A_157 {strides = array<i32>} : memref<40x128xi32, #tpu.memory_space<vmem>>, vector<16xi32>,
            %add3A_162 = arith.constant 64 : i32
            %add3A_163 = arith.addi %add3A_162, %mul3A_131 : i32
            %swap3A_164 = arith.index_cast %scan3A_115 : i32 to index
            %swap3A_165 = arith.index_cast %add3A_163 : i32 to index
            %swap3A_166 = tpu.vector_load %arg13[%swap3A_164, %swap3A_165] {strides = array<i32>} : memref<40x128xi32, #tpu.memory_space<vmem>>, vector<16xi32>,
            tpu.vector_store %arg13[%swap3A_164, %swap3A_165], %bitcast3A_159 {strides = array<i32>} : memref<40x128xi32, #tpu.memory_space<vmem>>, vector<16xi32>,
            %scan3A_167 = arith.constant 0 : i32
            scf.yield %scan3A_167 : i32
          }
          %scan3A_127 = arith.constant 4 : i32
          scf.yield %scan3A_126 : i32
        }
        %scan3A_109 = arith.constant 40 : i32
        %mul3A_110 = arith.constant 1000 : i32
        %mul3A_111 = arith.muli %add3A, %mul3A_110 : i32
        %mul3A_112 = arith.constant 40 : i32
        %mul3A_113 = arith.muli %scan3A_35, %mul3A_112 : i32
        %add3A_114 = arith.addi %mul3A_111, %mul3A_113 : i32
        "tpu.region"() ({
          %run_scoped3A = tpu.sem_alloc : memref<!tpu.dma_semaphore, #tpu.memory_space<semaphore_mem>>
          %dma_start3A_115 = arith.constant 0 : i32
          %dma_start3A_116 = tpu.memref_slice %arg5[%add3A_114, %dma_start3A_115] : memref<32000x128xi32, #tpu.memory_space<hbm>> -> memref<40x128xi32, #tpu.memory_space<hbm>>
          %dma_start3A_117 = arith.constant 0 : i32
          %dma_start3A_118 = tpu.memref_slice %arg5[%add3A_114, %dma_start3A_117] : memref<32000x128xi32, #tpu.memory_space<hbm>> -> memref<40x128xi32, #tpu.memory_space<hbm>>
          tpu.enqueue_dma source(%arg13 : memref<40x128xi32, #tpu.memory_space<vmem>>) target(%dma_start3A_118 : memref<40x128xi32, #tpu.memory_space<hbm>>) target_semaphore(%run_scoped3A : memref<!tpu.dma_semaphore, #tpu.memory_space<semaphore_mem>>)
          %dma_wait3A_119 = arith.constant 0 : i32
          %dma_wait3A_120 = tpu.memref_slice %arg5[%add3A_114, %dma_wait3A_119] : memref<32000x128xi32, #tpu.memory_space<hbm>> -> memref<40x128xi32, #tpu.memory_space<hbm>>
          %dma_wait3A_121 = arith.constant 0 : i32
          %dma_wait3A_122 = tpu.memref_slice %arg5[%add3A_114, %dma_wait3A_121] : memref<32000x128xi32, #tpu.memory_space<hbm>> -> memref<40x128xi32, #tpu.memory_space<hbm>>
          tpu.wait_dma2 semaphore(%run_scoped3A : memref<!tpu.dma_semaphore, #tpu.memory_space<semaphore_mem>>) src(%arg13 : memref<40x128xi32, #tpu.memory_space<vmem>>) dst(%dma_wait3A_122 : memref<40x128xi32, #tpu.memory_space<hbm>>)
          tpu.yield
        }) : () -> ()
      } else {
      }
      %scan3A_76 = arith.constant 0 : i32
      scf.yield %scan3A_76 : i32
    }
    %scan3A_21 = arith.constant 25 : i32
    %dma_wait3A = arith.constant 0 : i32
    %dma_wait3A_22 = arith.constant 0 : i32
    %dma_wait3A_23 = tpu.memref_slice %arg7[%dma_wait3A, %dma_wait3A_22] : memref<25x80xi32, #tpu.memory_space<vmem>> -> memref<1x80xi32, #tpu.memory_space<vmem>>
    %dma_wait3A_24 = tpu.memref_squeeze %dma_wait3A_23 : memref<1x80xi32, #tpu.memory_space<vmem>> -> memref<80xi32, #tpu.memory_space<vmem>>
    %dma_wait3A_25 = arith.constant 0 : i32
    %dma_wait3A_26 = arith.constant 0 : i32
    %dma_wait3A_27 = tpu.memref_slice %arg2[%dma_wait3A_25, %dma_wait3A_26] : memref<10000x64xi32, #tpu.memory_space<hbm>> -> memref<10000x64xi32, #tpu.memory_space<hbm>>
    tpu.wait_indirect_dma semaphore(%arg16 : memref<!tpu.dma_semaphore, #tpu.memory_space<semaphore_mem>>) src(%dma_wait3A_27 : memref<10000x64xi32, #tpu.memory_space<hbm>>) dst(%arg11 : memref<80x64xi32, #tpu.memory_space<vmem>>)
    %dma_wait3A_28 = arith.constant 0 : i32
    %dma_wait3A_29 = arith.constant 0 : i32
    %dma_wait3A_30 = tpu.memref_slice %arg8[%dma_wait3A_28, %dma_wait3A_29] : memref<25x80xi32, #tpu.memory_space<vmem>> -> memref<1x80xi32, #tpu.memory_space<vmem>>
    %dma_wait3A_31 = tpu.memref_squeeze %dma_wait3A_30 : memref<1x80xi32, #tpu.memory_space<vmem>> -> memref<80xi32, #tpu.memory_space<vmem>>
    %dma_wait3A_32 = arith.constant 0 : i32
    %dma_wait3A_33 = arith.constant 0 : i32
    %dma_wait3A_34 = tpu.memref_slice %arg2[%dma_wait3A_32, %dma_wait3A_33] : memref<10000x64xi32, #tpu.memory_space<hbm>> -> memref<10000x64xi32, #tpu.memory_space<hbm>>
    tpu.wait_indirect_dma semaphore(%arg17 : memref<!tpu.dma_semaphore, #tpu.memory_space<semaphore_mem>>) src(%dma_wait3A_34 : memref<10000x64xi32, #tpu.memory_space<hbm>>) dst(%arg12 : memref<80x64xi32, #tpu.memory_space<vmem>>)
    return
  }
}

#map = affine_map<(d0, d1) -> (0, 0)>
#map1 = affine_map<(d0, d1) -> (0, 0, 0)>
module attributes {stable_mosaic.version = 14 : i64} {
  func.func @_gather_add_body(%arg0: i32, %arg1: i32, %arg2: memref<10000x64xi32, #tpu.memory_space<hbm>>, %arg3: memref<32x25x80xi32, #tpu.memory_space<hbm>>, %arg4: memref<32x25x80xi32, #tpu.memory_space<hbm>>, %arg5: memref<32000x128xi32, #tpu.memory_space<hbm>>, %arg6: memref<10000x64xi32, #tpu.memory_space<vmem_shared>>, %arg7: memref<25x80xi32, #tpu.memory_space<vmem>>, %arg8: memref<25x80xi32, #tpu.memory_space<vmem>>, %arg9: memref<80x64xi32, #tpu.memory_space<vmem>>, %arg10: memref<80x64xi32, #tpu.memory_space<vmem>>, %arg11: memref<80x64xi32, #tpu.memory_space<vmem>>, %arg12: memref<80x64xi32, #tpu.memory_space<vmem>>, %arg13: memref<40x128xi32, #tpu.memory_space<vmem>>, %arg14: memref<!tpu.dma_semaphore, #tpu.memory_space<semaphore_mem>>, %arg15: memref<!tpu.dma_semaphore, #tpu.memory_space<semaphore_mem>>, %arg16: memref<!tpu.dma_semaphore, #tpu.memory_space<semaphore_mem>>, %arg17: memref<!tpu.dma_semaphore, #tpu.memory_space<semaphore_mem>>) attributes {dimension_semantics = [#tpu.dimension_semantics<core_parallel>, #tpu.dimension_semantics<subcore_parallel>], iteration_bounds = array<i64: 2, 16>, scalar_prefetch = 0 : i64, scratch_operands = 12 : i64, tpu.core_type = #tpu.core_type<sc_vector_subcore>, window_params = [{transform_indices = #map}, {transform_indices = #map1}, {transform_indices = #map1}, {transform_indices = #map}]} {
    %mul3A = arith.constant 2 : i32
    %mul3A_0 = arith.muli %arg1, %mul3A : i32
    %add3A = arith.addi %mul3A_0, %arg0 : i32
    %eq3A = arith.constant 0 : i32
    %eq3A_1 = arith.cmpi eq, %arg1, %eq3A : i32
    %convert_element_type3A = arith.extui %eq3A_1 : i1 to i32
    %cond3A = arith.constant 0 : i32
    %cond3A_2 = arith.cmpi ne, %convert_element_type3A, %cond3A : i32
    scf.if %cond3A_2 {
      "tpu.region"() ({
        %run_scoped3A = tpu.sem_alloc : memref<!tpu.dma_semaphore, #tpu.memory_space<semaphore_mem>>
        tpu.enqueue_dma source(%arg2 : memref<10000x64xi32, #tpu.memory_space<hbm>>) target(%arg6 : memref<10000x64xi32, #tpu.memory_space<vmem_shared>>) target_semaphore(%run_scoped3A : memref<!tpu.dma_semaphore, #tpu.memory_space<semaphore_mem>>)
        tpu.wait_dma2 semaphore(%run_scoped3A : memref<!tpu.dma_semaphore, #tpu.memory_space<semaphore_mem>>) src(%arg2 : memref<10000x64xi32, #tpu.memory_space<hbm>>) dst(%arg6 : memref<10000x64xi32, #tpu.memory_space<vmem_shared>>)
        tpu.yield
      }) : () -> ()
    } else {
    }
    "tpu.region"() ({
      %run_scoped3A = tpu.sem_alloc : memref<!tpu.dma_semaphore, #tpu.memory_space<semaphore_mem>>
      %dma_start3A_35 = arith.constant 0 : i32
      %dma_start3A_36 = arith.constant 0 : i32
      %dma_start3A_37 = tpu.memref_slice %arg3[%add3A, %dma_start3A_35, %dma_start3A_36] : memref<32x25x80xi32, #tpu.memory_space<hbm>> -> memref<1x25x80xi32, #tpu.memory_space<hbm>>
      %dma_start3A_38 = tpu.memref_squeeze %dma_start3A_37 : memref<1x25x80xi32, #tpu.memory_space<hbm>> -> memref<25x80xi32, #tpu.memory_space<hbm>>
      %dma_start3A_39 = arith.constant 0 : i32
      %dma_start3A_40 = arith.constant 0 : i32
      %dma_start3A_41 = tpu.memref_slice %arg3[%add3A, %dma_start3A_39, %dma_start3A_40] : memref<32x25x80xi32, #tpu.memory_space<hbm>> -> memref<1x25x80xi32, #tpu.memory_space<hbm>>
      %dma_start3A_42 = tpu.memref_squeeze %dma_start3A_41 : memref<1x25x80xi32, #tpu.memory_space<hbm>> -> memref<25x80xi32, #tpu.memory_space<hbm>>
      tpu.enqueue_dma source(%dma_start3A_42 : memref<25x80xi32, #tpu.memory_space<hbm>>) target(%arg7 : memref<25x80xi32, #tpu.memory_space<vmem>>) target_semaphore(%run_scoped3A : memref<!tpu.dma_semaphore, #tpu.memory_space<semaphore_mem>>)
      %dma_wait3A_43 = arith.constant 0 : i32
      %dma_wait3A_44 = arith.constant 0 : i32
      %dma_wait3A_45 = tpu.memref_slice %arg3[%add3A, %dma_wait3A_43, %dma_wait3A_44] : memref<32x25x80xi32, #tpu.memory_space<hbm>> -> memref<1x25x80xi32, #tpu.memory_space<hbm>>
      %dma_wait3A_46 = tpu.memref_squeeze %dma_wait3A_45 : memref<1x25x80xi32, #tpu.memory_space<hbm>> -> memref<25x80xi32, #tpu.memory_space<hbm>>
      %dma_wait3A_47 = arith.constant 0 : i32
      %dma_wait3A_48 = arith.constant 0 : i32
      %dma_wait3A_49 = tpu.memref_slice %arg3[%add3A, %dma_wait3A_47, %dma_wait3A_48] : memref<32x25x80xi32, #tpu.memory_space<hbm>> -> memref<1x25x80xi32, #tpu.memory_space<hbm>>
      %dma_wait3A_50 = tpu.memref_squeeze %dma_wait3A_49 : memref<1x25x80xi32, #tpu.memory_space<hbm>> -> memref<25x80xi32, #tpu.memory_space<hbm>>
      tpu.wait_dma2 semaphore(%run_scoped3A : memref<!tpu.dma_semaphore, #tpu.memory_space<semaphore_mem>>) src(%dma_wait3A_50 : memref<25x80xi32, #tpu.memory_space<hbm>>) dst(%arg7 : memref<25x80xi32, #tpu.memory_space<vmem>>)
      tpu.yield
    }) : () -> ()
    "tpu.region"() ({
      %run_scoped3A = tpu.sem_alloc : memref<!tpu.dma_semaphore, #tpu.memory_space<semaphore_mem>>
      %dma_start3A_35 = arith.constant 0 : i32
      %dma_start3A_36 = arith.constant 0 : i32
      %dma_start3A_37 = tpu.memref_slice %arg4[%add3A, %dma_start3A_35, %dma_start3A_36] : memref<32x25x80xi32, #tpu.memory_space<hbm>> -> memref<1x25x80xi32, #tpu.memory_space<hbm>>
      %dma_start3A_38 = tpu.memref_squeeze %dma_start3A_37 : memref<1x25x80xi32, #tpu.memory_space<hbm>> -> memref<25x80xi32, #tpu.memory_space<hbm>>
      %dma_start3A_39 = arith.constant 0 : i32
      %dma_start3A_40 = arith.constant 0 : i32
      %dma_start3A_41 = tpu.memref_slice %arg4[%add3A, %dma_start3A_39, %dma_start3A_40] : memref<32x25x80xi32, #tpu.memory_space<hbm>> -> memref<1x25x80xi32, #tpu.memory_space<hbm>>
      %dma_start3A_42 = tpu.memref_squeeze %dma_start3A_41 : memref<1x25x80xi32, #tpu.memory_space<hbm>> -> memref<25x80xi32, #tpu.memory_space<hbm>>
      tpu.enqueue_dma source(%dma_start3A_42 : memref<25x80xi32, #tpu.memory_space<hbm>>) target(%arg8 : memref<25x80xi32, #tpu.memory_space<vmem>>) target_semaphore(%run_scoped3A : memref<!tpu.dma_semaphore, #tpu.memory_space<semaphore_mem>>)
      %dma_wait3A_43 = arith.constant 0 : i32
      %dma_wait3A_44 = arith.constant 0 : i32
      %dma_wait3A_45 = tpu.memref_slice %arg4[%add3A, %dma_wait3A_43, %dma_wait3A_44] : memref<32x25x80xi32, #tpu.memory_space<hbm>> -> memref<1x25x80xi32, #tpu.memory_space<hbm>>
      %dma_wait3A_46 = tpu.memref_squeeze %dma_wait3A_45 : memref<1x25x80xi32, #tpu.memory_space<hbm>> -> memref<25x80xi32, #tpu.memory_space<hbm>>
      %dma_wait3A_47 = arith.constant 0 : i32
      %dma_wait3A_48 = arith.constant 0 : i32
      %dma_wait3A_49 = tpu.memref_slice %arg4[%add3A, %dma_wait3A_47, %dma_wait3A_48] : memref<32x25x80xi32, #tpu.memory_space<hbm>> -> memref<1x25x80xi32, #tpu.memory_space<hbm>>
      %dma_wait3A_50 = tpu.memref_squeeze %dma_wait3A_49 : memref<1x25x80xi32, #tpu.memory_space<hbm>> -> memref<25x80xi32, #tpu.memory_space<hbm>>
      tpu.wait_dma2 semaphore(%run_scoped3A : memref<!tpu.dma_semaphore, #tpu.memory_space<semaphore_mem>>) src(%dma_wait3A_50 : memref<25x80xi32, #tpu.memory_space<hbm>>) dst(%arg8 : memref<25x80xi32, #tpu.memory_space<vmem>>)
      tpu.yield
    }) : () -> ()
    %barrier3A = arith.constant 0 : index
    tpu.barrier barrier_id(%barrier3A)
    %dma_start3A = arith.constant 0 : i32
    %dma_start3A_3 = arith.constant 0 : i32
    %dma_start3A_4 = tpu.memref_slice %arg7[%dma_start3A, %dma_start3A_3] : memref<25x80xi32, #tpu.memory_space<vmem>> -> memref<1x80xi32, #tpu.memory_space<vmem>>
    %dma_start3A_5 = tpu.memref_squeeze %dma_start3A_4 : memref<1x80xi32, #tpu.memory_space<vmem>> -> memref<80xi32, #tpu.memory_space<vmem>>
    %dma_start3A_6 = arith.constant 0 : i32
    %dma_start3A_7 = arith.constant 0 : i32
    %dma_start3A_8 = tpu.memref_slice %arg6[%dma_start3A_6, %dma_start3A_7] : memref<10000x64xi32, #tpu.memory_space<vmem_shared>> -> memref<10000x64xi32, #tpu.memory_space<vmem_shared>>
    tpu.enqueue_indirect_dma source(%dma_start3A_8 : memref<10000x64xi32, #tpu.memory_space<vmem_shared>>) target(%arg9 : memref<80x64xi32, #tpu.memory_space<vmem>>) offsets(%dma_start3A_5 : memref<80xi32, #tpu.memory_space<vmem>>) semaphore(%arg14 : memref<!tpu.dma_semaphore, #tpu.memory_space<semaphore_mem>>)
    %dma_start3A_9 = arith.constant 0 : i32
    %dma_start3A_10 = arith.constant 0 : i32
    %dma_start3A_11 = tpu.memref_slice %arg8[%dma_start3A_9, %dma_start3A_10] : memref<25x80xi32, #tpu.memory_space<vmem>> -> memref<1x80xi32, #tpu.memory_space<vmem>>
    %dma_start3A_12 = tpu.memref_squeeze %dma_start3A_11 : memref<1x80xi32, #tpu.memory_space<vmem>> -> memref<80xi32, #tpu.memory_space<vmem>>
    %dma_start3A_13 = arith.constant 0 : i32
    %dma_start3A_14 = arith.constant 0 : i32
    %dma_start3A_15 = tpu.memref_slice %arg6[%dma_start3A_13, %dma_start3A_14] : memref<10000x64xi32, #tpu.memory_space<vmem_shared>> -> memref<10000x64xi32, #tpu.memory_space<vmem_shared>>
    tpu.enqueue_indirect_dma source(%dma_start3A_15 : memref<10000x64xi32, #tpu.memory_space<vmem_shared>>) target(%arg10 : memref<80x64xi32, #tpu.memory_space<vmem>>) offsets(%dma_start3A_12 : memref<80xi32, #tpu.memory_space<vmem>>) semaphore(%arg15 : memref<!tpu.dma_semaphore, #tpu.memory_space<semaphore_mem>>)
    %scan3A = arith.constant 0 : i32
    %scan3A_16 = arith.constant 0 : i32
    %scan3A_17 = arith.constant 25 : i32
    %scan3A_18 = arith.addi %scan3A_16, %scan3A_17 : i32
    %scan3A_19 = arith.constant 1 : i32
    %scan3A_20 = scf.for %scan3A_35 = %scan3A_16 to %scan3A_18 step %scan3A_19 iter_args(%scan3A_36 = %scan3A) -> (i32)  : i32 {
      %add3A_37 = arith.constant 1 : i32
      %add3A_38 = arith.addi %scan3A_35, %add3A_37 : i32
      %min3A = arith.constant 24 : i32
      %min3A_39 = arith.minsi %add3A_38, %min3A : i32
      %jit3A = arith.constant 2 : i32
      %eq3A_40 = arith.constant 0 : i32
      %eq3A_41 = arith.cmpi eq, %jit3A, %eq3A_40 : i32
      %jit3A_42 = arith.constant 1 : i32
      %select_n3A = arith.select %eq3A_41, %jit3A_42, %jit3A : i32
      %rem3A = arith.remsi %scan3A_35, %select_n3A : i32
      %ne3A = arith.constant 0 : i32
      %ne3A_43 = arith.cmpi ne, %rem3A, %ne3A : i32
      %lt3A = arith.constant 0 : i32
      %lt3A_44 = arith.cmpi slt, %rem3A, %lt3A : i32
      %lt3A_45 = arith.constant 0 : i32
      %lt3A_46 = arith.cmpi slt, %select_n3A, %lt3A_45 : i32
      %ne3A_47 = arith.xori %lt3A_44, %lt3A_46 : i1
      %and3A = arith.andi %ne3A_47, %ne3A_43 : i1
      %add3A_48 = arith.addi %rem3A, %select_n3A : i32
      %select_n3A_49 = arith.select %and3A, %add3A_48, %rem3A : i32
      %eq3A_50 = arith.constant 0 : i32
      %eq3A_51 = arith.cmpi eq, %select_n3A_49, %eq3A_50 : i32
      %convert_element_type3A_52 = arith.extui %eq3A_51 : i1 to i32
      %cond3A_53 = arith.constant 0 : i32
      %cond3A_54 = arith.cmpi ne, %convert_element_type3A_52, %cond3A_53 : i32
      scf.if %cond3A_54 {
        %dma_start3A_77 = arith.constant 0 : i32
        %dma_start3A_78 = tpu.memref_slice %arg7[%min3A_39, %dma_start3A_77] : memref<25x80xi32, #tpu.memory_space<vmem>> -> memref<1x80xi32, #tpu.memory_space<vmem>>
        %dma_start3A_79 = tpu.memref_squeeze %dma_start3A_78 : memref<1x80xi32, #tpu.memory_space<vmem>> -> memref<80xi32, #tpu.memory_space<vmem>>
        %dma_start3A_80 = arith.constant 0 : i32
        %dma_start3A_81 = arith.constant 0 : i32
        %dma_start3A_82 = tpu.memref_slice %arg6[%dma_start3A_80, %dma_start3A_81] : memref<10000x64xi32, #tpu.memory_space<vmem_shared>> -> memref<10000x64xi32, #tpu.memory_space<vmem_shared>>
        tpu.enqueue_indirect_dma source(%dma_start3A_82 : memref<10000x64xi32, #tpu.memory_space<vmem_shared>>) target(%arg11 : memref<80x64xi32, #tpu.memory_space<vmem>>) offsets(%dma_start3A_79 : memref<80xi32, #tpu.memory_space<vmem>>) semaphore(%arg16 : memref<!tpu.dma_semaphore, #tpu.memory_space<semaphore_mem>>)
        %dma_start3A_83 = arith.constant 0 : i32
        %dma_start3A_84 = tpu.memref_slice %arg8[%min3A_39, %dma_start3A_83] : memref<25x80xi32, #tpu.memory_space<vmem>> -> memref<1x80xi32, #tpu.memory_space<vmem>>
        %dma_start3A_85 = tpu.memref_squeeze %dma_start3A_84 : memref<1x80xi32, #tpu.memory_space<vmem>> -> memref<80xi32, #tpu.memory_space<vmem>>
        %dma_start3A_86 = arith.constant 0 : i32
        %dma_start3A_87 = arith.constant 0 : i32
        %dma_start3A_88 = tpu.memref_slice %arg6[%dma_start3A_86, %dma_start3A_87] : memref<10000x64xi32, #tpu.memory_space<vmem_shared>> -> memref<10000x64xi32, #tpu.memory_space<vmem_shared>>
        tpu.enqueue_indirect_dma source(%dma_start3A_88 : memref<10000x64xi32, #tpu.memory_space<vmem_shared>>) target(%arg12 : memref<80x64xi32, #tpu.memory_space<vmem>>) offsets(%dma_start3A_85 : memref<80xi32, #tpu.memory_space<vmem>>) semaphore(%arg17 : memref<!tpu.dma_semaphore, #tpu.memory_space<semaphore_mem>>)
        %dma_wait3A_89 = arith.constant 0 : i32
        %dma_wait3A_90 = arith.constant 0 : i32
        %dma_wait3A_91 = tpu.memref_slice %arg7[%dma_wait3A_89, %dma_wait3A_90] : memref<25x80xi32, #tpu.memory_space<vmem>> -> memref<1x80xi32, #tpu.memory_space<vmem>>
        %dma_wait3A_92 = tpu.memref_squeeze %dma_wait3A_91 : memref<1x80xi32, #tpu.memory_space<vmem>> -> memref<80xi32, #tpu.memory_space<vmem>>
        %dma_wait3A_93 = arith.constant 0 : i32
        %dma_wait3A_94 = arith.constant 0 : i32
        %dma_wait3A_95 = tpu.memref_slice %arg2[%dma_wait3A_93, %dma_wait3A_94] : memref<10000x64xi32, #tpu.memory_space<hbm>> -> memref<10000x64xi32, #tpu.memory_space<hbm>>
        tpu.wait_indirect_dma semaphore(%arg14 : memref<!tpu.dma_semaphore, #tpu.memory_space<semaphore_mem>>) src(%dma_wait3A_95 : memref<10000x64xi32, #tpu.memory_space<hbm>>) dst(%arg9 : memref<80x64xi32, #tpu.memory_space<vmem>>)
        %dma_wait3A_96 = arith.constant 0 : i32
        %dma_wait3A_97 = arith.constant 0 : i32
        %dma_wait3A_98 = tpu.memref_slice %arg8[%dma_wait3A_96, %dma_wait3A_97] : memref<25x80xi32, #tpu.memory_space<vmem>> -> memref<1x80xi32, #tpu.memory_space<vmem>>
        %dma_wait3A_99 = tpu.memref_squeeze %dma_wait3A_98 : memref<1x80xi32, #tpu.memory_space<vmem>> -> memref<80xi32, #tpu.memory_space<vmem>>
        %dma_wait3A_100 = arith.constant 0 : i32
        %dma_wait3A_101 = arith.constant 0 : i32
        %dma_wait3A_102 = tpu.memref_slice %arg2[%dma_wait3A_100, %dma_wait3A_101] : memref<10000x64xi32, #tpu.memory_space<hbm>> -> memref<10000x64xi32, #tpu.memory_space<hbm>>
        tpu.wait_indirect_dma semaphore(%arg15 : memref<!tpu.dma_semaphore, #tpu.memory_space<semaphore_mem>>) src(%dma_wait3A_102 : memref<10000x64xi32, #tpu.memory_space<hbm>>) dst(%arg10 : memref<80x64xi32, #tpu.memory_space<vmem>>)
        %scan3A_103 = arith.constant 0 : i32
        %scan3A_104 = arith.constant 0 : i32
        %scan3A_105 = arith.constant 40 : i32
        %scan3A_106 = arith.addi %scan3A_104, %scan3A_105 : i32
        %scan3A_107 = arith.constant 1 : i32
        %scan3A_108 = scf.for %scan3A_115 = %scan3A_104 to %scan3A_106 step %scan3A_107 iter_args(%scan3A_116 = %scan3A_103) -> (i32)  : i32 {
          %mul3A_117 = arith.constant 2 : i32
          %mul3A_118 = arith.muli %scan3A_115, %mul3A_117 : i32
          %add3A_119 = arith.constant 1 : i32
          %add3A_120 = arith.addi %mul3A_118, %add3A_119 : i32
          %scan3A_121 = arith.constant 0 : i32
          %scan3A_122 = arith.constant 0 : i32
          %scan3A_123 = arith.constant 4 : i32
          %scan3A_124 = arith.addi %scan3A_122, %scan3A_123 : i32
          %scan3A_125 = arith.constant 1 : i32
          %scan3A_126 = scf.for %scan3A_128 = %scan3A_122 to %scan3A_124 step %scan3A_125 iter_args(%scan3A_129 = %scan3A_121) -> (i32)  : i32 {
            %mul3A_130 = arith.constant 16 : i32
            %mul3A_131 = arith.muli %scan3A_128, %mul3A_130 : i32
            %get3A = arith.index_cast %mul3A_118 : i32 to index
            %get3A_132 = arith.index_cast %mul3A_131 : i32 to index
            %get3A_133 = tpu.vector_load %arg9[%get3A, %get3A_132] {strides = array<i32>} : memref<80x64xi32, #tpu.memory_space<vmem>>, vector<16xi32>,
            %bitcast3A = vector.bitcast %get3A_133 : vector<16xi32> to vector<32xbf16>
            %get3A_134 = arith.index_cast %mul3A_118 : i32 to index
            %get3A_135 = arith.index_cast %mul3A_131 : i32 to index
            %get3A_136 = tpu.vector_load %arg10[%get3A_134, %get3A_135] {strides = array<i32>} : memref<80x64xi32, #tpu.memory_space<vmem>>, vector<16xi32>,
            %bitcast3A_137 = vector.bitcast %get3A_136 : vector<16xi32> to vector<32xbf16>
            %get3A_138 = arith.index_cast %add3A_120 : i32 to index
            %get3A_139 = arith.index_cast %mul3A_131 : i32 to index
            %get3A_140 = tpu.vector_load %arg9[%get3A_138, %get3A_139] {strides = array<i32>} : memref<80x64xi32, #tpu.memory_space<vmem>>, vector<16xi32>,
            %bitcast3A_141 = vector.bitcast %get3A_140 : vector<16xi32> to vector<32xbf16>
            %get3A_142 = arith.index_cast %add3A_120 : i32 to index
            %get3A_143 = arith.index_cast %mul3A_131 : i32 to index
            %get3A_144 = tpu.vector_load %arg10[%get3A_142, %get3A_143] {strides = array<i32>} : memref<80x64xi32, #tpu.memory_space<vmem>>, vector<16xi32>,
            %bitcast3A_145 = vector.bitcast %get3A_144 : vector<16xi32> to vector<32xbf16>
            %unpack3A = tpu.unpack_subelements %bitcast3A, 0 {pack_format = #tpu.pack_format<interleaved>} : vector<32xbf16> -> vector<16xf32>
            %unpack3A_146 = tpu.unpack_subelements %bitcast3A, 1 {pack_format = #tpu.pack_format<interleaved>} : vector<32xbf16> -> vector<16xf32>
            %unpack3A_147 = tpu.unpack_subelements %bitcast3A_137, 0 {pack_format = #tpu.pack_format<interleaved>} : vector<32xbf16> -> vector<16xf32>
            %unpack3A_148 = tpu.unpack_subelements %bitcast3A_137, 1 {pack_format = #tpu.pack_format<interleaved>} : vector<32xbf16> -> vector<16xf32>
            %unpack3A_149 = tpu.unpack_subelements %bitcast3A_141, 0 {pack_format = #tpu.pack_format<interleaved>} : vector<32xbf16> -> vector<16xf32>
            %unpack3A_150 = tpu.unpack_subelements %bitcast3A_141, 1 {pack_format = #tpu.pack_format<interleaved>} : vector<32xbf16> -> vector<16xf32>
            %unpack3A_151 = tpu.unpack_subelements %bitcast3A_145, 0 {pack_format = #tpu.pack_format<interleaved>} : vector<32xbf16> -> vector<16xf32>
            %unpack3A_152 = tpu.unpack_subelements %bitcast3A_145, 1 {pack_format = #tpu.pack_format<interleaved>} : vector<32xbf16> -> vector<16xf32>
            %add3A_153 = arith.addf %unpack3A, %unpack3A_147 : vector<16xf32>
            %add3A_154 = arith.addf %unpack3A_146, %unpack3A_148 : vector<16xf32>
            %add3A_155 = arith.addf %unpack3A_149, %unpack3A_151 : vector<16xf32>
            %add3A_156 = arith.addf %unpack3A_150, %unpack3A_152 : vector<16xf32>
            %pack3A = tpu.pack_subelements %add3A_153, %add3A_155 {pack_format = #tpu.pack_format<interleaved>, positions = array<i32: 0, 1>} : vector<16xf32>, vector<16xf32> -> vector<32xbf16>
            %bitcast3A_157 = vector.bitcast %pack3A : vector<32xbf16> to vector<16xi32>
            %pack3A_158 = tpu.pack_subelements %add3A_154, %add3A_156 {pack_format = #tpu.pack_format<interleaved>, positions = array<i32: 0, 1>} : vector<16xf32>, vector<16xf32> -> vector<32xbf16>
            %bitcast3A_159 = vector.bitcast %pack3A_158 : vector<32xbf16> to vector<16xi32>
            %swap3A = arith.index_cast %scan3A_115 : i32 to index
            %swap3A_160 = arith.index_cast %mul3A_131 : i32 to index
            %swap3A_161 = tpu.vector_load %arg13[%swap3A, %swap3A_160] {strides = array<i32>} : memref<40x128xi32, #tpu.memory_space<vmem>>, vector<16xi32>,
            tpu.vector_store %arg13[%swap3A, %swap3A_160], %bitcast3A_157 {strides = array<i32>} : memref<40x128xi32, #tpu.memory_space<vmem>>, vector<16xi32>,
            %add3A_162 = arith.constant 64 : i32
            %add3A_163 = arith.addi %add3A_162, %mul3A_131 : i32
            %swap3A_164 = arith.index_cast %scan3A_115 : i32 to index
            %swap3A_165 = arith.index_cast %add3A_163 : i32 to index
            %swap3A_166 = tpu.vector_load %arg13[%swap3A_164, %swap3A_165] {strides = array<i32>} : memref<40x128xi32, #tpu.memory_space<vmem>>, vector<16xi32>,
            tpu.vector_store %arg13[%swap3A_164, %swap3A_165], %bitcast3A_159 {strides = array<i32>} : memref<40x128xi32, #tpu.memory_space<vmem>>, vector<16xi32>,
            %scan3A_167 = arith.constant 0 : i32
            scf.yield %scan3A_167 : i32
          }
          %scan3A_127 = arith.constant 4 : i32
          scf.yield %scan3A_126 : i32
        }
        %scan3A_109 = arith.constant 40 : i32
        %mul3A_110 = arith.constant 1000 : i32
        %mul3A_111 = arith.muli %add3A, %mul3A_110 : i32
        %mul3A_112 = arith.constant 40 : i32
        %mul3A_113 = arith.muli %scan3A_35, %mul3A_112 : i32
        %add3A_114 = arith.addi %mul3A_111, %mul3A_113 : i32
        "tpu.region"() ({
          %run_scoped3A = tpu.sem_alloc : memref<!tpu.dma_semaphore, #tpu.memory_space<semaphore_mem>>
          %dma_start3A_115 = arith.constant 0 : i32
          %dma_start3A_116 = tpu.memref_slice %arg5[%add3A_114, %dma_start3A_115] : memref<32000x128xi32, #tpu.memory_space<hbm>> -> memref<40x128xi32, #tpu.memory_space<hbm>>
          %dma_start3A_117 = arith.constant 0 : i32
          %dma_start3A_118 = tpu.memref_slice %arg5[%add3A_114, %dma_start3A_117] : memref<32000x128xi32, #tpu.memory_space<hbm>> -> memref<40x128xi32, #tpu.memory_space<hbm>>
          tpu.enqueue_dma source(%arg13 : memref<40x128xi32, #tpu.memory_space<vmem>>) target(%dma_start3A_118 : memref<40x128xi32, #tpu.memory_space<hbm>>) target_semaphore(%run_scoped3A : memref<!tpu.dma_semaphore, #tpu.memory_space<semaphore_mem>>)
          %dma_wait3A_119 = arith.constant 0 : i32
          %dma_wait3A_120 = tpu.memref_slice %arg5[%add3A_114, %dma_wait3A_119] : memref<32000x128xi32, #tpu.memory_space<hbm>> -> memref<40x128xi32, #tpu.memory_space<hbm>>
          %dma_wait3A_121 = arith.constant 0 : i32
          %dma_wait3A_122 = tpu.memref_slice %arg5[%add3A_114, %dma_wait3A_121] : memref<32000x128xi32, #tpu.memory_space<hbm>> -> memref<40x128xi32, #tpu.memory_space<hbm>>
          tpu.wait_dma2 semaphore(%run_scoped3A : memref<!tpu.dma_semaphore, #tpu.memory_space<semaphore_mem>>) src(%arg13 : memref<40x128xi32, #tpu.memory_space<vmem>>) dst(%dma_wait3A_122 : memref<40x128xi32, #tpu.memory_space<hbm>>)
          tpu.yield
        }) : () -> ()
      } else {
      }
      %jit3A_55 = arith.constant 2 : i32
      %eq3A_56 = arith.constant 0 : i32
      %eq3A_57 = arith.cmpi eq, %jit3A_55, %eq3A_56 : i32
      %jit3A_58 = arith.constant 1 : i32
      %select_n3A_59 = arith.select %eq3A_57, %jit3A_58, %jit3A_55 : i32
      %rem3A_60 = arith.remsi %scan3A_35, %select_n3A_59 : i32
      %ne3A_61 = arith.constant 0 : i32
      %ne3A_62 = arith.cmpi ne, %rem3A_60, %ne3A_61 : i32
      %lt3A_63 = arith.constant 0 : i32
      %lt3A_64 = arith.cmpi slt, %rem3A_60, %lt3A_63 : i32
      %lt3A_65 = arith.constant 0 : i32
      %lt3A_66 = arith.cmpi slt, %select_n3A_59, %lt3A_65 : i32
      %ne3A_67 = arith.xori %lt3A_64, %lt3A_66 : i1
      %and3A_68 = arith.andi %ne3A_67, %ne3A_62 : i1
      %add3A_69 = arith.addi %rem3A_60, %select_n3A_59 : i32
      %select_n3A_70 = arith.select %and3A_68, %add3A_69, %rem3A_60 : i32
      %eq3A_71 = arith.constant 1 : i32
      %eq3A_72 = arith.cmpi eq, %select_n3A_70, %eq3A_71 : i32
      %convert_element_type3A_73 = arith.extui %eq3A_72 : i1 to i32
      %cond3A_74 = arith.constant 0 : i32
      %cond3A_75 = arith.cmpi ne, %convert_element_type3A_73, %cond3A_74 : i32
      scf.if %cond3A_75 {
        %dma_start3A_77 = arith.constant 0 : i32
        %dma_start3A_78 = tpu.memref_slice %arg7[%min3A_39, %dma_start3A_77] : memref<25x80xi32, #tpu.memory_space<vmem>> -> memref<1x80xi32, #tpu.memory_space<vmem>>
        %dma_start3A_79 = tpu.memref_squeeze %dma_start3A_78 : memref<1x80xi32, #tpu.memory_space<vmem>> -> memref<80xi32, #tpu.memory_space<vmem>>
        %dma_start3A_80 = arith.constant 0 : i32
        %dma_start3A_81 = arith.constant 0 : i32
        %dma_start3A_82 = tpu.memref_slice %arg6[%dma_start3A_80, %dma_start3A_81] : memref<10000x64xi32, #tpu.memory_space<vmem_shared>> -> memref<10000x64xi32, #tpu.memory_space<vmem_shared>>
        tpu.enqueue_indirect_dma source(%dma_start3A_82 : memref<10000x64xi32, #tpu.memory_space<vmem_shared>>) target(%arg9 : memref<80x64xi32, #tpu.memory_space<vmem>>) offsets(%dma_start3A_79 : memref<80xi32, #tpu.memory_space<vmem>>) semaphore(%arg14 : memref<!tpu.dma_semaphore, #tpu.memory_space<semaphore_mem>>)
        %dma_start3A_83 = arith.constant 0 : i32
        %dma_start3A_84 = tpu.memref_slice %arg8[%min3A_39, %dma_start3A_83] : memref<25x80xi32, #tpu.memory_space<vmem>> -> memref<1x80xi32, #tpu.memory_space<vmem>>
        %dma_start3A_85 = tpu.memref_squeeze %dma_start3A_84 : memref<1x80xi32, #tpu.memory_space<vmem>> -> memref<80xi32, #tpu.memory_space<vmem>>
        %dma_start3A_86 = arith.constant 0 : i32
        %dma_start3A_87 = arith.constant 0 : i32
        %dma_start3A_88 = tpu.memref_slice %arg6[%dma_start3A_86, %dma_start3A_87] : memref<10000x64xi32, #tpu.memory_space<vmem_shared>> -> memref<10000x64xi32, #tpu.memory_space<vmem_shared>>
        tpu.enqueue_indirect_dma source(%dma_start3A_88 : memref<10000x64xi32, #tpu.memory_space<vmem_shared>>) target(%arg10 : memref<80x64xi32, #tpu.memory_space<vmem>>) offsets(%dma_start3A_85 : memref<80xi32, #tpu.memory_space<vmem>>) semaphore(%arg15 : memref<!tpu.dma_semaphore, #tpu.memory_space<semaphore_mem>>)
        %dma_wait3A_89 = arith.constant 0 : i32
        %dma_wait3A_90 = arith.constant 0 : i32
        %dma_wait3A_91 = tpu.memref_slice %arg7[%dma_wait3A_89, %dma_wait3A_90] : memref<25x80xi32, #tpu.memory_space<vmem>> -> memref<1x80xi32, #tpu.memory_space<vmem>>
        %dma_wait3A_92 = tpu.memref_squeeze %dma_wait3A_91 : memref<1x80xi32, #tpu.memory_space<vmem>> -> memref<80xi32, #tpu.memory_space<vmem>>
        %dma_wait3A_93 = arith.constant 0 : i32
        %dma_wait3A_94 = arith.constant 0 : i32
        %dma_wait3A_95 = tpu.memref_slice %arg2[%dma_wait3A_93, %dma_wait3A_94] : memref<10000x64xi32, #tpu.memory_space<hbm>> -> memref<10000x64xi32, #tpu.memory_space<hbm>>
        tpu.wait_indirect_dma semaphore(%arg16 : memref<!tpu.dma_semaphore, #tpu.memory_space<semaphore_mem>>) src(%dma_wait3A_95 : memref<10000x64xi32, #tpu.memory_space<hbm>>) dst(%arg11 : memref<80x64xi32, #tpu.memory_space<vmem>>)
        %dma_wait3A_96 = arith.constant 0 : i32
        %dma_wait3A_97 = arith.constant 0 : i32
        %dma_wait3A_98 = tpu.memref_slice %arg8[%dma_wait3A_96, %dma_wait3A_97] : memref<25x80xi32, #tpu.memory_space<vmem>> -> memref<1x80xi32, #tpu.memory_space<vmem>>
        %dma_wait3A_99 = tpu.memref_squeeze %dma_wait3A_98 : memref<1x80xi32, #tpu.memory_space<vmem>> -> memref<80xi32, #tpu.memory_space<vmem>>
        %dma_wait3A_100 = arith.constant 0 : i32
        %dma_wait3A_101 = arith.constant 0 : i32
        %dma_wait3A_102 = tpu.memref_slice %arg2[%dma_wait3A_100, %dma_wait3A_101] : memref<10000x64xi32, #tpu.memory_space<hbm>> -> memref<10000x64xi32, #tpu.memory_space<hbm>>
        tpu.wait_indirect_dma semaphore(%arg17 : memref<!tpu.dma_semaphore, #tpu.memory_space<semaphore_mem>>) src(%dma_wait3A_102 : memref<10000x64xi32, #tpu.memory_space<hbm>>) dst(%arg12 : memref<80x64xi32, #tpu.memory_space<vmem>>)
        %scan3A_103 = arith.constant 0 : i32
        %scan3A_104 = arith.constant 0 : i32
        %scan3A_105 = arith.constant 40 : i32
        %scan3A_106 = arith.addi %scan3A_104, %scan3A_105 : i32
        %scan3A_107 = arith.constant 1 : i32
        %scan3A_108 = scf.for %scan3A_115 = %scan3A_104 to %scan3A_106 step %scan3A_107 iter_args(%scan3A_116 = %scan3A_103) -> (i32)  : i32 {
          %mul3A_117 = arith.constant 2 : i32
          %mul3A_118 = arith.muli %scan3A_115, %mul3A_117 : i32
          %add3A_119 = arith.constant 1 : i32
          %add3A_120 = arith.addi %mul3A_118, %add3A_119 : i32
          %scan3A_121 = arith.constant 0 : i32
          %scan3A_122 = arith.constant 0 : i32
          %scan3A_123 = arith.constant 4 : i32
          %scan3A_124 = arith.addi %scan3A_122, %scan3A_123 : i32
          %scan3A_125 = arith.constant 1 : i32
          %scan3A_126 = scf.for %scan3A_128 = %scan3A_122 to %scan3A_124 step %scan3A_125 iter_args(%scan3A_129 = %scan3A_121) -> (i32)  : i32 {
            %mul3A_130 = arith.constant 16 : i32
            %mul3A_131 = arith.muli %scan3A_128, %mul3A_130 : i32
            %get3A = arith.index_cast %mul3A_118 : i32 to index
            %get3A_132 = arith.index_cast %mul3A_131 : i32 to index
            %get3A_133 = tpu.vector_load %arg11[%get3A, %get3A_132] {strides = array<i32>} : memref<80x64xi32, #tpu.memory_space<vmem>>, vector<16xi32>,
            %bitcast3A = vector.bitcast %get3A_133 : vector<16xi32> to vector<32xbf16>
            %get3A_134 = arith.index_cast %mul3A_118 : i32 to index
            %get3A_135 = arith.index_cast %mul3A_131 : i32 to index
            %get3A_136 = tpu.vector_load %arg12[%get3A_134, %get3A_135] {strides = array<i32>} : memref<80x64xi32, #tpu.memory_space<vmem>>, vector<16xi32>,
            %bitcast3A_137 = vector.bitcast %get3A_136 : vector<16xi32> to vector<32xbf16>
            %get3A_138 = arith.index_cast %add3A_120 : i32 to index
            %get3A_139 = arith.index_cast %mul3A_131 : i32 to index
            %get3A_140 = tpu.vector_load %arg11[%get3A_138, %get3A_139] {strides = array<i32>} : memref<80x64xi32, #tpu.memory_space<vmem>>, vector<16xi32>,
            %bitcast3A_141 = vector.bitcast %get3A_140 : vector<16xi32> to vector<32xbf16>
            %get3A_142 = arith.index_cast %add3A_120 : i32 to index
            %get3A_143 = arith.index_cast %mul3A_131 : i32 to index
            %get3A_144 = tpu.vector_load %arg12[%get3A_142, %get3A_143] {strides = array<i32>} : memref<80x64xi32, #tpu.memory_space<vmem>>, vector<16xi32>,
            %bitcast3A_145 = vector.bitcast %get3A_144 : vector<16xi32> to vector<32xbf16>
            %unpack3A = tpu.unpack_subelements %bitcast3A, 0 {pack_format = #tpu.pack_format<interleaved>} : vector<32xbf16> -> vector<16xf32>
            %unpack3A_146 = tpu.unpack_subelements %bitcast3A, 1 {pack_format = #tpu.pack_format<interleaved>} : vector<32xbf16> -> vector<16xf32>
            %unpack3A_147 = tpu.unpack_subelements %bitcast3A_137, 0 {pack_format = #tpu.pack_format<interleaved>} : vector<32xbf16> -> vector<16xf32>
            %unpack3A_148 = tpu.unpack_subelements %bitcast3A_137, 1 {pack_format = #tpu.pack_format<interleaved>} : vector<32xbf16> -> vector<16xf32>
            %unpack3A_149 = tpu.unpack_subelements %bitcast3A_141, 0 {pack_format = #tpu.pack_format<interleaved>} : vector<32xbf16> -> vector<16xf32>
            %unpack3A_150 = tpu.unpack_subelements %bitcast3A_141, 1 {pack_format = #tpu.pack_format<interleaved>} : vector<32xbf16> -> vector<16xf32>
            %unpack3A_151 = tpu.unpack_subelements %bitcast3A_145, 0 {pack_format = #tpu.pack_format<interleaved>} : vector<32xbf16> -> vector<16xf32>
            %unpack3A_152 = tpu.unpack_subelements %bitcast3A_145, 1 {pack_format = #tpu.pack_format<interleaved>} : vector<32xbf16> -> vector<16xf32>
            %add3A_153 = arith.addf %unpack3A, %unpack3A_147 : vector<16xf32>
            %add3A_154 = arith.addf %unpack3A_146, %unpack3A_148 : vector<16xf32>
            %add3A_155 = arith.addf %unpack3A_149, %unpack3A_151 : vector<16xf32>
            %add3A_156 = arith.addf %unpack3A_150, %unpack3A_152 : vector<16xf32>
            %pack3A = tpu.pack_subelements %add3A_153, %add3A_155 {pack_format = #tpu.pack_format<interleaved>, positions = array<i32: 0, 1>} : vector<16xf32>, vector<16xf32> -> vector<32xbf16>
            %bitcast3A_157 = vector.bitcast %pack3A : vector<32xbf16> to vector<16xi32>
            %pack3A_158 = tpu.pack_subelements %add3A_154, %add3A_156 {pack_format = #tpu.pack_format<interleaved>, positions = array<i32: 0, 1>} : vector<16xf32>, vector<16xf32> -> vector<32xbf16>
            %bitcast3A_159 = vector.bitcast %pack3A_158 : vector<32xbf16> to vector<16xi32>
            %swap3A = arith.index_cast %scan3A_115 : i32 to index
            %swap3A_160 = arith.index_cast %mul3A_131 : i32 to index
            %swap3A_161 = tpu.vector_load %arg13[%swap3A, %swap3A_160] {strides = array<i32>} : memref<40x128xi32, #tpu.memory_space<vmem>>, vector<16xi32>,
            tpu.vector_store %arg13[%swap3A, %swap3A_160], %bitcast3A_157 {strides = array<i32>} : memref<40x128xi32, #tpu.memory_space<vmem>>, vector<16xi32>,
            %add3A_162 = arith.constant 64 : i32
            %add3A_163 = arith.addi %add3A_162, %mul3A_131 : i32
            %swap3A_164 = arith.index_cast %scan3A_115 : i32 to index
            %swap3A_165 = arith.index_cast %add3A_163 : i32 to index
            %swap3A_166 = tpu.vector_load %arg13[%swap3A_164, %swap3A_165] {strides = array<i32>} : memref<40x128xi32, #tpu.memory_space<vmem>>, vector<16xi32>,
            tpu.vector_store %arg13[%swap3A_164, %swap3A_165], %bitcast3A_159 {strides = array<i32>} : memref<40x128xi32, #tpu.memory_space<vmem>>, vector<16xi32>,
            %scan3A_167 = arith.constant 0 : i32
            scf.yield %scan3A_167 : i32
          }
          %scan3A_127 = arith.constant 4 : i32
          scf.yield %scan3A_126 : i32
        }
        %scan3A_109 = arith.constant 40 : i32
        %mul3A_110 = arith.constant 1000 : i32
        %mul3A_111 = arith.muli %add3A, %mul3A_110 : i32
        %mul3A_112 = arith.constant 40 : i32
        %mul3A_113 = arith.muli %scan3A_35, %mul3A_112 : i32
        %add3A_114 = arith.addi %mul3A_111, %mul3A_113 : i32
        "tpu.region"() ({
          %run_scoped3A = tpu.sem_alloc : memref<!tpu.dma_semaphore, #tpu.memory_space<semaphore_mem>>
          %dma_start3A_115 = arith.constant 0 : i32
          %dma_start3A_116 = tpu.memref_slice %arg5[%add3A_114, %dma_start3A_115] : memref<32000x128xi32, #tpu.memory_space<hbm>> -> memref<40x128xi32, #tpu.memory_space<hbm>>
          %dma_start3A_117 = arith.constant 0 : i32
          %dma_start3A_118 = tpu.memref_slice %arg5[%add3A_114, %dma_start3A_117] : memref<32000x128xi32, #tpu.memory_space<hbm>> -> memref<40x128xi32, #tpu.memory_space<hbm>>
          tpu.enqueue_dma source(%arg13 : memref<40x128xi32, #tpu.memory_space<vmem>>) target(%dma_start3A_118 : memref<40x128xi32, #tpu.memory_space<hbm>>) target_semaphore(%run_scoped3A : memref<!tpu.dma_semaphore, #tpu.memory_space<semaphore_mem>>)
          %dma_wait3A_119 = arith.constant 0 : i32
          %dma_wait3A_120 = tpu.memref_slice %arg5[%add3A_114, %dma_wait3A_119] : memref<32000x128xi32, #tpu.memory_space<hbm>> -> memref<40x128xi32, #tpu.memory_space<hbm>>
          %dma_wait3A_121 = arith.constant 0 : i32
          %dma_wait3A_122 = tpu.memref_slice %arg5[%add3A_114, %dma_wait3A_121] : memref<32000x128xi32, #tpu.memory_space<hbm>> -> memref<40x128xi32, #tpu.memory_space<hbm>>
          tpu.wait_dma2 semaphore(%run_scoped3A : memref<!tpu.dma_semaphore, #tpu.memory_space<semaphore_mem>>) src(%arg13 : memref<40x128xi32, #tpu.memory_space<vmem>>) dst(%dma_wait3A_122 : memref<40x128xi32, #tpu.memory_space<hbm>>)
          tpu.yield
        }) : () -> ()
      } else {
      }
      %scan3A_76 = arith.constant 0 : i32
      scf.yield %scan3A_76 : i32
    }
    %scan3A_21 = arith.constant 25 : i32
    %dma_wait3A = arith.constant 0 : i32
    %dma_wait3A_22 = arith.constant 0 : i32
    %dma_wait3A_23 = tpu.memref_slice %arg7[%dma_wait3A, %dma_wait3A_22] : memref<25x80xi32, #tpu.memory_space<vmem>> -> memref<1x80xi32, #tpu.memory_space<vmem>>
    %dma_wait3A_24 = tpu.memref_squeeze %dma_wait3A_23 : memref<1x80xi32, #tpu.memory_space<vmem>> -> memref<80xi32, #tpu.memory_space<vmem>>
    %dma_wait3A_25 = arith.constant 0 : i32
    %dma_wait3A_26 = arith.constant 0 : i32
    %dma_wait3A_27 = tpu.memref_slice %arg2[%dma_wait3A_25, %dma_wait3A_26] : memref<10000x64xi32, #tpu.memory_space<hbm>> -> memref<10000x64xi32, #tpu.memory_space<hbm>>
    tpu.wait_indirect_dma semaphore(%arg16 : memref<!tpu.dma_semaphore, #tpu.memory_space<semaphore_mem>>) src(%dma_wait3A_27 : memref<10000x64xi32, #tpu.memory_space<hbm>>) dst(%arg11 : memref<80x64xi32, #tpu.memory_space<vmem>>)
    %dma_wait3A_28 = arith.constant 0 : i32
    %dma_wait3A_29 = arith.constant 0 : i32
    %dma_wait3A_30 = tpu.memref_slice %arg8[%dma_wait3A_28, %dma_wait3A_29] : memref<25x80xi32, #tpu.memory_space<vmem>> -> memref<1x80xi32, #tpu.memory_space<vmem>>
    %dma_wait3A_31 = tpu.memref_squeeze %dma_wait3A_30 : memref<1x80xi32, #tpu.memory_space<vmem>> -> memref<80xi32, #tpu.memory_space<vmem>>
    %dma_wait3A_32 = arith.constant 0 : i32
    %dma_wait3A_33 = arith.constant 0 : i32
    %dma_wait3A_34 = tpu.memref_slice %arg2[%dma_wait3A_32, %dma_wait3A_33] : memref<10000x64xi32, #tpu.memory_space<hbm>> -> memref<10000x64xi32, #tpu.memory_space<hbm>>
    tpu.wait_indirect_dma semaphore(%arg17 : memref<!tpu.dma_semaphore, #tpu.memory_space<semaphore_mem>>) src(%dma_wait3A_34 : memref<10000x64xi32, #tpu.memory_space<hbm>>) dst(%arg12 : memref<80x64xi32, #tpu.memory_space<vmem>>)
    return
  }
}

#map = affine_map<(d0, d1) -> (0, 0)>
#map1 = affine_map<(d0, d1) -> (0, 0, 0)>
module attributes {stable_mosaic.version = 14 : i64} {
  func.func @_gather_add_body(%arg0: i32, %arg1: i32, %arg2: memref<10000x64xi32, #tpu.memory_space<hbm>>, %arg3: memref<32x25x80xi32, #tpu.memory_space<hbm>>, %arg4: memref<32x25x80xi32, #tpu.memory_space<hbm>>, %arg5: memref<32000x128xi32, #tpu.memory_space<hbm>>, %arg6: memref<10000x64xi32, #tpu.memory_space<vmem_shared>>, %arg7: memref<25x80xi32, #tpu.memory_space<vmem>>, %arg8: memref<25x80xi32, #tpu.memory_space<vmem>>, %arg9: memref<80x64xi32, #tpu.memory_space<vmem>>, %arg10: memref<80x64xi32, #tpu.memory_space<vmem>>, %arg11: memref<80x64xi32, #tpu.memory_space<vmem>>, %arg12: memref<80x64xi32, #tpu.memory_space<vmem>>, %arg13: memref<40x128xi32, #tpu.memory_space<vmem>>, %arg14: memref<!tpu.dma_semaphore, #tpu.memory_space<semaphore_mem>>, %arg15: memref<!tpu.dma_semaphore, #tpu.memory_space<semaphore_mem>>, %arg16: memref<!tpu.dma_semaphore, #tpu.memory_space<semaphore_mem>>, %arg17: memref<!tpu.dma_semaphore, #tpu.memory_space<semaphore_mem>>) attributes {dimension_semantics = [#tpu.dimension_semantics<core_parallel>, #tpu.dimension_semantics<subcore_parallel>], iteration_bounds = array<i64: 2, 16>, scalar_prefetch = 0 : i64, scratch_operands = 12 : i64, tpu.core_type = #tpu.core_type<sc_vector_subcore>, window_params = [{transform_indices = #map}, {transform_indices = #map1}, {transform_indices = #map1}, {transform_indices = #map}]} {
    %mul3A = arith.constant 2 : i32
    %mul3A_0 = arith.muli %arg1, %mul3A : i32
    %add3A = arith.addi %mul3A_0, %arg0 : i32
    %eq3A = arith.constant 0 : i32
    %eq3A_1 = arith.cmpi eq, %arg1, %eq3A : i32
    %convert_element_type3A = arith.extui %eq3A_1 : i1 to i32
    %cond3A = arith.constant 0 : i32
    %cond3A_2 = arith.cmpi ne, %convert_element_type3A, %cond3A : i32
    scf.if %cond3A_2 {
      "tpu.region"() ({
        %run_scoped3A = tpu.sem_alloc : memref<!tpu.dma_semaphore, #tpu.memory_space<semaphore_mem>>
        tpu.enqueue_dma source(%arg2 : memref<10000x64xi32, #tpu.memory_space<hbm>>) target(%arg6 : memref<10000x64xi32, #tpu.memory_space<vmem_shared>>) target_semaphore(%run_scoped3A : memref<!tpu.dma_semaphore, #tpu.memory_space<semaphore_mem>>)
        tpu.wait_dma2 semaphore(%run_scoped3A : memref<!tpu.dma_semaphore, #tpu.memory_space<semaphore_mem>>) src(%arg2 : memref<10000x64xi32, #tpu.memory_space<hbm>>) dst(%arg6 : memref<10000x64xi32, #tpu.memory_space<vmem_shared>>)
        tpu.yield
      }) : () -> ()
    } else {
    }
    "tpu.region"() ({
      %run_scoped3A = tpu.sem_alloc : memref<!tpu.dma_semaphore, #tpu.memory_space<semaphore_mem>>
      %dma_start3A_35 = arith.constant 0 : i32
      %dma_start3A_36 = arith.constant 0 : i32
      %dma_start3A_37 = tpu.memref_slice %arg3[%add3A, %dma_start3A_35, %dma_start3A_36] : memref<32x25x80xi32, #tpu.memory_space<hbm>> -> memref<1x25x80xi32, #tpu.memory_space<hbm>>
      %dma_start3A_38 = tpu.memref_squeeze %dma_start3A_37 : memref<1x25x80xi32, #tpu.memory_space<hbm>> -> memref<25x80xi32, #tpu.memory_space<hbm>>
      %dma_start3A_39 = arith.constant 0 : i32
      %dma_start3A_40 = arith.constant 0 : i32
      %dma_start3A_41 = tpu.memref_slice %arg3[%add3A, %dma_start3A_39, %dma_start3A_40] : memref<32x25x80xi32, #tpu.memory_space<hbm>> -> memref<1x25x80xi32, #tpu.memory_space<hbm>>
      %dma_start3A_42 = tpu.memref_squeeze %dma_start3A_41 : memref<1x25x80xi32, #tpu.memory_space<hbm>> -> memref<25x80xi32, #tpu.memory_space<hbm>>
      tpu.enqueue_dma source(%dma_start3A_42 : memref<25x80xi32, #tpu.memory_space<hbm>>) target(%arg7 : memref<25x80xi32, #tpu.memory_space<vmem>>) target_semaphore(%run_scoped3A : memref<!tpu.dma_semaphore, #tpu.memory_space<semaphore_mem>>)
      %dma_wait3A_43 = arith.constant 0 : i32
      %dma_wait3A_44 = arith.constant 0 : i32
      %dma_wait3A_45 = tpu.memref_slice %arg3[%add3A, %dma_wait3A_43, %dma_wait3A_44] : memref<32x25x80xi32, #tpu.memory_space<hbm>> -> memref<1x25x80xi32, #tpu.memory_space<hbm>>
      %dma_wait3A_46 = tpu.memref_squeeze %dma_wait3A_45 : memref<1x25x80xi32, #tpu.memory_space<hbm>> -> memref<25x80xi32, #tpu.memory_space<hbm>>
      %dma_wait3A_47 = arith.constant 0 : i32
      %dma_wait3A_48 = arith.constant 0 : i32
      %dma_wait3A_49 = tpu.memref_slice %arg3[%add3A, %dma_wait3A_47, %dma_wait3A_48] : memref<32x25x80xi32, #tpu.memory_space<hbm>> -> memref<1x25x80xi32, #tpu.memory_space<hbm>>
      %dma_wait3A_50 = tpu.memref_squeeze %dma_wait3A_49 : memref<1x25x80xi32, #tpu.memory_space<hbm>> -> memref<25x80xi32, #tpu.memory_space<hbm>>
      tpu.wait_dma2 semaphore(%run_scoped3A : memref<!tpu.dma_semaphore, #tpu.memory_space<semaphore_mem>>) src(%dma_wait3A_50 : memref<25x80xi32, #tpu.memory_space<hbm>>) dst(%arg7 : memref<25x80xi32, #tpu.memory_space<vmem>>)
      tpu.yield
    }) : () -> ()
    "tpu.region"() ({
      %run_scoped3A = tpu.sem_alloc : memref<!tpu.dma_semaphore, #tpu.memory_space<semaphore_mem>>
      %dma_start3A_35 = arith.constant 0 : i32
      %dma_start3A_36 = arith.constant 0 : i32
      %dma_start3A_37 = tpu.memref_slice %arg4[%add3A, %dma_start3A_35, %dma_start3A_36] : memref<32x25x80xi32, #tpu.memory_space<hbm>> -> memref<1x25x80xi32, #tpu.memory_space<hbm>>
      %dma_start3A_38 = tpu.memref_squeeze %dma_start3A_37 : memref<1x25x80xi32, #tpu.memory_space<hbm>> -> memref<25x80xi32, #tpu.memory_space<hbm>>
      %dma_start3A_39 = arith.constant 0 : i32
      %dma_start3A_40 = arith.constant 0 : i32
      %dma_start3A_41 = tpu.memref_slice %arg4[%add3A, %dma_start3A_39, %dma_start3A_40] : memref<32x25x80xi32, #tpu.memory_space<hbm>> -> memref<1x25x80xi32, #tpu.memory_space<hbm>>
      %dma_start3A_42 = tpu.memref_squeeze %dma_start3A_41 : memref<1x25x80xi32, #tpu.memory_space<hbm>> -> memref<25x80xi32, #tpu.memory_space<hbm>>
      tpu.enqueue_dma source(%dma_start3A_42 : memref<25x80xi32, #tpu.memory_space<hbm>>) target(%arg8 : memref<25x80xi32, #tpu.memory_space<vmem>>) target_semaphore(%run_scoped3A : memref<!tpu.dma_semaphore, #tpu.memory_space<semaphore_mem>>)
      %dma_wait3A_43 = arith.constant 0 : i32
      %dma_wait3A_44 = arith.constant 0 : i32
      %dma_wait3A_45 = tpu.memref_slice %arg4[%add3A, %dma_wait3A_43, %dma_wait3A_44] : memref<32x25x80xi32, #tpu.memory_space<hbm>> -> memref<1x25x80xi32, #tpu.memory_space<hbm>>
      %dma_wait3A_46 = tpu.memref_squeeze %dma_wait3A_45 : memref<1x25x80xi32, #tpu.memory_space<hbm>> -> memref<25x80xi32, #tpu.memory_space<hbm>>
      %dma_wait3A_47 = arith.constant 0 : i32
      %dma_wait3A_48 = arith.constant 0 : i32
      %dma_wait3A_49 = tpu.memref_slice %arg4[%add3A, %dma_wait3A_47, %dma_wait3A_48] : memref<32x25x80xi32, #tpu.memory_space<hbm>> -> memref<1x25x80xi32, #tpu.memory_space<hbm>>
      %dma_wait3A_50 = tpu.memref_squeeze %dma_wait3A_49 : memref<1x25x80xi32, #tpu.memory_space<hbm>> -> memref<25x80xi32, #tpu.memory_space<hbm>>
      tpu.wait_dma2 semaphore(%run_scoped3A : memref<!tpu.dma_semaphore, #tpu.memory_space<semaphore_mem>>) src(%dma_wait3A_50 : memref<25x80xi32, #tpu.memory_space<hbm>>) dst(%arg8 : memref<25x80xi32, #tpu.memory_space<vmem>>)
      tpu.yield
    }) : () -> ()
    %barrier3A = arith.constant 0 : index
    tpu.barrier barrier_id(%barrier3A)
    %dma_start3A = arith.constant 0 : i32
    %dma_start3A_3 = arith.constant 0 : i32
    %dma_start3A_4 = tpu.memref_slice %arg7[%dma_start3A, %dma_start3A_3] : memref<25x80xi32, #tpu.memory_space<vmem>> -> memref<1x80xi32, #tpu.memory_space<vmem>>
    %dma_start3A_5 = tpu.memref_squeeze %dma_start3A_4 : memref<1x80xi32, #tpu.memory_space<vmem>> -> memref<80xi32, #tpu.memory_space<vmem>>
    %dma_start3A_6 = arith.constant 0 : i32
    %dma_start3A_7 = arith.constant 0 : i32
    %dma_start3A_8 = tpu.memref_slice %arg6[%dma_start3A_6, %dma_start3A_7] : memref<10000x64xi32, #tpu.memory_space<vmem_shared>> -> memref<10000x64xi32, #tpu.memory_space<vmem_shared>>
    tpu.enqueue_indirect_dma source(%dma_start3A_8 : memref<10000x64xi32, #tpu.memory_space<vmem_shared>>) target(%arg9 : memref<80x64xi32, #tpu.memory_space<vmem>>) offsets(%dma_start3A_5 : memref<80xi32, #tpu.memory_space<vmem>>) semaphore(%arg14 : memref<!tpu.dma_semaphore, #tpu.memory_space<semaphore_mem>>)
    %dma_start3A_9 = arith.constant 0 : i32
    %dma_start3A_10 = arith.constant 0 : i32
    %dma_start3A_11 = tpu.memref_slice %arg8[%dma_start3A_9, %dma_start3A_10] : memref<25x80xi32, #tpu.memory_space<vmem>> -> memref<1x80xi32, #tpu.memory_space<vmem>>
    %dma_start3A_12 = tpu.memref_squeeze %dma_start3A_11 : memref<1x80xi32, #tpu.memory_space<vmem>> -> memref<80xi32, #tpu.memory_space<vmem>>
    %dma_start3A_13 = arith.constant 0 : i32
    %dma_start3A_14 = arith.constant 0 : i32
    %dma_start3A_15 = tpu.memref_slice %arg6[%dma_start3A_13, %dma_start3A_14] : memref<10000x64xi32, #tpu.memory_space<vmem_shared>> -> memref<10000x64xi32, #tpu.memory_space<vmem_shared>>
    tpu.enqueue_indirect_dma source(%dma_start3A_15 : memref<10000x64xi32, #tpu.memory_space<vmem_shared>>) target(%arg10 : memref<80x64xi32, #tpu.memory_space<vmem>>) offsets(%dma_start3A_12 : memref<80xi32, #tpu.memory_space<vmem>>) semaphore(%arg15 : memref<!tpu.dma_semaphore, #tpu.memory_space<semaphore_mem>>)
    %scan3A = arith.constant 0 : i32
    %scan3A_16 = arith.constant 0 : i32
    %scan3A_17 = arith.constant 25 : i32
    %scan3A_18 = arith.addi %scan3A_16, %scan3A_17 : i32
    %scan3A_19 = arith.constant 1 : i32
    %scan3A_20 = scf.for %scan3A_35 = %scan3A_16 to %scan3A_18 step %scan3A_19 iter_args(%scan3A_36 = %scan3A) -> (i32)  : i32 {
      %add3A_37 = arith.constant 1 : i32
      %add3A_38 = arith.addi %scan3A_35, %add3A_37 : i32
      %min3A = arith.constant 24 : i32
      %min3A_39 = arith.minsi %add3A_38, %min3A : i32
      %jit3A = arith.constant 2 : i32
      %eq3A_40 = arith.constant 0 : i32
      %eq3A_41 = arith.cmpi eq, %jit3A, %eq3A_40 : i32
      %jit3A_42 = arith.constant 1 : i32
      %select_n3A = arith.select %eq3A_41, %jit3A_42, %jit3A : i32
      %rem3A = arith.remsi %scan3A_35, %select_n3A : i32
      %ne3A = arith.constant 0 : i32
      %ne3A_43 = arith.cmpi ne, %rem3A, %ne3A : i32
      %lt3A = arith.constant 0 : i32
      %lt3A_44 = arith.cmpi slt, %rem3A, %lt3A : i32
      %lt3A_45 = arith.constant 0 : i32
      %lt3A_46 = arith.cmpi slt, %select_n3A, %lt3A_45 : i32
      %ne3A_47 = arith.xori %lt3A_44, %lt3A_46 : i1
      %and3A = arith.andi %ne3A_47, %ne3A_43 : i1
      %add3A_48 = arith.addi %rem3A, %select_n3A : i32
      %select_n3A_49 = arith.select %and3A, %add3A_48, %rem3A : i32
      %eq3A_50 = arith.constant 0 : i32
      %eq3A_51 = arith.cmpi eq, %select_n3A_49, %eq3A_50 : i32
      %convert_element_type3A_52 = arith.extui %eq3A_51 : i1 to i32
      %cond3A_53 = arith.constant 0 : i32
      %cond3A_54 = arith.cmpi ne, %convert_element_type3A_52, %cond3A_53 : i32
      scf.if %cond3A_54 {
        %dma_start3A_77 = arith.constant 0 : i32
        %dma_start3A_78 = tpu.memref_slice %arg7[%min3A_39, %dma_start3A_77] : memref<25x80xi32, #tpu.memory_space<vmem>> -> memref<1x80xi32, #tpu.memory_space<vmem>>
        %dma_start3A_79 = tpu.memref_squeeze %dma_start3A_78 : memref<1x80xi32, #tpu.memory_space<vmem>> -> memref<80xi32, #tpu.memory_space<vmem>>
        %dma_start3A_80 = arith.constant 0 : i32
        %dma_start3A_81 = arith.constant 0 : i32
        %dma_start3A_82 = tpu.memref_slice %arg6[%dma_start3A_80, %dma_start3A_81] : memref<10000x64xi32, #tpu.memory_space<vmem_shared>> -> memref<10000x64xi32, #tpu.memory_space<vmem_shared>>
        tpu.enqueue_indirect_dma source(%dma_start3A_82 : memref<10000x64xi32, #tpu.memory_space<vmem_shared>>) target(%arg11 : memref<80x64xi32, #tpu.memory_space<vmem>>) offsets(%dma_start3A_79 : memref<80xi32, #tpu.memory_space<vmem>>) semaphore(%arg16 : memref<!tpu.dma_semaphore, #tpu.memory_space<semaphore_mem>>)
        %dma_start3A_83 = arith.constant 0 : i32
        %dma_start3A_84 = tpu.memref_slice %arg8[%min3A_39, %dma_start3A_83] : memref<25x80xi32, #tpu.memory_space<vmem>> -> memref<1x80xi32, #tpu.memory_space<vmem>>
        %dma_start3A_85 = tpu.memref_squeeze %dma_start3A_84 : memref<1x80xi32, #tpu.memory_space<vmem>> -> memref<80xi32, #tpu.memory_space<vmem>>
        %dma_start3A_86 = arith.constant 0 : i32
        %dma_start3A_87 = arith.constant 0 : i32
        %dma_start3A_88 = tpu.memref_slice %arg6[%dma_start3A_86, %dma_start3A_87] : memref<10000x64xi32, #tpu.memory_space<vmem_shared>> -> memref<10000x64xi32, #tpu.memory_space<vmem_shared>>
        tpu.enqueue_indirect_dma source(%dma_start3A_88 : memref<10000x64xi32, #tpu.memory_space<vmem_shared>>) target(%arg12 : memref<80x64xi32, #tpu.memory_space<vmem>>) offsets(%dma_start3A_85 : memref<80xi32, #tpu.memory_space<vmem>>) semaphore(%arg17 : memref<!tpu.dma_semaphore, #tpu.memory_space<semaphore_mem>>)
        %dma_wait3A_89 = arith.constant 0 : i32
        %dma_wait3A_90 = arith.constant 0 : i32
        %dma_wait3A_91 = tpu.memref_slice %arg7[%dma_wait3A_89, %dma_wait3A_90] : memref<25x80xi32, #tpu.memory_space<vmem>> -> memref<1x80xi32, #tpu.memory_space<vmem>>
        %dma_wait3A_92 = tpu.memref_squeeze %dma_wait3A_91 : memref<1x80xi32, #tpu.memory_space<vmem>> -> memref<80xi32, #tpu.memory_space<vmem>>
        %dma_wait3A_93 = arith.constant 0 : i32
        %dma_wait3A_94 = arith.constant 0 : i32
        %dma_wait3A_95 = tpu.memref_slice %arg2[%dma_wait3A_93, %dma_wait3A_94] : memref<10000x64xi32, #tpu.memory_space<hbm>> -> memref<10000x64xi32, #tpu.memory_space<hbm>>
        tpu.wait_indirect_dma semaphore(%arg14 : memref<!tpu.dma_semaphore, #tpu.memory_space<semaphore_mem>>) src(%dma_wait3A_95 : memref<10000x64xi32, #tpu.memory_space<hbm>>) dst(%arg9 : memref<80x64xi32, #tpu.memory_space<vmem>>)
        %dma_wait3A_96 = arith.constant 0 : i32
        %dma_wait3A_97 = arith.constant 0 : i32
        %dma_wait3A_98 = tpu.memref_slice %arg8[%dma_wait3A_96, %dma_wait3A_97] : memref<25x80xi32, #tpu.memory_space<vmem>> -> memref<1x80xi32, #tpu.memory_space<vmem>>
        %dma_wait3A_99 = tpu.memref_squeeze %dma_wait3A_98 : memref<1x80xi32, #tpu.memory_space<vmem>> -> memref<80xi32, #tpu.memory_space<vmem>>
        %dma_wait3A_100 = arith.constant 0 : i32
        %dma_wait3A_101 = arith.constant 0 : i32
        %dma_wait3A_102 = tpu.memref_slice %arg2[%dma_wait3A_100, %dma_wait3A_101] : memref<10000x64xi32, #tpu.memory_space<hbm>> -> memref<10000x64xi32, #tpu.memory_space<hbm>>
        tpu.wait_indirect_dma semaphore(%arg15 : memref<!tpu.dma_semaphore, #tpu.memory_space<semaphore_mem>>) src(%dma_wait3A_102 : memref<10000x64xi32, #tpu.memory_space<hbm>>) dst(%arg10 : memref<80x64xi32, #tpu.memory_space<vmem>>)
        %scan3A_103 = arith.constant 0 : i32
        %scan3A_104 = arith.constant 0 : i32
        %scan3A_105 = arith.constant 40 : i32
        %scan3A_106 = arith.addi %scan3A_104, %scan3A_105 : i32
        %scan3A_107 = arith.constant 1 : i32
        %scan3A_108 = scf.for %scan3A_115 = %scan3A_104 to %scan3A_106 step %scan3A_107 iter_args(%scan3A_116 = %scan3A_103) -> (i32)  : i32 {
          %mul3A_117 = arith.constant 2 : i32
          %mul3A_118 = arith.muli %scan3A_115, %mul3A_117 : i32
          %add3A_119 = arith.constant 1 : i32
          %add3A_120 = arith.addi %mul3A_118, %add3A_119 : i32
          %scan3A_121 = arith.constant 0 : i32
          %scan3A_122 = arith.constant 0 : i32
          %scan3A_123 = arith.constant 4 : i32
          %scan3A_124 = arith.addi %scan3A_122, %scan3A_123 : i32
          %scan3A_125 = arith.constant 1 : i32
          %scan3A_126 = scf.for %scan3A_128 = %scan3A_122 to %scan3A_124 step %scan3A_125 iter_args(%scan3A_129 = %scan3A_121) -> (i32)  : i32 {
            %mul3A_130 = arith.constant 16 : i32
            %mul3A_131 = arith.muli %scan3A_128, %mul3A_130 : i32
            %get3A = arith.index_cast %mul3A_118 : i32 to index
            %get3A_132 = arith.index_cast %mul3A_131 : i32 to index
            %get3A_133 = tpu.vector_load %arg9[%get3A, %get3A_132] {strides = array<i32>} : memref<80x64xi32, #tpu.memory_space<vmem>>, vector<16xi32>,
            %bitcast3A = vector.bitcast %get3A_133 : vector<16xi32> to vector<32xbf16>
            %get3A_134 = arith.index_cast %mul3A_118 : i32 to index
            %get3A_135 = arith.index_cast %mul3A_131 : i32 to index
            %get3A_136 = tpu.vector_load %arg10[%get3A_134, %get3A_135] {strides = array<i32>} : memref<80x64xi32, #tpu.memory_space<vmem>>, vector<16xi32>,
            %bitcast3A_137 = vector.bitcast %get3A_136 : vector<16xi32> to vector<32xbf16>
            %get3A_138 = arith.index_cast %add3A_120 : i32 to index
            %get3A_139 = arith.index_cast %mul3A_131 : i32 to index
            %get3A_140 = tpu.vector_load %arg9[%get3A_138, %get3A_139] {strides = array<i32>} : memref<80x64xi32, #tpu.memory_space<vmem>>, vector<16xi32>,
            %bitcast3A_141 = vector.bitcast %get3A_140 : vector<16xi32> to vector<32xbf16>
            %get3A_142 = arith.index_cast %add3A_120 : i32 to index
            %get3A_143 = arith.index_cast %mul3A_131 : i32 to index
            %get3A_144 = tpu.vector_load %arg10[%get3A_142, %get3A_143] {strides = array<i32>} : memref<80x64xi32, #tpu.memory_space<vmem>>, vector<16xi32>,
            %bitcast3A_145 = vector.bitcast %get3A_144 : vector<16xi32> to vector<32xbf16>
            %unpack3A = tpu.unpack_subelements %bitcast3A, 0 {pack_format = #tpu.pack_format<interleaved>} : vector<32xbf16> -> vector<16xf32>
            %unpack3A_146 = tpu.unpack_subelements %bitcast3A, 1 {pack_format = #tpu.pack_format<interleaved>} : vector<32xbf16> -> vector<16xf32>
            %unpack3A_147 = tpu.unpack_subelements %bitcast3A_137, 0 {pack_format = #tpu.pack_format<interleaved>} : vector<32xbf16> -> vector<16xf32>
            %unpack3A_148 = tpu.unpack_subelements %bitcast3A_137, 1 {pack_format = #tpu.pack_format<interleaved>} : vector<32xbf16> -> vector<16xf32>
            %unpack3A_149 = tpu.unpack_subelements %bitcast3A_141, 0 {pack_format = #tpu.pack_format<interleaved>} : vector<32xbf16> -> vector<16xf32>
            %unpack3A_150 = tpu.unpack_subelements %bitcast3A_141, 1 {pack_format = #tpu.pack_format<interleaved>} : vector<32xbf16> -> vector<16xf32>
            %unpack3A_151 = tpu.unpack_subelements %bitcast3A_145, 0 {pack_format = #tpu.pack_format<interleaved>} : vector<32xbf16> -> vector<16xf32>
            %unpack3A_152 = tpu.unpack_subelements %bitcast3A_145, 1 {pack_format = #tpu.pack_format<interleaved>} : vector<32xbf16> -> vector<16xf32>
            %add3A_153 = arith.addf %unpack3A, %unpack3A_147 : vector<16xf32>
            %add3A_154 = arith.addf %unpack3A_146, %unpack3A_148 : vector<16xf32>
            %add3A_155 = arith.addf %unpack3A_149, %unpack3A_151 : vector<16xf32>
            %add3A_156 = arith.addf %unpack3A_150, %unpack3A_152 : vector<16xf32>
            %pack3A = tpu.pack_subelements %add3A_153, %add3A_155 {pack_format = #tpu.pack_format<interleaved>, positions = array<i32: 0, 1>} : vector<16xf32>, vector<16xf32> -> vector<32xbf16>
            %bitcast3A_157 = vector.bitcast %pack3A : vector<32xbf16> to vector<16xi32>
            %pack3A_158 = tpu.pack_subelements %add3A_154, %add3A_156 {pack_format = #tpu.pack_format<interleaved>, positions = array<i32: 0, 1>} : vector<16xf32>, vector<16xf32> -> vector<32xbf16>
            %bitcast3A_159 = vector.bitcast %pack3A_158 : vector<32xbf16> to vector<16xi32>
            %swap3A = arith.index_cast %scan3A_115 : i32 to index
            %swap3A_160 = arith.index_cast %mul3A_131 : i32 to index
            %swap3A_161 = tpu.vector_load %arg13[%swap3A, %swap3A_160] {strides = array<i32>} : memref<40x128xi32, #tpu.memory_space<vmem>>, vector<16xi32>,
            tpu.vector_store %arg13[%swap3A, %swap3A_160], %bitcast3A_157 {strides = array<i32>} : memref<40x128xi32, #tpu.memory_space<vmem>>, vector<16xi32>,
            %add3A_162 = arith.constant 64 : i32
            %add3A_163 = arith.addi %add3A_162, %mul3A_131 : i32
            %swap3A_164 = arith.index_cast %scan3A_115 : i32 to index
            %swap3A_165 = arith.index_cast %add3A_163 : i32 to index
            %swap3A_166 = tpu.vector_load %arg13[%swap3A_164, %swap3A_165] {strides = array<i32>} : memref<40x128xi32, #tpu.memory_space<vmem>>, vector<16xi32>,
            tpu.vector_store %arg13[%swap3A_164, %swap3A_165], %bitcast3A_159 {strides = array<i32>} : memref<40x128xi32, #tpu.memory_space<vmem>>, vector<16xi32>,
            %scan3A_167 = arith.constant 0 : i32
            scf.yield %scan3A_167 : i32
          }
          %scan3A_127 = arith.constant 4 : i32
          scf.yield %scan3A_126 : i32
        }
        %scan3A_109 = arith.constant 40 : i32
        %mul3A_110 = arith.constant 1000 : i32
        %mul3A_111 = arith.muli %add3A, %mul3A_110 : i32
        %mul3A_112 = arith.constant 40 : i32
        %mul3A_113 = arith.muli %scan3A_35, %mul3A_112 : i32
        %add3A_114 = arith.addi %mul3A_111, %mul3A_113 : i32
        "tpu.region"() ({
          %run_scoped3A = tpu.sem_alloc : memref<!tpu.dma_semaphore, #tpu.memory_space<semaphore_mem>>
          %dma_start3A_115 = arith.constant 0 : i32
          %dma_start3A_116 = tpu.memref_slice %arg5[%add3A_114, %dma_start3A_115] : memref<32000x128xi32, #tpu.memory_space<hbm>> -> memref<40x128xi32, #tpu.memory_space<hbm>>
          %dma_start3A_117 = arith.constant 0 : i32
          %dma_start3A_118 = tpu.memref_slice %arg5[%add3A_114, %dma_start3A_117] : memref<32000x128xi32, #tpu.memory_space<hbm>> -> memref<40x128xi32, #tpu.memory_space<hbm>>
          tpu.enqueue_dma source(%arg13 : memref<40x128xi32, #tpu.memory_space<vmem>>) target(%dma_start3A_118 : memref<40x128xi32, #tpu.memory_space<hbm>>) target_semaphore(%run_scoped3A : memref<!tpu.dma_semaphore, #tpu.memory_space<semaphore_mem>>)
          %dma_wait3A_119 = arith.constant 0 : i32
          %dma_wait3A_120 = tpu.memref_slice %arg5[%add3A_114, %dma_wait3A_119] : memref<32000x128xi32, #tpu.memory_space<hbm>> -> memref<40x128xi32, #tpu.memory_space<hbm>>
          %dma_wait3A_121 = arith.constant 0 : i32
          %dma_wait3A_122 = tpu.memref_slice %arg5[%add3A_114, %dma_wait3A_121] : memref<32000x128xi32, #tpu.memory_space<hbm>> -> memref<40x128xi32, #tpu.memory_space<hbm>>
          tpu.wait_dma2 semaphore(%run_scoped3A : memref<!tpu.dma_semaphore, #tpu.memory_space<semaphore_mem>>) src(%arg13 : memref<40x128xi32, #tpu.memory_space<vmem>>) dst(%dma_wait3A_122 : memref<40x128xi32, #tpu.memory_space<hbm>>)
          tpu.yield
        }) : () -> ()
      } else {
      }
      %jit3A_55 = arith.constant 2 : i32
      %eq3A_56 = arith.constant 0 : i32
      %eq3A_57 = arith.cmpi eq, %jit3A_55, %eq3A_56 : i32
      %jit3A_58 = arith.constant 1 : i32
      %select_n3A_59 = arith.select %eq3A_57, %jit3A_58, %jit3A_55 : i32
      %rem3A_60 = arith.remsi %scan3A_35, %select_n3A_59 : i32
      %ne3A_61 = arith.constant 0 : i32
      %ne3A_62 = arith.cmpi ne, %rem3A_60, %ne3A_61 : i32
      %lt3A_63 = arith.constant 0 : i32
      %lt3A_64 = arith.cmpi slt, %rem3A_60, %lt3A_63 : i32
      %lt3A_65 = arith.constant 0 : i32
      %lt3A_66 = arith.cmpi slt, %select_n3A_59, %lt3A_65 : i32
      %ne3A_67 = arith.xori %lt3A_64, %lt3A_66 : i1
      %and3A_68 = arith.andi %ne3A_67, %ne3A_62 : i1
      %add3A_69 = arith.addi %rem3A_60, %select_n3A_59 : i32
      %select_n3A_70 = arith.select %and3A_68, %add3A_69, %rem3A_60 : i32
      %eq3A_71 = arith.constant 1 : i32
      %eq3A_72 = arith.cmpi eq, %select_n3A_70, %eq3A_71 : i32
      %convert_element_type3A_73 = arith.extui %eq3A_72 : i1 to i32
      %cond3A_74 = arith.constant 0 : i32
      %cond3A_75 = arith.cmpi ne, %convert_element_type3A_73, %cond3A_74 : i32
      scf.if %cond3A_75 {
        %dma_start3A_77 = arith.constant 0 : i32
        %dma_start3A_78 = tpu.memref_slice %arg7[%min3A_39, %dma_start3A_77] : memref<25x80xi32, #tpu.memory_space<vmem>> -> memref<1x80xi32, #tpu.memory_space<vmem>>
        %dma_start3A_79 = tpu.memref_squeeze %dma_start3A_78 : memref<1x80xi32, #tpu.memory_space<vmem>> -> memref<80xi32, #tpu.memory_space<vmem>>
        %dma_start3A_80 = arith.constant 0 : i32
        %dma_start3A_81 = arith.constant 0 : i32
        %dma_start3A_82 = tpu.memref_slice %arg6[%dma_start3A_80, %dma_start3A_81] : memref<10000x64xi32, #tpu.memory_space<vmem_shared>> -> memref<10000x64xi32, #tpu.memory_space<vmem_shared>>
        tpu.enqueue_indirect_dma source(%dma_start3A_82 : memref<10000x64xi32, #tpu.memory_space<vmem_shared>>) target(%arg9 : memref<80x64xi32, #tpu.memory_space<vmem>>) offsets(%dma_start3A_79 : memref<80xi32, #tpu.memory_space<vmem>>) semaphore(%arg14 : memref<!tpu.dma_semaphore, #tpu.memory_space<semaphore_mem>>)
        %dma_start3A_83 = arith.constant 0 : i32
        %dma_start3A_84 = tpu.memref_slice %arg8[%min3A_39, %dma_start3A_83] : memref<25x80xi32, #tpu.memory_space<vmem>> -> memref<1x80xi32, #tpu.memory_space<vmem>>
        %dma_start3A_85 = tpu.memref_squeeze %dma_start3A_84 : memref<1x80xi32, #tpu.memory_space<vmem>> -> memref<80xi32, #tpu.memory_space<vmem>>
        %dma_start3A_86 = arith.constant 0 : i32
        %dma_start3A_87 = arith.constant 0 : i32
        %dma_start3A_88 = tpu.memref_slice %arg6[%dma_start3A_86, %dma_start3A_87] : memref<10000x64xi32, #tpu.memory_space<vmem_shared>> -> memref<10000x64xi32, #tpu.memory_space<vmem_shared>>
        tpu.enqueue_indirect_dma source(%dma_start3A_88 : memref<10000x64xi32, #tpu.memory_space<vmem_shared>>) target(%arg10 : memref<80x64xi32, #tpu.memory_space<vmem>>) offsets(%dma_start3A_85 : memref<80xi32, #tpu.memory_space<vmem>>) semaphore(%arg15 : memref<!tpu.dma_semaphore, #tpu.memory_space<semaphore_mem>>)
        %dma_wait3A_89 = arith.constant 0 : i32
        %dma_wait3A_90 = arith.constant 0 : i32
        %dma_wait3A_91 = tpu.memref_slice %arg7[%dma_wait3A_89, %dma_wait3A_90] : memref<25x80xi32, #tpu.memory_space<vmem>> -> memref<1x80xi32, #tpu.memory_space<vmem>>
        %dma_wait3A_92 = tpu.memref_squeeze %dma_wait3A_91 : memref<1x80xi32, #tpu.memory_space<vmem>> -> memref<80xi32, #tpu.memory_space<vmem>>
        %dma_wait3A_93 = arith.constant 0 : i32
        %dma_wait3A_94 = arith.constant 0 : i32
        %dma_wait3A_95 = tpu.memref_slice %arg2[%dma_wait3A_93, %dma_wait3A_94] : memref<10000x64xi32, #tpu.memory_space<hbm>> -> memref<10000x64xi32, #tpu.memory_space<hbm>>
        tpu.wait_indirect_dma semaphore(%arg16 : memref<!tpu.dma_semaphore, #tpu.memory_space<semaphore_mem>>) src(%dma_wait3A_95 : memref<10000x64xi32, #tpu.memory_space<hbm>>) dst(%arg11 : memref<80x64xi32, #tpu.memory_space<vmem>>)
        %dma_wait3A_96 = arith.constant 0 : i32
        %dma_wait3A_97 = arith.constant 0 : i32
        %dma_wait3A_98 = tpu.memref_slice %arg8[%dma_wait3A_96, %dma_wait3A_97] : memref<25x80xi32, #tpu.memory_space<vmem>> -> memref<1x80xi32, #tpu.memory_space<vmem>>
        %dma_wait3A_99 = tpu.memref_squeeze %dma_wait3A_98 : memref<1x80xi32, #tpu.memory_space<vmem>> -> memref<80xi32, #tpu.memory_space<vmem>>
        %dma_wait3A_100 = arith.constant 0 : i32
        %dma_wait3A_101 = arith.constant 0 : i32
        %dma_wait3A_102 = tpu.memref_slice %arg2[%dma_wait3A_100, %dma_wait3A_101] : memref<10000x64xi32, #tpu.memory_space<hbm>> -> memref<10000x64xi32, #tpu.memory_space<hbm>>
        tpu.wait_indirect_dma semaphore(%arg17 : memref<!tpu.dma_semaphore, #tpu.memory_space<semaphore_mem>>) src(%dma_wait3A_102 : memref<10000x64xi32, #tpu.memory_space<hbm>>) dst(%arg12 : memref<80x64xi32, #tpu.memory_space<vmem>>)
        %scan3A_103 = arith.constant 0 : i32
        %scan3A_104 = arith.constant 0 : i32
        %scan3A_105 = arith.constant 40 : i32
        %scan3A_106 = arith.addi %scan3A_104, %scan3A_105 : i32
        %scan3A_107 = arith.constant 1 : i32
        %scan3A_108 = scf.for %scan3A_115 = %scan3A_104 to %scan3A_106 step %scan3A_107 iter_args(%scan3A_116 = %scan3A_103) -> (i32)  : i32 {
          %mul3A_117 = arith.constant 2 : i32
          %mul3A_118 = arith.muli %scan3A_115, %mul3A_117 : i32
          %add3A_119 = arith.constant 1 : i32
          %add3A_120 = arith.addi %mul3A_118, %add3A_119 : i32
          %scan3A_121 = arith.constant 0 : i32
          %scan3A_122 = arith.constant 0 : i32
          %scan3A_123 = arith.constant 4 : i32
          %scan3A_124 = arith.addi %scan3A_122, %scan3A_123 : i32
          %scan3A_125 = arith.constant 1 : i32
          %scan3A_126 = scf.for %scan3A_128 = %scan3A_122 to %scan3A_124 step %scan3A_125 iter_args(%scan3A_129 = %scan3A_121) -> (i32)  : i32 {
            %mul3A_130 = arith.constant 16 : i32
            %mul3A_131 = arith.muli %scan3A_128, %mul3A_130 : i32
            %get3A = arith.index_cast %mul3A_118 : i32 to index
            %get3A_132 = arith.index_cast %mul3A_131 : i32 to index
            %get3A_133 = tpu.vector_load %arg11[%get3A, %get3A_132] {strides = array<i32>} : memref<80x64xi32, #tpu.memory_space<vmem>>, vector<16xi32>,
            %bitcast3A = vector.bitcast %get3A_133 : vector<16xi32> to vector<32xbf16>
            %get3A_134 = arith.index_cast %mul3A_118 : i32 to index
            %get3A_135 = arith.index_cast %mul3A_131 : i32 to index
            %get3A_136 = tpu.vector_load %arg12[%get3A_134, %get3A_135] {strides = array<i32>} : memref<80x64xi32, #tpu.memory_space<vmem>>, vector<16xi32>,
            %bitcast3A_137 = vector.bitcast %get3A_136 : vector<16xi32> to vector<32xbf16>
            %get3A_138 = arith.index_cast %add3A_120 : i32 to index
            %get3A_139 = arith.index_cast %mul3A_131 : i32 to index
            %get3A_140 = tpu.vector_load %arg11[%get3A_138, %get3A_139] {strides = array<i32>} : memref<80x64xi32, #tpu.memory_space<vmem>>, vector<16xi32>,
            %bitcast3A_141 = vector.bitcast %get3A_140 : vector<16xi32> to vector<32xbf16>
            %get3A_142 = arith.index_cast %add3A_120 : i32 to index
            %get3A_143 = arith.index_cast %mul3A_131 : i32 to index
            %get3A_144 = tpu.vector_load %arg12[%get3A_142, %get3A_143] {strides = array<i32>} : memref<80x64xi32, #tpu.memory_space<vmem>>, vector<16xi32>,
            %bitcast3A_145 = vector.bitcast %get3A_144 : vector<16xi32> to vector<32xbf16>
            %unpack3A = tpu.unpack_subelements %bitcast3A, 0 {pack_format = #tpu.pack_format<interleaved>} : vector<32xbf16> -> vector<16xf32>
            %unpack3A_146 = tpu.unpack_subelements %bitcast3A, 1 {pack_format = #tpu.pack_format<interleaved>} : vector<32xbf16> -> vector<16xf32>
            %unpack3A_147 = tpu.unpack_subelements %bitcast3A_137, 0 {pack_format = #tpu.pack_format<interleaved>} : vector<32xbf16> -> vector<16xf32>
            %unpack3A_148 = tpu.unpack_subelements %bitcast3A_137, 1 {pack_format = #tpu.pack_format<interleaved>} : vector<32xbf16> -> vector<16xf32>
            %unpack3A_149 = tpu.unpack_subelements %bitcast3A_141, 0 {pack_format = #tpu.pack_format<interleaved>} : vector<32xbf16> -> vector<16xf32>
            %unpack3A_150 = tpu.unpack_subelements %bitcast3A_141, 1 {pack_format = #tpu.pack_format<interleaved>} : vector<32xbf16> -> vector<16xf32>
            %unpack3A_151 = tpu.unpack_subelements %bitcast3A_145, 0 {pack_format = #tpu.pack_format<interleaved>} : vector<32xbf16> -> vector<16xf32>
            %unpack3A_152 = tpu.unpack_subelements %bitcast3A_145, 1 {pack_format = #tpu.pack_format<interleaved>} : vector<32xbf16> -> vector<16xf32>
            %add3A_153 = arith.addf %unpack3A, %unpack3A_147 : vector<16xf32>
            %add3A_154 = arith.addf %unpack3A_146, %unpack3A_148 : vector<16xf32>
            %add3A_155 = arith.addf %unpack3A_149, %unpack3A_151 : vector<16xf32>
            %add3A_156 = arith.addf %unpack3A_150, %unpack3A_152 : vector<16xf32>
            %pack3A = tpu.pack_subelements %add3A_153, %add3A_155 {pack_format = #tpu.pack_format<interleaved>, positions = array<i32: 0, 1>} : vector<16xf32>, vector<16xf32> -> vector<32xbf16>
            %bitcast3A_157 = vector.bitcast %pack3A : vector<32xbf16> to vector<16xi32>
            %pack3A_158 = tpu.pack_subelements %add3A_154, %add3A_156 {pack_format = #tpu.pack_format<interleaved>, positions = array<i32: 0, 1>} : vector<16xf32>, vector<16xf32> -> vector<32xbf16>
            %bitcast3A_159 = vector.bitcast %pack3A_158 : vector<32xbf16> to vector<16xi32>
            %swap3A = arith.index_cast %scan3A_115 : i32 to index
            %swap3A_160 = arith.index_cast %mul3A_131 : i32 to index
            %swap3A_161 = tpu.vector_load %arg13[%swap3A, %swap3A_160] {strides = array<i32>} : memref<40x128xi32, #tpu.memory_space<vmem>>, vector<16xi32>,
            tpu.vector_store %arg13[%swap3A, %swap3A_160], %bitcast3A_157 {strides = array<i32>} : memref<40x128xi32, #tpu.memory_space<vmem>>, vector<16xi32>,
            %add3A_162 = arith.constant 64 : i32
            %add3A_163 = arith.addi %add3A_162, %mul3A_131 : i32
            %swap3A_164 = arith.index_cast %scan3A_115 : i32 to index
            %swap3A_165 = arith.index_cast %add3A_163 : i32 to index
            %swap3A_166 = tpu.vector_load %arg13[%swap3A_164, %swap3A_165] {strides = array<i32>} : memref<40x128xi32, #tpu.memory_space<vmem>>, vector<16xi32>,
            tpu.vector_store %arg13[%swap3A_164, %swap3A_165], %bitcast3A_159 {strides = array<i32>} : memref<40x128xi32, #tpu.memory_space<vmem>>, vector<16xi32>,
            %scan3A_167 = arith.constant 0 : i32
            scf.yield %scan3A_167 : i32
          }
          %scan3A_127 = arith.constant 4 : i32
          scf.yield %scan3A_126 : i32
        }
        %scan3A_109 = arith.constant 40 : i32
        %mul3A_110 = arith.constant 1000 : i32
        %mul3A_111 = arith.muli %add3A, %mul3A_110 : i32
        %mul3A_112 = arith.constant 40 : i32
        %mul3A_113 = arith.muli %scan3A_35, %mul3A_112 : i32
        %add3A_114 = arith.addi %mul3A_111, %mul3A_113 : i32
        "tpu.region"() ({
          %run_scoped3A = tpu.sem_alloc : memref<!tpu.dma_semaphore, #tpu.memory_space<semaphore_mem>>
          %dma_start3A_115 = arith.constant 0 : i32
          %dma_start3A_116 = tpu.memref_slice %arg5[%add3A_114, %dma_start3A_115] : memref<32000x128xi32, #tpu.memory_space<hbm>> -> memref<40x128xi32, #tpu.memory_space<hbm>>
          %dma_start3A_117 = arith.constant 0 : i32
          %dma_start3A_118 = tpu.memref_slice %arg5[%add3A_114, %dma_start3A_117] : memref<32000x128xi32, #tpu.memory_space<hbm>> -> memref<40x128xi32, #tpu.memory_space<hbm>>
          tpu.enqueue_dma source(%arg13 : memref<40x128xi32, #tpu.memory_space<vmem>>) target(%dma_start3A_118 : memref<40x128xi32, #tpu.memory_space<hbm>>) target_semaphore(%run_scoped3A : memref<!tpu.dma_semaphore, #tpu.memory_space<semaphore_mem>>)
          %dma_wait3A_119 = arith.constant 0 : i32
          %dma_wait3A_120 = tpu.memref_slice %arg5[%add3A_114, %dma_wait3A_119] : memref<32000x128xi32, #tpu.memory_space<hbm>> -> memref<40x128xi32, #tpu.memory_space<hbm>>
          %dma_wait3A_121 = arith.constant 0 : i32
          %dma_wait3A_122 = tpu.memref_slice %arg5[%add3A_114, %dma_wait3A_121] : memref<32000x128xi32, #tpu.memory_space<hbm>> -> memref<40x128xi32, #tpu.memory_space<hbm>>
          tpu.wait_dma2 semaphore(%run_scoped3A : memref<!tpu.dma_semaphore, #tpu.memory_space<semaphore_mem>>) src(%arg13 : memref<40x128xi32, #tpu.memory_space<vmem>>) dst(%dma_wait3A_122 : memref<40x128xi32, #tpu.memory_space<hbm>>)
          tpu.yield
        }) : () -> ()
      } else {
      }
      %scan3A_76 = arith.constant 0 : i32
      scf.yield %scan3A_76 : i32
    }
    %scan3A_21 = arith.constant 25 : i32
    %dma_wait3A = arith.constant 0 : i32
    %dma_wait3A_22 = arith.constant 0 : i32
    %dma_wait3A_23 = tpu.memref_slice %arg7[%dma_wait3A, %dma_wait3A_22] : memref<25x80xi32, #tpu.memory_space<vmem>> -> memref<1x80xi32, #tpu.memory_space<vmem>>
    %dma_wait3A_24 = tpu.memref_squeeze %dma_wait3A_23 : memref<1x80xi32, #tpu.memory_space<vmem>> -> memref<80xi32, #tpu.memory_space<vmem>>
    %dma_wait3A_25 = arith.constant 0 : i32
    %dma_wait3A_26 = arith.constant 0 : i32
    %dma_wait3A_27 = tpu.memref_slice %arg2[%dma_wait3A_25, %dma_wait3A_26] : memref<10000x64xi32, #tpu.memory_space<hbm>> -> memref<10000x64xi32, #tpu.memory_space<hbm>>
    tpu.wait_indirect_dma semaphore(%arg16 : memref<!tpu.dma_semaphore, #tpu.memory_space<semaphore_mem>>) src(%dma_wait3A_27 : memref<10000x64xi32, #tpu.memory_space<hbm>>) dst(%arg11 : memref<80x64xi32, #tpu.memory_space<vmem>>)
    %dma_wait3A_28 = arith.constant 0 : i32
    %dma_wait3A_29 = arith.constant 0 : i32
    %dma_wait3A_30 = tpu.memref_slice %arg8[%dma_wait3A_28, %dma_wait3A_29] : memref<25x80xi32, #tpu.memory_space<vmem>> -> memref<1x80xi32, #tpu.memory_space<vmem>>
    %dma_wait3A_31 = tpu.memref_squeeze %dma_wait3A_30 : memref<1x80xi32, #tpu.memory_space<vmem>> -> memref<80xi32, #tpu.memory_space<vmem>>
    %dma_wait3A_32 = arith.constant 0 : i32
    %dma_wait3A_33 = arith.constant 0 : i32
    %dma_wait3A_34 = tpu.memref_slice %arg2[%dma_wait3A_32, %dma_wait3A_33] : memref<10000x64xi32, #tpu.memory_space<hbm>> -> memref<10000x64xi32, #tpu.memory_space<hbm>>
    tpu.wait_indirect_dma semaphore(%arg17 : memref<!tpu.dma_semaphore, #tpu.memory_space<semaphore_mem>>) src(%dma_wait3A_34 : memref<10000x64xi32, #tpu.memory_space<hbm>>) dst(%arg12 : memref<80x64xi32, #tpu.memory_space<vmem>>)
    return
  }
}

module attributes {stable_mosaic.version = 14 : i64} {
  func.func @_node_body(%arg0: memref<10000x128xf32, #tpu.memory_space<vmem>>, %arg1: memref<128x128xf32, #tpu.memory_space<vmem>>, %arg2: memref<1x128xf32, #tpu.memory_space<vmem>>, %arg3: memref<128x128xf32, #tpu.memory_space<vmem>>, %arg4: memref<10000x64xi32, #tpu.memory_space<vmem>>) attributes {dimension_semantics = [], scalar_prefetch = 0 : i64, scratch_operands = 0 : i64, tpu.core_type = #tpu.core_type<tc>} {
    %get3A = arith.constant 0 : index
    %get3A_0 = arith.constant 0 : index
    %get3A_1 = vector.load %arg0[%get3A, %get3A_0] : memref<10000x128xf32, #tpu.memory_space<vmem>>, vector<10000x128xf32>
    %get3A_2 = arith.constant 0 : index
    %get3A_3 = arith.constant 0 : index
    %get3A_4 = vector.load %arg1[%get3A_2, %get3A_3] : memref<128x128xf32, #tpu.memory_space<vmem>>, vector<128x128xf32>
    %dot_general3A = arith.constant dense<0.000000e+00> : vector<10000x128xf32>
    %dot_general3A_5 = tpu.matmul %get3A_1, %get3A_4, %dot_general3A {dimension_numbers = #tpu.dot_dimension_numbers<[1], [0], [0], [1], [0, 0, 1, 1], [], []>, transpose_lhs_hint = false} : vector<10000x128xf32>, vector<128x128xf32>, vector<10000x128xf32> -> vector<10000x128xf32>
    %get3A_6 = arith.constant 0 : index
    %get3A_7 = arith.constant 0 : index
    %get3A_8 = vector.load %arg2[%get3A_6, %get3A_7] : memref<1x128xf32, #tpu.memory_space<vmem>>, vector<1x128xf32>
    %add3A = vector.broadcast %get3A_8 : vector<1x128xf32> to vector<10000x128xf32>
    %add3A_9 = arith.addf %dot_general3A_5, %add3A : vector<10000x128xf32>
    %get3A_10 = arith.constant 0 : index
    %get3A_11 = arith.constant 0 : index
    %get3A_12 = vector.load %arg3[%get3A_10, %get3A_11] : memref<128x128xf32, #tpu.memory_space<vmem>>, vector<128x128xf32>
    %dot_general3A_13 = arith.constant dense<0.000000e+00> : vector<10000x128xf32>
    %dot_general3A_14 = tpu.matmul %add3A_9, %get3A_12, %dot_general3A_13 {dimension_numbers = #tpu.dot_dimension_numbers<[1], [0], [0], [1], [0, 0, 1, 1], [], []>, transpose_lhs_hint = false} : vector<10000x128xf32>, vector<128x128xf32>, vector<10000x128xf32> -> vector<10000x128xf32>
    %convert_element_type3A = arith.truncf %dot_general3A_14 : vector<10000x128xf32> to vector<10000x128xbf16>
    %slice3A = vector.extract_strided_slice %convert_element_type3A {offsets = [0, 0], sizes = [10000, 64], strides = [1, 1]} : vector<10000x128xbf16> to vector<10000x64xbf16>
    %bitcast_convert_type3A = tpu.bitcast %slice3A : vector<10000x64xbf16> -> vector<10000x64xi16>
    %slice3A_15 = vector.extract_strided_slice %convert_element_type3A {offsets = [0, 64], sizes = [10000, 64], strides = [1, 1]} : vector<10000x128xbf16> to vector<10000x64xbf16>
    %bitcast_convert_type3A_16 = tpu.bitcast %slice3A_15 : vector<10000x64xbf16> -> vector<10000x64xi16>
    %convert_element_type3A_17 = arith.extui %bitcast_convert_type3A_16 : vector<10000x64xi16> to vector<10000x64xi32>
    %shift_left3A = arith.constant 16 : i32
    %shift_left3A_18 = vector.broadcast %shift_left3A : i32 to vector<10000x64xi32>
    %shift_left3A_19 = arith.shli %convert_element_type3A_17, %shift_left3A_18 : vector<10000x64xi32>
    %convert_element_type3A_20 = arith.extui %bitcast_convert_type3A : vector<10000x64xi16> to vector<10000x64xi32>
    %or3A = arith.ori %shift_left3A_19, %convert_element_type3A_20 : vector<10000x64xi32>
    %bitcast_convert_type3A_21 = tpu.bitcast %or3A : vector<10000x64xi32> -> vector<10000x64xi32>
    %swap3A = arith.constant 0 : index
    %swap3A_22 = arith.constant 0 : index
    %swap3A_23 = vector.load %arg4[%swap3A, %swap3A_22] : memref<10000x64xi32, #tpu.memory_space<vmem>>, vector<10000x64xi32>
    tpu.vector_store %arg4[%swap3A, %swap3A_22], %bitcast_convert_type3A_21 {strides = array<i32>} : memref<10000x64xi32, #tpu.memory_space<vmem>>, vector<10000x64xi32>,
    return
  }
}

module attributes {stable_mosaic.version = 14 : i64} {
  func.func @_edge_body(%arg0: i32, %arg1: memref<6400x128xi32, #tpu.memory_space<vmem>>, %arg2: memref<12800x128xf32, #tpu.memory_space<vmem>>, %arg3: memref<128x128xf32, #tpu.memory_space<vmem>>, %arg4: memref<1x128xf32, #tpu.memory_space<vmem>>, %arg5: memref<128x128xf32, #tpu.memory_space<vmem>>, %arg6: memref<1x128xf32, #tpu.memory_space<vmem>>, %arg7: memref<12800x128xf32, #tpu.memory_space<vmem>>) attributes {dimension_semantics = [#tpu.dimension_semantics<arbitrary>], iteration_bounds = array<i64: 5>, scalar_prefetch = 0 : i64, scratch_operands = 0 : i64, tpu.core_type = #tpu.core_type<tc>, window_params = [{transform_indices = @transform_0, window_bounds = array<i64: 6400, 128>}, {transform_indices = @transform_1, window_bounds = array<i64: 12800, 128>}, {pipeline_mode = #tpu.pipeline_mode<synchronous>, transform_indices = @transform_2, window_bounds = array<i64: 128, 128>}, {pipeline_mode = #tpu.pipeline_mode<synchronous>, transform_indices = @transform_3, window_bounds = array<i64: 1, 128>}, {pipeline_mode = #tpu.pipeline_mode<synchronous>, transform_indices = @transform_4, window_bounds = array<i64: 128, 128>}, {pipeline_mode = #tpu.pipeline_mode<synchronous>, transform_indices = @transform_5, window_bounds = array<i64: 1, 128>}, {transform_indices = @transform_6, window_bounds = array<i64: 12800, 128>}]} {
    %get3A = arith.constant 0 : index
    %get3A_0 = arith.constant 0 : index
    %get3A_1 = vector.load %arg1[%get3A, %get3A_0] : memref<6400x128xi32, #tpu.memory_space<vmem>>, vector<6400x128xi32>
    %bitcast3A = tpu.bitcast %get3A_1 : vector<6400x128xi32> -> vector<12800x128xbf16>
    %convert_element_type3A = arith.extf %bitcast3A : vector<12800x128xbf16> to vector<12800x128xf32>
    %get3A_2 = arith.constant 0 : index
    %get3A_3 = arith.constant 0 : index
    %get3A_4 = vector.load %arg2[%get3A_2, %get3A_3] : memref<12800x128xf32, #tpu.memory_space<vmem>>, vector<12800x128xf32>
    %get3A_5 = arith.constant 0 : index
    %get3A_6 = arith.constant 0 : index
    %get3A_7 = vector.load %arg3[%get3A_5, %get3A_6] : memref<128x128xf32, #tpu.memory_space<vmem>>, vector<128x128xf32>
    %dot_general3A = arith.constant dense<0.000000e+00> : vector<12800x128xf32>
    %dot_general3A_8 = tpu.matmul %get3A_4, %get3A_7, %dot_general3A {dimension_numbers = #tpu.dot_dimension_numbers<[1], [0], [0], [1], [0, 0, 1, 1], [], []>, transpose_lhs_hint = false} : vector<12800x128xf32>, vector<128x128xf32>, vector<12800x128xf32> -> vector<12800x128xf32>
    %get3A_9 = arith.constant 0 : index
    %get3A_10 = arith.constant 0 : index
    %get3A_11 = vector.load %arg4[%get3A_9, %get3A_10] : memref<1x128xf32, #tpu.memory_space<vmem>>, vector<1x128xf32>
    %add3A = vector.broadcast %get3A_11 : vector<1x128xf32> to vector<12800x128xf32>
    %add3A_12 = arith.addf %dot_general3A_8, %add3A : vector<12800x128xf32>
    %add3A_13 = arith.addf %add3A_12, %convert_element_type3A : vector<12800x128xf32>
    %max3A = arith.constant 0.000000e+00 : f32
    %max3A_14 = vector.broadcast %max3A : f32 to vector<12800x128xf32>
    %max3A_15 = arith.maximumf %add3A_13, %max3A_14 : vector<12800x128xf32>
    %get3A_16 = arith.constant 0 : index
    %get3A_17 = arith.constant 0 : index
    %get3A_18 = vector.load %arg5[%get3A_16, %get3A_17] : memref<128x128xf32, #tpu.memory_space<vmem>>, vector<128x128xf32>
    %dot_general3A_19 = arith.constant dense<0.000000e+00> : vector<12800x128xf32>
    %dot_general3A_20 = tpu.matmul %max3A_15, %get3A_18, %dot_general3A_19 {dimension_numbers = #tpu.dot_dimension_numbers<[1], [0], [0], [1], [0, 0, 1, 1], [], []>, transpose_lhs_hint = false} : vector<12800x128xf32>, vector<128x128xf32>, vector<12800x128xf32> -> vector<12800x128xf32>
    %get3A_21 = arith.constant 0 : index
    %get3A_22 = arith.constant 0 : index
    %get3A_23 = vector.load %arg6[%get3A_21, %get3A_22] : memref<1x128xf32, #tpu.memory_space<vmem>>, vector<1x128xf32>
    %add3A_24 = vector.broadcast %get3A_23 : vector<1x128xf32> to vector<12800x128xf32>
    %add3A_25 = arith.addf %dot_general3A_20, %add3A_24 : vector<12800x128xf32>
    %max3A_26 = arith.constant 0.000000e+00 : f32
    %max3A_27 = vector.broadcast %max3A_26 : f32 to vector<12800x128xf32>
    %max3A_28 = arith.maximumf %add3A_25, %max3A_27 : vector<12800x128xf32>
    %swap3A = arith.constant 0 : index
    %swap3A_29 = arith.constant 0 : index
    %swap3A_30 = vector.load %arg7[%swap3A, %swap3A_29] : memref<12800x128xf32, #tpu.memory_space<vmem>>, vector<12800x128xf32>
    tpu.vector_store %arg7[%swap3A, %swap3A_29], %max3A_28 {strides = array<i32>} : memref<12800x128xf32, #tpu.memory_space<vmem>>, vector<12800x128xf32>,
    return
  }
  func.func @transform_0(%arg0: i32) -> (i32, i32) {
    %c0_i32 = arith.constant 0 : i32
    %c0_i32_0 = arith.constant 0 : i32
    return %arg0, %c0_i32 : i32, i32
  }
  func.func @transform_1(%arg0: i32) -> (i32, i32) {
    %add3A = arith.constant 0 : i32
    %add3A_0 = arith.addi %arg0, %add3A : i32
    %c0_i32 = arith.constant 0 : i32
    %c0_i32_1 = arith.constant 0 : i32
    return %add3A_0, %c0_i32 : i32, i32
  }
  func.func @transform_2(%arg0: i32) -> (i32, i32) {
    %c0_i32 = arith.constant 0 : i32
    %c0_i32_0 = arith.constant 0 : i32
    %c0_i32_1 = arith.constant 0 : i32
    return %c0_i32, %c0_i32_0 : i32, i32
  }
  func.func @transform_3(%arg0: i32) -> (i32, i32) {
    %c0_i32 = arith.constant 0 : i32
    %c0_i32_0 = arith.constant 0 : i32
    %c0_i32_1 = arith.constant 0 : i32
    return %c0_i32, %c0_i32_0 : i32, i32
  }
  func.func @transform_4(%arg0: i32) -> (i32, i32) {
    %c0_i32 = arith.constant 0 : i32
    %c0_i32_0 = arith.constant 0 : i32
    %c0_i32_1 = arith.constant 0 : i32
    return %c0_i32, %c0_i32_0 : i32, i32
  }
  func.func @transform_5(%arg0: i32) -> (i32, i32) {
    %c0_i32 = arith.constant 0 : i32
    %c0_i32_0 = arith.constant 0 : i32
    %c0_i32_1 = arith.constant 0 : i32
    return %c0_i32, %c0_i32_0 : i32, i32
  }
  func.func @transform_6(%arg0: i32) -> (i32, i32) {
    %add3A = arith.constant 0 : i32
    %add3A_0 = arith.addi %arg0, %add3A : i32
    %c0_i32 = arith.constant 0 : i32
    %c0_i32_1 = arith.constant 0 : i32
    return %add3A_0, %c0_i32 : i32, i32
  }
}

module attributes {stable_mosaic.version = 14 : i64} {
  func.func @_edge_body_prev(%arg0: i32, %arg1: memref<6400x128xi32, #tpu.memory_space<vmem>>, %arg2: memref<12800x128xf32, #tpu.memory_space<vmem>>, %arg3: memref<128x128xf32, #tpu.memory_space<vmem>>, %arg4: memref<1x128xf32, #tpu.memory_space<vmem>>, %arg5: memref<128x128xf32, #tpu.memory_space<vmem>>, %arg6: memref<1x128xf32, #tpu.memory_space<vmem>>, %arg7: memref<320000x128xf32, #tpu.memory_space<any>>, %arg8: memref<12800x128xf32, #tpu.memory_space<vmem>>) attributes {dimension_semantics = [#tpu.dimension_semantics<arbitrary>], iteration_bounds = array<i64: 5>, scalar_prefetch = 0 : i64, scratch_operands = 0 : i64, tpu.core_type = #tpu.core_type<tc>, window_params = [{transform_indices = @transform_0, window_bounds = array<i64: 6400, 128>}, {transform_indices = @transform_1, window_bounds = array<i64: 12800, 128>}, {pipeline_mode = #tpu.pipeline_mode<synchronous>, transform_indices = @transform_2, window_bounds = array<i64: 128, 128>}, {pipeline_mode = #tpu.pipeline_mode<synchronous>, transform_indices = @transform_3, window_bounds = array<i64: 1, 128>}, {pipeline_mode = #tpu.pipeline_mode<synchronous>, transform_indices = @transform_4, window_bounds = array<i64: 128, 128>}, {pipeline_mode = #tpu.pipeline_mode<synchronous>, transform_indices = @transform_5, window_bounds = array<i64: 1, 128>}, {}, {transform_indices = @transform_7, window_bounds = array<i64: 12800, 128>}]} {
    %get3A = arith.constant 0 : index
    %get3A_0 = arith.constant 0 : index
    %get3A_1 = vector.load %arg1[%get3A, %get3A_0] : memref<6400x128xi32, #tpu.memory_space<vmem>>, vector<6400x128xi32>
    %bitcast3A = tpu.bitcast %get3A_1 : vector<6400x128xi32> -> vector<12800x128xbf16>
    %convert_element_type3A = arith.extf %bitcast3A : vector<12800x128xbf16> to vector<12800x128xf32>
    %get3A_2 = arith.constant 0 : index
    %get3A_3 = arith.constant 0 : index
    %get3A_4 = vector.load %arg2[%get3A_2, %get3A_3] : memref<12800x128xf32, #tpu.memory_space<vmem>>, vector<12800x128xf32>
    %get3A_5 = arith.constant 0 : index
    %get3A_6 = arith.constant 0 : index
    %get3A_7 = vector.load %arg3[%get3A_5, %get3A_6] : memref<128x128xf32, #tpu.memory_space<vmem>>, vector<128x128xf32>
    %dot_general3A = arith.constant dense<0.000000e+00> : vector<12800x128xf32>
    %dot_general3A_8 = tpu.matmul %get3A_4, %get3A_7, %dot_general3A {dimension_numbers = #tpu.dot_dimension_numbers<[1], [0], [0], [1], [0, 0, 1, 1], [], []>, transpose_lhs_hint = false} : vector<12800x128xf32>, vector<128x128xf32>, vector<12800x128xf32> -> vector<12800x128xf32>
    %get3A_9 = arith.constant 0 : index
    %get3A_10 = arith.constant 0 : index
    %get3A_11 = vector.load %arg4[%get3A_9, %get3A_10] : memref<1x128xf32, #tpu.memory_space<vmem>>, vector<1x128xf32>
    %add3A = vector.broadcast %get3A_11 : vector<1x128xf32> to vector<12800x128xf32>
    %add3A_12 = arith.addf %dot_general3A_8, %add3A : vector<12800x128xf32>
    %add3A_13 = arith.addf %add3A_12, %convert_element_type3A : vector<12800x128xf32>
    %max3A = arith.constant 0.000000e+00 : f32
    %max3A_14 = vector.broadcast %max3A : f32 to vector<12800x128xf32>
    %max3A_15 = arith.maximumf %add3A_13, %max3A_14 : vector<12800x128xf32>
    %get3A_16 = arith.constant 0 : index
    %get3A_17 = arith.constant 0 : index
    %get3A_18 = vector.load %arg5[%get3A_16, %get3A_17] : memref<128x128xf32, #tpu.memory_space<vmem>>, vector<128x128xf32>
    %dot_general3A_19 = arith.constant dense<0.000000e+00> : vector<12800x128xf32>
    %dot_general3A_20 = tpu.matmul %max3A_15, %get3A_18, %dot_general3A_19 {dimension_numbers = #tpu.dot_dimension_numbers<[1], [0], [0], [1], [0, 0, 1, 1], [], []>, transpose_lhs_hint = false} : vector<12800x128xf32>, vector<128x128xf32>, vector<12800x128xf32> -> vector<12800x128xf32>
    %get3A_21 = arith.constant 0 : index
    %get3A_22 = arith.constant 0 : index
    %get3A_23 = vector.load %arg6[%get3A_21, %get3A_22] : memref<1x128xf32, #tpu.memory_space<vmem>>, vector<1x128xf32>
    %add3A_24 = vector.broadcast %get3A_23 : vector<1x128xf32> to vector<12800x128xf32>
    %add3A_25 = arith.addf %dot_general3A_20, %add3A_24 : vector<12800x128xf32>
    %max3A_26 = arith.constant 0.000000e+00 : f32
    %max3A_27 = vector.broadcast %max3A_26 : f32 to vector<12800x128xf32>
    %max3A_28 = arith.maximumf %add3A_25, %max3A_27 : vector<12800x128xf32>
    %swap3A = arith.constant 0 : index
    %swap3A_29 = arith.constant 0 : index
    %swap3A_30 = vector.load %arg8[%swap3A, %swap3A_29] : memref<12800x128xf32, #tpu.memory_space<vmem>>, vector<12800x128xf32>
    tpu.vector_store %arg8[%swap3A, %swap3A_29], %max3A_28 {strides = array<i32>} : memref<12800x128xf32, #tpu.memory_space<vmem>>, vector<12800x128xf32>,
    return
  }
  func.func @transform_0(%arg0: i32) -> (i32, i32) {
    %c0_i32 = arith.constant 0 : i32
    %c0_i32_0 = arith.constant 0 : i32
    return %arg0, %c0_i32 : i32, i32
  }
  func.func @transform_1(%arg0: i32) -> (i32, i32) {
    %add3A = arith.constant 5 : i32
    %add3A_0 = arith.addi %arg0, %add3A : i32
    %c0_i32 = arith.constant 0 : i32
    %c0_i32_1 = arith.constant 0 : i32
    return %add3A_0, %c0_i32 : i32, i32
  }
  func.func @transform_2(%arg0: i32) -> (i32, i32) {
    %c0_i32 = arith.constant 0 : i32
    %c0_i32_0 = arith.constant 0 : i32
    %c0_i32_1 = arith.constant 0 : i32
    return %c0_i32, %c0_i32_0 : i32, i32
  }
  func.func @transform_3(%arg0: i32) -> (i32, i32) {
    %c0_i32 = arith.constant 0 : i32
    %c0_i32_0 = arith.constant 0 : i32
    %c0_i32_1 = arith.constant 0 : i32
    return %c0_i32, %c0_i32_0 : i32, i32
  }
  func.func @transform_4(%arg0: i32) -> (i32, i32) {
    %c0_i32 = arith.constant 0 : i32
    %c0_i32_0 = arith.constant 0 : i32
    %c0_i32_1 = arith.constant 0 : i32
    return %c0_i32, %c0_i32_0 : i32, i32
  }
  func.func @transform_5(%arg0: i32) -> (i32, i32) {
    %c0_i32 = arith.constant 0 : i32
    %c0_i32_0 = arith.constant 0 : i32
    %c0_i32_1 = arith.constant 0 : i32
    return %c0_i32, %c0_i32_0 : i32, i32
  }
  func.func @transform_7(%arg0: i32) -> (i32, i32) {
    %add3A = arith.constant 5 : i32
    %add3A_0 = arith.addi %arg0, %add3A : i32
    %c0_i32 = arith.constant 0 : i32
    %c0_i32_1 = arith.constant 0 : i32
    return %add3A_0, %c0_i32 : i32, i32
  }
}

module attributes {stable_mosaic.version = 14 : i64} {
  func.func @_edge_body_prev(%arg0: i32, %arg1: memref<6400x128xi32, #tpu.memory_space<vmem>>, %arg2: memref<12800x128xf32, #tpu.memory_space<vmem>>, %arg3: memref<128x128xf32, #tpu.memory_space<vmem>>, %arg4: memref<1x128xf32, #tpu.memory_space<vmem>>, %arg5: memref<128x128xf32, #tpu.memory_space<vmem>>, %arg6: memref<1x128xf32, #tpu.memory_space<vmem>>, %arg7: memref<320000x128xf32, #tpu.memory_space<any>>, %arg8: memref<12800x128xf32, #tpu.memory_space<vmem>>) attributes {dimension_semantics = [#tpu.dimension_semantics<arbitrary>], iteration_bounds = array<i64: 5>, scalar_prefetch = 0 : i64, scratch_operands = 0 : i64, tpu.core_type = #tpu.core_type<tc>, window_params = [{transform_indices = @transform_0, window_bounds = array<i64: 6400, 128>}, {transform_indices = @transform_1, window_bounds = array<i64: 12800, 128>}, {pipeline_mode = #tpu.pipeline_mode<synchronous>, transform_indices = @transform_2, window_bounds = array<i64: 128, 128>}, {pipeline_mode = #tpu.pipeline_mode<synchronous>, transform_indices = @transform_3, window_bounds = array<i64: 1, 128>}, {pipeline_mode = #tpu.pipeline_mode<synchronous>, transform_indices = @transform_4, window_bounds = array<i64: 128, 128>}, {pipeline_mode = #tpu.pipeline_mode<synchronous>, transform_indices = @transform_5, window_bounds = array<i64: 1, 128>}, {}, {transform_indices = @transform_7, window_bounds = array<i64: 12800, 128>}]} {
    %get3A = arith.constant 0 : index
    %get3A_0 = arith.constant 0 : index
    %get3A_1 = vector.load %arg1[%get3A, %get3A_0] : memref<6400x128xi32, #tpu.memory_space<vmem>>, vector<6400x128xi32>
    %bitcast3A = tpu.bitcast %get3A_1 : vector<6400x128xi32> -> vector<12800x128xbf16>
    %convert_element_type3A = arith.extf %bitcast3A : vector<12800x128xbf16> to vector<12800x128xf32>
    %get3A_2 = arith.constant 0 : index
    %get3A_3 = arith.constant 0 : index
    %get3A_4 = vector.load %arg2[%get3A_2, %get3A_3] : memref<12800x128xf32, #tpu.memory_space<vmem>>, vector<12800x128xf32>
    %get3A_5 = arith.constant 0 : index
    %get3A_6 = arith.constant 0 : index
    %get3A_7 = vector.load %arg3[%get3A_5, %get3A_6] : memref<128x128xf32, #tpu.memory_space<vmem>>, vector<128x128xf32>
    %dot_general3A = arith.constant dense<0.000000e+00> : vector<12800x128xf32>
    %dot_general3A_8 = tpu.matmul %get3A_4, %get3A_7, %dot_general3A {dimension_numbers = #tpu.dot_dimension_numbers<[1], [0], [0], [1], [0, 0, 1, 1], [], []>, transpose_lhs_hint = false} : vector<12800x128xf32>, vector<128x128xf32>, vector<12800x128xf32> -> vector<12800x128xf32>
    %get3A_9 = arith.constant 0 : index
    %get3A_10 = arith.constant 0 : index
    %get3A_11 = vector.load %arg4[%get3A_9, %get3A_10] : memref<1x128xf32, #tpu.memory_space<vmem>>, vector<1x128xf32>
    %add3A = vector.broadcast %get3A_11 : vector<1x128xf32> to vector<12800x128xf32>
    %add3A_12 = arith.addf %dot_general3A_8, %add3A : vector<12800x128xf32>
    %add3A_13 = arith.addf %add3A_12, %convert_element_type3A : vector<12800x128xf32>
    %max3A = arith.constant 0.000000e+00 : f32
    %max3A_14 = vector.broadcast %max3A : f32 to vector<12800x128xf32>
    %max3A_15 = arith.maximumf %add3A_13, %max3A_14 : vector<12800x128xf32>
    %get3A_16 = arith.constant 0 : index
    %get3A_17 = arith.constant 0 : index
    %get3A_18 = vector.load %arg5[%get3A_16, %get3A_17] : memref<128x128xf32, #tpu.memory_space<vmem>>, vector<128x128xf32>
    %dot_general3A_19 = arith.constant dense<0.000000e+00> : vector<12800x128xf32>
    %dot_general3A_20 = tpu.matmul %max3A_15, %get3A_18, %dot_general3A_19 {dimension_numbers = #tpu.dot_dimension_numbers<[1], [0], [0], [1], [0, 0, 1, 1], [], []>, transpose_lhs_hint = false} : vector<12800x128xf32>, vector<128x128xf32>, vector<12800x128xf32> -> vector<12800x128xf32>
    %get3A_21 = arith.constant 0 : index
    %get3A_22 = arith.constant 0 : index
    %get3A_23 = vector.load %arg6[%get3A_21, %get3A_22] : memref<1x128xf32, #tpu.memory_space<vmem>>, vector<1x128xf32>
    %add3A_24 = vector.broadcast %get3A_23 : vector<1x128xf32> to vector<12800x128xf32>
    %add3A_25 = arith.addf %dot_general3A_20, %add3A_24 : vector<12800x128xf32>
    %max3A_26 = arith.constant 0.000000e+00 : f32
    %max3A_27 = vector.broadcast %max3A_26 : f32 to vector<12800x128xf32>
    %max3A_28 = arith.maximumf %add3A_25, %max3A_27 : vector<12800x128xf32>
    %swap3A = arith.constant 0 : index
    %swap3A_29 = arith.constant 0 : index
    %swap3A_30 = vector.load %arg8[%swap3A, %swap3A_29] : memref<12800x128xf32, #tpu.memory_space<vmem>>, vector<12800x128xf32>
    tpu.vector_store %arg8[%swap3A, %swap3A_29], %max3A_28 {strides = array<i32>} : memref<12800x128xf32, #tpu.memory_space<vmem>>, vector<12800x128xf32>,
    return
  }
  func.func @transform_0(%arg0: i32) -> (i32, i32) {
    %c0_i32 = arith.constant 0 : i32
    %c0_i32_0 = arith.constant 0 : i32
    return %arg0, %c0_i32 : i32, i32
  }
  func.func @transform_1(%arg0: i32) -> (i32, i32) {
    %add3A = arith.constant 10 : i32
    %add3A_0 = arith.addi %arg0, %add3A : i32
    %c0_i32 = arith.constant 0 : i32
    %c0_i32_1 = arith.constant 0 : i32
    return %add3A_0, %c0_i32 : i32, i32
  }
  func.func @transform_2(%arg0: i32) -> (i32, i32) {
    %c0_i32 = arith.constant 0 : i32
    %c0_i32_0 = arith.constant 0 : i32
    %c0_i32_1 = arith.constant 0 : i32
    return %c0_i32, %c0_i32_0 : i32, i32
  }
  func.func @transform_3(%arg0: i32) -> (i32, i32) {
    %c0_i32 = arith.constant 0 : i32
    %c0_i32_0 = arith.constant 0 : i32
    %c0_i32_1 = arith.constant 0 : i32
    return %c0_i32, %c0_i32_0 : i32, i32
  }
  func.func @transform_4(%arg0: i32) -> (i32, i32) {
    %c0_i32 = arith.constant 0 : i32
    %c0_i32_0 = arith.constant 0 : i32
    %c0_i32_1 = arith.constant 0 : i32
    return %c0_i32, %c0_i32_0 : i32, i32
  }
  func.func @transform_5(%arg0: i32) -> (i32, i32) {
    %c0_i32 = arith.constant 0 : i32
    %c0_i32_0 = arith.constant 0 : i32
    %c0_i32_1 = arith.constant 0 : i32
    return %c0_i32, %c0_i32_0 : i32, i32
  }
  func.func @transform_7(%arg0: i32) -> (i32, i32) {
    %add3A = arith.constant 10 : i32
    %add3A_0 = arith.addi %arg0, %add3A : i32
    %c0_i32 = arith.constant 0 : i32
    %c0_i32_1 = arith.constant 0 : i32
    return %add3A_0, %c0_i32 : i32, i32
  }
}

module attributes {stable_mosaic.version = 14 : i64} {
  func.func @_edge_body_prev(%arg0: i32, %arg1: memref<6400x128xi32, #tpu.memory_space<vmem>>, %arg2: memref<12800x128xf32, #tpu.memory_space<vmem>>, %arg3: memref<128x128xf32, #tpu.memory_space<vmem>>, %arg4: memref<1x128xf32, #tpu.memory_space<vmem>>, %arg5: memref<128x128xf32, #tpu.memory_space<vmem>>, %arg6: memref<1x128xf32, #tpu.memory_space<vmem>>, %arg7: memref<320000x128xf32, #tpu.memory_space<any>>, %arg8: memref<12800x128xf32, #tpu.memory_space<vmem>>) attributes {dimension_semantics = [#tpu.dimension_semantics<arbitrary>], iteration_bounds = array<i64: 5>, scalar_prefetch = 0 : i64, scratch_operands = 0 : i64, tpu.core_type = #tpu.core_type<tc>, window_params = [{transform_indices = @transform_0, window_bounds = array<i64: 6400, 128>}, {transform_indices = @transform_1, window_bounds = array<i64: 12800, 128>}, {pipeline_mode = #tpu.pipeline_mode<synchronous>, transform_indices = @transform_2, window_bounds = array<i64: 128, 128>}, {pipeline_mode = #tpu.pipeline_mode<synchronous>, transform_indices = @transform_3, window_bounds = array<i64: 1, 128>}, {pipeline_mode = #tpu.pipeline_mode<synchronous>, transform_indices = @transform_4, window_bounds = array<i64: 128, 128>}, {pipeline_mode = #tpu.pipeline_mode<synchronous>, transform_indices = @transform_5, window_bounds = array<i64: 1, 128>}, {}, {transform_indices = @transform_7, window_bounds = array<i64: 12800, 128>}]} {
    %get3A = arith.constant 0 : index
    %get3A_0 = arith.constant 0 : index
    %get3A_1 = vector.load %arg1[%get3A, %get3A_0] : memref<6400x128xi32, #tpu.memory_space<vmem>>, vector<6400x128xi32>
    %bitcast3A = tpu.bitcast %get3A_1 : vector<6400x128xi32> -> vector<12800x128xbf16>
    %convert_element_type3A = arith.extf %bitcast3A : vector<12800x128xbf16> to vector<12800x128xf32>
    %get3A_2 = arith.constant 0 : index
    %get3A_3 = arith.constant 0 : index
    %get3A_4 = vector.load %arg2[%get3A_2, %get3A_3] : memref<12800x128xf32, #tpu.memory_space<vmem>>, vector<12800x128xf32>
    %get3A_5 = arith.constant 0 : index
    %get3A_6 = arith.constant 0 : index
    %get3A_7 = vector.load %arg3[%get3A_5, %get3A_6] : memref<128x128xf32, #tpu.memory_space<vmem>>, vector<128x128xf32>
    %dot_general3A = arith.constant dense<0.000000e+00> : vector<12800x128xf32>
    %dot_general3A_8 = tpu.matmul %get3A_4, %get3A_7, %dot_general3A {dimension_numbers = #tpu.dot_dimension_numbers<[1], [0], [0], [1], [0, 0, 1, 1], [], []>, transpose_lhs_hint = false} : vector<12800x128xf32>, vector<128x128xf32>, vector<12800x128xf32> -> vector<12800x128xf32>
    %get3A_9 = arith.constant 0 : index
    %get3A_10 = arith.constant 0 : index
    %get3A_11 = vector.load %arg4[%get3A_9, %get3A_10] : memref<1x128xf32, #tpu.memory_space<vmem>>, vector<1x128xf32>
    %add3A = vector.broadcast %get3A_11 : vector<1x128xf32> to vector<12800x128xf32>
    %add3A_12 = arith.addf %dot_general3A_8, %add3A : vector<12800x128xf32>
    %add3A_13 = arith.addf %add3A_12, %convert_element_type3A : vector<12800x128xf32>
    %max3A = arith.constant 0.000000e+00 : f32
    %max3A_14 = vector.broadcast %max3A : f32 to vector<12800x128xf32>
    %max3A_15 = arith.maximumf %add3A_13, %max3A_14 : vector<12800x128xf32>
    %get3A_16 = arith.constant 0 : index
    %get3A_17 = arith.constant 0 : index
    %get3A_18 = vector.load %arg5[%get3A_16, %get3A_17] : memref<128x128xf32, #tpu.memory_space<vmem>>, vector<128x128xf32>
    %dot_general3A_19 = arith.constant dense<0.000000e+00> : vector<12800x128xf32>
    %dot_general3A_20 = tpu.matmul %max3A_15, %get3A_18, %dot_general3A_19 {dimension_numbers = #tpu.dot_dimension_numbers<[1], [0], [0], [1], [0, 0, 1, 1], [], []>, transpose_lhs_hint = false} : vector<12800x128xf32>, vector<128x128xf32>, vector<12800x128xf32> -> vector<12800x128xf32>
    %get3A_21 = arith.constant 0 : index
    %get3A_22 = arith.constant 0 : index
    %get3A_23 = vector.load %arg6[%get3A_21, %get3A_22] : memref<1x128xf32, #tpu.memory_space<vmem>>, vector<1x128xf32>
    %add3A_24 = vector.broadcast %get3A_23 : vector<1x128xf32> to vector<12800x128xf32>
    %add3A_25 = arith.addf %dot_general3A_20, %add3A_24 : vector<12800x128xf32>
    %max3A_26 = arith.constant 0.000000e+00 : f32
    %max3A_27 = vector.broadcast %max3A_26 : f32 to vector<12800x128xf32>
    %max3A_28 = arith.maximumf %add3A_25, %max3A_27 : vector<12800x128xf32>
    %swap3A = arith.constant 0 : index
    %swap3A_29 = arith.constant 0 : index
    %swap3A_30 = vector.load %arg8[%swap3A, %swap3A_29] : memref<12800x128xf32, #tpu.memory_space<vmem>>, vector<12800x128xf32>
    tpu.vector_store %arg8[%swap3A, %swap3A_29], %max3A_28 {strides = array<i32>} : memref<12800x128xf32, #tpu.memory_space<vmem>>, vector<12800x128xf32>,
    return
  }
  func.func @transform_0(%arg0: i32) -> (i32, i32) {
    %c0_i32 = arith.constant 0 : i32
    %c0_i32_0 = arith.constant 0 : i32
    return %arg0, %c0_i32 : i32, i32
  }
  func.func @transform_1(%arg0: i32) -> (i32, i32) {
    %add3A = arith.constant 15 : i32
    %add3A_0 = arith.addi %arg0, %add3A : i32
    %c0_i32 = arith.constant 0 : i32
    %c0_i32_1 = arith.constant 0 : i32
    return %add3A_0, %c0_i32 : i32, i32
  }
  func.func @transform_2(%arg0: i32) -> (i32, i32) {
    %c0_i32 = arith.constant 0 : i32
    %c0_i32_0 = arith.constant 0 : i32
    %c0_i32_1 = arith.constant 0 : i32
    return %c0_i32, %c0_i32_0 : i32, i32
  }
  func.func @transform_3(%arg0: i32) -> (i32, i32) {
    %c0_i32 = arith.constant 0 : i32
    %c0_i32_0 = arith.constant 0 : i32
    %c0_i32_1 = arith.constant 0 : i32
    return %c0_i32, %c0_i32_0 : i32, i32
  }
  func.func @transform_4(%arg0: i32) -> (i32, i32) {
    %c0_i32 = arith.constant 0 : i32
    %c0_i32_0 = arith.constant 0 : i32
    %c0_i32_1 = arith.constant 0 : i32
    return %c0_i32, %c0_i32_0 : i32, i32
  }
  func.func @transform_5(%arg0: i32) -> (i32, i32) {
    %c0_i32 = arith.constant 0 : i32
    %c0_i32_0 = arith.constant 0 : i32
    %c0_i32_1 = arith.constant 0 : i32
    return %c0_i32, %c0_i32_0 : i32, i32
  }
  func.func @transform_7(%arg0: i32) -> (i32, i32) {
    %add3A = arith.constant 15 : i32
    %add3A_0 = arith.addi %arg0, %add3A : i32
    %c0_i32 = arith.constant 0 : i32
    %c0_i32_1 = arith.constant 0 : i32
    return %add3A_0, %c0_i32 : i32, i32
  }
}

module attributes {stable_mosaic.version = 14 : i64} {
  func.func @_edge_body_prev(%arg0: i32, %arg1: memref<6400x128xi32, #tpu.memory_space<vmem>>, %arg2: memref<12800x128xf32, #tpu.memory_space<vmem>>, %arg3: memref<128x128xf32, #tpu.memory_space<vmem>>, %arg4: memref<1x128xf32, #tpu.memory_space<vmem>>, %arg5: memref<128x128xf32, #tpu.memory_space<vmem>>, %arg6: memref<1x128xf32, #tpu.memory_space<vmem>>, %arg7: memref<320000x128xf32, #tpu.memory_space<any>>, %arg8: memref<12800x128xf32, #tpu.memory_space<vmem>>) attributes {dimension_semantics = [#tpu.dimension_semantics<arbitrary>], iteration_bounds = array<i64: 5>, scalar_prefetch = 0 : i64, scratch_operands = 0 : i64, tpu.core_type = #tpu.core_type<tc>, window_params = [{transform_indices = @transform_0, window_bounds = array<i64: 6400, 128>}, {transform_indices = @transform_1, window_bounds = array<i64: 12800, 128>}, {pipeline_mode = #tpu.pipeline_mode<synchronous>, transform_indices = @transform_2, window_bounds = array<i64: 128, 128>}, {pipeline_mode = #tpu.pipeline_mode<synchronous>, transform_indices = @transform_3, window_bounds = array<i64: 1, 128>}, {pipeline_mode = #tpu.pipeline_mode<synchronous>, transform_indices = @transform_4, window_bounds = array<i64: 128, 128>}, {pipeline_mode = #tpu.pipeline_mode<synchronous>, transform_indices = @transform_5, window_bounds = array<i64: 1, 128>}, {}, {transform_indices = @transform_7, window_bounds = array<i64: 12800, 128>}]} {
    %get3A = arith.constant 0 : index
    %get3A_0 = arith.constant 0 : index
    %get3A_1 = vector.load %arg1[%get3A, %get3A_0] : memref<6400x128xi32, #tpu.memory_space<vmem>>, vector<6400x128xi32>
    %bitcast3A = tpu.bitcast %get3A_1 : vector<6400x128xi32> -> vector<12800x128xbf16>
    %convert_element_type3A = arith.extf %bitcast3A : vector<12800x128xbf16> to vector<12800x128xf32>
    %get3A_2 = arith.constant 0 : index
    %get3A_3 = arith.constant 0 : index
    %get3A_4 = vector.load %arg2[%get3A_2, %get3A_3] : memref<12800x128xf32, #tpu.memory_space<vmem>>, vector<12800x128xf32>
    %get3A_5 = arith.constant 0 : index
    %get3A_6 = arith.constant 0 : index
    %get3A_7 = vector.load %arg3[%get3A_5, %get3A_6] : memref<128x128xf32, #tpu.memory_space<vmem>>, vector<128x128xf32>
    %dot_general3A = arith.constant dense<0.000000e+00> : vector<12800x128xf32>
    %dot_general3A_8 = tpu.matmul %get3A_4, %get3A_7, %dot_general3A {dimension_numbers = #tpu.dot_dimension_numbers<[1], [0], [0], [1], [0, 0, 1, 1], [], []>, transpose_lhs_hint = false} : vector<12800x128xf32>, vector<128x128xf32>, vector<12800x128xf32> -> vector<12800x128xf32>
    %get3A_9 = arith.constant 0 : index
    %get3A_10 = arith.constant 0 : index
    %get3A_11 = vector.load %arg4[%get3A_9, %get3A_10] : memref<1x128xf32, #tpu.memory_space<vmem>>, vector<1x128xf32>
    %add3A = vector.broadcast %get3A_11 : vector<1x128xf32> to vector<12800x128xf32>
    %add3A_12 = arith.addf %dot_general3A_8, %add3A : vector<12800x128xf32>
    %add3A_13 = arith.addf %add3A_12, %convert_element_type3A : vector<12800x128xf32>
    %max3A = arith.constant 0.000000e+00 : f32
    %max3A_14 = vector.broadcast %max3A : f32 to vector<12800x128xf32>
    %max3A_15 = arith.maximumf %add3A_13, %max3A_14 : vector<12800x128xf32>
    %get3A_16 = arith.constant 0 : index
    %get3A_17 = arith.constant 0 : index
    %get3A_18 = vector.load %arg5[%get3A_16, %get3A_17] : memref<128x128xf32, #tpu.memory_space<vmem>>, vector<128x128xf32>
    %dot_general3A_19 = arith.constant dense<0.000000e+00> : vector<12800x128xf32>
    %dot_general3A_20 = tpu.matmul %max3A_15, %get3A_18, %dot_general3A_19 {dimension_numbers = #tpu.dot_dimension_numbers<[1], [0], [0], [1], [0, 0, 1, 1], [], []>, transpose_lhs_hint = false} : vector<12800x128xf32>, vector<128x128xf32>, vector<12800x128xf32> -> vector<12800x128xf32>
    %get3A_21 = arith.constant 0 : index
    %get3A_22 = arith.constant 0 : index
    %get3A_23 = vector.load %arg6[%get3A_21, %get3A_22] : memref<1x128xf32, #tpu.memory_space<vmem>>, vector<1x128xf32>
    %add3A_24 = vector.broadcast %get3A_23 : vector<1x128xf32> to vector<12800x128xf32>
    %add3A_25 = arith.addf %dot_general3A_20, %add3A_24 : vector<12800x128xf32>
    %max3A_26 = arith.constant 0.000000e+00 : f32
    %max3A_27 = vector.broadcast %max3A_26 : f32 to vector<12800x128xf32>
    %max3A_28 = arith.maximumf %add3A_25, %max3A_27 : vector<12800x128xf32>
    %swap3A = arith.constant 0 : index
    %swap3A_29 = arith.constant 0 : index
    %swap3A_30 = vector.load %arg8[%swap3A, %swap3A_29] : memref<12800x128xf32, #tpu.memory_space<vmem>>, vector<12800x128xf32>
    tpu.vector_store %arg8[%swap3A, %swap3A_29], %max3A_28 {strides = array<i32>} : memref<12800x128xf32, #tpu.memory_space<vmem>>, vector<12800x128xf32>,
    return
  }
  func.func @transform_0(%arg0: i32) -> (i32, i32) {
    %c0_i32 = arith.constant 0 : i32
    %c0_i32_0 = arith.constant 0 : i32
    return %arg0, %c0_i32 : i32, i32
  }
  func.func @transform_1(%arg0: i32) -> (i32, i32) {
    %add3A = arith.constant 20 : i32
    %add3A_0 = arith.addi %arg0, %add3A : i32
    %c0_i32 = arith.constant 0 : i32
    %c0_i32_1 = arith.constant 0 : i32
    return %add3A_0, %c0_i32 : i32, i32
  }
  func.func @transform_2(%arg0: i32) -> (i32, i32) {
    %c0_i32 = arith.constant 0 : i32
    %c0_i32_0 = arith.constant 0 : i32
    %c0_i32_1 = arith.constant 0 : i32
    return %c0_i32, %c0_i32_0 : i32, i32
  }
  func.func @transform_3(%arg0: i32) -> (i32, i32) {
    %c0_i32 = arith.constant 0 : i32
    %c0_i32_0 = arith.constant 0 : i32
    %c0_i32_1 = arith.constant 0 : i32
    return %c0_i32, %c0_i32_0 : i32, i32
  }
  func.func @transform_4(%arg0: i32) -> (i32, i32) {
    %c0_i32 = arith.constant 0 : i32
    %c0_i32_0 = arith.constant 0 : i32
    %c0_i32_1 = arith.constant 0 : i32
    return %c0_i32, %c0_i32_0 : i32, i32
  }
  func.func @transform_5(%arg0: i32) -> (i32, i32) {
    %c0_i32 = arith.constant 0 : i32
    %c0_i32_0 = arith.constant 0 : i32
    %c0_i32_1 = arith.constant 0 : i32
    return %c0_i32, %c0_i32_0 : i32, i32
  }
  func.func @transform_7(%arg0: i32) -> (i32, i32) {
    %add3A = arith.constant 20 : i32
    %add3A_0 = arith.addi %arg0, %add3A : i32
    %c0_i32 = arith.constant 0 : i32
    %c0_i32_1 = arith.constant 0 : i32
    return %add3A_0, %c0_i32 : i32, i32
  }
}

</mosaic_0001>

<sc_bundles>
// kernel: kernel.13.cloned.1.call-start
scs
__scs_entry_jumppad:
0x0: {  	(pc) =	sbr.rel $0x88, $3  }
0x1: {  	(tag) =	ssettag $0x0;
	lr =	simm.s32 $0x1  }
0x2: {  	[smem:$0x3F98] =	sst lr;
	_ =	strace $0xD0000000  }
0x3: {  	_ = 	snop  }
0x4: {  	_ = 	snop  }
0x5: {  	_ = 	snop  }
0x6: {  	_ = 	snop  }
0x7: {  	_ = 	snop  }
__scs_overlays_trampoline_lowered:
0x8: {  	[smem:$0x3FA7] =	sst s0  }
0x9: {  	[smem:$0x3FA8] =	sst s1  }
0xa: {  	[smem:$0x3FA9] =	sst s2  }
0xb: {  	[smem:$0x3FAA] =	sst s3  }
0xc: {  	[smem:$0x3FAB] =	sst s4  }
0xd: {  	[smem:$0x3FAC] =	sst s5  }
0xe: {  	[smem:$0x3FAD] =	sst s6  }
0xf: {  	[smem:$0x3FAE] =	sst s7  }
0x10: {  	[smem:$0x3FAF] =	sst s8  }
0x11: {  	[smem:$0x3FB0] =	sst s9;
	s0 =	simm.s32 @!p0 $0x0  }
0x12: {  	s1 =	sld [smem:$0x3F96];
	s0 =	simm.s32 @p0 $0x1  }
0x13: {  	[smem:$0x3FB1] =	sst s0;
	s0 =	simm.s32 @!p1 $0x0  }
0x14: {  	s2 =	sld [smem:$0x3F95];
	s0 =	simm.s32 @p1 $0x1  }
0x15: {  	[smem:$0x3FB2] =	sst s0;
	s0 =	simm.s32 @!p2 $0x0  }
0x16: {  	s3 =	sld [smem:$0x3FDB];
	s0 =	simm.s32 @p2 $0x1  }
0x17: {  	s4 =	simm.s32 $0x1BF5;
	[smem:$0x3FB4] =	sst s0  }
0x18: {  	s0 =	sld [smem:$0x3F97];
	_ =	swait.ge [sflag:s4], $0x0  }
0x19: {  	s7 =	sld [smem:$0x3F98]  }
0x1a: {  	s8 =	sadd.s32 $0xFFFFE003, lr  }
0x1b: {  	s9 =	sadd.s32 $0xFFFFFEF7, lr;
	s5 =	simm.s32 $0xFFFFFFFF;
	p2 =	slt.u32 s8, $0xFFFFF086  }
0x1c: {  	p1 =	slt.u32 s9, $0xF7A;
	s5 =	simm.s32 @!p2 $0x0  }
0x1d: {  	s5 =	simm.s32 @p1 $0x1;
	p0 =	seq.s32 s7, s2  }
0x1e: {  	s7 =	smul.u32 @!p0 $0xF7A, s2;
	p2 =	seq.s32 @!p0 s5, $0x0  }
0x1f: {  	s9 =	smul.u32 $0xF7A, s1;
	s8 =	simm.s32 @!p0 $0x1BF5;
	p2 =	por !p2, p0  }
0x20: {  	[sflag:s8] =	ssyncset.s32 @!p0 $0xFFFFF086;
	s6 =	sadd.s32 @!p0 s3, s7;
	s7 =	simm.s32 @!p0 $0x108  }
0x21: {  	s3 =	sadd.s32 s3, s9;
	s6 =	sadd.s32 @!p0 $0x88, s6;
	s7 =	simm.s32 @p2 $0x1082  }
0x22: {  	[simem:s7], [sflag:s8] =	dma.local @!p0 [hbm:s6], $0xF7A  }
0x23: {  	s9 =	sor.u32 $0xD0000000, s2;
	s6 =	simm.s32 $0x108;
	_ =	swait.ge @!p0 [sflag:s8], $0x0  }
0x24: {  	s3 =	sadd.s32 $0x88, s3;
	s6 =	simm.s32 @!p1 $0x1082;
	[sflag:s4] =	ssyncset.s32 $0xFFFFF086  }
0x25: {  	[simem:s6], [sflag:s4] =	dma.local [hbm:s3], $0xF7A  }
0x26: {  	[smem:$0x3F98] =	sst s1;
	(tag) =	ssettag s2;
	_ =	strace s9  }
0x27: {  	s1 =	sld [smem:$0x3FA8]  }
0x28: {  	s2 =	sld [smem:$0x3FA9]  }
0x29: {  	s4 =	sld [smem:$0x3FAB]  }
0x2a: {  	p0 =	seq.s32 s5, $0x0;
	s5 =	sld [smem:$0x3FAC]  }
0x2b: {  	s6 =	sld [smem:$0x3FAD]  }
0x2c: {  	s7 =	sld [smem:$0x3FAE]  }
0x2d: {  	s3 =	simm.s32 $0x108;
	s8 =	sld [smem:$0x3FAF]  }
0x2e: {  	s3 =	simm.s32 @!p0 $0x1082;
	s9 =	sld [smem:$0x3FB0]  }
0x2f: {  	lr =	sadd.s32 s0, s3;
	s0 =	sld [smem:$0x3FA7]  }
0x30: {  	s3 =	sld [smem:$0x3FAA]  }
0x31: {  	[smem:$0x3FB3] =	sst s10  }
0x32: {  	s10 =	sld [smem:$0x3FB1];
	_ =	sdelay $0x3  }
0x33: {  	p0 =	seq.s32 s10, $0x1;
	s10 =	sld [smem:$0x3FB3];
	_ =	sdelay $0x3  }
0x34: {  	[smem:$0x3FB3] =	sst s10  }
0x35: {  	s10 =	sld [smem:$0x3FB2];
	_ =	sdelay $0x3  }
0x36: {  	p1 =	seq.s32 s10, $0x1;
	s10 =	sld [smem:$0x3FB3];
	_ =	sdelay $0x3  }
0x37: {  	[smem:$0x3FB3] =	sst s10  }
0x38: {  	s10 =	sld [smem:$0x3FB4]  }
0x39: {  	_ = 	snop;
	(pc) =	sbr.ind lr, $3  }
0x3a: {  	_ = 	snop  }
0x3b: {  	_ = 	snop  }
0x3c: {  	p2 =	seq.s32 s10, $0x1;
	s10 =	sld [smem:$0x3FB3]  }
0x3d: {  	_ =	shalt  }
0x3e: {  	_ =	shalt  }
0x3f: {  	_ =	shalt  }
0x40: {  	_ =	shalt  }
0x41: {  	_ =	shalt  }
0x42: {  	_ =	shalt  }
0x43: {  	_ =	shalt  }
0x44: {  	_ =	shalt  }
0x45: {  	_ =	shalt  }
0x46: {  	_ =	shalt  }
0x47: {  	_ =	shalt  }
0x48: {  	_ =	shalt  }
0x49: {  	_ =	shalt  }
0x4a: {  	_ =	shalt  }
0x4b: {  	_ =	shalt  }
0x4c: {  	_ =	shalt  }
0x4d: {  	_ =	shalt  }
0x4e: {  	_ =	shalt  }
0x4f: {  	_ =	shalt  }
0x50: {  	_ =	shalt  }
0x51: {  	_ =	shalt  }
0x52: {  	_ =	shalt  }
0x53: {  	_ =	shalt  }
0x54: {  	_ =	shalt  }
0x55: {  	_ =	shalt  }
0x56: {  	_ =	shalt  }
0x57: {  	_ =	shalt  }
0x58: {  	_ =	shalt  }
0x59: {  	_ =	shalt  }
0x5a: {  	_ =	shalt  }
0x5b: {  	_ =	shalt  }
0x5c: {  	_ =	shalt  }
0x5d: {  	_ =	shalt  }
0x5e: {  	_ =	shalt  }
0x5f: {  	_ =	shalt  }
0x60: {  	_ =	shalt  }
0x61: {  	_ =	shalt  }
0x62: {  	_ =	shalt  }
0x63: {  	_ =	shalt  }
0x64: {  	_ =	shalt  }
0x65: {  	_ =	shalt  }
0x66: {  	_ =	shalt  }
0x67: {  	_ =	shalt  }
0x68: {  	_ =	shalt  }
0x69: {  	_ =	shalt  }
0x6a: {  	_ =	shalt  }
0x6b: {  	_ =	shalt  }
0x6c: {  	_ =	shalt  }
0x6d: {  	_ =	shalt  }
0x6e: {  	_ =	shalt  }
0x6f: {  	_ =	shalt  }
0x70: {  	_ =	shalt  }
0x71: {  	_ =	shalt  }
0x72: {  	_ =	shalt  }
0x73: {  	_ =	shalt  }
0x74: {  	_ =	shalt  }
0x75: {  	_ =	shalt  }
0x76: {  	_ =	shalt  }
0x77: {  	_ =	shalt  }
0x78: {  	_ =	shalt  }
0x79: {  	_ =	shalt  }
0x7a: {  	_ =	shalt  }
0x7b: {  	_ =	shalt  }
0x7c: {  	_ =	shalt  }
0x7d: {  	_ =	shalt  }
0x7e: {  	_ =	shalt  }
0x7f: {  	_ =	shalt  }
0x80: {  	_ =	shalt  }
0x81: {  	_ =	shalt  }
0x82: {  	_ =	shalt  }
0x83: {  	_ =	shalt  }
0x84: {  	_ =	shalt  }
0x85: {  	_ =	shalt  }
0x86: {  	_ =	shalt  }
0x87: {  	_ =	shalt  }
.Lfunc_end0:
.L_simem_size_0:
called_computation_lowered:
.L_overlay_start_0:
0x88: {  	s2 =	sld [smem:$0x3FD9]  }
0x89: {  	s3 =	sld [smem:$0x3FFE];
	_ =	sdelay $0x1  }
0x8a: {  	s1 =	srdreg.scid  }
0x8b: {  	s0 =	sand.u32 $0x1, s1  }
0x8c: {  	s17 =	sshll.u32 s0, $0xA;
	s2 =	sadd.s32 s3, s2  }
0x8d: {  	s2 =	sadd.s32 s2, s17  }
0x8e: {  	[smem:$0x3FBF] =	sst s2  }
0x8f: {  	_ = 	snop  }
0x90: {  	s2 =	sld [smem:$0x3FD0];
	(tm) =	ssettm $0x1  }
0x91: {  	s18 =	sld [smem:$0x3FFB];
	_ =	sdelay $0x3  }
0x92: {  	_ =	strace s18  }
0x93: {  	s3 =	sld [smem:$0x3FFC];
	_ =	sdelay $0x3  }
0x94: {  	_ =	strace s3  }
0x95: {  	s3 =	sld [smem:$0x3FFD];
	_ =	sdelay $0x3  }
0x96: {  	_ =	strace s3  }
0x97: {  	_ =	strace $0x8FFFFFFF  }
0x98: {  	s19 =	sld [smem:$0x3FDB];
	_ =	sdelay $0x1  }
0x99: {  	s4 =	simm.s32 $_scs_section_size  }
0x9a: {  	s5 =	simm.s32 $_size__tile_overlayer_lowered;
	s6 =	simm.s32 $_tile_overlayer_lowered  }
0x9b: {  	s22 =	simm.s32 $0x1BFF;
	s21 =	sshll.u32 s6, $0x1;
	s3 =	sadd.s32 s4, s19  }
0x9c: {  	s7 =	simm.s32 $0x0;
	s20 =	sshll.u32 s5, $0x1;
	s5 =	sadd.s32 s21, s3  }
0x9d: {  	[timem:s7], [sflag:s22] =	dma.local [hbm:s5], s20  }
0x9e: {  	_ =	swait.ge [sflag:s22], s20  }
0x9f: {  	s4 =	ssub.s32 $0x0, s20;
	[sflag:s22] =	ssyncset.done $0x0  }
0xa0: {  	[sflag:s22] =	ssyncadd.s32 s4;
	_ =	sdelay $0x1  }
0xa1: {  	s23 =	simm.s32 $0x1B8B  }
0xa2: {  	_ =	swait.ge [sflag:s23], $0x1  }
0xa3: {  	[sflag:s23] =	ssyncset.done $0x0  }
0xa4: {  	s25 =	simm.s32 $0x1B8E;
	s24 =	sld [smem:$0x3FFE];
	[sflag:s23] =	ssyncadd.s32 $0xFFFFFFFF  }
0xa5: {  	s26 =	simm.s32 $execute0_lowered;
	[smem:$0x3FD2] =	sst s25  }
0xa6: {  	s5 =	sshll.u32 s26, $0x1;
	_ =	strace $0x80000046;
	[dreg:$0x1] =	wrdreg $0xFFFFFFFF  }
0xa7: {  	s28 =	simm.s32 $_size_execute0_lowered;
	s3 =	sadd.s32 s3, s5;
	[dreg:$0x0] =	wrdreg $0x0  }
0xa8: {  	s5 =	sshll.u32 s28, $0x1;
	[dreg:$0x2] =	wrdreg s3  }
0xa9: {  	[dreg:$0x3] =	wrdreg s5  }
0xaa: {  	[dreg:$0x4] =	wrdreg $0xC0  }
0xab: {  	_ =	task [dreg:s7], $0x5FFFF  }
0xac: {  	[dreg:$0x1] =	wrdreg $0xFFFFFFFF  }
0xad: {  	[dreg:$0x0] =	wrdreg $0x60  }
0xae: {  	[dreg:$0x2] =	wrdreg s24  }
0xaf: {  	[dreg:$0x3] =	wrdreg s2  }
0xb0: {  	[dreg:$0x4] =	wrdreg $0x0  }
0xb1: {  	[dreg:$0x5] =	wrdreg $0x9  }
0xb2: {  	_ =	task.clear_ibuf [dreg:s7], $0x6FFFF;
	_ =	strace $0x90000046  }
0xb3: {  	s29 =	simm.s32 $0x9;
	_ =	strace $0x80000048  }
0xb4: {  	_ =	swait.ge [sflag:s29], $0x1  }
0xb5: {  	[sflag:s29] =	ssyncadd.s32 $0xFFFFFFFF  }
0xb6: {  	_ =	strace $0x90000048  }
0xb7: {  	_ =	sfence  }
0xb8: {  	s30 =	sld [smem:$0x0];
	_ =	sdelay $0x2  }
0xb9: {  	s31 =	sshll.u32 s1, $0xD;
	s1 =	sshrl.u32 s1, $0x2  }
0xba: {  	s3 =	sand.u32 $0x4000, s31;
	s1 =	sadd.s32 s1, s30  }
0xbb: {  	s0 =	sor.u32 s3, s0;
	s1 =	sshll.u32 s1, $0x11  }
0xbc: {  	s0 =	sor.u32 s1, s0  }
0xbd: {  	s0 =	sadd.s32 $0x8F2B, s0  }
0xbe: {  	[sflag:s0] =	ssyncadd.remote.s32 $0x1  }
0xbf: {  	_ =	sfence.sel $0xFFFF  }
0xc0: {  	[dreg:$0x0] =	wrdreg $0xFFFFFFFF;
	(pc) =	sbr.abs _section_cstart, $3  }
0xc1: {  	[dreg:$0x1] =	wrdreg $0xFFFFFFFF  }
0xc2: {  	_ =	task.clear_ibuf [dreg:s7], $0x2FFFF;
	_ =	strace $0x9FFFFFFF  }
0xc3: {  	(tm) =	ssettm $0x7FFFFFFF  }
tec
execute0_lowered:
.L_overlay_start_1:
0x0: {  	(tag) =	ssettag $0x1  }
0x1: {  	s5 =	rddreg [dreg:$0x0]  }
0x2: {  	s0 =	rddreg [dreg:$0x1];
	s1 =	srdreg.scid  }
0x3: {  	s9 =	stileid.u32;
	s2 =	rddreg [dreg:$0x2];
	s3 =	simm.s32 $0x0  }
0x4: {  	s10 =	simm.s32 $0x9C40;
	s11 =	simm.s32 $0x5;
	s12 =	simm.s32 $0xA410  }
0x5: {  	s13 =	simm.s32 $0x50;
	s14 =	simm.s32 $0xABE0;
	s15 =	simm.s32 $0xBFE0  }
0x6: {  	s16 =	simm.s32 $0xD3E0;
	s17 =	simm.s32 $0xE7E0;
	s18 =	simm.s32 $0x1  }
0x7: {  	s19 =	simm.s32 $0x2;
	s20 =	simm.s32 $0xFBE0;
	s21 =	simm.s32 $0x3  }
0x8: {  	s22 =	simm.s32 $0x4;
	s4 =	sand.u32 $0x1, s1;
	s1 =	rddreg [dreg:$0x3]  }
0x9: {  	s23 =	simm.s32 $0x0;
	s6 =	sshll.u32 s9, $0x1;
	[smem:$0x7FF] =	sst s3  }
.Ltmp0:
0xa: {  	p0 =	sne.s32 s9, $0x0;
	s7 =	sor.u32 s4, s6;
	(pc) =	sbr.rel .LBB2_1-.Ltmp0, $4  }
0xb: {  	_ =	strace $0x80000047;
	s8 =	ssub.s32 $0x2, s4;
	s6 =	smul.u32 $0xFA, s7  }
0xc: {  	s4 =	sadd.s32 $0x1E00, s5;
	s9 =	sshrl.u32 @!p0 s2, $0x3;
	s31 =	sshrl.u32 s8, $0x1  }
0xd: {  	s7 =	smul.u32 $0x3E8, s7;
	s8 =	ssub.s32 s8, s31;
	s6 =	sadd.s32 s6, s5  }
0xe: {  	s8 =	smax.u32 s8, $0x1;
	s5 =	sadd.s32 $0x17800, s6;
	s6 =	sadd.s32 $0x15800, s6  }
.LBB2_10:
0xf: {  	s23 =	sadd.s32 $0x1, s23  }
0x10: {  	_ =	swait.ge [sflag:s21], $0x1400;
	p1 =	sne.s32 s23, s8  }
.Ltmp1:
0x11: {  	[sflag:s21] =	ssyncset.done $0x0;
	(pc) =	sbr.rel @!p1 .LBB2_11-.Ltmp1, $4  }
0x12: {  	[sflag:s21] =	ssyncadd.s32 $0xFFFFEC00  }
0x13: {  	_ =	swait.ge [sflag:s22], $0x1400  }
0x14: {  	[sflag:s22] =	ssyncset.done $0x0  }
0x15: {  	[sflag:s22] =	ssyncadd.s32 $0xFFFFEC00  }
.LBB2_1:
0x16: {  	s24 =	simm.s32 @!p0 $0x1C05  }
0x17: {  	[spmem:s9], [sflag:s24] =	dma.local @!p0 [hbm:s4], $0x13880  }
0x18: {  	s24 =	simm.s32 @!p0 $0x5  }
0x19: {  	_ =	swait.ge @!p0 [sflag:s24], $0x13880  }
0x1a: {  	[sflag:s24] =	ssyncset.done @!p0 $0x0  }
0x1b: {  	[sflag:s24] =	ssyncadd.s32 @!p0 $0xFFFEC780  }
0x1c: {  	[tilespmem:s10], [sflag:$0x5] =	stream.linear.gather [hbm4b:s5+s3], $0x7D0, $0x38;
	[tilespmem:$0x10FE0] =	vst v63  }
0x1d: {  	_ =	swait.ge [sflag:s11], $0x7D0  }
0x1e: {  	[sflag:s11] =	ssyncset.done $0x0  }
0x1f: {  	[sflag:s11] =	ssyncadd.s32 $0xFFFFF830  }
0x20: {  	[tilespmem:s12], [sflag:$0x5] =	stream.linear.gather [hbm4b:s6+s3], $0x7D0, $0x38;
	[tilespmem:$0x10FE0] =	vst v63  }
0x21: {  	_ =	swait.ge [sflag:s11], $0x7D0  }
0x22: {  	[sflag:s11] =	ssyncset.done $0x0  }
.Ltmp2:
0x23: {  	[sflag:s11] =	ssyncadd.s32 $0xFFFFF830;
	(pc) =	sbr.rel .LBB2_2-.Ltmp2, $4  }
0x24: {  	[bflag:$0x0] =	sbarrier.arrive $0xFFFF  }
0x25: {  	[tilespmem:s14], [sflag:$0x1] =	stream.indirect.gather [spmem:s2], $0x40, s10, s13, $0xb8;
	[tilespmem:$0x10FE0] =	vst v63  }
0x26: {  	s25 =	simm.s32 $0x0  }
0x27: {  	[tilespmem:s15], [sflag:$0x2] =	stream.indirect.gather [spmem:s2], $0x40, s12, s13, $0xb8;
	[tilespmem:$0x10FE0] =	vst v63  }
.LBB2_8:
0x28: {  	v19 =	vld [tilespmem:s28+$0xE850];
	[tilespmem:s26+$0xFBE0] =	vst v18;
	v5 =	vpack.i.f32.bf16 v8, v5;
	v25 =	vpack.i.f32.bf16 v11, v7;
	v27 =	vadd.f32 v17, v14  }
0x29: {  	v9 =	vpack.i.f32.bf16 v12, v9;
	v29 =	vadd.f32 v16, v10;
	v1 =	vadd.f32 v2, v1;
	v24 =	vld [tilespmem:s28+$0xD3E0];
	[tilespmem:s26+$0xFC20] =	vst v5  }
0x2a: {  	v32 =	vunpack.i.l.bf16.f32 v3;
	v33 =	vunpack.i.l.bf16.f32 v4;
	v34 =	vunpack.i.u.bf16.f32 v3;
	v26 =	vld [tilespmem:s28+$0xE7E0];
	[tilespmem:s26+$0xFBF0] =	vst v25  }
0x2b: {  	v36 =	vunpack.i.u.bf16.f32 v4;
	v37 =	vunpack.i.u.bf16.f32 v6;
	v5 =	vpack.i.f32.bf16 v27, v15;
	v28 =	vld [tilespmem:s28+$0xD420];
	[tilespmem:s26+$0xFC30] =	vst v9  }
0x2c: {  	v39 =	vunpack.i.l.bf16.f32 v6;
	v2 =	vadd.f32 v33, v32;
	v31 =	vpack.i.f32.bf16 v29, v13;
	v30 =	vld [tilespmem:s28+$0xE820];
	[tilespmem:s26+$0xFC00] =	vst v5  }
0x2d: {  	v0 =	vpack.i.f32.bf16 v1, v0;
	v1 =	vadd.f32 v36, v34;
	v5 =	vld [tilespmem:s28+$0xD3F0];
	[tilespmem:s26+$0xFC40] =	vst v31;
	v38 =	vunpack.i.u.bf16.f32 v19  }
0x2e: {  	v48 =	vunpack.i.l.bf16.f32 v19;
	v35 =	vld [tilespmem:s28+$0xE7F0];
	[tilespmem:s26+$0xFC10] =	vst v0;
	v40 =	vadd.f32 v38, v37;
	v42 =	vunpack.i.u.bf16.f32 v24  }
0x2f: {  	v8 =	vunpack.i.l.bf16.f32 v24;
	v0 =	vadd.f32 v48, v39;
	v41 =	vld [tilespmem:s28+$0xD430];
	v43 =	vunpack.i.u.bf16.f32 v26  }
0x30: {  	v44 =	vld [tilespmem:s28+$0xE830];
	v7 =	vunpack.i.l.bf16.f32 v26;
	v45 =	vunpack.i.u.bf16.f32 v28;
	v1 =	vpack.i.f32.bf16 v40, v1  }
0x31: {  	v46 =	vld [tilespmem:s28+$0xD400];
	v11 =	vunpack.i.l.bf16.f32 v28;
	v7 =	vadd.f32 v7, v8;
	v12 =	vadd.f32 v43, v42  }
0x32: {  	v50 =	vld [tilespmem:s28+$0xE800];
	v0 =	vpack.i.f32.bf16 v0, v2;
	v47 =	vunpack.i.u.bf16.f32 v30;
	v10 =	vunpack.i.l.bf16.f32 v30  }
0x33: {  	v18 =	vld [tilespmem:s28+$0xD440];
	v49 =	vunpack.i.u.bf16.f32 v5;
	v5 =	vunpack.i.l.bf16.f32 v5;
	v10 =	vadd.f32 v10, v11  }
0x34: {  	v53 =	vld [tilespmem:s28+$0xE840];
	v15 =	vadd.f32 v47, v45;
	v51 =	vunpack.i.u.bf16.f32 v35;
	v3 =	vunpack.i.l.bf16.f32 v35  }
0x35: {  	v52 =	vunpack.i.u.bf16.f32 v41;
	v6 =	vunpack.i.l.bf16.f32 v41;
	v54 =	vunpack.i.u.bf16.f32 v44  }
0x36: {  	v14 =	vunpack.i.l.bf16.f32 v44;
	v3 =	vadd.f32 v3, v5;
	v55 =	vunpack.i.u.bf16.f32 v46  }
0x37: {  	v4 =	vunpack.i.l.bf16.f32 v46;
	v8 =	vadd.f32 v51, v49;
	v56 =	vunpack.i.u.bf16.f32 v50  }
0x38: {  	[tilespmem:s28+$0xFC50] =	vst v1;
	v17 =	vunpack.i.l.bf16.f32 v50;
	v57 =	vunpack.i.u.bf16.f32 v18;
	v18 =	vunpack.i.l.bf16.f32 v18  }
0x39: {  	[tilespmem:s28+$0xFC10] =	vst v0;
	v7 =	vpack.i.f32.bf16 v10, v7;
	v58 =	vunpack.i.u.bf16.f32 v53;
	v6 =	vadd.f32 v14, v6  }
0x3a: {  	v59 =	vunpack.i.l.bf16.f32 v53;
	v12 =	vpack.i.f32.bf16 v15, v12;
	v11 =	vadd.f32 v54, v52;
	[tilespmem:s28+$0xFBE0] =	vst v7  }
0x3b: {  	v4 =	vadd.f32 v17, v4;
	v60 =	vadd.f32 v59, v18;
	[tilespmem:s28+$0xFC20] =	vst v12;
	v3 =	vpack.i.f32.bf16 v6, v3  }
0x3c: {  	v5 =	vadd.f32 v56, v55;
	v61 =	vadd.f32 v58, v57;
	v8 =	vpack.i.f32.bf16 v11, v8;
	[tilespmem:s28+$0xFBF0] =	vst v3  }
0x3d: {  	v62 =	vpack.i.f32.bf16 v60, v4;
	[tilespmem:s28+$0xFC30] =	vst v8  }
0x3e: {  	v63 =	vpack.i.f32.bf16 v61, v5;
	[tilespmem:s28+$0xFC00] =	vst v62  }
0x3f: {  	s26 =	simm.s32 $0x5;
	[tilespmem:s28+$0xFC40] =	vst v63  }
.LBB2_9:
0x40: {  	s25 =	smul.u32 $0x28, s25;
	_ =	sdelay $0x1  }
0x41: {  	s25 =	sadd.s32 s7, s25  }
0x42: {  	p1 =	sne.s32 s24, $0x19;
	s25 =	sshll.u32 s25, $0x4  }
.Ltmp3:
0x43: {  	s25 =	sadd.s32 s0, s25;
	(pc) =	sbr.rel @!p1 .LBB2_10-.Ltmp3, $4  }
0x44: {  	[hbm4b:s25+s3] =	stream.linear.scatter [tilespmem:s20], [sflag:s26], $0x1400, $0x38;
	[tilespmem:$0x10FE0] =	vst v63  }
0x45: {  	_ =	swait.ge [sflag:s26], $0x1400  }
0x46: {  	[sflag:s26] =	ssyncset.done $0x0  }
0x47: {  	s25 =	smov.u32 s24;
	[sflag:s26] =	ssyncadd.s32 $0xFFFFEC00  }
.LBB2_2:
0x48: {  	s28 =	sand.u32 $0x1, s25  }
0x49: {  	p1 =	seq.s32 s28, $0x1  }
.Ltmp4:
0x4a: {  	s24 =	sadd.s32 $0x1, s25;
	(pc) =	sbr.rel @p1 .LBB2_6-.Ltmp4, $3  }
0x4b: {  	s26 =	smin.u32 s24, $0x18  }
0x4c: {  	s26 =	smul.u32 $0x50, s26;
	_ =	sdelay $0x1  }
0x4d: {  	s28 =	sadd.s32 $0x9C40, s26;
	s26 =	sadd.s32 $0xA410, s26  }
0x4e: {  	[tilespmem:s16], [sflag:$0x3] =	stream.indirect.gather [spmem:s2], $0x40, s28, s13, $0xb8;
	[tilespmem:$0x10FE0] =	vst v63  }
0x4f: {  	_ = 	snop  }
0x50: {  	[tilespmem:s17], [sflag:$0x4] =	stream.indirect.gather [spmem:s2], $0x40, s26, s13, $0xb8;
	[tilespmem:$0x10FE0] =	vst v63  }
0x51: {  	_ =	swait.ge [sflag:s18], $0x1400  }
0x52: {  	[sflag:s18] =	ssyncset.done $0x0  }
0x53: {  	[sflag:s18] =	ssyncadd.s32 $0xFFFFEC00  }
0x54: {  	_ =	swait.ge [sflag:s19], $0x1400  }
0x55: {  	[sflag:s19] =	ssyncset.done $0x0  }
0x56: {  	s26 =	simm.s32 $0x0;
	[sflag:s19] =	ssyncadd.s32 $0xFFFFEC00  }
0x57: {  	v0 =	vld [tilespmem:s26+$0xAC10]  }
0x58: {  	v2 =	vld [tilespmem:s26+$0xC010]  }
0x59: {  	v3 =	vld [tilespmem:s26+$0xAC50]  }
0x5a: {  	v5 =	vld [tilespmem:s26+$0xABE0]  }
0x5b: {  	v7 =	vld [tilespmem:s26+$0xAC20]  }
0x5c: {  	v10 =	vld [tilespmem:s26+$0xC020]  }
0x5d: {  	v16 =	vld [tilespmem:s26+$0xAC00]  }
0x5e: {  	v4 =	vld [tilespmem:s26+$0xC050];
	v8 =	vunpack.i.l.bf16.f32 v0;
	v9 =	vunpack.i.l.bf16.f32 v2  }
0x5f: {  	v6 =	vld [tilespmem:s26+$0xBFE0];
	v11 =	vunpack.i.u.bf16.f32 v0;
	v1 =	vunpack.i.l.bf16.f32 v3;
	v2 =	vunpack.i.u.bf16.f32 v2  }
0x60: {  	v21 =	vld [tilespmem:s26+$0xC040];
	v3 =	vunpack.i.u.bf16.f32 v3;
	v13 =	vunpack.i.u.bf16.f32 v5;
	v5 =	vunpack.i.l.bf16.f32 v5  }
0x61: {  	v12 =	vld [tilespmem:s26+$0xBFF0];
	v15 =	vunpack.i.u.bf16.f32 v7;
	v7 =	vunpack.i.l.bf16.f32 v7;
	v17 =	vunpack.i.u.bf16.f32 v10  }
0x62: {  	v10 =	vunpack.i.l.bf16.f32 v10;
	v22 =	vunpack.i.u.bf16.f32 v16;
	v23 =	vunpack.i.l.bf16.f32 v16  }
0x63: {  	v0 =	vadd.f32 v9, v8;
	v8 =	vld [tilespmem:s26+$0xABF0];
	v9 =	vunpack.i.u.bf16.f32 v4;
	v2 =	vadd.f32 v2, v11  }
0x64: {  	v14 =	vld [tilespmem:s26+$0xC030];
	v11 =	vunpack.i.u.bf16.f32 v6;
	v6 =	vunpack.i.l.bf16.f32 v6;
	v19 =	vadd.f32 v10, v7  }
0x65: {  	v16 =	vunpack.i.u.bf16.f32 v21;
	v3 =	vadd.f32 v9, v3;
	v9 =	vld [tilespmem:s26+$0xAC30];
	v18 =	vadd.f32 v6, v5  }
0x66: {  	v6 =	vld [tilespmem:s26+$0xC000];
	v5 =	vadd.f32 v11, v13;
	v11 =	vunpack.i.u.bf16.f32 v12;
	v12 =	vunpack.i.l.bf16.f32 v12  }
0x67: {  	v13 =	vld [tilespmem:s26+$0xAC40];
	v3 =	vpack.i.f32.bf16 v3, v2;
	v2 =	vunpack.i.l.bf16.f32 v4;
	v18 =	vpack.i.f32.bf16 v19, v18  }
0x68: {  	[tilespmem:s26+$0xFC50] =	vst v3;
	v3 =	vunpack.i.u.bf16.f32 v8;
	v4 =	vunpack.i.l.bf16.f32 v8;
	v8 =	vadd.f32 v17, v15  }
0x69: {  	v15 =	vunpack.i.u.bf16.f32 v14;
	v14 =	vunpack.i.l.bf16.f32 v14;
	v17 =	vunpack.i.l.bf16.f32 v21  }
0x6a: {  	s28 =	simm.s32 $0x80;
	v20 =	vunpack.i.u.bf16.f32 v9;
	v10 =	vunpack.i.l.bf16.f32 v9;
	v7 =	vadd.f32 v12, v4  }
0x6b: {  	v9 =	vadd.f32 v11, v3;
	v24 =	vunpack.i.u.bf16.f32 v6;
	v25 =	vunpack.i.l.bf16.f32 v6;
	v3 =	vld [tilespmem:s28+$0xAC10]  }
0x6c: {  	v4 =	vld [tilespmem:s28+$0xC010];
	v11 =	vadd.f32 v14, v10;
	v10 =	vunpack.i.u.bf16.f32 v13;
	v12 =	vadd.f32 v15, v20  }
0x6d: {  	s29 =	simm.s32 $0x400;
	v6 =	vld [tilespmem:s28+$0xAC50];
	v14 =	vunpack.i.l.bf16.f32 v13;
	v15 =	vadd.f32 v25, v23;
	v13 =	vadd.f32 v24, v22  }
.LBB2_4:
0x6e: {  	p1 =	sne.s32 s29, $0x4E00;
	v19 =	vld [tilespmem:s28+$0xC050];
	v5 =	vpack.i.f32.bf16 v8, v5;
	[tilespmem:s26+$0xFBE0] =	vst v18;
	v8 =	vadd.f32 v17, v14;
	v10 =	vadd.f32 v16, v10  }
0x6f: {  	v1 =	vadd.f32 v2, v1;
	v14 =	vld [tilespmem:s28+$0xABE0];
	[tilespmem:s26+$0xFC20] =	vst v5;
	v5 =	vpack.i.f32.bf16 v11, v7;
	v7 =	vpack.i.f32.bf16 v12, v9  }
0x70: {  	v2 =	vld [tilespmem:s28+$0xBFE0];
	v9 =	vunpack.i.l.bf16.f32 v3;
	[tilespmem:s26+$0xFBF0] =	vst v5;
	v5 =	vpack.i.f32.bf16 v8, v15;
	v8 =	vpack.i.f32.bf16 v10, v13  }
0x71: {  	v10 =	vld [tilespmem:s28+$0xAC20];
	v11 =	vunpack.i.l.bf16.f32 v4;
	[tilespmem:s26+$0xFC30] =	vst v7;
	v7 =	vpack.i.f32.bf16 v1, v0  }
0x72: {  	v3 =	vunpack.i.u.bf16.f32 v3;
	v12 =	vld [tilespmem:s28+$0xC020];
	v1 =	vunpack.i.l.bf16.f32 v6;
	v0 =	vadd.f32 v11, v9;
	[tilespmem:s26+$0xFC00] =	vst v5  }
0x73: {  	v4 =	vunpack.i.u.bf16.f32 v4;
	v6 =	vunpack.i.u.bf16.f32 v6;
	v5 =	vld [tilespmem:s28+$0xABF0];
	v9 =	vunpack.i.u.bf16.f32 v19;
	[tilespmem:s26+$0xFC40] =	vst v8  }
0x74: {  	v3 =	vadd.f32 v4, v3;
	v8 =	vunpack.i.u.bf16.f32 v14;
	v11 =	vld [tilespmem:s28+$0xBFF0];
	v4 =	vadd.f32 v9, v6;
	[tilespmem:s26+$0xFC10] =	vst v7;
	s26 =	smov.u32 s28  }
0x75: {  	v6 =	vunpack.i.l.bf16.f32 v14;
	v7 =	vunpack.i.u.bf16.f32 v2;
	v9 =	vunpack.i.l.bf16.f32 v2;
	v13 =	vld [tilespmem:s26+$0xAC30]  }
0x76: {  	v14 =	vunpack.i.u.bf16.f32 v10;
	v10 =	vunpack.i.l.bf16.f32 v10;
	v15 =	vld [tilespmem:s26+$0xC030];
	v3 =	vpack.i.f32.bf16 v4, v3  }
0x77: {  	v2 =	vunpack.i.l.bf16.f32 v19;
	v4 =	vunpack.i.u.bf16.f32 v12;
	v12 =	vunpack.i.l.bf16.f32 v12;
	v16 =	vld [tilespmem:s26+$0xAC00];
	[tilespmem:s26+$0xFC50] =	vst v3  }
0x78: {  	v18 =	vadd.f32 v9, v6;
	v3 =	vunpack.i.u.bf16.f32 v5;
	v6 =	vunpack.i.l.bf16.f32 v5;
	v17 =	vld [tilespmem:s26+$0xC000]  }
0x79: {  	v5 =	vadd.f32 v7, v8;
	v9 =	vunpack.i.u.bf16.f32 v11;
	v7 =	vunpack.i.l.bf16.f32 v11;
	v19 =	vld [tilespmem:s26+$0xAC40]  }
0x7a: {  	v20 =	vadd.f32 v12, v10;
	v12 =	vunpack.i.u.bf16.f32 v13;
	v10 =	vunpack.i.l.bf16.f32 v13;
	v13 =	vld [tilespmem:s26+$0xC040]  }
0x7b: {  	v8 =	vadd.f32 v4, v14;
	v21 =	vunpack.i.u.bf16.f32 v15;
	v4 =	vunpack.i.l.bf16.f32 v15  }
.Ltmp5:
0x7c: {  	v7 =	vadd.f32 v7, v6;
	v22 =	vunpack.i.u.bf16.f32 v16;
	v15 =	vunpack.i.l.bf16.f32 v16;
	(pc) =	sbr.rel @p1 .LBB2_4-.Ltmp5, $4  }
0x7d: {  	s28 =	sshra.s32 s29, $0x2;
	v9 =	vadd.f32 v9, v3;
	v23 =	vunpack.i.u.bf16.f32 v17;
	v24 =	vunpack.i.l.bf16.f32 v17  }
0x7e: {  	v11 =	vadd.f32 v4, v10;
	v3 =	vld [tilespmem:s28+$0xAC10];
	v10 =	vunpack.i.u.bf16.f32 v19;
	v14 =	vunpack.i.l.bf16.f32 v19  }
0x7f: {  	v12 =	vadd.f32 v21, v12;
	v4 =	vld [tilespmem:s28+$0xC010];
	v16 =	vunpack.i.u.bf16.f32 v13;
	v17 =	vunpack.i.l.bf16.f32 v13  }
0x80: {  	s29 =	sadd.s32 $0x200, s29;
	v18 =	vpack.i.f32.bf16 v20, v18;
	v15 =	vadd.f32 v24, v15;
	v13 =	vadd.f32 v23, v22;
	v6 =	vld [tilespmem:s28+$0xAC50]  }
0x81: {  	v19 =	vld [tilespmem:s28+$0xC050];
	[tilespmem:s26+$0xFBE0] =	vst v18;
	v5 =	vpack.i.f32.bf16 v8, v5;
	v27 =	vadd.f32 v17, v14;
	v29 =	vadd.f32 v16, v10  }
0x82: {  	v25 =	vpack.i.f32.bf16 v11, v7;
	v9 =	vpack.i.f32.bf16 v12, v9;
	v1 =	vadd.f32 v2, v1;
	v24 =	vld [tilespmem:s28+$0xABE0];
	[tilespmem:s26+$0xFC20] =	vst v5  }
0x83: {  	v26 =	vld [tilespmem:s28+$0xBFE0];
	[tilespmem:s26+$0xFBF0] =	vst v25;
	v5 =	vpack.i.f32.bf16 v27, v15;
	v31 =	vpack.i.f32.bf16 v29, v13;
	v32 =	vunpack.i.l.bf16.f32 v3  }
0x84: {  	v0 =	vpack.i.f32.bf16 v1, v0;
	v34 =	vunpack.i.u.bf16.f32 v3;
	v28 =	vld [tilespmem:s28+$0xAC20];
	[tilespmem:s26+$0xFC30] =	vst v9;
	v33 =	vunpack.i.l.bf16.f32 v4  }
0x85: {  	v36 =	vunpack.i.u.bf16.f32 v4;
	v30 =	vld [tilespmem:s28+$0xC020];
	[tilespmem:s26+$0xFC00] =	vst v5;
	v37 =	vunpack.i.u.bf16.f32 v6;
	v39 =	vunpack.i.l.bf16.f32 v6  }
0x86: {  	v1 =	vadd.f32 v36, v34;
	v2 =	vadd.f32 v33, v32;
	v5 =	vld [tilespmem:s28+$0xABF0];
	[tilespmem:s26+$0xFC40] =	vst v31;
	v38 =	vunpack.i.u.bf16.f32 v19  }
0x87: {  	v48 =	vunpack.i.l.bf16.f32 v19;
	v35 =	vld [tilespmem:s28+$0xBFF0];
	[tilespmem:s26+$0xFC10] =	vst v0;
	v40 =	vadd.f32 v38, v37;
	v42 =	vunpack.i.u.bf16.f32 v24  }
0x88: {  	v8 =	vunpack.i.l.bf16.f32 v24;
	v0 =	vadd.f32 v48, v39;
	v41 =	vld [tilespmem:s28+$0xAC30];
	v43 =	vunpack.i.u.bf16.f32 v26  }
0x89: {  	v44 =	vld [tilespmem:s28+$0xC030];
	v7 =	vunpack.i.l.bf16.f32 v26;
	v45 =	vunpack.i.u.bf16.f32 v28;
	v1 =	vpack.i.f32.bf16 v40, v1  }
0x8a: {  	v46 =	vld [tilespmem:s28+$0xAC00];
	v11 =	vunpack.i.l.bf16.f32 v28;
	v7 =	vadd.f32 v7, v8;
	v12 =	vadd.f32 v43, v42  }
0x8b: {  	v50 =	vld [tilespmem:s28+$0xC000];
	v0 =	vpack.i.f32.bf16 v0, v2;
	v47 =	vunpack.i.u.bf16.f32 v30;
	v10 =	vunpack.i.l.bf16.f32 v30  }
0x8c: {  	v18 =	vld [tilespmem:s28+$0xAC40];
	v49 =	vunpack.i.u.bf16.f32 v5;
	v5 =	vunpack.i.l.bf16.f32 v5;
	v10 =	vadd.f32 v10, v11  }
0x8d: {  	v53 =	vld [tilespmem:s28+$0xC040];
	v15 =	vadd.f32 v47, v45;
	v51 =	vunpack.i.u.bf16.f32 v35;
	v3 =	vunpack.i.l.bf16.f32 v35  }
0x8e: {  	v52 =	vunpack.i.u.bf16.f32 v41;
	v6 =	vunpack.i.l.bf16.f32 v41;
	v54 =	vunpack.i.u.bf16.f32 v44  }
0x8f: {  	v14 =	vunpack.i.l.bf16.f32 v44;
	v3 =	vadd.f32 v3, v5;
	v55 =	vunpack.i.u.bf16.f32 v46  }
0x90: {  	v4 =	vunpack.i.l.bf16.f32 v46;
	v8 =	vadd.f32 v51, v49;
	v56 =	vunpack.i.u.bf16.f32 v50  }
0x91: {  	[tilespmem:s28+$0xFC50] =	vst v1;
	v17 =	vunpack.i.l.bf16.f32 v50;
	v57 =	vunpack.i.u.bf16.f32 v18;
	v18 =	vunpack.i.l.bf16.f32 v18  }
0x92: {  	[tilespmem:s28+$0xFC10] =	vst v0;
	v7 =	vpack.i.f32.bf16 v10, v7;
	v58 =	vunpack.i.u.bf16.f32 v53;
	v6 =	vadd.f32 v14, v6  }
0x93: {  	v59 =	vunpack.i.l.bf16.f32 v53;
	v12 =	vpack.i.f32.bf16 v15, v12;
	v11 =	vadd.f32 v54, v52;
	[tilespmem:s28+$0xFBE0] =	vst v7  }
.Ltmp6:
0x94: {  	v4 =	vadd.f32 v17, v4;
	v60 =	vadd.f32 v59, v18;
	[tilespmem:s28+$0xFC20] =	vst v12;
	v3 =	vpack.i.f32.bf16 v6, v3;
	(pc) =	sbr.rel .LBB2_9-.Ltmp6, $4  }
0x95: {  	v5 =	vadd.f32 v56, v55;
	v61 =	vadd.f32 v58, v57;
	v8 =	vpack.i.f32.bf16 v11, v8;
	[tilespmem:s28+$0xFBF0] =	vst v3  }
0x96: {  	v62 =	vpack.i.f32.bf16 v60, v4;
	[tilespmem:s28+$0xFC30] =	vst v8  }
0x97: {  	v63 =	vpack.i.f32.bf16 v61, v5;
	[tilespmem:s28+$0xFC00] =	vst v62  }
0x98: {  	s26 =	simm.s32 $0x6;
	[tilespmem:s28+$0xFC40] =	vst v63  }
.LBB2_6:
0x99: {  	[tilespmem:s14], [sflag:$0x1] =	stream.indirect.gather [spmem:s2], $0x40, s28, s13, $0xb8;
	[tilespmem:$0x10FE0] =	vst v63  }
0x9a: {  	_ = 	snop  }
0x9b: {  	[tilespmem:s15], [sflag:$0x2] =	stream.indirect.gather [spmem:s2], $0x40, s26, s13, $0xb8;
	[tilespmem:$0x10FE0] =	vst v63  }
0x9c: {  	_ =	swait.ge [sflag:s21], $0x1400  }
0x9d: {  	[sflag:s21] =	ssyncset.done $0x0  }
0x9e: {  	[sflag:s21] =	ssyncadd.s32 $0xFFFFEC00  }
0x9f: {  	_ =	swait.ge [sflag:s22], $0x1400  }
0xa0: {  	[sflag:s22] =	ssyncset.done $0x0  }
0xa1: {  	s26 =	simm.s32 $0x0;
	[sflag:s22] =	ssyncadd.s32 $0xFFFFEC00  }
0xa2: {  	v0 =	vld [tilespmem:s26+$0xD410]  }
0xa3: {  	v2 =	vld [tilespmem:s26+$0xE810]  }
0xa4: {  	v3 =	vld [tilespmem:s26+$0xD450]  }
0xa5: {  	v5 =	vld [tilespmem:s26+$0xD3E0]  }
0xa6: {  	v7 =	vld [tilespmem:s26+$0xD420]  }
0xa7: {  	v10 =	vld [tilespmem:s26+$0xE820]  }
0xa8: {  	v16 =	vld [tilespmem:s26+$0xD400]  }
0xa9: {  	v4 =	vld [tilespmem:s26+$0xE850];
	v8 =	vunpack.i.l.bf16.f32 v0;
	v9 =	vunpack.i.l.bf16.f32 v2  }
0xaa: {  	v6 =	vld [tilespmem:s26+$0xE7E0];
	v11 =	vunpack.i.u.bf16.f32 v0;
	v1 =	vunpack.i.l.bf16.f32 v3;
	v2 =	vunpack.i.u.bf16.f32 v2  }
0xab: {  	v21 =	vld [tilespmem:s26+$0xE840];
	v3 =	vunpack.i.u.bf16.f32 v3;
	v13 =	vunpack.i.u.bf16.f32 v5;
	v5 =	vunpack.i.l.bf16.f32 v5  }
0xac: {  	v12 =	vld [tilespmem:s26+$0xE7F0];
	v15 =	vunpack.i.u.bf16.f32 v7;
	v7 =	vunpack.i.l.bf16.f32 v7;
	v17 =	vunpack.i.u.bf16.f32 v10  }
0xad: {  	v10 =	vunpack.i.l.bf16.f32 v10;
	v22 =	vunpack.i.u.bf16.f32 v16;
	v23 =	vunpack.i.l.bf16.f32 v16  }
0xae: {  	v0 =	vadd.f32 v9, v8;
	v8 =	vld [tilespmem:s26+$0xD3F0];
	v9 =	vunpack.i.u.bf16.f32 v4;
	v2 =	vadd.f32 v2, v11  }
0xaf: {  	v14 =	vld [tilespmem:s26+$0xE830];
	v11 =	vunpack.i.u.bf16.f32 v6;
	v6 =	vunpack.i.l.bf16.f32 v6;
	v19 =	vadd.f32 v10, v7  }
0xb0: {  	v16 =	vunpack.i.u.bf16.f32 v21;
	v3 =	vadd.f32 v9, v3;
	v9 =	vld [tilespmem:s26+$0xD430];
	v18 =	vadd.f32 v6, v5  }
0xb1: {  	v6 =	vld [tilespmem:s26+$0xE800];
	v5 =	vadd.f32 v11, v13;
	v11 =	vunpack.i.u.bf16.f32 v12;
	v12 =	vunpack.i.l.bf16.f32 v12  }
0xb2: {  	v13 =	vld [tilespmem:s26+$0xD440];
	v3 =	vpack.i.f32.bf16 v3, v2;
	v2 =	vunpack.i.l.bf16.f32 v4;
	v18 =	vpack.i.f32.bf16 v19, v18  }
0xb3: {  	[tilespmem:s26+$0xFC50] =	vst v3;
	v3 =	vunpack.i.u.bf16.f32 v8;
	v4 =	vunpack.i.l.bf16.f32 v8;
	v8 =	vadd.f32 v17, v15  }
0xb4: {  	v15 =	vunpack.i.u.bf16.f32 v14;
	v14 =	vunpack.i.l.bf16.f32 v14;
	v17 =	vunpack.i.l.bf16.f32 v21  }
0xb5: {  	s28 =	simm.s32 $0x80;
	v20 =	vunpack.i.u.bf16.f32 v9;
	v10 =	vunpack.i.l.bf16.f32 v9;
	v7 =	vadd.f32 v12, v4  }
0xb6: {  	v9 =	vadd.f32 v11, v3;
	v24 =	vunpack.i.u.bf16.f32 v6;
	v25 =	vunpack.i.l.bf16.f32 v6;
	v3 =	vld [tilespmem:s28+$0xD410]  }
0xb7: {  	v4 =	vld [tilespmem:s28+$0xE810];
	v11 =	vadd.f32 v14, v10;
	v10 =	vunpack.i.u.bf16.f32 v13;
	v12 =	vadd.f32 v15, v20  }
0xb8: {  	s29 =	simm.s32 $0x400;
	v6 =	vld [tilespmem:s28+$0xD450];
	v14 =	vunpack.i.l.bf16.f32 v13;
	v15 =	vadd.f32 v25, v23;
	v13 =	vadd.f32 v24, v22  }
.LBB2_7:
0xb9: {  	p1 =	sne.s32 s29, $0x4E00;
	v19 =	vld [tilespmem:s28+$0xE850];
	v5 =	vpack.i.f32.bf16 v8, v5;
	[tilespmem:s26+$0xFBE0] =	vst v18;
	v8 =	vadd.f32 v17, v14;
	v10 =	vadd.f32 v16, v10  }
0xba: {  	v1 =	vadd.f32 v2, v1;
	v14 =	vld [tilespmem:s28+$0xD3E0];
	[tilespmem:s26+$0xFC20] =	vst v5;
	v5 =	vpack.i.f32.bf16 v11, v7;
	v7 =	vpack.i.f32.bf16 v12, v9  }
0xbb: {  	v9 =	vunpack.i.l.bf16.f32 v3;
	v2 =	vld [tilespmem:s28+$0xE7E0];
	[tilespmem:s26+$0xFBF0] =	vst v5;
	v5 =	vpack.i.f32.bf16 v8, v15;
	v8 =	vpack.i.f32.bf16 v10, v13  }
0xbc: {  	v11 =	vunpack.i.l.bf16.f32 v4;
	v10 =	vld [tilespmem:s28+$0xD420];
	[tilespmem:s26+$0xFC30] =	vst v7;
	v7 =	vpack.i.f32.bf16 v1, v0  }
0xbd: {  	v3 =	vunpack.i.u.bf16.f32 v3;
	v1 =	vunpack.i.l.bf16.f32 v6;
	v0 =	vadd.f32 v11, v9;
	v12 =	vld [tilespmem:s28+$0xE820];
	[tilespmem:s26+$0xFC00] =	vst v5  }
0xbe: {  	v4 =	vunpack.i.u.bf16.f32 v4;
	v6 =	vunpack.i.u.bf16.f32 v6;
	v5 =	vld [tilespmem:s28+$0xD3F0];
	v9 =	vunpack.i.u.bf16.f32 v19;
	[tilespmem:s26+$0xFC40] =	vst v8  }
0xbf: {  	v3 =	vadd.f32 v4, v3;
	v8 =	vunpack.i.u.bf16.f32 v14;
	v11 =	vld [tilespmem:s28+$0xE7F0];
	v4 =	vadd.f32 v9, v6;
	[tilespmem:s26+$0xFC10] =	vst v7;
	s26 =	smov.u32 s28  }
0xc0: {  	v6 =	vunpack.i.l.bf16.f32 v14;
	v7 =	vunpack.i.u.bf16.f32 v2;
	v9 =	vunpack.i.l.bf16.f32 v2;
	v13 =	vld [tilespmem:s26+$0xD430]  }
0xc1: {  	v14 =	vunpack.i.u.bf16.f32 v10;
	v10 =	vunpack.i.l.bf16.f32 v10;
	v15 =	vld [tilespmem:s26+$0xE830];
	v3 =	vpack.i.f32.bf16 v4, v3  }
0xc2: {  	v2 =	vunpack.i.l.bf16.f32 v19;
	v4 =	vunpack.i.u.bf16.f32 v12;
	v12 =	vunpack.i.l.bf16.f32 v12;
	v16 =	vld [tilespmem:s26+$0xD400];
	[tilespmem:s26+$0xFC50] =	vst v3  }
0xc3: {  	v18 =	vadd.f32 v9, v6;
	v3 =	vunpack.i.u.bf16.f32 v5;
	v6 =	vunpack.i.l.bf16.f32 v5;
	v17 =	vld [tilespmem:s26+$0xE800]  }
0xc4: {  	v5 =	vadd.f32 v7, v8;
	v9 =	vunpack.i.u.bf16.f32 v11;
	v7 =	vunpack.i.l.bf16.f32 v11;
	v19 =	vld [tilespmem:s26+$0xD440]  }
0xc5: {  	v20 =	vadd.f32 v12, v10;
	v12 =	vunpack.i.u.bf16.f32 v13;
	v10 =	vunpack.i.l.bf16.f32 v13;
	v13 =	vld [tilespmem:s26+$0xE840]  }
0xc6: {  	v8 =	vadd.f32 v4, v14;
	v21 =	vunpack.i.u.bf16.f32 v15;
	v4 =	vunpack.i.l.bf16.f32 v15  }
.Ltmp7:
0xc7: {  	v7 =	vadd.f32 v7, v6;
	v22 =	vunpack.i.u.bf16.f32 v16;
	v15 =	vunpack.i.l.bf16.f32 v16;
	(pc) =	sbr.rel @p1 .LBB2_7-.Ltmp7, $4  }
0xc8: {  	s28 =	sshra.s32 s29, $0x2;
	v9 =	vadd.f32 v9, v3;
	v23 =	vunpack.i.u.bf16.f32 v17;
	v24 =	vunpack.i.l.bf16.f32 v17  }
0xc9: {  	v11 =	vadd.f32 v4, v10;
	v3 =	vld [tilespmem:s28+$0xD410];
	v10 =	vunpack.i.u.bf16.f32 v19;
	v14 =	vunpack.i.l.bf16.f32 v19  }
0xca: {  	v12 =	vadd.f32 v21, v12;
	v4 =	vld [tilespmem:s28+$0xE810];
	v16 =	vunpack.i.u.bf16.f32 v13;
	v17 =	vunpack.i.l.bf16.f32 v13  }
0xcb: {  	s29 =	sadd.s32 $0x200, s29;
	v18 =	vpack.i.f32.bf16 v20, v18;
	v15 =	vadd.f32 v24, v15;
	v13 =	vadd.f32 v23, v22;
	v6 =	vld [tilespmem:s28+$0xD450]  }
.Ltmp8:
0xcc: {  	_ = 	snop;
	(pc) =	sbr.rel .LBB2_8-.Ltmp8, $1  }
0xcd: {  	_ =	sdelay $0x3  }
.LBB2_11:
0xce: {  	_ =	sfence.sel $0x180000  }
0xcf: {  	[bflag:$0x0] =	sbarrier.arrive $0xFFFF  }
0xd0: {  	_ =	strace $0x90000047  }
0xd1: {  	s0 =	sadd.s32 @!p0 $0x100000, s1;
	[bflag:$0x2] =	sbarrier.arrive $0xFFFF  }
0xd2: {  	[sflag:s0] =	ssyncadd.tile.s32 @!p0 $0x1;
	_ =	shalt  }
.Lfunc_end2:
_tile_overlayer_lowered:
.L_overlay_start_2:
0xd3: {  	(tag) =	ssettag $0x2  }
0xd4: {  	s0 =	rddreg [dreg:$0x0];
	s2 =	stileid.u32  }
0xd5: {  	s1 =	rddreg [dreg:$0x1];
	p0 =	sne.s32 s2, $0x0  }
0xd6: {  	s3 =	rddreg [dreg:$0x2];
	[bflag:$0x3] =	sbarrier.arrive $0xFFFF;
	s2 =	simm.s32 @!p0 $0x1C05  }
0xd7: {  	[timem:s3], [sflag:s2] =	dma.local @!p0 [hbm:s0], s1  }
0xd8: {  	s0 =	simm.s32 @!p0 $0x5  }
0xd9: {  	_ =	swait.ge @!p0 [sflag:s0], s1  }
0xda: {  	s1 =	ssub.s32 @!p0 $0x0, s1;
	[sflag:s0] =	ssyncset.done @!p0 $0x0  }
0xdb: {  	[sflag:s0] =	ssyncadd.s32 @!p0 s1  }
0xdc: {  	[bflag:$0x3] =	sbarrier.arrive $0xFFFF  }
0xdd: {  	_ =	shalt  }

// kernel: kernel.16.cloned.1.call-start
scs
__scs_entry_jumppad:
0x0: {  	(pc) =	sbr.rel $0x88, $3  }
0x1: {  	(tag) =	ssettag $0x0;
	lr =	simm.s32 $0x1  }
0x2: {  	[smem:$0x3F98] =	sst lr;
	_ =	strace $0xD0000000  }
0x3: {  	_ = 	snop  }
0x4: {  	_ = 	snop  }
0x5: {  	_ = 	snop  }
0x6: {  	_ = 	snop  }
0x7: {  	_ = 	snop  }
__scs_overlays_trampoline_lowered:
0x8: {  	[smem:$0x3FA7] =	sst s0  }
0x9: {  	[smem:$0x3FA8] =	sst s1  }
0xa: {  	[smem:$0x3FA9] =	sst s2  }
0xb: {  	[smem:$0x3FAA] =	sst s3  }
0xc: {  	[smem:$0x3FAB] =	sst s4  }
0xd: {  	[smem:$0x3FAC] =	sst s5  }
0xe: {  	[smem:$0x3FAD] =	sst s6  }
0xf: {  	[smem:$0x3FAE] =	sst s7  }
0x10: {  	[smem:$0x3FAF] =	sst s8  }
0x11: {  	[smem:$0x3FB0] =	sst s9;
	s0 =	simm.s32 @!p0 $0x0  }
0x12: {  	s1 =	sld [smem:$0x3F96];
	s0 =	simm.s32 @p0 $0x1  }
0x13: {  	[smem:$0x3FB1] =	sst s0;
	s0 =	simm.s32 @!p1 $0x0  }
0x14: {  	s2 =	sld [smem:$0x3F95];
	s0 =	simm.s32 @p1 $0x1  }
0x15: {  	[smem:$0x3FB2] =	sst s0;
	s0 =	simm.s32 @!p2 $0x0  }
0x16: {  	s3 =	sld [smem:$0x3FDB];
	s0 =	simm.s32 @p2 $0x1  }
0x17: {  	s4 =	simm.s32 $0x1BF5;
	[smem:$0x3FB4] =	sst s0  }
0x18: {  	s0 =	sld [smem:$0x3F97];
	_ =	swait.ge [sflag:s4], $0x0  }
0x19: {  	s7 =	sld [smem:$0x3F98]  }
0x1a: {  	s8 =	sadd.s32 $0xFFFFE003, lr  }
0x1b: {  	s9 =	sadd.s32 $0xFFFFFEF7, lr;
	s5 =	simm.s32 $0xFFFFFFFF;
	p2 =	slt.u32 s8, $0xFFFFF086  }
0x1c: {  	p1 =	slt.u32 s9, $0xF7A;
	s5 =	simm.s32 @!p2 $0x0  }
0x1d: {  	s5 =	simm.s32 @p1 $0x1;
	p0 =	seq.s32 s7, s2  }
0x1e: {  	s7 =	smul.u32 @!p0 $0xF7A, s2;
	p2 =	seq.s32 @!p0 s5, $0x0  }
0x1f: {  	s9 =	smul.u32 $0xF7A, s1;
	s8 =	simm.s32 @!p0 $0x1BF5;
	p2 =	por !p2, p0  }
0x20: {  	[sflag:s8] =	ssyncset.s32 @!p0 $0xFFFFF086;
	s6 =	sadd.s32 @!p0 s3, s7;
	s7 =	simm.s32 @!p0 $0x108  }
0x21: {  	s3 =	sadd.s32 s3, s9;
	s6 =	sadd.s32 @!p0 $0x88, s6;
	s7 =	simm.s32 @p2 $0x1082  }
0x22: {  	[simem:s7], [sflag:s8] =	dma.local @!p0 [hbm:s6], $0xF7A  }
0x23: {  	s9 =	sor.u32 $0xD0000000, s2;
	s6 =	simm.s32 $0x108;
	_ =	swait.ge @!p0 [sflag:s8], $0x0  }
0x24: {  	s3 =	sadd.s32 $0x88, s3;
	s6 =	simm.s32 @!p1 $0x1082;
	[sflag:s4] =	ssyncset.s32 $0xFFFFF086  }
0x25: {  	[simem:s6], [sflag:s4] =	dma.local [hbm:s3], $0xF7A  }
0x26: {  	[smem:$0x3F98] =	sst s1;
	(tag) =	ssettag s2;
	_ =	strace s9  }
0x27: {  	s1 =	sld [smem:$0x3FA8]  }
0x28: {  	s2 =	sld [smem:$0x3FA9]  }
0x29: {  	s4 =	sld [smem:$0x3FAB]  }
0x2a: {  	p0 =	seq.s32 s5, $0x0;
	s5 =	sld [smem:$0x3FAC]  }
0x2b: {  	s6 =	sld [smem:$0x3FAD]  }
0x2c: {  	s7 =	sld [smem:$0x3FAE]  }
0x2d: {  	s3 =	simm.s32 $0x108;
	s8 =	sld [smem:$0x3FAF]  }
0x2e: {  	s3 =	simm.s32 @!p0 $0x1082;
	s9 =	sld [smem:$0x3FB0]  }
0x2f: {  	lr =	sadd.s32 s0, s3;
	s0 =	sld [smem:$0x3FA7]  }
0x30: {  	s3 =	sld [smem:$0x3FAA]  }
0x31: {  	[smem:$0x3FB3] =	sst s10  }
0x32: {  	s10 =	sld [smem:$0x3FB1];
	_ =	sdelay $0x3  }
0x33: {  	p0 =	seq.s32 s10, $0x1;
	s10 =	sld [smem:$0x3FB3];
	_ =	sdelay $0x3  }
0x34: {  	[smem:$0x3FB3] =	sst s10  }
0x35: {  	s10 =	sld [smem:$0x3FB2];
	_ =	sdelay $0x3  }
0x36: {  	p1 =	seq.s32 s10, $0x1;
	s10 =	sld [smem:$0x3FB3];
	_ =	sdelay $0x3  }
0x37: {  	[smem:$0x3FB3] =	sst s10  }
0x38: {  	s10 =	sld [smem:$0x3FB4]  }
0x39: {  	_ = 	snop;
	(pc) =	sbr.ind lr, $3  }
0x3a: {  	_ = 	snop  }
0x3b: {  	_ = 	snop  }
0x3c: {  	p2 =	seq.s32 s10, $0x1;
	s10 =	sld [smem:$0x3FB3]  }
0x3d: {  	_ =	shalt  }
0x3e: {  	_ =	shalt  }
0x3f: {  	_ =	shalt  }
0x40: {  	_ =	shalt  }
0x41: {  	_ =	shalt  }
0x42: {  	_ =	shalt  }
0x43: {  	_ =	shalt  }
0x44: {  	_ =	shalt  }
0x45: {  	_ =	shalt  }
0x46: {  	_ =	shalt  }
0x47: {  	_ =	shalt  }
0x48: {  	_ =	shalt  }
0x49: {  	_ =	shalt  }
0x4a: {  	_ =	shalt  }
0x4b: {  	_ =	shalt  }
0x4c: {  	_ =	shalt  }
0x4d: {  	_ =	shalt  }
0x4e: {  	_ =	shalt  }
0x4f: {  	_ =	shalt  }
0x50: {  	_ =	shalt  }
0x51: {  	_ =	shalt  }
0x52: {  	_ =	shalt  }
0x53: {  	_ =	shalt  }
0x54: {  	_ =	shalt  }
0x55: {  	_ =	shalt  }
0x56: {  	_ =	shalt  }
0x57: {  	_ =	shalt  }
0x58: {  	_ =	shalt  }
0x59: {  	_ =	shalt  }
0x5a: {  	_ =	shalt  }
0x5b: {  	_ =	shalt  }
0x5c: {  	_ =	shalt  }
0x5d: {  	_ =	shalt  }
0x5e: {  	_ =	shalt  }
0x5f: {  	_ =	shalt  }
0x60: {  	_ =	shalt  }
0x61: {  	_ =	shalt  }
0x62: {  	_ =	shalt  }
0x63: {  	_ =	shalt  }
0x64: {  	_ =	shalt  }
0x65: {  	_ =	shalt  }
0x66: {  	_ =	shalt  }
0x67: {  	_ =	shalt  }
0x68: {  	_ =	shalt  }
0x69: {  	_ =	shalt  }
0x6a: {  	_ =	shalt  }
0x6b: {  	_ =	shalt  }
0x6c: {  	_ =	shalt  }
0x6d: {  	_ =	shalt  }
0x6e: {  	_ =	shalt  }
0x6f: {  	_ =	shalt  }
0x70: {  	_ =	shalt  }
0x71: {  	_ =	shalt  }
0x72: {  	_ =	shalt  }
0x73: {  	_ =	shalt  }
0x74: {  	_ =	shalt  }
0x75: {  	_ =	shalt  }
0x76: {  	_ =	shalt  }
0x77: {  	_ =	shalt  }
0x78: {  	_ =	shalt  }
0x79: {  	_ =	shalt  }
0x7a: {  	_ =	shalt  }
0x7b: {  	_ =	shalt  }
0x7c: {  	_ =	shalt  }
0x7d: {  	_ =	shalt  }
0x7e: {  	_ =	shalt  }
0x7f: {  	_ =	shalt  }
0x80: {  	_ =	shalt  }
0x81: {  	_ =	shalt  }
0x82: {  	_ =	shalt  }
0x83: {  	_ =	shalt  }
0x84: {  	_ =	shalt  }
0x85: {  	_ =	shalt  }
0x86: {  	_ =	shalt  }
0x87: {  	_ =	shalt  }
.Lfunc_end0:
.L_simem_size_0:
called_computation.1_lowered:
.L_overlay_start_0:
0x88: {  	s2 =	sld [smem:$0x3FD9]  }
0x89: {  	s3 =	sld [smem:$0x3FFE];
	_ =	sdelay $0x1  }
0x8a: {  	s1 =	srdreg.scid  }
0x8b: {  	s0 =	sand.u32 $0x1, s1  }
0x8c: {  	s17 =	sshll.u32 s0, $0xA;
	s2 =	sadd.s32 s3, s2  }
0x8d: {  	s2 =	sadd.s32 s2, s17  }
0x8e: {  	[smem:$0x3FBF] =	sst s2  }
0x8f: {  	_ = 	snop  }
0x90: {  	(tm) =	ssettm $0x1  }
0x91: {  	s18 =	sld [smem:$0x3FFB];
	_ =	sdelay $0x3  }
0x92: {  	_ =	strace s18  }
0x93: {  	s2 =	sld [smem:$0x3FFC];
	_ =	sdelay $0x3  }
0x94: {  	_ =	strace s2  }
0x95: {  	s2 =	sld [smem:$0x3FFD];
	_ =	sdelay $0x3  }
0x96: {  	_ =	strace s2  }
0x97: {  	_ =	strace $0x8FFFFFFF  }
0x98: {  	s19 =	sld [smem:$0x3FDB];
	_ =	sdelay $0x1  }
0x99: {  	s20 =	simm.s32 $_scs_section_size  }
0x9a: {  	s4 =	simm.s32 $_size__tile_overlayer_lowered;
	s5 =	simm.s32 $_tile_overlayer_lowered  }
0x9b: {  	s6 =	simm.s32 $0x1BFF;
	s21 =	sshll.u32 s5, $0x1;
	s3 =	sadd.s32 s20, s19  }
0x9c: {  	s22 =	simm.s32 $0x0;
	s4 =	sshll.u32 s4, $0x1;
	s5 =	sadd.s32 s21, s3  }
0x9d: {  	[timem:s22], [sflag:s6] =	dma.local [hbm:s5], s4  }
0x9e: {  	_ =	swait.ge [sflag:s6], s4  }
0x9f: {  	s4 =	ssub.s32 $0x0, s4;
	[sflag:s6] =	ssyncset.done $0x0  }
0xa0: {  	[sflag:s6] =	ssyncadd.s32 s4;
	_ =	sdelay $0x1  }
0xa1: {  	s23 =	simm.s32 $0x1B8B  }
0xa2: {  	_ =	swait.ge [sflag:s23], $0x1  }
0xa3: {  	[sflag:s23] =	ssyncset.done $0x0  }
0xa4: {  	[sflag:s23] =	ssyncadd.s32 $0xFFFFFFFF  }
0xa5: {  	s4 =	sld [smem:$0x0]  }
0xa6: {  	s5 =	sand.u32 $0xFFFFFFFE, s1  }
0xa7: {  	p0 =	sne.s32 s1, s5  }
0xa8: {  	s5 =	sshll.u32 @p0 s5, $0xE  }
0xa9: {  	s5 =	sadd.s32 @p0 $0x11B8D, s5;
	s6 =	sshll.u32 @p0 s4, $0x11  }
0xaa: {  	s5 =	sor.u32 @p0 s6, s5  }
0xab: {  	[sflag:s5] =	ssyncadd.remote.s32 @p0 $0x1;
	_ =	sdelay $0x1  }
0xac: {  	s5 =	simm.s32 @p0 $0x1B8D  }
0xad: {  	_ =	swait.eq @p0 [sflag:s5], $0x1  }
0xae: {  	[sflag:s5] =	ssyncadd.s32 @p0 $0xFFFFFFFF  }
0xaf: {  	s6 =	sshll.u32 @!p0 s1, $0xE  }
0xb0: {  	s6 =	sor.u32 @!p0 $0x4000, s6;
	s5 =	simm.s32 @!p0 $0x1B8D  }
0xb1: {  	s4 =	sshll.u32 @!p0 s4, $0x11;
	s6 =	sadd.s32 @!p0 $0x11B8D, s6;
	_ =	swait.eq @!p0 [sflag:s5], $0x1  }
0xb2: {  	s4 =	sor.u32 @!p0 s4, s6;
	[sflag:s5] =	ssyncadd.s32 @!p0 $0xFFFFFFFF  }
0xb3: {  	s25 =	simm.s32 $0x1B8E;
	s24 =	sld [smem:$0x3FFE];
	[sflag:s4] =	ssyncadd.remote.s32 @!p0 $0x1  }
0xb4: {  	s26 =	simm.s32 $execute0_lowered;
	[smem:$0x3FD2] =	sst s25  }
0xb5: {  	s5 =	sshll.u32 s26, $0x1;
	_ =	strace $0x80000049;
	[dreg:$0x1] =	wrdreg $0xFFFFFFFF  }
0xb6: {  	s28 =	simm.s32 $_size_execute0_lowered;
	s3 =	sadd.s32 s3, s5;
	[dreg:$0x0] =	wrdreg $0x0  }
0xb7: {  	s5 =	sshll.u32 s28, $0x1;
	[dreg:$0x2] =	wrdreg s3  }
0xb8: {  	[dreg:$0x3] =	wrdreg s5  }
0xb9: {  	[dreg:$0x4] =	wrdreg $0xC0  }
0xba: {  	_ =	task [dreg:s22], $0x5FFFF  }
0xbb: {  	[dreg:$0x1] =	wrdreg $0xFFFFFFFF  }
0xbc: {  	[dreg:$0x0] =	wrdreg $0x60  }
0xbd: {  	[dreg:$0x2] =	wrdreg s24  }
0xbe: {  	[dreg:$0x3] =	wrdreg $0x0  }
0xbf: {  	[dreg:$0x4] =	wrdreg $0xA  }
0xc0: {  	_ =	task.clear_ibuf [dreg:s22], $0x5FFFF;
	_ =	strace $0x90000049  }
0xc1: {  	s29 =	simm.s32 $0xA;
	_ =	strace $0x8000004B  }
0xc2: {  	_ =	swait.ge [sflag:s29], $0x1  }
0xc3: {  	[sflag:s29] =	ssyncadd.s32 $0xFFFFFFFF  }
0xc4: {  	_ =	strace $0x9000004B  }
0xc5: {  	_ =	sfence  }
0xc6: {  	s30 =	sld [smem:$0x0];
	_ =	sdelay $0x2  }
0xc7: {  	s31 =	sshll.u32 s1, $0xD;
	s1 =	sshrl.u32 s1, $0x2  }
0xc8: {  	s4 =	sand.u32 $0x4000, s31;
	s1 =	sadd.s32 s1, s30  }
0xc9: {  	s0 =	sor.u32 s4, s0;
	s1 =	sshll.u32 s1, $0x11  }
0xca: {  	s0 =	sor.u32 s1, s0  }
0xcb: {  	s0 =	sadd.s32 $0x8F2B, s0  }
0xcc: {  	[sflag:s0] =	ssyncadd.remote.s32 $0x1  }
0xcd: {  	_ =	sfence.sel $0xFFFF  }
0xce: {  	[dreg:$0x0] =	wrdreg $0xFFFFFFFF;
	(pc) =	sbr.abs _section_cstart, $3  }
0xcf: {  	[dreg:$0x1] =	wrdreg $0xFFFFFFFF  }
0xd0: {  	_ =	task.clear_ibuf [dreg:s22], $0x2FFFF;
	_ =	strace $0x9FFFFFFF  }
0xd1: {  	(tm) =	ssettm $0x7FFFFFFF  }
tec
execute0_lowered:
.L_overlay_start_1:
0x0: {  	(tag) =	ssettag $0x1  }
0x1: {  	s4 =	rddreg [dreg:$0x0]  }
0x2: {  	s0 =	srdreg.scid;
	s9 =	stileid.u32  }
0x3: {  	s1 =	rddreg [dreg:$0x1];
	s2 =	simm.s32 $0x0;
	s10 =	simm.s32 $0x9C40  }
0x4: {  	s11 =	simm.s32 $0x5;
	s12 =	simm.s32 $0xA410;
	s13 =	simm.s32 $0x50  }
0x5: {  	s14 =	simm.s32 $0xABE0;
	s15 =	simm.s32 $0xBFE0;
	s16 =	simm.s32 $0xD3E0  }
0x6: {  	s17 =	simm.s32 $0xE7E0;
	s18 =	simm.s32 $0x1;
	s19 =	simm.s32 $0x2  }
0x7: {  	s20 =	simm.s32 $0xFBE0;
	s21 =	simm.s32 $0x3;
	s22 =	simm.s32 $0x4  }
0x8: {  	s23 =	simm.s32 $0x0;
	s5 =	sand.u32 $0x1, s0;
	s0 =	rddreg [dreg:$0x2]  }
0x9: {  	s3 =	sshll.u32 s9, $0x1;
	[smem:$0x7FF] =	sst s2;
	p0 =	sne.s32 s9, $0x0  }
.Ltmp0:
0xa: {  	s7 =	sor.u32 s5, s3;
	_ =	strace $0x8000004A;
	(pc) =	sbr.rel .LBB2_1-.Ltmp0, $4  }
0xb: {  	s3 =	sadd.s32 $0x1E00, s4;
	s5 =	ssub.s32 $0x2, s5;
	s6 =	smul.u32 $0xFA, s7  }
0xc: {  	s9 =	sshrl.u32 @!p0 s1, $0x3;
	s8 =	sshrl.u32 s5, $0x1;
	s7 =	smul.u32 $0x3E8, s7  }
0xd: {  	s8 =	ssub.s32 s5, s8;
	s6 =	sadd.s32 s6, s4;
	s4 =	sadd.s32 $0x1D800, s4  }
0xe: {  	s8 =	smax.u32 s8, $0x1;
	s5 =	sadd.s32 $0x1B800, s6;
	s6 =	sadd.s32 $0x19800, s6  }
.LBB2_10:
0xf: {  	s23 =	sadd.s32 $0x1, s23  }
0x10: {  	_ =	swait.ge [sflag:s21], $0x1400;
	p1 =	sne.s32 s23, s8  }
.Ltmp1:
0x11: {  	[sflag:s21] =	ssyncset.done $0x0;
	(pc) =	sbr.rel @!p1 .LBB2_11-.Ltmp1, $4  }
0x12: {  	[sflag:s21] =	ssyncadd.s32 $0xFFFFEC00  }
0x13: {  	_ =	swait.ge [sflag:s22], $0x1400  }
0x14: {  	[sflag:s22] =	ssyncset.done $0x0  }
0x15: {  	[sflag:s22] =	ssyncadd.s32 $0xFFFFEC00  }
.LBB2_1:
0x16: {  	s24 =	simm.s32 @!p0 $0x1C05  }
0x17: {  	[spmem:s9], [sflag:s24] =	dma.local @!p0 [hbm:s3], $0x13880  }
0x18: {  	s24 =	simm.s32 @!p0 $0x5  }
0x19: {  	_ =	swait.ge @!p0 [sflag:s24], $0x13880  }
0x1a: {  	[sflag:s24] =	ssyncset.done @!p0 $0x0  }
0x1b: {  	[sflag:s24] =	ssyncadd.s32 @!p0 $0xFFFEC780  }
0x1c: {  	[tilespmem:s10], [sflag:$0x5] =	stream.linear.gather [hbm4b:s5+s2], $0x7D0, $0x38;
	[tilespmem:$0x10FE0] =	vst v63  }
0x1d: {  	_ =	swait.ge [sflag:s11], $0x7D0  }
0x1e: {  	[sflag:s11] =	ssyncset.done $0x0  }
0x1f: {  	[sflag:s11] =	ssyncadd.s32 $0xFFFFF830  }
0x20: {  	[tilespmem:s12], [sflag:$0x5] =	stream.linear.gather [hbm4b:s6+s2], $0x7D0, $0x38;
	[tilespmem:$0x10FE0] =	vst v63  }
0x21: {  	_ =	swait.ge [sflag:s11], $0x7D0  }
0x22: {  	[sflag:s11] =	ssyncset.done $0x0  }
.Ltmp2:
0x23: {  	[sflag:s11] =	ssyncadd.s32 $0xFFFFF830;
	(pc) =	sbr.rel .LBB2_2-.Ltmp2, $4  }
0x24: {  	[bflag:$0x0] =	sbarrier.arrive $0xFFFF  }
0x25: {  	[tilespmem:s14], [sflag:$0x1] =	stream.indirect.gather [spmem:s1], $0x40, s10, s13, $0xb8;
	[tilespmem:$0x10FE0] =	vst v63  }
0x26: {  	s25 =	simm.s32 $0x0  }
0x27: {  	[tilespmem:s15], [sflag:$0x2] =	stream.indirect.gather [spmem:s1], $0x40, s12, s13, $0xb8;
	[tilespmem:$0x10FE0] =	vst v63  }
.LBB2_8:
0x28: {  	v19 =	vld [tilespmem:s28+$0xE850];
	[tilespmem:s26+$0xFBE0] =	vst v18;
	v5 =	vpack.i.f32.bf16 v8, v5;
	v25 =	vpack.i.f32.bf16 v11, v7;
	v27 =	vadd.f32 v17, v14  }
0x29: {  	v9 =	vpack.i.f32.bf16 v12, v9;
	v29 =	vadd.f32 v16, v10;
	v1 =	vadd.f32 v2, v1;
	v24 =	vld [tilespmem:s28+$0xD3E0];
	[tilespmem:s26+$0xFC20] =	vst v5  }
0x2a: {  	v32 =	vunpack.i.l.bf16.f32 v3;
	v33 =	vunpack.i.l.bf16.f32 v4;
	v34 =	vunpack.i.u.bf16.f32 v3;
	v26 =	vld [tilespmem:s28+$0xE7E0];
	[tilespmem:s26+$0xFBF0] =	vst v25  }
0x2b: {  	v36 =	vunpack.i.u.bf16.f32 v4;
	v37 =	vunpack.i.u.bf16.f32 v6;
	v5 =	vpack.i.f32.bf16 v27, v15;
	v28 =	vld [tilespmem:s28+$0xD420];
	[tilespmem:s26+$0xFC30] =	vst v9  }
0x2c: {  	v39 =	vunpack.i.l.bf16.f32 v6;
	v2 =	vadd.f32 v33, v32;
	v31 =	vpack.i.f32.bf16 v29, v13;
	v30 =	vld [tilespmem:s28+$0xE820];
	[tilespmem:s26+$0xFC00] =	vst v5  }
0x2d: {  	v0 =	vpack.i.f32.bf16 v1, v0;
	v1 =	vadd.f32 v36, v34;
	v5 =	vld [tilespmem:s28+$0xD3F0];
	[tilespmem:s26+$0xFC40] =	vst v31;
	v38 =	vunpack.i.u.bf16.f32 v19  }
0x2e: {  	v48 =	vunpack.i.l.bf16.f32 v19;
	v35 =	vld [tilespmem:s28+$0xE7F0];
	[tilespmem:s26+$0xFC10] =	vst v0;
	v40 =	vadd.f32 v38, v37;
	v42 =	vunpack.i.u.bf16.f32 v24  }
0x2f: {  	v8 =	vunpack.i.l.bf16.f32 v24;
	v0 =	vadd.f32 v48, v39;
	v41 =	vld [tilespmem:s28+$0xD430];
	v43 =	vunpack.i.u.bf16.f32 v26  }
0x30: {  	v44 =	vld [tilespmem:s28+$0xE830];
	v7 =	vunpack.i.l.bf16.f32 v26;
	v45 =	vunpack.i.u.bf16.f32 v28;
	v1 =	vpack.i.f32.bf16 v40, v1  }
0x31: {  	v46 =	vld [tilespmem:s28+$0xD400];
	v11 =	vunpack.i.l.bf16.f32 v28;
	v7 =	vadd.f32 v7, v8;
	v12 =	vadd.f32 v43, v42  }
0x32: {  	v50 =	vld [tilespmem:s28+$0xE800];
	v0 =	vpack.i.f32.bf16 v0, v2;
	v47 =	vunpack.i.u.bf16.f32 v30;
	v10 =	vunpack.i.l.bf16.f32 v30  }
0x33: {  	v18 =	vld [tilespmem:s28+$0xD440];
	v49 =	vunpack.i.u.bf16.f32 v5;
	v5 =	vunpack.i.l.bf16.f32 v5;
	v10 =	vadd.f32 v10, v11  }
0x34: {  	v53 =	vld [tilespmem:s28+$0xE840];
	v15 =	vadd.f32 v47, v45;
	v51 =	vunpack.i.u.bf16.f32 v35;
	v3 =	vunpack.i.l.bf16.f32 v35  }
0x35: {  	v52 =	vunpack.i.u.bf16.f32 v41;
	v6 =	vunpack.i.l.bf16.f32 v41;
	v54 =	vunpack.i.u.bf16.f32 v44  }
0x36: {  	v14 =	vunpack.i.l.bf16.f32 v44;
	v3 =	vadd.f32 v3, v5;
	v55 =	vunpack.i.u.bf16.f32 v46  }
0x37: {  	v4 =	vunpack.i.l.bf16.f32 v46;
	v8 =	vadd.f32 v51, v49;
	v56 =	vunpack.i.u.bf16.f32 v50  }
0x38: {  	[tilespmem:s28+$0xFC50] =	vst v1;
	v17 =	vunpack.i.l.bf16.f32 v50;
	v57 =	vunpack.i.u.bf16.f32 v18;
	v18 =	vunpack.i.l.bf16.f32 v18  }
0x39: {  	[tilespmem:s28+$0xFC10] =	vst v0;
	v7 =	vpack.i.f32.bf16 v10, v7;
	v58 =	vunpack.i.u.bf16.f32 v53;
	v6 =	vadd.f32 v14, v6  }
0x3a: {  	v59 =	vunpack.i.l.bf16.f32 v53;
	v12 =	vpack.i.f32.bf16 v15, v12;
	v11 =	vadd.f32 v54, v52;
	[tilespmem:s28+$0xFBE0] =	vst v7  }
0x3b: {  	v4 =	vadd.f32 v17, v4;
	v60 =	vadd.f32 v59, v18;
	[tilespmem:s28+$0xFC20] =	vst v12;
	v3 =	vpack.i.f32.bf16 v6, v3  }
0x3c: {  	v5 =	vadd.f32 v56, v55;
	v61 =	vadd.f32 v58, v57;
	v8 =	vpack.i.f32.bf16 v11, v8;
	[tilespmem:s28+$0xFBF0] =	vst v3  }
0x3d: {  	v62 =	vpack.i.f32.bf16 v60, v4;
	[tilespmem:s28+$0xFC30] =	vst v8  }
0x3e: {  	v63 =	vpack.i.f32.bf16 v61, v5;
	[tilespmem:s28+$0xFC00] =	vst v62  }
0x3f: {  	s26 =	simm.s32 $0x5;
	[tilespmem:s28+$0xFC40] =	vst v63  }
.LBB2_9:
0x40: {  	s25 =	smul.u32 $0x28, s25;
	_ =	sdelay $0x1  }
0x41: {  	s25 =	sadd.s32 s7, s25  }
0x42: {  	p1 =	sne.s32 s24, $0x19;
	s25 =	sshll.u32 s25, $0x4  }
.Ltmp3:
0x43: {  	s25 =	sadd.s32 s4, s25;
	(pc) =	sbr.rel @!p1 .LBB2_10-.Ltmp3, $4  }
0x44: {  	[hbm4b:s25+s2] =	stream.linear.scatter [tilespmem:s20], [sflag:s26], $0x1400, $0x38;
	[tilespmem:$0x10FE0] =	vst v63  }
0x45: {  	_ =	swait.ge [sflag:s26], $0x1400  }
0x46: {  	[sflag:s26] =	ssyncset.done $0x0  }
0x47: {  	s25 =	smov.u32 s24;
	[sflag:s26] =	ssyncadd.s32 $0xFFFFEC00  }
.LBB2_2:
0x48: {  	s28 =	sand.u32 $0x1, s25  }
0x49: {  	p1 =	seq.s32 s28, $0x1  }
.Ltmp4:
0x4a: {  	s24 =	sadd.s32 $0x1, s25;
	(pc) =	sbr.rel @p1 .LBB2_6-.Ltmp4, $3  }
0x4b: {  	s26 =	smin.u32 s24, $0x18  }
0x4c: {  	s26 =	smul.u32 $0x50, s26;
	_ =	sdelay $0x1  }
0x4d: {  	s28 =	sadd.s32 $0x9C40, s26;
	s26 =	sadd.s32 $0xA410, s26  }
0x4e: {  	[tilespmem:s16], [sflag:$0x3] =	stream.indirect.gather [spmem:s1], $0x40, s28, s13, $0xb8;
	[tilespmem:$0x10FE0] =	vst v63  }
0x4f: {  	_ = 	snop  }
0x50: {  	[tilespmem:s17], [sflag:$0x4] =	stream.indirect.gather [spmem:s1], $0x40, s26, s13, $0xb8;
	[tilespmem:$0x10FE0] =	vst v63  }
0x51: {  	_ =	swait.ge [sflag:s18], $0x1400  }
0x52: {  	[sflag:s18] =	ssyncset.done $0x0  }
0x53: {  	[sflag:s18] =	ssyncadd.s32 $0xFFFFEC00  }
0x54: {  	_ =	swait.ge [sflag:s19], $0x1400  }
0x55: {  	[sflag:s19] =	ssyncset.done $0x0  }
0x56: {  	s26 =	simm.s32 $0x0;
	[sflag:s19] =	ssyncadd.s32 $0xFFFFEC00  }
0x57: {  	v0 =	vld [tilespmem:s26+$0xAC10]  }
0x58: {  	v2 =	vld [tilespmem:s26+$0xC010]  }
0x59: {  	v3 =	vld [tilespmem:s26+$0xAC50]  }
0x5a: {  	v5 =	vld [tilespmem:s26+$0xABE0]  }
0x5b: {  	v7 =	vld [tilespmem:s26+$0xAC20]  }
0x5c: {  	v10 =	vld [tilespmem:s26+$0xC020]  }
0x5d: {  	v16 =	vld [tilespmem:s26+$0xAC00]  }
0x5e: {  	v4 =	vld [tilespmem:s26+$0xC050];
	v8 =	vunpack.i.l.bf16.f32 v0;
	v9 =	vunpack.i.l.bf16.f32 v2  }
0x5f: {  	v6 =	vld [tilespmem:s26+$0xBFE0];
	v11 =	vunpack.i.u.bf16.f32 v0;
	v1 =	vunpack.i.l.bf16.f32 v3;
	v2 =	vunpack.i.u.bf16.f32 v2  }
0x60: {  	v21 =	vld [tilespmem:s26+$0xC040];
	v3 =	vunpack.i.u.bf16.f32 v3;
	v13 =	vunpack.i.u.bf16.f32 v5;
	v5 =	vunpack.i.l.bf16.f32 v5  }
0x61: {  	v12 =	vld [tilespmem:s26+$0xBFF0];
	v15 =	vunpack.i.u.bf16.f32 v7;
	v7 =	vunpack.i.l.bf16.f32 v7;
	v17 =	vunpack.i.u.bf16.f32 v10  }
0x62: {  	v10 =	vunpack.i.l.bf16.f32 v10;
	v22 =	vunpack.i.u.bf16.f32 v16;
	v23 =	vunpack.i.l.bf16.f32 v16  }
0x63: {  	v0 =	vadd.f32 v9, v8;
	v8 =	vld [tilespmem:s26+$0xABF0];
	v9 =	vunpack.i.u.bf16.f32 v4;
	v2 =	vadd.f32 v2, v11  }
0x64: {  	v14 =	vld [tilespmem:s26+$0xC030];
	v11 =	vunpack.i.u.bf16.f32 v6;
	v6 =	vunpack.i.l.bf16.f32 v6;
	v19 =	vadd.f32 v10, v7  }
0x65: {  	v16 =	vunpack.i.u.bf16.f32 v21;
	v3 =	vadd.f32 v9, v3;
	v9 =	vld [tilespmem:s26+$0xAC30];
	v18 =	vadd.f32 v6, v5  }
0x66: {  	v6 =	vld [tilespmem:s26+$0xC000];
	v5 =	vadd.f32 v11, v13;
	v11 =	vunpack.i.u.bf16.f32 v12;
	v12 =	vunpack.i.l.bf16.f32 v12  }
0x67: {  	v13 =	vld [tilespmem:s26+$0xAC40];
	v3 =	vpack.i.f32.bf16 v3, v2;
	v2 =	vunpack.i.l.bf16.f32 v4;
	v18 =	vpack.i.f32.bf16 v19, v18  }
0x68: {  	[tilespmem:s26+$0xFC50] =	vst v3;
	v3 =	vunpack.i.u.bf16.f32 v8;
	v4 =	vunpack.i.l.bf16.f32 v8;
	v8 =	vadd.f32 v17, v15  }
0x69: {  	v15 =	vunpack.i.u.bf16.f32 v14;
	v14 =	vunpack.i.l.bf16.f32 v14;
	v17 =	vunpack.i.l.bf16.f32 v21  }
0x6a: {  	s28 =	simm.s32 $0x80;
	v20 =	vunpack.i.u.bf16.f32 v9;
	v10 =	vunpack.i.l.bf16.f32 v9;
	v7 =	vadd.f32 v12, v4  }
0x6b: {  	v9 =	vadd.f32 v11, v3;
	v24 =	vunpack.i.u.bf16.f32 v6;
	v25 =	vunpack.i.l.bf16.f32 v6;
	v3 =	vld [tilespmem:s28+$0xAC10]  }
0x6c: {  	v4 =	vld [tilespmem:s28+$0xC010];
	v11 =	vadd.f32 v14, v10;
	v10 =	vunpack.i.u.bf16.f32 v13;
	v12 =	vadd.f32 v15, v20  }
0x6d: {  	s29 =	simm.s32 $0x400;
	v6 =	vld [tilespmem:s28+$0xAC50];
	v14 =	vunpack.i.l.bf16.f32 v13;
	v15 =	vadd.f32 v25, v23;
	v13 =	vadd.f32 v24, v22  }
.LBB2_4:
0x6e: {  	p1 =	sne.s32 s29, $0x4E00;
	v19 =	vld [tilespmem:s28+$0xC050];
	v5 =	vpack.i.f32.bf16 v8, v5;
	[tilespmem:s26+$0xFBE0] =	vst v18;
	v8 =	vadd.f32 v17, v14;
	v10 =	vadd.f32 v16, v10  }
0x6f: {  	v1 =	vadd.f32 v2, v1;
	v14 =	vld [tilespmem:s28+$0xABE0];
	[tilespmem:s26+$0xFC20] =	vst v5;
	v5 =	vpack.i.f32.bf16 v11, v7;
	v7 =	vpack.i.f32.bf16 v12, v9  }
0x70: {  	v2 =	vld [tilespmem:s28+$0xBFE0];
	v9 =	vunpack.i.l.bf16.f32 v3;
	[tilespmem:s26+$0xFBF0] =	vst v5;
	v5 =	vpack.i.f32.bf16 v8, v15;
	v8 =	vpack.i.f32.bf16 v10, v13  }
0x71: {  	v10 =	vld [tilespmem:s28+$0xAC20];
	v11 =	vunpack.i.l.bf16.f32 v4;
	[tilespmem:s26+$0xFC30] =	vst v7;
	v7 =	vpack.i.f32.bf16 v1, v0  }
0x72: {  	v3 =	vunpack.i.u.bf16.f32 v3;
	v12 =	vld [tilespmem:s28+$0xC020];
	v1 =	vunpack.i.l.bf16.f32 v6;
	v0 =	vadd.f32 v11, v9;
	[tilespmem:s26+$0xFC00] =	vst v5  }
0x73: {  	v4 =	vunpack.i.u.bf16.f32 v4;
	v6 =	vunpack.i.u.bf16.f32 v6;
	v5 =	vld [tilespmem:s28+$0xABF0];
	v9 =	vunpack.i.u.bf16.f32 v19;
	[tilespmem:s26+$0xFC40] =	vst v8  }
0x74: {  	v3 =	vadd.f32 v4, v3;
	v8 =	vunpack.i.u.bf16.f32 v14;
	v11 =	vld [tilespmem:s28+$0xBFF0];
	v4 =	vadd.f32 v9, v6;
	[tilespmem:s26+$0xFC10] =	vst v7;
	s26 =	smov.u32 s28  }
0x75: {  	v6 =	vunpack.i.l.bf16.f32 v14;
	v7 =	vunpack.i.u.bf16.f32 v2;
	v9 =	vunpack.i.l.bf16.f32 v2;
	v13 =	vld [tilespmem:s26+$0xAC30]  }
0x76: {  	v14 =	vunpack.i.u.bf16.f32 v10;
	v10 =	vunpack.i.l.bf16.f32 v10;
	v15 =	vld [tilespmem:s26+$0xC030];
	v3 =	vpack.i.f32.bf16 v4, v3  }
0x77: {  	v2 =	vunpack.i.l.bf16.f32 v19;
	v4 =	vunpack.i.u.bf16.f32 v12;
	v12 =	vunpack.i.l.bf16.f32 v12;
	v16 =	vld [tilespmem:s26+$0xAC00];
	[tilespmem:s26+$0xFC50] =	vst v3  }
0x78: {  	v18 =	vadd.f32 v9, v6;
	v3 =	vunpack.i.u.bf16.f32 v5;
	v6 =	vunpack.i.l.bf16.f32 v5;
	v17 =	vld [tilespmem:s26+$0xC000]  }
0x79: {  	v5 =	vadd.f32 v7, v8;
	v9 =	vunpack.i.u.bf16.f32 v11;
	v7 =	vunpack.i.l.bf16.f32 v11;
	v19 =	vld [tilespmem:s26+$0xAC40]  }
0x7a: {  	v20 =	vadd.f32 v12, v10;
	v12 =	vunpack.i.u.bf16.f32 v13;
	v10 =	vunpack.i.l.bf16.f32 v13;
	v13 =	vld [tilespmem:s26+$0xC040]  }
0x7b: {  	v8 =	vadd.f32 v4, v14;
	v21 =	vunpack.i.u.bf16.f32 v15;
	v4 =	vunpack.i.l.bf16.f32 v15  }
.Ltmp5:
0x7c: {  	v7 =	vadd.f32 v7, v6;
	v22 =	vunpack.i.u.bf16.f32 v16;
	v15 =	vunpack.i.l.bf16.f32 v16;
	(pc) =	sbr.rel @p1 .LBB2_4-.Ltmp5, $4  }
0x7d: {  	s28 =	sshra.s32 s29, $0x2;
	v9 =	vadd.f32 v9, v3;
	v23 =	vunpack.i.u.bf16.f32 v17;
	v24 =	vunpack.i.l.bf16.f32 v17  }
0x7e: {  	v11 =	vadd.f32 v4, v10;
	v3 =	vld [tilespmem:s28+$0xAC10];
	v10 =	vunpack.i.u.bf16.f32 v19;
	v14 =	vunpack.i.l.bf16.f32 v19  }
0x7f: {  	v12 =	vadd.f32 v21, v12;
	v4 =	vld [tilespmem:s28+$0xC010];
	v16 =	vunpack.i.u.bf16.f32 v13;
	v17 =	vunpack.i.l.bf16.f32 v13  }
0x80: {  	s29 =	sadd.s32 $0x200, s29;
	v18 =	vpack.i.f32.bf16 v20, v18;
	v15 =	vadd.f32 v24, v15;
	v13 =	vadd.f32 v23, v22;
	v6 =	vld [tilespmem:s28+$0xAC50]  }
0x81: {  	v19 =	vld [tilespmem:s28+$0xC050];
	[tilespmem:s26+$0xFBE0] =	vst v18;
	v5 =	vpack.i.f32.bf16 v8, v5;
	v27 =	vadd.f32 v17, v14;
	v29 =	vadd.f32 v16, v10  }
0x82: {  	v25 =	vpack.i.f32.bf16 v11, v7;
	v9 =	vpack.i.f32.bf16 v12, v9;
	v1 =	vadd.f32 v2, v1;
	v24 =	vld [tilespmem:s28+$0xABE0];
	[tilespmem:s26+$0xFC20] =	vst v5  }
0x83: {  	v26 =	vld [tilespmem:s28+$0xBFE0];
	[tilespmem:s26+$0xFBF0] =	vst v25;
	v5 =	vpack.i.f32.bf16 v27, v15;
	v31 =	vpack.i.f32.bf16 v29, v13;
	v32 =	vunpack.i.l.bf16.f32 v3  }
0x84: {  	v0 =	vpack.i.f32.bf16 v1, v0;
	v34 =	vunpack.i.u.bf16.f32 v3;
	v28 =	vld [tilespmem:s28+$0xAC20];
	[tilespmem:s26+$0xFC30] =	vst v9;
	v33 =	vunpack.i.l.bf16.f32 v4  }
0x85: {  	v36 =	vunpack.i.u.bf16.f32 v4;
	v30 =	vld [tilespmem:s28+$0xC020];
	[tilespmem:s26+$0xFC00] =	vst v5;
	v37 =	vunpack.i.u.bf16.f32 v6;
	v39 =	vunpack.i.l.bf16.f32 v6  }
0x86: {  	v1 =	vadd.f32 v36, v34;
	v2 =	vadd.f32 v33, v32;
	v5 =	vld [tilespmem:s28+$0xABF0];
	[tilespmem:s26+$0xFC40] =	vst v31;
	v38 =	vunpack.i.u.bf16.f32 v19  }
0x87: {  	v48 =	vunpack.i.l.bf16.f32 v19;
	v35 =	vld [tilespmem:s28+$0xBFF0];
	[tilespmem:s26+$0xFC10] =	vst v0;
	v40 =	vadd.f32 v38, v37;
	v42 =	vunpack.i.u.bf16.f32 v24  }
0x88: {  	v8 =	vunpack.i.l.bf16.f32 v24;
	v0 =	vadd.f32 v48, v39;
	v41 =	vld [tilespmem:s28+$0xAC30];
	v43 =	vunpack.i.u.bf16.f32 v26  }
0x89: {  	v44 =	vld [tilespmem:s28+$0xC030];
	v7 =	vunpack.i.l.bf16.f32 v26;
	v45 =	vunpack.i.u.bf16.f32 v28;
	v1 =	vpack.i.f32.bf16 v40, v1  }
0x8a: {  	v46 =	vld [tilespmem:s28+$0xAC00];
	v11 =	vunpack.i.l.bf16.f32 v28;
	v7 =	vadd.f32 v7, v8;
	v12 =	vadd.f32 v43, v42  }
0x8b: {  	v50 =	vld [tilespmem:s28+$0xC000];
	v0 =	vpack.i.f32.bf16 v0, v2;
	v47 =	vunpack.i.u.bf16.f32 v30;
	v10 =	vunpack.i.l.bf16.f32 v30  }
0x8c: {  	v18 =	vld [tilespmem:s28+$0xAC40];
	v49 =	vunpack.i.u.bf16.f32 v5;
	v5 =	vunpack.i.l.bf16.f32 v5;
	v10 =	vadd.f32 v10, v11  }
0x8d: {  	v53 =	vld [tilespmem:s28+$0xC040];
	v15 =	vadd.f32 v47, v45;
	v51 =	vunpack.i.u.bf16.f32 v35;
	v3 =	vunpack.i.l.bf16.f32 v35  }
0x8e: {  	v52 =	vunpack.i.u.bf16.f32 v41;
	v6 =	vunpack.i.l.bf16.f32 v41;
	v54 =	vunpack.i.u.bf16.f32 v44  }
0x8f: {  	v14 =	vunpack.i.l.bf16.f32 v44;
	v3 =	vadd.f32 v3, v5;
	v55 =	vunpack.i.u.bf16.f32 v46  }
0x90: {  	v4 =	vunpack.i.l.bf16.f32 v46;
	v8 =	vadd.f32 v51, v49;
	v56 =	vunpack.i.u.bf16.f32 v50  }
0x91: {  	[tilespmem:s28+$0xFC50] =	vst v1;
	v17 =	vunpack.i.l.bf16.f32 v50;
	v57 =	vunpack.i.u.bf16.f32 v18;
	v18 =	vunpack.i.l.bf16.f32 v18  }
0x92: {  	[tilespmem:s28+$0xFC10] =	vst v0;
	v7 =	vpack.i.f32.bf16 v10, v7;
	v58 =	vunpack.i.u.bf16.f32 v53;
	v6 =	vadd.f32 v14, v6  }
0x93: {  	v59 =	vunpack.i.l.bf16.f32 v53;
	v12 =	vpack.i.f32.bf16 v15, v12;
	v11 =	vadd.f32 v54, v52;
	[tilespmem:s28+$0xFBE0] =	vst v7  }
.Ltmp6:
0x94: {  	v4 =	vadd.f32 v17, v4;
	v60 =	vadd.f32 v59, v18;
	[tilespmem:s28+$0xFC20] =	vst v12;
	v3 =	vpack.i.f32.bf16 v6, v3;
	(pc) =	sbr.rel .LBB2_9-.Ltmp6, $4  }
0x95: {  	v5 =	vadd.f32 v56, v55;
	v61 =	vadd.f32 v58, v57;
	v8 =	vpack.i.f32.bf16 v11, v8;
	[tilespmem:s28+$0xFBF0] =	vst v3  }
0x96: {  	v62 =	vpack.i.f32.bf16 v60, v4;
	[tilespmem:s28+$0xFC30] =	vst v8  }
0x97: {  	v63 =	vpack.i.f32.bf16 v61, v5;
	[tilespmem:s28+$0xFC00] =	vst v62  }
0x98: {  	s26 =	simm.s32 $0x6;
	[tilespmem:s28+$0xFC40] =	vst v63  }
.LBB2_6:
0x99: {  	[tilespmem:s14], [sflag:$0x1] =	stream.indirect.gather [spmem:s1], $0x40, s28, s13, $0xb8;
	[tilespmem:$0x10FE0] =	vst v63  }
0x9a: {  	_ = 	snop  }
0x9b: {  	[tilespmem:s15], [sflag:$0x2] =	stream.indirect.gather [spmem:s1], $0x40, s26, s13, $0xb8;
	[tilespmem:$0x10FE0] =	vst v63  }
0x9c: {  	_ =	swait.ge [sflag:s21], $0x1400  }
0x9d: {  	[sflag:s21] =	ssyncset.done $0x0  }
0x9e: {  	[sflag:s21] =	ssyncadd.s32 $0xFFFFEC00  }
0x9f: {  	_ =	swait.ge [sflag:s22], $0x1400  }
0xa0: {  	[sflag:s22] =	ssyncset.done $0x0  }
0xa1: {  	s26 =	simm.s32 $0x0;
	[sflag:s22] =	ssyncadd.s32 $0xFFFFEC00  }
0xa2: {  	v0 =	vld [tilespmem:s26+$0xD410]  }
0xa3: {  	v2 =	vld [tilespmem:s26+$0xE810]  }
0xa4: {  	v3 =	vld [tilespmem:s26+$0xD450]  }
0xa5: {  	v5 =	vld [tilespmem:s26+$0xD3E0]  }
0xa6: {  	v7 =	vld [tilespmem:s26+$0xD420]  }
0xa7: {  	v10 =	vld [tilespmem:s26+$0xE820]  }
0xa8: {  	v16 =	vld [tilespmem:s26+$0xD400]  }
0xa9: {  	v4 =	vld [tilespmem:s26+$0xE850];
	v8 =	vunpack.i.l.bf16.f32 v0;
	v9 =	vunpack.i.l.bf16.f32 v2  }
0xaa: {  	v6 =	vld [tilespmem:s26+$0xE7E0];
	v11 =	vunpack.i.u.bf16.f32 v0;
	v1 =	vunpack.i.l.bf16.f32 v3;
	v2 =	vunpack.i.u.bf16.f32 v2  }
0xab: {  	v21 =	vld [tilespmem:s26+$0xE840];
	v3 =	vunpack.i.u.bf16.f32 v3;
	v13 =	vunpack.i.u.bf16.f32 v5;
	v5 =	vunpack.i.l.bf16.f32 v5  }
0xac: {  	v12 =	vld [tilespmem:s26+$0xE7F0];
	v15 =	vunpack.i.u.bf16.f32 v7;
	v7 =	vunpack.i.l.bf16.f32 v7;
	v17 =	vunpack.i.u.bf16.f32 v10  }
0xad: {  	v10 =	vunpack.i.l.bf16.f32 v10;
	v22 =	vunpack.i.u.bf16.f32 v16;
	v23 =	vunpack.i.l.bf16.f32 v16  }
0xae: {  	v0 =	vadd.f32 v9, v8;
	v8 =	vld [tilespmem:s26+$0xD3F0];
	v9 =	vunpack.i.u.bf16.f32 v4;
	v2 =	vadd.f32 v2, v11  }
0xaf: {  	v14 =	vld [tilespmem:s26+$0xE830];
	v11 =	vunpack.i.u.bf16.f32 v6;
	v6 =	vunpack.i.l.bf16.f32 v6;
	v19 =	vadd.f32 v10, v7  }
0xb0: {  	v16 =	vunpack.i.u.bf16.f32 v21;
	v3 =	vadd.f32 v9, v3;
	v9 =	vld [tilespmem:s26+$0xD430];
	v18 =	vadd.f32 v6, v5  }
0xb1: {  	v6 =	vld [tilespmem:s26+$0xE800];
	v5 =	vadd.f32 v11, v13;
	v11 =	vunpack.i.u.bf16.f32 v12;
	v12 =	vunpack.i.l.bf16.f32 v12  }
0xb2: {  	v13 =	vld [tilespmem:s26+$0xD440];
	v3 =	vpack.i.f32.bf16 v3, v2;
	v2 =	vunpack.i.l.bf16.f32 v4;
	v18 =	vpack.i.f32.bf16 v19, v18  }
0xb3: {  	[tilespmem:s26+$0xFC50] =	vst v3;
	v3 =	vunpack.i.u.bf16.f32 v8;
	v4 =	vunpack.i.l.bf16.f32 v8;
	v8 =	vadd.f32 v17, v15  }
0xb4: {  	v15 =	vunpack.i.u.bf16.f32 v14;
	v14 =	vunpack.i.l.bf16.f32 v14;
	v17 =	vunpack.i.l.bf16.f32 v21  }
0xb5: {  	s28 =	simm.s32 $0x80;
	v20 =	vunpack.i.u.bf16.f32 v9;
	v10 =	vunpack.i.l.bf16.f32 v9;
	v7 =	vadd.f32 v12, v4  }
0xb6: {  	v9 =	vadd.f32 v11, v3;
	v24 =	vunpack.i.u.bf16.f32 v6;
	v25 =	vunpack.i.l.bf16.f32 v6;
	v3 =	vld [tilespmem:s28+$0xD410]  }
0xb7: {  	v4 =	vld [tilespmem:s28+$0xE810];
	v11 =	vadd.f32 v14, v10;
	v10 =	vunpack.i.u.bf16.f32 v13;
	v12 =	vadd.f32 v15, v20  }
0xb8: {  	s29 =	simm.s32 $0x400;
	v6 =	vld [tilespmem:s28+$0xD450];
	v14 =	vunpack.i.l.bf16.f32 v13;
	v15 =	vadd.f32 v25, v23;
	v13 =	vadd.f32 v24, v22  }
.LBB2_7:
0xb9: {  	p1 =	sne.s32 s29, $0x4E00;
	v19 =	vld [tilespmem:s28+$0xE850];
	v5 =	vpack.i.f32.bf16 v8, v5;
	[tilespmem:s26+$0xFBE0] =	vst v18;
	v8 =	vadd.f32 v17, v14;
	v10 =	vadd.f32 v16, v10  }
0xba: {  	v1 =	vadd.f32 v2, v1;
	v14 =	vld [tilespmem:s28+$0xD3E0];
	[tilespmem:s26+$0xFC20] =	vst v5;
	v5 =	vpack.i.f32.bf16 v11, v7;
	v7 =	vpack.i.f32.bf16 v12, v9  }
0xbb: {  	v9 =	vunpack.i.l.bf16.f32 v3;
	v2 =	vld [tilespmem:s28+$0xE7E0];
	[tilespmem:s26+$0xFBF0] =	vst v5;
	v5 =	vpack.i.f32.bf16 v8, v15;
	v8 =	vpack.i.f32.bf16 v10, v13  }
0xbc: {  	v11 =	vunpack.i.l.bf16.f32 v4;
	v10 =	vld [tilespmem:s28+$0xD420];
	[tilespmem:s26+$0xFC30] =	vst v7;
	v7 =	vpack.i.f32.bf16 v1, v0  }
0xbd: {  	v3 =	vunpack.i.u.bf16.f32 v3;
	v1 =	vunpack.i.l.bf16.f32 v6;
	v0 =	vadd.f32 v11, v9;
	v12 =	vld [tilespmem:s28+$0xE820];
	[tilespmem:s26+$0xFC00] =	vst v5  }
0xbe: {  	v4 =	vunpack.i.u.bf16.f32 v4;
	v6 =	vunpack.i.u.bf16.f32 v6;
	v5 =	vld [tilespmem:s28+$0xD3F0];
	v9 =	vunpack.i.u.bf16.f32 v19;
	[tilespmem:s26+$0xFC40] =	vst v8  }
0xbf: {  	v3 =	vadd.f32 v4, v3;
	v8 =	vunpack.i.u.bf16.f32 v14;
	v11 =	vld [tilespmem:s28+$0xE7F0];
	v4 =	vadd.f32 v9, v6;
	[tilespmem:s26+$0xFC10] =	vst v7;
	s26 =	smov.u32 s28  }
0xc0: {  	v6 =	vunpack.i.l.bf16.f32 v14;
	v7 =	vunpack.i.u.bf16.f32 v2;
	v9 =	vunpack.i.l.bf16.f32 v2;
	v13 =	vld [tilespmem:s26+$0xD430]  }
0xc1: {  	v14 =	vunpack.i.u.bf16.f32 v10;
	v10 =	vunpack.i.l.bf16.f32 v10;
	v15 =	vld [tilespmem:s26+$0xE830];
	v3 =	vpack.i.f32.bf16 v4, v3  }
0xc2: {  	v2 =	vunpack.i.l.bf16.f32 v19;
	v4 =	vunpack.i.u.bf16.f32 v12;
	v12 =	vunpack.i.l.bf16.f32 v12;
	v16 =	vld [tilespmem:s26+$0xD400];
	[tilespmem:s26+$0xFC50] =	vst v3  }
0xc3: {  	v18 =	vadd.f32 v9, v6;
	v3 =	vunpack.i.u.bf16.f32 v5;
	v6 =	vunpack.i.l.bf16.f32 v5;
	v17 =	vld [tilespmem:s26+$0xE800]  }
0xc4: {  	v5 =	vadd.f32 v7, v8;
	v9 =	vunpack.i.u.bf16.f32 v11;
	v7 =	vunpack.i.l.bf16.f32 v11;
	v19 =	vld [tilespmem:s26+$0xD440]  }
0xc5: {  	v20 =	vadd.f32 v12, v10;
	v12 =	vunpack.i.u.bf16.f32 v13;
	v10 =	vunpack.i.l.bf16.f32 v13;
	v13 =	vld [tilespmem:s26+$0xE840]  }
0xc6: {  	v8 =	vadd.f32 v4, v14;
	v21 =	vunpack.i.u.bf16.f32 v15;
	v4 =	vunpack.i.l.bf16.f32 v15  }
.Ltmp7:
0xc7: {  	v7 =	vadd.f32 v7, v6;
	v22 =	vunpack.i.u.bf16.f32 v16;
	v15 =	vunpack.i.l.bf16.f32 v16;
	(pc) =	sbr.rel @p1 .LBB2_7-.Ltmp7, $4  }
0xc8: {  	s28 =	sshra.s32 s29, $0x2;
	v9 =	vadd.f32 v9, v3;
	v23 =	vunpack.i.u.bf16.f32 v17;
	v24 =	vunpack.i.l.bf16.f32 v17  }
0xc9: {  	v11 =	vadd.f32 v4, v10;
	v3 =	vld [tilespmem:s28+$0xD410];
	v10 =	vunpack.i.u.bf16.f32 v19;
	v14 =	vunpack.i.l.bf16.f32 v19  }
0xca: {  	v12 =	vadd.f32 v21, v12;
	v4 =	vld [tilespmem:s28+$0xE810];
	v16 =	vunpack.i.u.bf16.f32 v13;
	v17 =	vunpack.i.l.bf16.f32 v13  }
0xcb: {  	s29 =	sadd.s32 $0x200, s29;
	v18 =	vpack.i.f32.bf16 v20, v18;
	v15 =	vadd.f32 v24, v15;
	v13 =	vadd.f32 v23, v22;
	v6 =	vld [tilespmem:s28+$0xD450]  }
.Ltmp8:
0xcc: {  	_ = 	snop;
	(pc) =	sbr.rel .LBB2_8-.Ltmp8, $1  }
0xcd: {  	_ =	sdelay $0x3  }
.LBB2_11:
0xce: {  	_ =	sfence.sel $0x180000  }
0xcf: {  	[bflag:$0x0] =	sbarrier.arrive $0xFFFF  }
0xd0: {  	_ =	strace $0x9000004A  }
0xd1: {  	s0 =	sadd.s32 @!p0 $0x100000, s0;
	[bflag:$0x2] =	sbarrier.arrive $0xFFFF  }
0xd2: {  	[sflag:s0] =	ssyncadd.tile.s32 @!p0 $0x1;
	_ =	shalt  }
.Lfunc_end2:
_tile_overlayer_lowered:
.L_overlay_start_2:
0xd3: {  	(tag) =	ssettag $0x2  }
0xd4: {  	s0 =	rddreg [dreg:$0x0];
	s2 =	stileid.u32  }
0xd5: {  	s1 =	rddreg [dreg:$0x1];
	p0 =	sne.s32 s2, $0x0  }
0xd6: {  	s3 =	rddreg [dreg:$0x2];
	[bflag:$0x3] =	sbarrier.arrive $0xFFFF;
	s2 =	simm.s32 @!p0 $0x1C05  }
0xd7: {  	[timem:s3], [sflag:s2] =	dma.local @!p0 [hbm:s0], s1  }
0xd8: {  	s0 =	simm.s32 @!p0 $0x5  }
0xd9: {  	_ =	swait.ge @!p0 [sflag:s0], s1  }
0xda: {  	s1 =	ssub.s32 @!p0 $0x0, s1;
	[sflag:s0] =	ssyncset.done @!p0 $0x0  }
0xdb: {  	[sflag:s0] =	ssyncadd.s32 @!p0 s1  }
0xdc: {  	[bflag:$0x3] =	sbarrier.arrive $0xFFFF  }
0xdd: {  	_ =	shalt  }

// kernel: kernel.19.cloned.1.call-start
scs
__scs_entry_jumppad:
0x0: {  	(pc) =	sbr.rel $0x88, $3  }
0x1: {  	(tag) =	ssettag $0x0;
	lr =	simm.s32 $0x1  }
0x2: {  	[smem:$0x3F98] =	sst lr;
	_ =	strace $0xD0000000  }
0x3: {  	_ = 	snop  }
0x4: {  	_ = 	snop  }
0x5: {  	_ = 	snop  }
0x6: {  	_ = 	snop  }
0x7: {  	_ = 	snop  }
__scs_overlays_trampoline_lowered:
0x8: {  	[smem:$0x3FA7] =	sst s0  }
0x9: {  	[smem:$0x3FA8] =	sst s1  }
0xa: {  	[smem:$0x3FA9] =	sst s2  }
0xb: {  	[smem:$0x3FAA] =	sst s3  }
0xc: {  	[smem:$0x3FAB] =	sst s4  }
0xd: {  	[smem:$0x3FAC] =	sst s5  }
0xe: {  	[smem:$0x3FAD] =	sst s6  }
0xf: {  	[smem:$0x3FAE] =	sst s7  }
0x10: {  	[smem:$0x3FAF] =	sst s8  }
0x11: {  	[smem:$0x3FB0] =	sst s9;
	s0 =	simm.s32 @!p0 $0x0  }
0x12: {  	s1 =	sld [smem:$0x3F96];
	s0 =	simm.s32 @p0 $0x1  }
0x13: {  	[smem:$0x3FB1] =	sst s0;
	s0 =	simm.s32 @!p1 $0x0  }
0x14: {  	s2 =	sld [smem:$0x3F95];
	s0 =	simm.s32 @p1 $0x1  }
0x15: {  	[smem:$0x3FB2] =	sst s0;
	s0 =	simm.s32 @!p2 $0x0  }
0x16: {  	s3 =	sld [smem:$0x3FDB];
	s0 =	simm.s32 @p2 $0x1  }
0x17: {  	s4 =	simm.s32 $0x1BF5;
	[smem:$0x3FB4] =	sst s0  }
0x18: {  	s0 =	sld [smem:$0x3F97];
	_ =	swait.ge [sflag:s4], $0x0  }
0x19: {  	s7 =	sld [smem:$0x3F98]  }
0x1a: {  	s8 =	sadd.s32 $0xFFFFE003, lr  }
0x1b: {  	s9 =	sadd.s32 $0xFFFFFEF7, lr;
	s5 =	simm.s32 $0xFFFFFFFF;
	p2 =	slt.u32 s8, $0xFFFFF086  }
0x1c: {  	p1 =	slt.u32 s9, $0xF7A;
	s5 =	simm.s32 @!p2 $0x0  }
0x1d: {  	s5 =	simm.s32 @p1 $0x1;
	p0 =	seq.s32 s7, s2  }
0x1e: {  	s7 =	smul.u32 @!p0 $0xF7A, s2;
	p2 =	seq.s32 @!p0 s5, $0x0  }
0x1f: {  	s9 =	smul.u32 $0xF7A, s1;
	s8 =	simm.s32 @!p0 $0x1BF5;
	p2 =	por !p2, p0  }
0x20: {  	[sflag:s8] =	ssyncset.s32 @!p0 $0xFFFFF086;
	s6 =	sadd.s32 @!p0 s3, s7;
	s7 =	simm.s32 @!p0 $0x108  }
0x21: {  	s3 =	sadd.s32 s3, s9;
	s6 =	sadd.s32 @!p0 $0x88, s6;
	s7 =	simm.s32 @p2 $0x1082  }
0x22: {  	[simem:s7], [sflag:s8] =	dma.local @!p0 [hbm:s6], $0xF7A  }
0x23: {  	s9 =	sor.u32 $0xD0000000, s2;
	s6 =	simm.s32 $0x108;
	_ =	swait.ge @!p0 [sflag:s8], $0x0  }
0x24: {  	s3 =	sadd.s32 $0x88, s3;
	s6 =	simm.s32 @!p1 $0x1082;
	[sflag:s4] =	ssyncset.s32 $0xFFFFF086  }
0x25: {  	[simem:s6], [sflag:s4] =	dma.local [hbm:s3], $0xF7A  }
0x26: {  	[smem:$0x3F98] =	sst s1;
	(tag) =	ssettag s2;
	_ =	strace s9  }
0x27: {  	s1 =	sld [smem:$0x3FA8]  }
0x28: {  	s2 =	sld [smem:$0x3FA9]  }
0x29: {  	s4 =	sld [smem:$0x3FAB]  }
0x2a: {  	p0 =	seq.s32 s5, $0x0;
	s5 =	sld [smem:$0x3FAC]  }
0x2b: {  	s6 =	sld [smem:$0x3FAD]  }
0x2c: {  	s7 =	sld [smem:$0x3FAE]  }
0x2d: {  	s3 =	simm.s32 $0x108;
	s8 =	sld [smem:$0x3FAF]  }
0x2e: {  	s3 =	simm.s32 @!p0 $0x1082;
	s9 =	sld [smem:$0x3FB0]  }
0x2f: {  	lr =	sadd.s32 s0, s3;
	s0 =	sld [smem:$0x3FA7]  }
0x30: {  	s3 =	sld [smem:$0x3FAA]  }
0x31: {  	[smem:$0x3FB3] =	sst s10  }
0x32: {  	s10 =	sld [smem:$0x3FB1];
	_ =	sdelay $0x3  }
0x33: {  	p0 =	seq.s32 s10, $0x1;
	s10 =	sld [smem:$0x3FB3];
	_ =	sdelay $0x3  }
0x34: {  	[smem:$0x3FB3] =	sst s10  }
0x35: {  	s10 =	sld [smem:$0x3FB2];
	_ =	sdelay $0x3  }
0x36: {  	p1 =	seq.s32 s10, $0x1;
	s10 =	sld [smem:$0x3FB3];
	_ =	sdelay $0x3  }
0x37: {  	[smem:$0x3FB3] =	sst s10  }
0x38: {  	s10 =	sld [smem:$0x3FB4]  }
0x39: {  	_ = 	snop;
	(pc) =	sbr.ind lr, $3  }
0x3a: {  	_ = 	snop  }
0x3b: {  	_ = 	snop  }
0x3c: {  	p2 =	seq.s32 s10, $0x1;
	s10 =	sld [smem:$0x3FB3]  }
0x3d: {  	_ =	shalt  }
0x3e: {  	_ =	shalt  }
0x3f: {  	_ =	shalt  }
0x40: {  	_ =	shalt  }
0x41: {  	_ =	shalt  }
0x42: {  	_ =	shalt  }
0x43: {  	_ =	shalt  }
0x44: {  	_ =	shalt  }
0x45: {  	_ =	shalt  }
0x46: {  	_ =	shalt  }
0x47: {  	_ =	shalt  }
0x48: {  	_ =	shalt  }
0x49: {  	_ =	shalt  }
0x4a: {  	_ =	shalt  }
0x4b: {  	_ =	shalt  }
0x4c: {  	_ =	shalt  }
0x4d: {  	_ =	shalt  }
0x4e: {  	_ =	shalt  }
0x4f: {  	_ =	shalt  }
0x50: {  	_ =	shalt  }
0x51: {  	_ =	shalt  }
0x52: {  	_ =	shalt  }
0x53: {  	_ =	shalt  }
0x54: {  	_ =	shalt  }
0x55: {  	_ =	shalt  }
0x56: {  	_ =	shalt  }
0x57: {  	_ =	shalt  }
0x58: {  	_ =	shalt  }
0x59: {  	_ =	shalt  }
0x5a: {  	_ =	shalt  }
0x5b: {  	_ =	shalt  }
0x5c: {  	_ =	shalt  }
0x5d: {  	_ =	shalt  }
0x5e: {  	_ =	shalt  }
0x5f: {  	_ =	shalt  }
0x60: {  	_ =	shalt  }
0x61: {  	_ =	shalt  }
0x62: {  	_ =	shalt  }
0x63: {  	_ =	shalt  }
0x64: {  	_ =	shalt  }
0x65: {  	_ =	shalt  }
0x66: {  	_ =	shalt  }
0x67: {  	_ =	shalt  }
0x68: {  	_ =	shalt  }
0x69: {  	_ =	shalt  }
0x6a: {  	_ =	shalt  }
0x6b: {  	_ =	shalt  }
0x6c: {  	_ =	shalt  }
0x6d: {  	_ =	shalt  }
0x6e: {  	_ =	shalt  }
0x6f: {  	_ =	shalt  }
0x70: {  	_ =	shalt  }
0x71: {  	_ =	shalt  }
0x72: {  	_ =	shalt  }
0x73: {  	_ =	shalt  }
0x74: {  	_ =	shalt  }
0x75: {  	_ =	shalt  }
0x76: {  	_ =	shalt  }
0x77: {  	_ =	shalt  }
0x78: {  	_ =	shalt  }
0x79: {  	_ =	shalt  }
0x7a: {  	_ =	shalt  }
0x7b: {  	_ =	shalt  }
0x7c: {  	_ =	shalt  }
0x7d: {  	_ =	shalt  }
0x7e: {  	_ =	shalt  }
0x7f: {  	_ =	shalt  }
0x80: {  	_ =	shalt  }
0x81: {  	_ =	shalt  }
0x82: {  	_ =	shalt  }
0x83: {  	_ =	shalt  }
0x84: {  	_ =	shalt  }
0x85: {  	_ =	shalt  }
0x86: {  	_ =	shalt  }
0x87: {  	_ =	shalt  }
.Lfunc_end0:
.L_simem_size_0:
called_computation.2_lowered:
.L_overlay_start_0:
0x88: {  	s2 =	sld [smem:$0x3FD9]  }
0x89: {  	s3 =	sld [smem:$0x3FFE];
	_ =	sdelay $0x1  }
0x8a: {  	s1 =	srdreg.scid  }
0x8b: {  	s0 =	sand.u32 $0x1, s1  }
0x8c: {  	s17 =	sshll.u32 s0, $0xA;
	s2 =	sadd.s32 s3, s2  }
0x8d: {  	s2 =	sadd.s32 s2, s17  }
0x8e: {  	[smem:$0x3FBF] =	sst s2  }
0x8f: {  	_ = 	snop  }
0x90: {  	(tm) =	ssettm $0x1  }
0x91: {  	s18 =	sld [smem:$0x3FFB];
	_ =	sdelay $0x3  }
0x92: {  	_ =	strace s18  }
0x93: {  	s2 =	sld [smem:$0x3FFC];
	_ =	sdelay $0x3  }
0x94: {  	_ =	strace s2  }
0x95: {  	s2 =	sld [smem:$0x3FFD];
	_ =	sdelay $0x3  }
0x96: {  	_ =	strace s2  }
0x97: {  	_ =	strace $0x8FFFFFFF  }
0x98: {  	s19 =	sld [smem:$0x3FDB];
	_ =	sdelay $0x1  }
0x99: {  	s20 =	simm.s32 $_scs_section_size  }
0x9a: {  	s4 =	simm.s32 $_size__tile_overlayer_lowered;
	s5 =	simm.s32 $_tile_overlayer_lowered  }
0x9b: {  	s6 =	simm.s32 $0x1BFF;
	s21 =	sshll.u32 s5, $0x1;
	s3 =	sadd.s32 s20, s19  }
0x9c: {  	s22 =	simm.s32 $0x0;
	s4 =	sshll.u32 s4, $0x1;
	s5 =	sadd.s32 s21, s3  }
0x9d: {  	[timem:s22], [sflag:s6] =	dma.local [hbm:s5], s4  }
0x9e: {  	_ =	swait.ge [sflag:s6], s4  }
0x9f: {  	s4 =	ssub.s32 $0x0, s4;
	[sflag:s6] =	ssyncset.done $0x0  }
0xa0: {  	[sflag:s6] =	ssyncadd.s32 s4;
	_ =	sdelay $0x1  }
0xa1: {  	s23 =	simm.s32 $0x1B8B  }
0xa2: {  	_ =	swait.ge [sflag:s23], $0x1  }
0xa3: {  	[sflag:s23] =	ssyncset.done $0x0  }
0xa4: {  	[sflag:s23] =	ssyncadd.s32 $0xFFFFFFFF  }
0xa5: {  	s4 =	sld [smem:$0x0]  }
0xa6: {  	s5 =	sand.u32 $0xFFFFFFFE, s1  }
0xa7: {  	p0 =	sne.s32 s1, s5  }
0xa8: {  	s5 =	sshll.u32 @p0 s5, $0xE  }
0xa9: {  	s5 =	sadd.s32 @p0 $0x11B8D, s5;
	s6 =	sshll.u32 @p0 s4, $0x11  }
0xaa: {  	s5 =	sor.u32 @p0 s6, s5  }
0xab: {  	[sflag:s5] =	ssyncadd.remote.s32 @p0 $0x1;
	_ =	sdelay $0x1  }
0xac: {  	s5 =	simm.s32 @p0 $0x1B8D  }
0xad: {  	_ =	swait.eq @p0 [sflag:s5], $0x1  }
0xae: {  	[sflag:s5] =	ssyncadd.s32 @p0 $0xFFFFFFFF  }
0xaf: {  	s6 =	sshll.u32 @!p0 s1, $0xE  }
0xb0: {  	s6 =	sor.u32 @!p0 $0x4000, s6;
	s5 =	simm.s32 @!p0 $0x1B8D  }
0xb1: {  	s4 =	sshll.u32 @!p0 s4, $0x11;
	s6 =	sadd.s32 @!p0 $0x11B8D, s6;
	_ =	swait.eq @!p0 [sflag:s5], $0x1  }
0xb2: {  	s4 =	sor.u32 @!p0 s4, s6;
	[sflag:s5] =	ssyncadd.s32 @!p0 $0xFFFFFFFF  }
0xb3: {  	s25 =	simm.s32 $0x1B8E;
	s24 =	sld [smem:$0x3FFE];
	[sflag:s4] =	ssyncadd.remote.s32 @!p0 $0x1  }
0xb4: {  	s26 =	simm.s32 $execute0_lowered;
	[smem:$0x3FD2] =	sst s25  }
0xb5: {  	s5 =	sshll.u32 s26, $0x1;
	_ =	strace $0x8000004C;
	[dreg:$0x1] =	wrdreg $0xFFFFFFFF  }
0xb6: {  	s28 =	simm.s32 $_size_execute0_lowered;
	s3 =	sadd.s32 s3, s5;
	[dreg:$0x0] =	wrdreg $0x0  }
0xb7: {  	s5 =	sshll.u32 s28, $0x1;
	[dreg:$0x2] =	wrdreg s3  }
0xb8: {  	[dreg:$0x3] =	wrdreg s5  }
0xb9: {  	[dreg:$0x4] =	wrdreg $0xC0  }
0xba: {  	_ =	task [dreg:s22], $0x5FFFF  }
0xbb: {  	[dreg:$0x1] =	wrdreg $0xFFFFFFFF  }
0xbc: {  	[dreg:$0x0] =	wrdreg $0x60  }
0xbd: {  	[dreg:$0x2] =	wrdreg s24  }
0xbe: {  	[dreg:$0x3] =	wrdreg $0x0  }
0xbf: {  	[dreg:$0x4] =	wrdreg $0xB  }
0xc0: {  	_ =	task.clear_ibuf [dreg:s22], $0x5FFFF;
	_ =	strace $0x9000004C  }
0xc1: {  	s29 =	simm.s32 $0xB;
	_ =	strace $0x8000004E  }
0xc2: {  	_ =	swait.ge [sflag:s29], $0x1  }
0xc3: {  	[sflag:s29] =	ssyncadd.s32 $0xFFFFFFFF  }
0xc4: {  	_ =	strace $0x9000004E  }
0xc5: {  	_ =	sfence  }
0xc6: {  	s30 =	sld [smem:$0x0];
	_ =	sdelay $0x2  }
0xc7: {  	s31 =	sshll.u32 s1, $0xD;
	s1 =	sshrl.u32 s1, $0x2  }
0xc8: {  	s4 =	sand.u32 $0x4000, s31;
	s1 =	sadd.s32 s1, s30  }
0xc9: {  	s0 =	sor.u32 s4, s0;
	s1 =	sshll.u32 s1, $0x11  }
0xca: {  	s0 =	sor.u32 s1, s0  }
0xcb: {  	s0 =	sadd.s32 $0x8F2B, s0  }
0xcc: {  	[sflag:s0] =	ssyncadd.remote.s32 $0x1  }
0xcd: {  	_ =	sfence.sel $0xFFFF  }
0xce: {  	[dreg:$0x0] =	wrdreg $0xFFFFFFFF;
	(pc) =	sbr.abs _section_cstart, $3  }
0xcf: {  	[dreg:$0x1] =	wrdreg $0xFFFFFFFF  }
0xd0: {  	_ =	task.clear_ibuf [dreg:s22], $0x2FFFF;
	_ =	strace $0x9FFFFFFF  }
0xd1: {  	(tm) =	ssettm $0x7FFFFFFF  }
tec
execute0_lowered:
.L_overlay_start_1:
0x0: {  	(tag) =	ssettag $0x1  }
0x1: {  	s4 =	rddreg [dreg:$0x0]  }
0x2: {  	s0 =	srdreg.scid;
	s9 =	stileid.u32  }
0x3: {  	s1 =	rddreg [dreg:$0x1];
	s2 =	simm.s32 $0x0;
	s10 =	simm.s32 $0x9C40  }
0x4: {  	s11 =	simm.s32 $0x5;
	s12 =	simm.s32 $0xA410;
	s13 =	simm.s32 $0x50  }
0x5: {  	s14 =	simm.s32 $0xABE0;
	s15 =	simm.s32 $0xBFE0;
	s16 =	simm.s32 $0xD3E0  }
0x6: {  	s17 =	simm.s32 $0xE7E0;
	s18 =	simm.s32 $0x1;
	s19 =	simm.s32 $0x2  }
0x7: {  	s20 =	simm.s32 $0xFBE0;
	s21 =	simm.s32 $0x3;
	s22 =	simm.s32 $0x4  }
0x8: {  	s23 =	simm.s32 $0x0;
	s5 =	sand.u32 $0x1, s0;
	s0 =	rddreg [dreg:$0x2]  }
0x9: {  	s3 =	sshll.u32 s9, $0x1;
	[smem:$0x7FF] =	sst s2;
	p0 =	sne.s32 s9, $0x0  }
.Ltmp0:
0xa: {  	s7 =	sor.u32 s5, s3;
	_ =	strace $0x8000004D;
	(pc) =	sbr.rel .LBB2_1-.Ltmp0, $4  }
0xb: {  	s3 =	sadd.s32 $0x1E00, s4;
	s5 =	ssub.s32 $0x2, s5;
	s6 =	smul.u32 $0xFA, s7  }
0xc: {  	s9 =	sshrl.u32 @!p0 s1, $0x3;
	s8 =	sshrl.u32 s5, $0x1;
	s7 =	smul.u32 $0x3E8, s7  }
0xd: {  	s8 =	ssub.s32 s5, s8;
	s6 =	sadd.s32 s6, s4;
	s4 =	sadd.s32 $0x9E800, s4  }
0xe: {  	s8 =	smax.u32 s8, $0x1;
	s5 =	sadd.s32 $0x9A800, s6;
	s6 =	sadd.s32 $0x9C800, s6  }
.LBB2_10:
0xf: {  	s23 =	sadd.s32 $0x1, s23  }
0x10: {  	_ =	swait.ge [sflag:s21], $0x1400;
	p1 =	sne.s32 s23, s8  }
.Ltmp1:
0x11: {  	[sflag:s21] =	ssyncset.done $0x0;
	(pc) =	sbr.rel @!p1 .LBB2_11-.Ltmp1, $4  }
0x12: {  	[sflag:s21] =	ssyncadd.s32 $0xFFFFEC00  }
0x13: {  	_ =	swait.ge [sflag:s22], $0x1400  }
0x14: {  	[sflag:s22] =	ssyncset.done $0x0  }
0x15: {  	[sflag:s22] =	ssyncadd.s32 $0xFFFFEC00  }
.LBB2_1:
0x16: {  	s24 =	simm.s32 @!p0 $0x1C05  }
0x17: {  	[spmem:s9], [sflag:s24] =	dma.local @!p0 [hbm:s3], $0x13880  }
0x18: {  	s24 =	simm.s32 @!p0 $0x5  }
0x19: {  	_ =	swait.ge @!p0 [sflag:s24], $0x13880  }
0x1a: {  	[sflag:s24] =	ssyncset.done @!p0 $0x0  }
0x1b: {  	[sflag:s24] =	ssyncadd.s32 @!p0 $0xFFFEC780  }
0x1c: {  	[tilespmem:s10], [sflag:$0x5] =	stream.linear.gather [hbm4b:s5+s2], $0x7D0, $0x38;
	[tilespmem:$0x10FE0] =	vst v63  }
0x1d: {  	_ =	swait.ge [sflag:s11], $0x7D0  }
0x1e: {  	[sflag:s11] =	ssyncset.done $0x0  }
0x1f: {  	[sflag:s11] =	ssyncadd.s32 $0xFFFFF830  }
0x20: {  	[tilespmem:s12], [sflag:$0x5] =	stream.linear.gather [hbm4b:s6+s2], $0x7D0, $0x38;
	[tilespmem:$0x10FE0] =	vst v63  }
0x21: {  	_ =	swait.ge [sflag:s11], $0x7D0  }
0x22: {  	[sflag:s11] =	ssyncset.done $0x0  }
.Ltmp2:
0x23: {  	[sflag:s11] =	ssyncadd.s32 $0xFFFFF830;
	(pc) =	sbr.rel .LBB2_2-.Ltmp2, $4  }
0x24: {  	[bflag:$0x0] =	sbarrier.arrive $0xFFFF  }
0x25: {  	[tilespmem:s14], [sflag:$0x1] =	stream.indirect.gather [spmem:s1], $0x40, s10, s13, $0xb8;
	[tilespmem:$0x10FE0] =	vst v63  }
0x26: {  	s25 =	simm.s32 $0x0  }
0x27: {  	[tilespmem:s15], [sflag:$0x2] =	stream.indirect.gather [spmem:s1], $0x40, s12, s13, $0xb8;
	[tilespmem:$0x10FE0] =	vst v63  }
.LBB2_8:
0x28: {  	v19 =	vld [tilespmem:s28+$0xE850];
	[tilespmem:s26+$0xFBE0] =	vst v18;
	v5 =	vpack.i.f32.bf16 v8, v5;
	v25 =	vpack.i.f32.bf16 v11, v7;
	v27 =	vadd.f32 v17, v14  }
0x29: {  	v9 =	vpack.i.f32.bf16 v12, v9;
	v29 =	vadd.f32 v16, v10;
	v1 =	vadd.f32 v2, v1;
	v24 =	vld [tilespmem:s28+$0xD3E0];
	[tilespmem:s26+$0xFC20] =	vst v5  }
0x2a: {  	v32 =	vunpack.i.l.bf16.f32 v3;
	v33 =	vunpack.i.l.bf16.f32 v4;
	v34 =	vunpack.i.u.bf16.f32 v3;
	v26 =	vld [tilespmem:s28+$0xE7E0];
	[tilespmem:s26+$0xFBF0] =	vst v25  }
0x2b: {  	v36 =	vunpack.i.u.bf16.f32 v4;
	v37 =	vunpack.i.u.bf16.f32 v6;
	v5 =	vpack.i.f32.bf16 v27, v15;
	v28 =	vld [tilespmem:s28+$0xD420];
	[tilespmem:s26+$0xFC30] =	vst v9  }
0x2c: {  	v39 =	vunpack.i.l.bf16.f32 v6;
	v2 =	vadd.f32 v33, v32;
	v31 =	vpack.i.f32.bf16 v29, v13;
	v30 =	vld [tilespmem:s28+$0xE820];
	[tilespmem:s26+$0xFC00] =	vst v5  }
0x2d: {  	v0 =	vpack.i.f32.bf16 v1, v0;
	v1 =	vadd.f32 v36, v34;
	v5 =	vld [tilespmem:s28+$0xD3F0];
	[tilespmem:s26+$0xFC40] =	vst v31;
	v38 =	vunpack.i.u.bf16.f32 v19  }
0x2e: {  	v48 =	vunpack.i.l.bf16.f32 v19;
	v35 =	vld [tilespmem:s28+$0xE7F0];
	[tilespmem:s26+$0xFC10] =	vst v0;
	v40 =	vadd.f32 v38, v37;
	v42 =	vunpack.i.u.bf16.f32 v24  }
0x2f: {  	v8 =	vunpack.i.l.bf16.f32 v24;
	v0 =	vadd.f32 v48, v39;
	v41 =	vld [tilespmem:s28+$0xD430];
	v43 =	vunpack.i.u.bf16.f32 v26  }
0x30: {  	v44 =	vld [tilespmem:s28+$0xE830];
	v7 =	vunpack.i.l.bf16.f32 v26;
	v45 =	vunpack.i.u.bf16.f32 v28;
	v1 =	vpack.i.f32.bf16 v40, v1  }
0x31: {  	v46 =	vld [tilespmem:s28+$0xD400];
	v11 =	vunpack.i.l.bf16.f32 v28;
	v7 =	vadd.f32 v7, v8;
	v12 =	vadd.f32 v43, v42  }
0x32: {  	v50 =	vld [tilespmem:s28+$0xE800];
	v0 =	vpack.i.f32.bf16 v0, v2;
	v47 =	vunpack.i.u.bf16.f32 v30;
	v10 =	vunpack.i.l.bf16.f32 v30  }
0x33: {  	v18 =	vld [tilespmem:s28+$0xD440];
	v49 =	vunpack.i.u.bf16.f32 v5;
	v5 =	vunpack.i.l.bf16.f32 v5;
	v10 =	vadd.f32 v10, v11  }
0x34: {  	v53 =	vld [tilespmem:s28+$0xE840];
	v15 =	vadd.f32 v47, v45;
	v51 =	vunpack.i.u.bf16.f32 v35;
	v3 =	vunpack.i.l.bf16.f32 v35  }
0x35: {  	v52 =	vunpack.i.u.bf16.f32 v41;
	v6 =	vunpack.i.l.bf16.f32 v41;
	v54 =	vunpack.i.u.bf16.f32 v44  }
0x36: {  	v14 =	vunpack.i.l.bf16.f32 v44;
	v3 =	vadd.f32 v3, v5;
	v55 =	vunpack.i.u.bf16.f32 v46  }
0x37: {  	v4 =	vunpack.i.l.bf16.f32 v46;
	v8 =	vadd.f32 v51, v49;
	v56 =	vunpack.i.u.bf16.f32 v50  }
0x38: {  	[tilespmem:s28+$0xFC50] =	vst v1;
	v17 =	vunpack.i.l.bf16.f32 v50;
	v57 =	vunpack.i.u.bf16.f32 v18;
	v18 =	vunpack.i.l.bf16.f32 v18  }
0x39: {  	[tilespmem:s28+$0xFC10] =	vst v0;
	v7 =	vpack.i.f32.bf16 v10, v7;
	v58 =	vunpack.i.u.bf16.f32 v53;
	v6 =	vadd.f32 v14, v6  }
0x3a: {  	v59 =	vunpack.i.l.bf16.f32 v53;
	v12 =	vpack.i.f32.bf16 v15, v12;
	v11 =	vadd.f32 v54, v52;
	[tilespmem:s28+$0xFBE0] =	vst v7  }
0x3b: {  	v4 =	vadd.f32 v17, v4;
	v60 =	vadd.f32 v59, v18;
	[tilespmem:s28+$0xFC20] =	vst v12;
	v3 =	vpack.i.f32.bf16 v6, v3  }
0x3c: {  	v5 =	vadd.f32 v56, v55;
	v61 =	vadd.f32 v58, v57;
	v8 =	vpack.i.f32.bf16 v11, v8;
	[tilespmem:s28+$0xFBF0] =	vst v3  }
0x3d: {  	v62 =	vpack.i.f32.bf16 v60, v4;
	[tilespmem:s28+$0xFC30] =	vst v8  }
0x3e: {  	v63 =	vpack.i.f32.bf16 v61, v5;
	[tilespmem:s28+$0xFC00] =	vst v62  }
0x3f: {  	s26 =	simm.s32 $0x5;
	[tilespmem:s28+$0xFC40] =	vst v63  }
.LBB2_9:
0x40: {  	s25 =	smul.u32 $0x28, s25;
	_ =	sdelay $0x1  }
0x41: {  	s25 =	sadd.s32 s7, s25  }
0x42: {  	p1 =	sne.s32 s24, $0x19;
	s25 =	sshll.u32 s25, $0x4  }
.Ltmp3:
0x43: {  	s25 =	sadd.s32 s4, s25;
	(pc) =	sbr.rel @!p1 .LBB2_10-.Ltmp3, $4  }
0x44: {  	[hbm4b:s25+s2] =	stream.linear.scatter [tilespmem:s20], [sflag:s26], $0x1400, $0x38;
	[tilespmem:$0x10FE0] =	vst v63  }
0x45: {  	_ =	swait.ge [sflag:s26], $0x1400  }
0x46: {  	[sflag:s26] =	ssyncset.done $0x0  }
0x47: {  	s25 =	smov.u32 s24;
	[sflag:s26] =	ssyncadd.s32 $0xFFFFEC00  }
.LBB2_2:
0x48: {  	s28 =	sand.u32 $0x1, s25  }
0x49: {  	p1 =	seq.s32 s28, $0x1  }
.Ltmp4:
0x4a: {  	s24 =	sadd.s32 $0x1, s25;
	(pc) =	sbr.rel @p1 .LBB2_6-.Ltmp4, $3  }
0x4b: {  	s26 =	smin.u32 s24, $0x18  }
0x4c: {  	s26 =	smul.u32 $0x50, s26;
	_ =	sdelay $0x1  }
0x4d: {  	s28 =	sadd.s32 $0x9C40, s26;
	s26 =	sadd.s32 $0xA410, s26  }
0x4e: {  	[tilespmem:s16], [sflag:$0x3] =	stream.indirect.gather [spmem:s1], $0x40, s28, s13, $0xb8;
	[tilespmem:$0x10FE0] =	vst v63  }
0x4f: {  	_ = 	snop  }
0x50: {  	[tilespmem:s17], [sflag:$0x4] =	stream.indirect.gather [spmem:s1], $0x40, s26, s13, $0xb8;
	[tilespmem:$0x10FE0] =	vst v63  }
0x51: {  	_ =	swait.ge [sflag:s18], $0x1400  }
0x52: {  	[sflag:s18] =	ssyncset.done $0x0  }
0x53: {  	[sflag:s18] =	ssyncadd.s32 $0xFFFFEC00  }
0x54: {  	_ =	swait.ge [sflag:s19], $0x1400  }
0x55: {  	[sflag:s19] =	ssyncset.done $0x0  }
0x56: {  	s26 =	simm.s32 $0x0;
	[sflag:s19] =	ssyncadd.s32 $0xFFFFEC00  }
0x57: {  	v0 =	vld [tilespmem:s26+$0xAC10]  }
0x58: {  	v2 =	vld [tilespmem:s26+$0xC010]  }
0x59: {  	v3 =	vld [tilespmem:s26+$0xAC50]  }
0x5a: {  	v5 =	vld [tilespmem:s26+$0xABE0]  }
0x5b: {  	v7 =	vld [tilespmem:s26+$0xAC20]  }
0x5c: {  	v10 =	vld [tilespmem:s26+$0xC020]  }
0x5d: {  	v16 =	vld [tilespmem:s26+$0xAC00]  }
0x5e: {  	v4 =	vld [tilespmem:s26+$0xC050];
	v8 =	vunpack.i.l.bf16.f32 v0;
	v9 =	vunpack.i.l.bf16.f32 v2  }
0x5f: {  	v6 =	vld [tilespmem:s26+$0xBFE0];
	v11 =	vunpack.i.u.bf16.f32 v0;
	v1 =	vunpack.i.l.bf16.f32 v3;
	v2 =	vunpack.i.u.bf16.f32 v2  }
0x60: {  	v21 =	vld [tilespmem:s26+$0xC040];
	v3 =	vunpack.i.u.bf16.f32 v3;
	v13 =	vunpack.i.u.bf16.f32 v5;
	v5 =	vunpack.i.l.bf16.f32 v5  }
0x61: {  	v12 =	vld [tilespmem:s26+$0xBFF0];
	v15 =	vunpack.i.u.bf16.f32 v7;
	v7 =	vunpack.i.l.bf16.f32 v7;
	v17 =	vunpack.i.u.bf16.f32 v10  }
0x62: {  	v10 =	vunpack.i.l.bf16.f32 v10;
	v22 =	vunpack.i.u.bf16.f32 v16;
	v23 =	vunpack.i.l.bf16.f32 v16  }
0x63: {  	v0 =	vadd.f32 v9, v8;
	v8 =	vld [tilespmem:s26+$0xABF0];
	v9 =	vunpack.i.u.bf16.f32 v4;
	v2 =	vadd.f32 v2, v11  }
0x64: {  	v14 =	vld [tilespmem:s26+$0xC030];
	v11 =	vunpack.i.u.bf16.f32 v6;
	v6 =	vunpack.i.l.bf16.f32 v6;
	v19 =	vadd.f32 v10, v7  }
0x65: {  	v16 =	vunpack.i.u.bf16.f32 v21;
	v3 =	vadd.f32 v9, v3;
	v9 =	vld [tilespmem:s26+$0xAC30];
	v18 =	vadd.f32 v6, v5  }
0x66: {  	v6 =	vld [tilespmem:s26+$0xC000];
	v5 =	vadd.f32 v11, v13;
	v11 =	vunpack.i.u.bf16.f32 v12;
	v12 =	vunpack.i.l.bf16.f32 v12  }
0x67: {  	v13 =	vld [tilespmem:s26+$0xAC40];
	v3 =	vpack.i.f32.bf16 v3, v2;
	v2 =	vunpack.i.l.bf16.f32 v4;
	v18 =	vpack.i.f32.bf16 v19, v18  }
0x68: {  	[tilespmem:s26+$0xFC50] =	vst v3;
	v3 =	vunpack.i.u.bf16.f32 v8;
	v4 =	vunpack.i.l.bf16.f32 v8;
	v8 =	vadd.f32 v17, v15  }
0x69: {  	v15 =	vunpack.i.u.bf16.f32 v14;
	v14 =	vunpack.i.l.bf16.f32 v14;
	v17 =	vunpack.i.l.bf16.f32 v21  }
0x6a: {  	s28 =	simm.s32 $0x80;
	v20 =	vunpack.i.u.bf16.f32 v9;
	v10 =	vunpack.i.l.bf16.f32 v9;
	v7 =	vadd.f32 v12, v4  }
0x6b: {  	v9 =	vadd.f32 v11, v3;
	v24 =	vunpack.i.u.bf16.f32 v6;
	v25 =	vunpack.i.l.bf16.f32 v6;
	v3 =	vld [tilespmem:s28+$0xAC10]  }
0x6c: {  	v4 =	vld [tilespmem:s28+$0xC010];
	v11 =	vadd.f32 v14, v10;
	v10 =	vunpack.i.u.bf16.f32 v13;
	v12 =	vadd.f32 v15, v20  }
0x6d: {  	s29 =	simm.s32 $0x400;
	v6 =	vld [tilespmem:s28+$0xAC50];
	v14 =	vunpack.i.l.bf16.f32 v13;
	v15 =	vadd.f32 v25, v23;
	v13 =	vadd.f32 v24, v22  }
.LBB2_4:
0x6e: {  	p1 =	sne.s32 s29, $0x4E00;
	v19 =	vld [tilespmem:s28+$0xC050];
	v5 =	vpack.i.f32.bf16 v8, v5;
	[tilespmem:s26+$0xFBE0] =	vst v18;
	v8 =	vadd.f32 v17, v14;
	v10 =	vadd.f32 v16, v10  }
0x6f: {  	v1 =	vadd.f32 v2, v1;
	v14 =	vld [tilespmem:s28+$0xABE0];
	[tilespmem:s26+$0xFC20] =	vst v5;
	v5 =	vpack.i.f32.bf16 v11, v7;
	v7 =	vpack.i.f32.bf16 v12, v9  }
0x70: {  	v2 =	vld [tilespmem:s28+$0xBFE0];
	v9 =	vunpack.i.l.bf16.f32 v3;
	[tilespmem:s26+$0xFBF0] =	vst v5;
	v5 =	vpack.i.f32.bf16 v8, v15;
	v8 =	vpack.i.f32.bf16 v10, v13  }
0x71: {  	v10 =	vld [tilespmem:s28+$0xAC20];
	v11 =	vunpack.i.l.bf16.f32 v4;
	[tilespmem:s26+$0xFC30] =	vst v7;
	v7 =	vpack.i.f32.bf16 v1, v0  }
0x72: {  	v3 =	vunpack.i.u.bf16.f32 v3;
	v12 =	vld [tilespmem:s28+$0xC020];
	v1 =	vunpack.i.l.bf16.f32 v6;
	v0 =	vadd.f32 v11, v9;
	[tilespmem:s26+$0xFC00] =	vst v5  }
0x73: {  	v4 =	vunpack.i.u.bf16.f32 v4;
	v6 =	vunpack.i.u.bf16.f32 v6;
	v5 =	vld [tilespmem:s28+$0xABF0];
	v9 =	vunpack.i.u.bf16.f32 v19;
	[tilespmem:s26+$0xFC40] =	vst v8  }
0x74: {  	v3 =	vadd.f32 v4, v3;
	v8 =	vunpack.i.u.bf16.f32 v14;
	v11 =	vld [tilespmem:s28+$0xBFF0];
	v4 =	vadd.f32 v9, v6;
	[tilespmem:s26+$0xFC10] =	vst v7;
	s26 =	smov.u32 s28  }
0x75: {  	v6 =	vunpack.i.l.bf16.f32 v14;
	v7 =	vunpack.i.u.bf16.f32 v2;
	v9 =	vunpack.i.l.bf16.f32 v2;
	v13 =	vld [tilespmem:s26+$0xAC30]  }
0x76: {  	v14 =	vunpack.i.u.bf16.f32 v10;
	v10 =	vunpack.i.l.bf16.f32 v10;
	v15 =	vld [tilespmem:s26+$0xC030];
	v3 =	vpack.i.f32.bf16 v4, v3  }
0x77: {  	v2 =	vunpack.i.l.bf16.f32 v19;
	v4 =	vunpack.i.u.bf16.f32 v12;
	v12 =	vunpack.i.l.bf16.f32 v12;
	v16 =	vld [tilespmem:s26+$0xAC00];
	[tilespmem:s26+$0xFC50] =	vst v3  }
0x78: {  	v18 =	vadd.f32 v9, v6;
	v3 =	vunpack.i.u.bf16.f32 v5;
	v6 =	vunpack.i.l.bf16.f32 v5;
	v17 =	vld [tilespmem:s26+$0xC000]  }
0x79: {  	v5 =	vadd.f32 v7, v8;
	v9 =	vunpack.i.u.bf16.f32 v11;
	v7 =	vunpack.i.l.bf16.f32 v11;
	v19 =	vld [tilespmem:s26+$0xAC40]  }
0x7a: {  	v20 =	vadd.f32 v12, v10;
	v12 =	vunpack.i.u.bf16.f32 v13;
	v10 =	vunpack.i.l.bf16.f32 v13;
	v13 =	vld [tilespmem:s26+$0xC040]  }
0x7b: {  	v8 =	vadd.f32 v4, v14;
	v21 =	vunpack.i.u.bf16.f32 v15;
	v4 =	vunpack.i.l.bf16.f32 v15  }
.Ltmp5:
0x7c: {  	v7 =	vadd.f32 v7, v6;
	v22 =	vunpack.i.u.bf16.f32 v16;
	v15 =	vunpack.i.l.bf16.f32 v16;
	(pc) =	sbr.rel @p1 .LBB2_4-.Ltmp5, $4  }
0x7d: {  	s28 =	sshra.s32 s29, $0x2;
	v9 =	vadd.f32 v9, v3;
	v23 =	vunpack.i.u.bf16.f32 v17;
	v24 =	vunpack.i.l.bf16.f32 v17  }
0x7e: {  	v11 =	vadd.f32 v4, v10;
	v3 =	vld [tilespmem:s28+$0xAC10];
	v10 =	vunpack.i.u.bf16.f32 v19;
	v14 =	vunpack.i.l.bf16.f32 v19  }
0x7f: {  	v12 =	vadd.f32 v21, v12;
	v4 =	vld [tilespmem:s28+$0xC010];
	v16 =	vunpack.i.u.bf16.f32 v13;
	v17 =	vunpack.i.l.bf16.f32 v13  }
0x80: {  	s29 =	sadd.s32 $0x200, s29;
	v18 =	vpack.i.f32.bf16 v20, v18;
	v15 =	vadd.f32 v24, v15;
	v13 =	vadd.f32 v23, v22;
	v6 =	vld [tilespmem:s28+$0xAC50]  }
0x81: {  	v19 =	vld [tilespmem:s28+$0xC050];
	[tilespmem:s26+$0xFBE0] =	vst v18;
	v5 =	vpack.i.f32.bf16 v8, v5;
	v27 =	vadd.f32 v17, v14;
	v29 =	vadd.f32 v16, v10  }
0x82: {  	v25 =	vpack.i.f32.bf16 v11, v7;
	v9 =	vpack.i.f32.bf16 v12, v9;
	v1 =	vadd.f32 v2, v1;
	v24 =	vld [tilespmem:s28+$0xABE0];
	[tilespmem:s26+$0xFC20] =	vst v5  }
0x83: {  	v26 =	vld [tilespmem:s28+$0xBFE0];
	[tilespmem:s26+$0xFBF0] =	vst v25;
	v5 =	vpack.i.f32.bf16 v27, v15;
	v31 =	vpack.i.f32.bf16 v29, v13;
	v32 =	vunpack.i.l.bf16.f32 v3  }
0x84: {  	v0 =	vpack.i.f32.bf16 v1, v0;
	v34 =	vunpack.i.u.bf16.f32 v3;
	v28 =	vld [tilespmem:s28+$0xAC20];
	[tilespmem:s26+$0xFC30] =	vst v9;
	v33 =	vunpack.i.l.bf16.f32 v4  }
0x85: {  	v36 =	vunpack.i.u.bf16.f32 v4;
	v30 =	vld [tilespmem:s28+$0xC020];
	[tilespmem:s26+$0xFC00] =	vst v5;
	v37 =	vunpack.i.u.bf16.f32 v6;
	v39 =	vunpack.i.l.bf16.f32 v6  }
0x86: {  	v1 =	vadd.f32 v36, v34;
	v2 =	vadd.f32 v33, v32;
	v5 =	vld [tilespmem:s28+$0xABF0];
	[tilespmem:s26+$0xFC40] =	vst v31;
	v38 =	vunpack.i.u.bf16.f32 v19  }
0x87: {  	v48 =	vunpack.i.l.bf16.f32 v19;
	v35 =	vld [tilespmem:s28+$0xBFF0];
	[tilespmem:s26+$0xFC10] =	vst v0;
	v40 =	vadd.f32 v38, v37;
	v42 =	vunpack.i.u.bf16.f32 v24  }
0x88: {  	v8 =	vunpack.i.l.bf16.f32 v24;
	v0 =	vadd.f32 v48, v39;
	v41 =	vld [tilespmem:s28+$0xAC30];
	v43 =	vunpack.i.u.bf16.f32 v26  }
0x89: {  	v44 =	vld [tilespmem:s28+$0xC030];
	v7 =	vunpack.i.l.bf16.f32 v26;
	v45 =	vunpack.i.u.bf16.f32 v28;
	v1 =	vpack.i.f32.bf16 v40, v1  }
0x8a: {  	v46 =	vld [tilespmem:s28+$0xAC00];
	v11 =	vunpack.i.l.bf16.f32 v28;
	v7 =	vadd.f32 v7, v8;
	v12 =	vadd.f32 v43, v42  }
0x8b: {  	v50 =	vld [tilespmem:s28+$0xC000];
	v0 =	vpack.i.f32.bf16 v0, v2;
	v47 =	vunpack.i.u.bf16.f32 v30;
	v10 =	vunpack.i.l.bf16.f32 v30  }
0x8c: {  	v18 =	vld [tilespmem:s28+$0xAC40];
	v49 =	vunpack.i.u.bf16.f32 v5;
	v5 =	vunpack.i.l.bf16.f32 v5;
	v10 =	vadd.f32 v10, v11  }
0x8d: {  	v53 =	vld [tilespmem:s28+$0xC040];
	v15 =	vadd.f32 v47, v45;
	v51 =	vunpack.i.u.bf16.f32 v35;
	v3 =	vunpack.i.l.bf16.f32 v35  }
0x8e: {  	v52 =	vunpack.i.u.bf16.f32 v41;
	v6 =	vunpack.i.l.bf16.f32 v41;
	v54 =	vunpack.i.u.bf16.f32 v44  }
0x8f: {  	v14 =	vunpack.i.l.bf16.f32 v44;
	v3 =	vadd.f32 v3, v5;
	v55 =	vunpack.i.u.bf16.f32 v46  }
0x90: {  	v4 =	vunpack.i.l.bf16.f32 v46;
	v8 =	vadd.f32 v51, v49;
	v56 =	vunpack.i.u.bf16.f32 v50  }
0x91: {  	[tilespmem:s28+$0xFC50] =	vst v1;
	v17 =	vunpack.i.l.bf16.f32 v50;
	v57 =	vunpack.i.u.bf16.f32 v18;
	v18 =	vunpack.i.l.bf16.f32 v18  }
0x92: {  	[tilespmem:s28+$0xFC10] =	vst v0;
	v7 =	vpack.i.f32.bf16 v10, v7;
	v58 =	vunpack.i.u.bf16.f32 v53;
	v6 =	vadd.f32 v14, v6  }
0x93: {  	v59 =	vunpack.i.l.bf16.f32 v53;
	v12 =	vpack.i.f32.bf16 v15, v12;
	v11 =	vadd.f32 v54, v52;
	[tilespmem:s28+$0xFBE0] =	vst v7  }
.Ltmp6:
0x94: {  	v4 =	vadd.f32 v17, v4;
	v60 =	vadd.f32 v59, v18;
	[tilespmem:s28+$0xFC20] =	vst v12;
	v3 =	vpack.i.f32.bf16 v6, v3;
	(pc) =	sbr.rel .LBB2_9-.Ltmp6, $4  }
0x95: {  	v5 =	vadd.f32 v56, v55;
	v61 =	vadd.f32 v58, v57;
	v8 =	vpack.i.f32.bf16 v11, v8;
	[tilespmem:s28+$0xFBF0] =	vst v3  }
0x96: {  	v62 =	vpack.i.f32.bf16 v60, v4;
	[tilespmem:s28+$0xFC30] =	vst v8  }
0x97: {  	v63 =	vpack.i.f32.bf16 v61, v5;
	[tilespmem:s28+$0xFC00] =	vst v62  }
0x98: {  	s26 =	simm.s32 $0x6;
	[tilespmem:s28+$0xFC40] =	vst v63  }
.LBB2_6:
0x99: {  	[tilespmem:s14], [sflag:$0x1] =	stream.indirect.gather [spmem:s1], $0x40, s28, s13, $0xb8;
	[tilespmem:$0x10FE0] =	vst v63  }
0x9a: {  	_ = 	snop  }
0x9b: {  	[tilespmem:s15], [sflag:$0x2] =	stream.indirect.gather [spmem:s1], $0x40, s26, s13, $0xb8;
	[tilespmem:$0x10FE0] =	vst v63  }
0x9c: {  	_ =	swait.ge [sflag:s21], $0x1400  }
0x9d: {  	[sflag:s21] =	ssyncset.done $0x0  }
0x9e: {  	[sflag:s21] =	ssyncadd.s32 $0xFFFFEC00  }
0x9f: {  	_ =	swait.ge [sflag:s22], $0x1400  }
0xa0: {  	[sflag:s22] =	ssyncset.done $0x0  }
0xa1: {  	s26 =	simm.s32 $0x0;
	[sflag:s22] =	ssyncadd.s32 $0xFFFFEC00  }
0xa2: {  	v0 =	vld [tilespmem:s26+$0xD410]  }
0xa3: {  	v2 =	vld [tilespmem:s26+$0xE810]  }
0xa4: {  	v3 =	vld [tilespmem:s26+$0xD450]  }
0xa5: {  	v5 =	vld [tilespmem:s26+$0xD3E0]  }
0xa6: {  	v7 =	vld [tilespmem:s26+$0xD420]  }
0xa7: {  	v10 =	vld [tilespmem:s26+$0xE820]  }
0xa8: {  	v16 =	vld [tilespmem:s26+$0xD400]  }
0xa9: {  	v4 =	vld [tilespmem:s26+$0xE850];
	v8 =	vunpack.i.l.bf16.f32 v0;
	v9 =	vunpack.i.l.bf16.f32 v2  }
0xaa: {  	v6 =	vld [tilespmem:s26+$0xE7E0];
	v11 =	vunpack.i.u.bf16.f32 v0;
	v1 =	vunpack.i.l.bf16.f32 v3;
	v2 =	vunpack.i.u.bf16.f32 v2  }
0xab: {  	v21 =	vld [tilespmem:s26+$0xE840];
	v3 =	vunpack.i.u.bf16.f32 v3;
	v13 =	vunpack.i.u.bf16.f32 v5;
	v5 =	vunpack.i.l.bf16.f32 v5  }
0xac: {  	v12 =	vld [tilespmem:s26+$0xE7F0];
	v15 =	vunpack.i.u.bf16.f32 v7;
	v7 =	vunpack.i.l.bf16.f32 v7;
	v17 =	vunpack.i.u.bf16.f32 v10  }
0xad: {  	v10 =	vunpack.i.l.bf16.f32 v10;
	v22 =	vunpack.i.u.bf16.f32 v16;
	v23 =	vunpack.i.l.bf16.f32 v16  }
0xae: {  	v0 =	vadd.f32 v9, v8;
	v8 =	vld [tilespmem:s26+$0xD3F0];
	v9 =	vunpack.i.u.bf16.f32 v4;
	v2 =	vadd.f32 v2, v11  }
0xaf: {  	v14 =	vld [tilespmem:s26+$0xE830];
	v11 =	vunpack.i.u.bf16.f32 v6;
	v6 =	vunpack.i.l.bf16.f32 v6;
	v19 =	vadd.f32 v10, v7  }
0xb0: {  	v16 =	vunpack.i.u.bf16.f32 v21;
	v3 =	vadd.f32 v9, v3;
	v9 =	vld [tilespmem:s26+$0xD430];
	v18 =	vadd.f32 v6, v5  }
0xb1: {  	v6 =	vld [tilespmem:s26+$0xE800];
	v5 =	vadd.f32 v11, v13;
	v11 =	vunpack.i.u.bf16.f32 v12;
	v12 =	vunpack.i.l.bf16.f32 v12  }
0xb2: {  	v13 =	vld [tilespmem:s26+$0xD440];
	v3 =	vpack.i.f32.bf16 v3, v2;
	v2 =	vunpack.i.l.bf16.f32 v4;
	v18 =	vpack.i.f32.bf16 v19, v18  }
0xb3: {  	[tilespmem:s26+$0xFC50] =	vst v3;
	v3 =	vunpack.i.u.bf16.f32 v8;
	v4 =	vunpack.i.l.bf16.f32 v8;
	v8 =	vadd.f32 v17, v15  }
0xb4: {  	v15 =	vunpack.i.u.bf16.f32 v14;
	v14 =	vunpack.i.l.bf16.f32 v14;
	v17 =	vunpack.i.l.bf16.f32 v21  }
0xb5: {  	s28 =	simm.s32 $0x80;
	v20 =	vunpack.i.u.bf16.f32 v9;
	v10 =	vunpack.i.l.bf16.f32 v9;
	v7 =	vadd.f32 v12, v4  }
0xb6: {  	v9 =	vadd.f32 v11, v3;
	v24 =	vunpack.i.u.bf16.f32 v6;
	v25 =	vunpack.i.l.bf16.f32 v6;
	v3 =	vld [tilespmem:s28+$0xD410]  }
0xb7: {  	v4 =	vld [tilespmem:s28+$0xE810];
	v11 =	vadd.f32 v14, v10;
	v10 =	vunpack.i.u.bf16.f32 v13;
	v12 =	vadd.f32 v15, v20  }
0xb8: {  	s29 =	simm.s32 $0x400;
	v6 =	vld [tilespmem:s28+$0xD450];
	v14 =	vunpack.i.l.bf16.f32 v13;
	v15 =	vadd.f32 v25, v23;
	v13 =	vadd.f32 v24, v22  }
.LBB2_7:
0xb9: {  	p1 =	sne.s32 s29, $0x4E00;
	v19 =	vld [tilespmem:s28+$0xE850];
	v5 =	vpack.i.f32.bf16 v8, v5;
	[tilespmem:s26+$0xFBE0] =	vst v18;
	v8 =	vadd.f32 v17, v14;
	v10 =	vadd.f32 v16, v10  }
0xba: {  	v1 =	vadd.f32 v2, v1;
	v14 =	vld [tilespmem:s28+$0xD3E0];
	[tilespmem:s26+$0xFC20] =	vst v5;
	v5 =	vpack.i.f32.bf16 v11, v7;
	v7 =	vpack.i.f32.bf16 v12, v9  }
0xbb: {  	v9 =	vunpack.i.l.bf16.f32 v3;
	v2 =	vld [tilespmem:s28+$0xE7E0];
	[tilespmem:s26+$0xFBF0] =	vst v5;
	v5 =	vpack.i.f32.bf16 v8, v15;
	v8 =	vpack.i.f32.bf16 v10, v13  }
0xbc: {  	v11 =	vunpack.i.l.bf16.f32 v4;
	v10 =	vld [tilespmem:s28+$0xD420];
	[tilespmem:s26+$0xFC30] =	vst v7;
	v7 =	vpack.i.f32.bf16 v1, v0  }
0xbd: {  	v3 =	vunpack.i.u.bf16.f32 v3;
	v1 =	vunpack.i.l.bf16.f32 v6;
	v0 =	vadd.f32 v11, v9;
	v12 =	vld [tilespmem:s28+$0xE820];
	[tilespmem:s26+$0xFC00] =	vst v5  }
0xbe: {  	v4 =	vunpack.i.u.bf16.f32 v4;
	v6 =	vunpack.i.u.bf16.f32 v6;
	v5 =	vld [tilespmem:s28+$0xD3F0];
	v9 =	vunpack.i.u.bf16.f32 v19;
	[tilespmem:s26+$0xFC40] =	vst v8  }
0xbf: {  	v3 =	vadd.f32 v4, v3;
	v8 =	vunpack.i.u.bf16.f32 v14;
	v11 =	vld [tilespmem:s28+$0xE7F0];
	v4 =	vadd.f32 v9, v6;
	[tilespmem:s26+$0xFC10] =	vst v7;
	s26 =	smov.u32 s28  }
0xc0: {  	v6 =	vunpack.i.l.bf16.f32 v14;
	v7 =	vunpack.i.u.bf16.f32 v2;
	v9 =	vunpack.i.l.bf16.f32 v2;
	v13 =	vld [tilespmem:s26+$0xD430]  }
0xc1: {  	v14 =	vunpack.i.u.bf16.f32 v10;
	v10 =	vunpack.i.l.bf16.f32 v10;
	v15 =	vld [tilespmem:s26+$0xE830];
	v3 =	vpack.i.f32.bf16 v4, v3  }
0xc2: {  	v2 =	vunpack.i.l.bf16.f32 v19;
	v4 =	vunpack.i.u.bf16.f32 v12;
	v12 =	vunpack.i.l.bf16.f32 v12;
	v16 =	vld [tilespmem:s26+$0xD400];
	[tilespmem:s26+$0xFC50] =	vst v3  }
0xc3: {  	v18 =	vadd.f32 v9, v6;
	v3 =	vunpack.i.u.bf16.f32 v5;
	v6 =	vunpack.i.l.bf16.f32 v5;
	v17 =	vld [tilespmem:s26+$0xE800]  }
0xc4: {  	v5 =	vadd.f32 v7, v8;
	v9 =	vunpack.i.u.bf16.f32 v11;
	v7 =	vunpack.i.l.bf16.f32 v11;
	v19 =	vld [tilespmem:s26+$0xD440]  }
0xc5: {  	v20 =	vadd.f32 v12, v10;
	v12 =	vunpack.i.u.bf16.f32 v13;
	v10 =	vunpack.i.l.bf16.f32 v13;
	v13 =	vld [tilespmem:s26+$0xE840]  }
0xc6: {  	v8 =	vadd.f32 v4, v14;
	v21 =	vunpack.i.u.bf16.f32 v15;
	v4 =	vunpack.i.l.bf16.f32 v15  }
.Ltmp7:
0xc7: {  	v7 =	vadd.f32 v7, v6;
	v22 =	vunpack.i.u.bf16.f32 v16;
	v15 =	vunpack.i.l.bf16.f32 v16;
	(pc) =	sbr.rel @p1 .LBB2_7-.Ltmp7, $4  }
0xc8: {  	s28 =	sshra.s32 s29, $0x2;
	v9 =	vadd.f32 v9, v3;
	v23 =	vunpack.i.u.bf16.f32 v17;
	v24 =	vunpack.i.l.bf16.f32 v17  }
0xc9: {  	v11 =	vadd.f32 v4, v10;
	v3 =	vld [tilespmem:s28+$0xD410];
	v10 =	vunpack.i.u.bf16.f32 v19;
	v14 =	vunpack.i.l.bf16.f32 v19  }
0xca: {  	v12 =	vadd.f32 v21, v12;
	v4 =	vld [tilespmem:s28+$0xE810];
	v16 =	vunpack.i.u.bf16.f32 v13;
	v17 =	vunpack.i.l.bf16.f32 v13  }
0xcb: {  	s29 =	sadd.s32 $0x200, s29;
	v18 =	vpack.i.f32.bf16 v20, v18;
	v15 =	vadd.f32 v24, v15;
	v13 =	vadd.f32 v23, v22;
	v6 =	vld [tilespmem:s28+$0xD450]  }
.Ltmp8:
0xcc: {  	_ = 	snop;
	(pc) =	sbr.rel .LBB2_8-.Ltmp8, $1  }
0xcd: {  	_ =	sdelay $0x3  }
.LBB2_11:
0xce: {  	_ =	sfence.sel $0x180000  }
0xcf: {  	[bflag:$0x0] =	sbarrier.arrive $0xFFFF  }
0xd0: {  	_ =	strace $0x9000004D  }
0xd1: {  	s0 =	sadd.s32 @!p0 $0x100000, s0;
	[bflag:$0x2] =	sbarrier.arrive $0xFFFF  }
0xd2: {  	[sflag:s0] =	ssyncadd.tile.s32 @!p0 $0x1;
	_ =	shalt  }
.Lfunc_end2:
_tile_overlayer_lowered:
.L_overlay_start_2:
0xd3: {  	(tag) =	ssettag $0x2  }
0xd4: {  	s0 =	rddreg [dreg:$0x0];
	s2 =	stileid.u32  }
0xd5: {  	s1 =	rddreg [dreg:$0x1];
	p0 =	sne.s32 s2, $0x0  }
0xd6: {  	s3 =	rddreg [dreg:$0x2];
	[bflag:$0x3] =	sbarrier.arrive $0xFFFF;
	s2 =	simm.s32 @!p0 $0x1C05  }
0xd7: {  	[timem:s3], [sflag:s2] =	dma.local @!p0 [hbm:s0], s1  }
0xd8: {  	s0 =	simm.s32 @!p0 $0x5  }
0xd9: {  	_ =	swait.ge @!p0 [sflag:s0], s1  }
0xda: {  	s1 =	ssub.s32 @!p0 $0x0, s1;
	[sflag:s0] =	ssyncset.done @!p0 $0x0  }
0xdb: {  	[sflag:s0] =	ssyncadd.s32 @!p0 s1  }
0xdc: {  	[bflag:$0x3] =	sbarrier.arrive $0xFFFF  }
0xdd: {  	_ =	shalt  }

// kernel: kernel.22.cloned.1.call-start
scs
__scs_entry_jumppad:
0x0: {  	(pc) =	sbr.rel $0x88, $3  }
0x1: {  	(tag) =	ssettag $0x0;
	lr =	simm.s32 $0x1  }
0x2: {  	[smem:$0x3F98] =	sst lr;
	_ =	strace $0xD0000000  }
0x3: {  	_ = 	snop  }
0x4: {  	_ = 	snop  }
0x5: {  	_ = 	snop  }
0x6: {  	_ = 	snop  }
0x7: {  	_ = 	snop  }
__scs_overlays_trampoline_lowered:
0x8: {  	[smem:$0x3FA7] =	sst s0  }
0x9: {  	[smem:$0x3FA8] =	sst s1  }
0xa: {  	[smem:$0x3FA9] =	sst s2  }
0xb: {  	[smem:$0x3FAA] =	sst s3  }
0xc: {  	[smem:$0x3FAB] =	sst s4  }
0xd: {  	[smem:$0x3FAC] =	sst s5  }
0xe: {  	[smem:$0x3FAD] =	sst s6  }
0xf: {  	[smem:$0x3FAE] =	sst s7  }
0x10: {  	[smem:$0x3FAF] =	sst s8  }
0x11: {  	[smem:$0x3FB0] =	sst s9;
	s0 =	simm.s32 @!p0 $0x0  }
0x12: {  	s1 =	sld [smem:$0x3F96];
	s0 =	simm.s32 @p0 $0x1  }
0x13: {  	[smem:$0x3FB1] =	sst s0;
	s0 =	simm.s32 @!p1 $0x0  }
0x14: {  	s2 =	sld [smem:$0x3F95];
	s0 =	simm.s32 @p1 $0x1  }
0x15: {  	[smem:$0x3FB2] =	sst s0;
	s0 =	simm.s32 @!p2 $0x0  }
0x16: {  	s3 =	sld [smem:$0x3FDB];
	s0 =	simm.s32 @p2 $0x1  }
0x17: {  	s4 =	simm.s32 $0x1BF5;
	[smem:$0x3FB4] =	sst s0  }
0x18: {  	s0 =	sld [smem:$0x3F97];
	_ =	swait.ge [sflag:s4], $0x0  }
0x19: {  	s7 =	sld [smem:$0x3F98]  }
0x1a: {  	s8 =	sadd.s32 $0xFFFFE003, lr  }
0x1b: {  	s9 =	sadd.s32 $0xFFFFFEF7, lr;
	s5 =	simm.s32 $0xFFFFFFFF;
	p2 =	slt.u32 s8, $0xFFFFF086  }
0x1c: {  	p1 =	slt.u32 s9, $0xF7A;
	s5 =	simm.s32 @!p2 $0x0  }
0x1d: {  	s5 =	simm.s32 @p1 $0x1;
	p0 =	seq.s32 s7, s2  }
0x1e: {  	s7 =	smul.u32 @!p0 $0xF7A, s2;
	p2 =	seq.s32 @!p0 s5, $0x0  }
0x1f: {  	s9 =	smul.u32 $0xF7A, s1;
	s8 =	simm.s32 @!p0 $0x1BF5;
	p2 =	por !p2, p0  }
0x20: {  	[sflag:s8] =	ssyncset.s32 @!p0 $0xFFFFF086;
	s6 =	sadd.s32 @!p0 s3, s7;
	s7 =	simm.s32 @!p0 $0x108  }
0x21: {  	s3 =	sadd.s32 s3, s9;
	s6 =	sadd.s32 @!p0 $0x88, s6;
	s7 =	simm.s32 @p2 $0x1082  }
0x22: {  	[simem:s7], [sflag:s8] =	dma.local @!p0 [hbm:s6], $0xF7A  }
0x23: {  	s9 =	sor.u32 $0xD0000000, s2;
	s6 =	simm.s32 $0x108;
	_ =	swait.ge @!p0 [sflag:s8], $0x0  }
0x24: {  	s3 =	sadd.s32 $0x88, s3;
	s6 =	simm.s32 @!p1 $0x1082;
	[sflag:s4] =	ssyncset.s32 $0xFFFFF086  }
0x25: {  	[simem:s6], [sflag:s4] =	dma.local [hbm:s3], $0xF7A  }
0x26: {  	[smem:$0x3F98] =	sst s1;
	(tag) =	ssettag s2;
	_ =	strace s9  }
0x27: {  	s1 =	sld [smem:$0x3FA8]  }
0x28: {  	s2 =	sld [smem:$0x3FA9]  }
0x29: {  	s4 =	sld [smem:$0x3FAB]  }
0x2a: {  	p0 =	seq.s32 s5, $0x0;
	s5 =	sld [smem:$0x3FAC]  }
0x2b: {  	s6 =	sld [smem:$0x3FAD]  }
0x2c: {  	s7 =	sld [smem:$0x3FAE]  }
0x2d: {  	s3 =	simm.s32 $0x108;
	s8 =	sld [smem:$0x3FAF]  }
0x2e: {  	s3 =	simm.s32 @!p0 $0x1082;
	s9 =	sld [smem:$0x3FB0]  }
0x2f: {  	lr =	sadd.s32 s0, s3;
	s0 =	sld [smem:$0x3FA7]  }
0x30: {  	s3 =	sld [smem:$0x3FAA]  }
0x31: {  	[smem:$0x3FB3] =	sst s10  }
0x32: {  	s10 =	sld [smem:$0x3FB1];
	_ =	sdelay $0x3  }
0x33: {  	p0 =	seq.s32 s10, $0x1;
	s10 =	sld [smem:$0x3FB3];
	_ =	sdelay $0x3  }
0x34: {  	[smem:$0x3FB3] =	sst s10  }
0x35: {  	s10 =	sld [smem:$0x3FB2];
	_ =	sdelay $0x3  }
0x36: {  	p1 =	seq.s32 s10, $0x1;
	s10 =	sld [smem:$0x3FB3];
	_ =	sdelay $0x3  }
0x37: {  	[smem:$0x3FB3] =	sst s10  }
0x38: {  	s10 =	sld [smem:$0x3FB4]  }
0x39: {  	_ = 	snop;
	(pc) =	sbr.ind lr, $3  }
0x3a: {  	_ = 	snop  }
0x3b: {  	_ = 	snop  }
0x3c: {  	p2 =	seq.s32 s10, $0x1;
	s10 =	sld [smem:$0x3FB3]  }
0x3d: {  	_ =	shalt  }
0x3e: {  	_ =	shalt  }
0x3f: {  	_ =	shalt  }
0x40: {  	_ =	shalt  }
0x41: {  	_ =	shalt  }
0x42: {  	_ =	shalt  }
0x43: {  	_ =	shalt  }
0x44: {  	_ =	shalt  }
0x45: {  	_ =	shalt  }
0x46: {  	_ =	shalt  }
0x47: {  	_ =	shalt  }
0x48: {  	_ =	shalt  }
0x49: {  	_ =	shalt  }
0x4a: {  	_ =	shalt  }
0x4b: {  	_ =	shalt  }
0x4c: {  	_ =	shalt  }
0x4d: {  	_ =	shalt  }
0x4e: {  	_ =	shalt  }
0x4f: {  	_ =	shalt  }
0x50: {  	_ =	shalt  }
0x51: {  	_ =	shalt  }
0x52: {  	_ =	shalt  }
0x53: {  	_ =	shalt  }
0x54: {  	_ =	shalt  }
0x55: {  	_ =	shalt  }
0x56: {  	_ =	shalt  }
0x57: {  	_ =	shalt  }
0x58: {  	_ =	shalt  }
0x59: {  	_ =	shalt  }
0x5a: {  	_ =	shalt  }
0x5b: {  	_ =	shalt  }
0x5c: {  	_ =	shalt  }
0x5d: {  	_ =	shalt  }
0x5e: {  	_ =	shalt  }
0x5f: {  	_ =	shalt  }
0x60: {  	_ =	shalt  }
0x61: {  	_ =	shalt  }
0x62: {  	_ =	shalt  }
0x63: {  	_ =	shalt  }
0x64: {  	_ =	shalt  }
0x65: {  	_ =	shalt  }
0x66: {  	_ =	shalt  }
0x67: {  	_ =	shalt  }
0x68: {  	_ =	shalt  }
0x69: {  	_ =	shalt  }
0x6a: {  	_ =	shalt  }
0x6b: {  	_ =	shalt  }
0x6c: {  	_ =	shalt  }
0x6d: {  	_ =	shalt  }
0x6e: {  	_ =	shalt  }
0x6f: {  	_ =	shalt  }
0x70: {  	_ =	shalt  }
0x71: {  	_ =	shalt  }
0x72: {  	_ =	shalt  }
0x73: {  	_ =	shalt  }
0x74: {  	_ =	shalt  }
0x75: {  	_ =	shalt  }
0x76: {  	_ =	shalt  }
0x77: {  	_ =	shalt  }
0x78: {  	_ =	shalt  }
0x79: {  	_ =	shalt  }
0x7a: {  	_ =	shalt  }
0x7b: {  	_ =	shalt  }
0x7c: {  	_ =	shalt  }
0x7d: {  	_ =	shalt  }
0x7e: {  	_ =	shalt  }
0x7f: {  	_ =	shalt  }
0x80: {  	_ =	shalt  }
0x81: {  	_ =	shalt  }
0x82: {  	_ =	shalt  }
0x83: {  	_ =	shalt  }
0x84: {  	_ =	shalt  }
0x85: {  	_ =	shalt  }
0x86: {  	_ =	shalt  }
0x87: {  	_ =	shalt  }
.Lfunc_end0:
.L_simem_size_0:
called_computation.3_lowered:
.L_overlay_start_0:
0x88: {  	s2 =	sld [smem:$0x3FD9]  }
0x89: {  	s3 =	sld [smem:$0x3FFE];
	_ =	sdelay $0x1  }
0x8a: {  	s1 =	srdreg.scid  }
0x8b: {  	s0 =	sand.u32 $0x1, s1  }
0x8c: {  	s17 =	sshll.u32 s0, $0xA;
	s2 =	sadd.s32 s3, s2  }
0x8d: {  	s2 =	sadd.s32 s2, s17  }
0x8e: {  	[smem:$0x3FBF] =	sst s2  }
0x8f: {  	_ = 	snop  }
0x90: {  	(tm) =	ssettm $0x1  }
0x91: {  	s18 =	sld [smem:$0x3FFB];
	_ =	sdelay $0x3  }
0x92: {  	_ =	strace s18  }
0x93: {  	s2 =	sld [smem:$0x3FFC];
	_ =	sdelay $0x3  }
0x94: {  	_ =	strace s2  }
0x95: {  	s2 =	sld [smem:$0x3FFD];
	_ =	sdelay $0x3  }
0x96: {  	_ =	strace s2  }
0x97: {  	_ =	strace $0x8FFFFFFF  }
0x98: {  	s19 =	sld [smem:$0x3FDB];
	_ =	sdelay $0x1  }
0x99: {  	s20 =	simm.s32 $_scs_section_size  }
0x9a: {  	s4 =	simm.s32 $_size__tile_overlayer_lowered;
	s5 =	simm.s32 $_tile_overlayer_lowered  }
0x9b: {  	s6 =	simm.s32 $0x1BFF;
	s21 =	sshll.u32 s5, $0x1;
	s3 =	sadd.s32 s20, s19  }
0x9c: {  	s22 =	simm.s32 $0x0;
	s4 =	sshll.u32 s4, $0x1;
	s5 =	sadd.s32 s21, s3  }
0x9d: {  	[timem:s22], [sflag:s6] =	dma.local [hbm:s5], s4  }
0x9e: {  	_ =	swait.ge [sflag:s6], s4  }
0x9f: {  	s4 =	ssub.s32 $0x0, s4;
	[sflag:s6] =	ssyncset.done $0x0  }
0xa0: {  	[sflag:s6] =	ssyncadd.s32 s4;
	_ =	sdelay $0x1  }
0xa1: {  	s23 =	simm.s32 $0x1B8B  }
0xa2: {  	_ =	swait.ge [sflag:s23], $0x1  }
0xa3: {  	[sflag:s23] =	ssyncset.done $0x0  }
0xa4: {  	[sflag:s23] =	ssyncadd.s32 $0xFFFFFFFF  }
0xa5: {  	s4 =	sld [smem:$0x0]  }
0xa6: {  	s5 =	sand.u32 $0xFFFFFFFE, s1  }
0xa7: {  	p0 =	sne.s32 s1, s5  }
0xa8: {  	s5 =	sshll.u32 @p0 s5, $0xE  }
0xa9: {  	s5 =	sadd.s32 @p0 $0x11B8D, s5;
	s6 =	sshll.u32 @p0 s4, $0x11  }
0xaa: {  	s5 =	sor.u32 @p0 s6, s5  }
0xab: {  	[sflag:s5] =	ssyncadd.remote.s32 @p0 $0x1;
	_ =	sdelay $0x1  }
0xac: {  	s5 =	simm.s32 @p0 $0x1B8D  }
0xad: {  	_ =	swait.eq @p0 [sflag:s5], $0x1  }
0xae: {  	[sflag:s5] =	ssyncadd.s32 @p0 $0xFFFFFFFF  }
0xaf: {  	s6 =	sshll.u32 @!p0 s1, $0xE  }
0xb0: {  	s6 =	sor.u32 @!p0 $0x4000, s6;
	s5 =	simm.s32 @!p0 $0x1B8D  }
0xb1: {  	s4 =	sshll.u32 @!p0 s4, $0x11;
	s6 =	sadd.s32 @!p0 $0x11B8D, s6;
	_ =	swait.eq @!p0 [sflag:s5], $0x1  }
0xb2: {  	s4 =	sor.u32 @!p0 s4, s6;
	[sflag:s5] =	ssyncadd.s32 @!p0 $0xFFFFFFFF  }
0xb3: {  	s25 =	simm.s32 $0x1B8E;
	s24 =	sld [smem:$0x3FFE];
	[sflag:s4] =	ssyncadd.remote.s32 @!p0 $0x1  }
0xb4: {  	s26 =	simm.s32 $execute0_lowered;
	[smem:$0x3FD2] =	sst s25  }
0xb5: {  	s5 =	sshll.u32 s26, $0x1;
	_ =	strace $0x8000004F;
	[dreg:$0x1] =	wrdreg $0xFFFFFFFF  }
0xb6: {  	s28 =	simm.s32 $_size_execute0_lowered;
	s3 =	sadd.s32 s3, s5;
	[dreg:$0x0] =	wrdreg $0x0  }
0xb7: {  	s5 =	sshll.u32 s28, $0x1;
	[dreg:$0x2] =	wrdreg s3  }
0xb8: {  	[dreg:$0x3] =	wrdreg s5  }
0xb9: {  	[dreg:$0x4] =	wrdreg $0xC0  }
0xba: {  	_ =	task [dreg:s22], $0x5FFFF  }
0xbb: {  	[dreg:$0x1] =	wrdreg $0xFFFFFFFF  }
0xbc: {  	[dreg:$0x0] =	wrdreg $0x60  }
0xbd: {  	[dreg:$0x2] =	wrdreg s24  }
0xbe: {  	[dreg:$0x3] =	wrdreg $0x0  }
0xbf: {  	[dreg:$0x4] =	wrdreg $0xC  }
0xc0: {  	_ =	task.clear_ibuf [dreg:s22], $0x5FFFF;
	_ =	strace $0x9000004F  }
0xc1: {  	s29 =	simm.s32 $0xC;
	_ =	strace $0x80000051  }
0xc2: {  	_ =	swait.ge [sflag:s29], $0x1  }
0xc3: {  	[sflag:s29] =	ssyncadd.s32 $0xFFFFFFFF  }
0xc4: {  	_ =	strace $0x90000051  }
0xc5: {  	_ =	sfence  }
0xc6: {  	s30 =	sld [smem:$0x0];
	_ =	sdelay $0x2  }
0xc7: {  	s31 =	sshll.u32 s1, $0xD;
	s1 =	sshrl.u32 s1, $0x2  }
0xc8: {  	s4 =	sand.u32 $0x4000, s31;
	s1 =	sadd.s32 s1, s30  }
0xc9: {  	s0 =	sor.u32 s4, s0;
	s1 =	sshll.u32 s1, $0x11  }
0xca: {  	s0 =	sor.u32 s1, s0  }
0xcb: {  	s0 =	sadd.s32 $0x8F2B, s0  }
0xcc: {  	[sflag:s0] =	ssyncadd.remote.s32 $0x1  }
0xcd: {  	_ =	sfence.sel $0xFFFF  }
0xce: {  	[dreg:$0x0] =	wrdreg $0xFFFFFFFF;
	(pc) =	sbr.abs _section_cstart, $3  }
0xcf: {  	[dreg:$0x1] =	wrdreg $0xFFFFFFFF  }
0xd0: {  	_ =	task.clear_ibuf [dreg:s22], $0x2FFFF;
	_ =	strace $0x9FFFFFFF  }
0xd1: {  	(tm) =	ssettm $0x7FFFFFFF  }
tec
execute0_lowered:
.L_overlay_start_1:
0x0: {  	(tag) =	ssettag $0x1  }
0x1: {  	s4 =	rddreg [dreg:$0x0]  }
0x2: {  	s0 =	srdreg.scid;
	s9 =	stileid.u32  }
0x3: {  	s1 =	rddreg [dreg:$0x1];
	s2 =	simm.s32 $0x0;
	s10 =	simm.s32 $0x9C40  }
0x4: {  	s11 =	simm.s32 $0x5;
	s12 =	simm.s32 $0xA410;
	s13 =	simm.s32 $0x50  }
0x5: {  	s14 =	simm.s32 $0xABE0;
	s15 =	simm.s32 $0xBFE0;
	s16 =	simm.s32 $0xD3E0  }
0x6: {  	s17 =	simm.s32 $0xE7E0;
	s18 =	simm.s32 $0x1;
	s19 =	simm.s32 $0x2  }
0x7: {  	s20 =	simm.s32 $0xFBE0;
	s21 =	simm.s32 $0x3;
	s22 =	simm.s32 $0x4  }
0x8: {  	s23 =	simm.s32 $0x0;
	s5 =	sand.u32 $0x1, s0;
	s0 =	rddreg [dreg:$0x2]  }
0x9: {  	s3 =	sshll.u32 s9, $0x1;
	[smem:$0x7FF] =	sst s2;
	p0 =	sne.s32 s9, $0x0  }
.Ltmp0:
0xa: {  	s7 =	sor.u32 s5, s3;
	_ =	strace $0x80000050;
	(pc) =	sbr.rel .LBB2_1-.Ltmp0, $4  }
0xb: {  	s3 =	sadd.s32 $0x1E00, s4;
	s5 =	ssub.s32 $0x2, s5;
	s6 =	smul.u32 $0xFA, s7  }
0xc: {  	s9 =	sshrl.u32 @!p0 s1, $0x3;
	s8 =	sshrl.u32 s5, $0x1;
	s7 =	smul.u32 $0x3E8, s7  }
0xd: {  	s8 =	ssub.s32 s5, s8;
	s6 =	sadd.s32 s6, s4;
	s4 =	sadd.s32 $0x11F800, s4  }
0xe: {  	s8 =	smax.u32 s8, $0x1;
	s5 =	sadd.s32 $0x11D800, s6;
	s6 =	sadd.s32 $0x11B800, s6  }
.LBB2_10:
0xf: {  	s23 =	sadd.s32 $0x1, s23  }
0x10: {  	_ =	swait.ge [sflag:s21], $0x1400;
	p1 =	sne.s32 s23, s8  }
.Ltmp1:
0x11: {  	[sflag:s21] =	ssyncset.done $0x0;
	(pc) =	sbr.rel @!p1 .LBB2_11-.Ltmp1, $4  }
0x12: {  	[sflag:s21] =	ssyncadd.s32 $0xFFFFEC00  }
0x13: {  	_ =	swait.ge [sflag:s22], $0x1400  }
0x14: {  	[sflag:s22] =	ssyncset.done $0x0  }
0x15: {  	[sflag:s22] =	ssyncadd.s32 $0xFFFFEC00  }
.LBB2_1:
0x16: {  	s24 =	simm.s32 @!p0 $0x1C05  }
0x17: {  	[spmem:s9], [sflag:s24] =	dma.local @!p0 [hbm:s3], $0x13880  }
0x18: {  	s24 =	simm.s32 @!p0 $0x5  }
0x19: {  	_ =	swait.ge @!p0 [sflag:s24], $0x13880  }
0x1a: {  	[sflag:s24] =	ssyncset.done @!p0 $0x0  }
0x1b: {  	[sflag:s24] =	ssyncadd.s32 @!p0 $0xFFFEC780  }
0x1c: {  	[tilespmem:s10], [sflag:$0x5] =	stream.linear.gather [hbm4b:s5+s2], $0x7D0, $0x38;
	[tilespmem:$0x10FE0] =	vst v63  }
0x1d: {  	_ =	swait.ge [sflag:s11], $0x7D0  }
0x1e: {  	[sflag:s11] =	ssyncset.done $0x0  }
0x1f: {  	[sflag:s11] =	ssyncadd.s32 $0xFFFFF830  }
0x20: {  	[tilespmem:s12], [sflag:$0x5] =	stream.linear.gather [hbm4b:s6+s2], $0x7D0, $0x38;
	[tilespmem:$0x10FE0] =	vst v63  }
0x21: {  	_ =	swait.ge [sflag:s11], $0x7D0  }
0x22: {  	[sflag:s11] =	ssyncset.done $0x0  }
.Ltmp2:
0x23: {  	[sflag:s11] =	ssyncadd.s32 $0xFFFFF830;
	(pc) =	sbr.rel .LBB2_2-.Ltmp2, $4  }
0x24: {  	[bflag:$0x0] =	sbarrier.arrive $0xFFFF  }
0x25: {  	[tilespmem:s14], [sflag:$0x1] =	stream.indirect.gather [spmem:s1], $0x40, s10, s13, $0xb8;
	[tilespmem:$0x10FE0] =	vst v63  }
0x26: {  	s25 =	simm.s32 $0x0  }
0x27: {  	[tilespmem:s15], [sflag:$0x2] =	stream.indirect.gather [spmem:s1], $0x40, s12, s13, $0xb8;
	[tilespmem:$0x10FE0] =	vst v63  }
.LBB2_8:
0x28: {  	v19 =	vld [tilespmem:s28+$0xE850];
	[tilespmem:s26+$0xFBE0] =	vst v18;
	v5 =	vpack.i.f32.bf16 v8, v5;
	v25 =	vpack.i.f32.bf16 v11, v7;
	v27 =	vadd.f32 v17, v14  }
0x29: {  	v9 =	vpack.i.f32.bf16 v12, v9;
	v29 =	vadd.f32 v16, v10;
	v1 =	vadd.f32 v2, v1;
	v24 =	vld [tilespmem:s28+$0xD3E0];
	[tilespmem:s26+$0xFC20] =	vst v5  }
0x2a: {  	v32 =	vunpack.i.l.bf16.f32 v3;
	v33 =	vunpack.i.l.bf16.f32 v4;
	v34 =	vunpack.i.u.bf16.f32 v3;
	v26 =	vld [tilespmem:s28+$0xE7E0];
	[tilespmem:s26+$0xFBF0] =	vst v25  }
0x2b: {  	v36 =	vunpack.i.u.bf16.f32 v4;
	v37 =	vunpack.i.u.bf16.f32 v6;
	v5 =	vpack.i.f32.bf16 v27, v15;
	v28 =	vld [tilespmem:s28+$0xD420];
	[tilespmem:s26+$0xFC30] =	vst v9  }
0x2c: {  	v39 =	vunpack.i.l.bf16.f32 v6;
	v2 =	vadd.f32 v33, v32;
	v31 =	vpack.i.f32.bf16 v29, v13;
	v30 =	vld [tilespmem:s28+$0xE820];
	[tilespmem:s26+$0xFC00] =	vst v5  }
0x2d: {  	v0 =	vpack.i.f32.bf16 v1, v0;
	v1 =	vadd.f32 v36, v34;
	v5 =	vld [tilespmem:s28+$0xD3F0];
	[tilespmem:s26+$0xFC40] =	vst v31;
	v38 =	vunpack.i.u.bf16.f32 v19  }
0x2e: {  	v48 =	vunpack.i.l.bf16.f32 v19;
	v35 =	vld [tilespmem:s28+$0xE7F0];
	[tilespmem:s26+$0xFC10] =	vst v0;
	v40 =	vadd.f32 v38, v37;
	v42 =	vunpack.i.u.bf16.f32 v24  }
0x2f: {  	v8 =	vunpack.i.l.bf16.f32 v24;
	v0 =	vadd.f32 v48, v39;
	v41 =	vld [tilespmem:s28+$0xD430];
	v43 =	vunpack.i.u.bf16.f32 v26  }
0x30: {  	v44 =	vld [tilespmem:s28+$0xE830];
	v7 =	vunpack.i.l.bf16.f32 v26;
	v45 =	vunpack.i.u.bf16.f32 v28;
	v1 =	vpack.i.f32.bf16 v40, v1  }
0x31: {  	v46 =	vld [tilespmem:s28+$0xD400];
	v11 =	vunpack.i.l.bf16.f32 v28;
	v7 =	vadd.f32 v7, v8;
	v12 =	vadd.f32 v43, v42  }
0x32: {  	v50 =	vld [tilespmem:s28+$0xE800];
	v0 =	vpack.i.f32.bf16 v0, v2;
	v47 =	vunpack.i.u.bf16.f32 v30;
	v10 =	vunpack.i.l.bf16.f32 v30  }
0x33: {  	v18 =	vld [tilespmem:s28+$0xD440];
	v49 =	vunpack.i.u.bf16.f32 v5;
	v5 =	vunpack.i.l.bf16.f32 v5;
	v10 =	vadd.f32 v10, v11  }
0x34: {  	v53 =	vld [tilespmem:s28+$0xE840];
	v15 =	vadd.f32 v47, v45;
	v51 =	vunpack.i.u.bf16.f32 v35;
	v3 =	vunpack.i.l.bf16.f32 v35  }
0x35: {  	v52 =	vunpack.i.u.bf16.f32 v41;
	v6 =	vunpack.i.l.bf16.f32 v41;
	v54 =	vunpack.i.u.bf16.f32 v44  }
0x36: {  	v14 =	vunpack.i.l.bf16.f32 v44;
	v3 =	vadd.f32 v3, v5;
	v55 =	vunpack.i.u.bf16.f32 v46  }
0x37: {  	v4 =	vunpack.i.l.bf16.f32 v46;
	v8 =	vadd.f32 v51, v49;
	v56 =	vunpack.i.u.bf16.f32 v50  }
0x38: {  	[tilespmem:s28+$0xFC50] =	vst v1;
	v17 =	vunpack.i.l.bf16.f32 v50;
	v57 =	vunpack.i.u.bf16.f32 v18;
	v18 =	vunpack.i.l.bf16.f32 v18  }
0x39: {  	[tilespmem:s28+$0xFC10] =	vst v0;
	v7 =	vpack.i.f32.bf16 v10, v7;
	v58 =	vunpack.i.u.bf16.f32 v53;
	v6 =	vadd.f32 v14, v6  }
0x3a: {  	v59 =	vunpack.i.l.bf16.f32 v53;
	v12 =	vpack.i.f32.bf16 v15, v12;
	v11 =	vadd.f32 v54, v52;
	[tilespmem:s28+$0xFBE0] =	vst v7  }
0x3b: {  	v4 =	vadd.f32 v17, v4;
	v60 =	vadd.f32 v59, v18;
	[tilespmem:s28+$0xFC20] =	vst v12;
	v3 =	vpack.i.f32.bf16 v6, v3  }
0x3c: {  	v5 =	vadd.f32 v56, v55;
	v61 =	vadd.f32 v58, v57;
	v8 =	vpack.i.f32.bf16 v11, v8;
	[tilespmem:s28+$0xFBF0] =	vst v3  }
0x3d: {  	v62 =	vpack.i.f32.bf16 v60, v4;
	[tilespmem:s28+$0xFC30] =	vst v8  }
0x3e: {  	v63 =	vpack.i.f32.bf16 v61, v5;
	[tilespmem:s28+$0xFC00] =	vst v62  }
0x3f: {  	s26 =	simm.s32 $0x5;
	[tilespmem:s28+$0xFC40] =	vst v63  }
.LBB2_9:
0x40: {  	s25 =	smul.u32 $0x28, s25;
	_ =	sdelay $0x1  }
0x41: {  	s25 =	sadd.s32 s7, s25  }
0x42: {  	p1 =	sne.s32 s24, $0x19;
	s25 =	sshll.u32 s25, $0x4  }
.Ltmp3:
0x43: {  	s25 =	sadd.s32 s4, s25;
	(pc) =	sbr.rel @!p1 .LBB2_10-.Ltmp3, $4  }
0x44: {  	[hbm4b:s25+s2] =	stream.linear.scatter [tilespmem:s20], [sflag:s26], $0x1400, $0x38;
	[tilespmem:$0x10FE0] =	vst v63  }
0x45: {  	_ =	swait.ge [sflag:s26], $0x1400  }
0x46: {  	[sflag:s26] =	ssyncset.done $0x0  }
0x47: {  	s25 =	smov.u32 s24;
	[sflag:s26] =	ssyncadd.s32 $0xFFFFEC00  }
.LBB2_2:
0x48: {  	s28 =	sand.u32 $0x1, s25  }
0x49: {  	p1 =	seq.s32 s28, $0x1  }
.Ltmp4:
0x4a: {  	s24 =	sadd.s32 $0x1, s25;
	(pc) =	sbr.rel @p1 .LBB2_6-.Ltmp4, $3  }
0x4b: {  	s26 =	smin.u32 s24, $0x18  }
0x4c: {  	s26 =	smul.u32 $0x50, s26;
	_ =	sdelay $0x1  }
0x4d: {  	s28 =	sadd.s32 $0x9C40, s26;
	s26 =	sadd.s32 $0xA410, s26  }
0x4e: {  	[tilespmem:s16], [sflag:$0x3] =	stream.indirect.gather [spmem:s1], $0x40, s28, s13, $0xb8;
	[tilespmem:$0x10FE0] =	vst v63  }
0x4f: {  	_ = 	snop  }
0x50: {  	[tilespmem:s17], [sflag:$0x4] =	stream.indirect.gather [spmem:s1], $0x40, s26, s13, $0xb8;
	[tilespmem:$0x10FE0] =	vst v63  }
0x51: {  	_ =	swait.ge [sflag:s18], $0x1400  }
0x52: {  	[sflag:s18] =	ssyncset.done $0x0  }
0x53: {  	[sflag:s18] =	ssyncadd.s32 $0xFFFFEC00  }
0x54: {  	_ =	swait.ge [sflag:s19], $0x1400  }
0x55: {  	[sflag:s19] =	ssyncset.done $0x0  }
0x56: {  	s26 =	simm.s32 $0x0;
	[sflag:s19] =	ssyncadd.s32 $0xFFFFEC00  }
0x57: {  	v0 =	vld [tilespmem:s26+$0xAC10]  }
0x58: {  	v2 =	vld [tilespmem:s26+$0xC010]  }
0x59: {  	v3 =	vld [tilespmem:s26+$0xAC50]  }
0x5a: {  	v5 =	vld [tilespmem:s26+$0xABE0]  }
0x5b: {  	v7 =	vld [tilespmem:s26+$0xAC20]  }
0x5c: {  	v10 =	vld [tilespmem:s26+$0xC020]  }
0x5d: {  	v16 =	vld [tilespmem:s26+$0xAC00]  }
0x5e: {  	v4 =	vld [tilespmem:s26+$0xC050];
	v8 =	vunpack.i.l.bf16.f32 v0;
	v9 =	vunpack.i.l.bf16.f32 v2  }
0x5f: {  	v6 =	vld [tilespmem:s26+$0xBFE0];
	v11 =	vunpack.i.u.bf16.f32 v0;
	v1 =	vunpack.i.l.bf16.f32 v3;
	v2 =	vunpack.i.u.bf16.f32 v2  }
0x60: {  	v21 =	vld [tilespmem:s26+$0xC040];
	v3 =	vunpack.i.u.bf16.f32 v3;
	v13 =	vunpack.i.u.bf16.f32 v5;
	v5 =	vunpack.i.l.bf16.f32 v5  }
0x61: {  	v12 =	vld [tilespmem:s26+$0xBFF0];
	v15 =	vunpack.i.u.bf16.f32 v7;
	v7 =	vunpack.i.l.bf16.f32 v7;
	v17 =	vunpack.i.u.bf16.f32 v10  }
0x62: {  	v10 =	vunpack.i.l.bf16.f32 v10;
	v22 =	vunpack.i.u.bf16.f32 v16;
	v23 =	vunpack.i.l.bf16.f32 v16  }
0x63: {  	v0 =	vadd.f32 v9, v8;
	v8 =	vld [tilespmem:s26+$0xABF0];
	v9 =	vunpack.i.u.bf16.f32 v4;
	v2 =	vadd.f32 v2, v11  }
0x64: {  	v14 =	vld [tilespmem:s26+$0xC030];
	v11 =	vunpack.i.u.bf16.f32 v6;
	v6 =	vunpack.i.l.bf16.f32 v6;
	v19 =	vadd.f32 v10, v7  }
0x65: {  	v16 =	vunpack.i.u.bf16.f32 v21;
	v3 =	vadd.f32 v9, v3;
	v9 =	vld [tilespmem:s26+$0xAC30];
	v18 =	vadd.f32 v6, v5  }
0x66: {  	v6 =	vld [tilespmem:s26+$0xC000];
	v5 =	vadd.f32 v11, v13;
	v11 =	vunpack.i.u.bf16.f32 v12;
	v12 =	vunpack.i.l.bf16.f32 v12  }
0x67: {  	v13 =	vld [tilespmem:s26+$0xAC40];
	v3 =	vpack.i.f32.bf16 v3, v2;
	v2 =	vunpack.i.l.bf16.f32 v4;
	v18 =	vpack.i.f32.bf16 v19, v18  }
0x68: {  	[tilespmem:s26+$0xFC50] =	vst v3;
	v3 =	vunpack.i.u.bf16.f32 v8;
	v4 =	vunpack.i.l.bf16.f32 v8;
	v8 =	vadd.f32 v17, v15  }
0x69: {  	v15 =	vunpack.i.u.bf16.f32 v14;
	v14 =	vunpack.i.l.bf16.f32 v14;
	v17 =	vunpack.i.l.bf16.f32 v21  }
0x6a: {  	s28 =	simm.s32 $0x80;
	v20 =	vunpack.i.u.bf16.f32 v9;
	v10 =	vunpack.i.l.bf16.f32 v9;
	v7 =	vadd.f32 v12, v4  }
0x6b: {  	v9 =	vadd.f32 v11, v3;
	v24 =	vunpack.i.u.bf16.f32 v6;
	v25 =	vunpack.i.l.bf16.f32 v6;
	v3 =	vld [tilespmem:s28+$0xAC10]  }
0x6c: {  	v4 =	vld [tilespmem:s28+$0xC010];
	v11 =	vadd.f32 v14, v10;
	v10 =	vunpack.i.u.bf16.f32 v13;
	v12 =	vadd.f32 v15, v20  }
0x6d: {  	s29 =	simm.s32 $0x400;
	v6 =	vld [tilespmem:s28+$0xAC50];
	v14 =	vunpack.i.l.bf16.f32 v13;
	v15 =	vadd.f32 v25, v23;
	v13 =	vadd.f32 v24, v22  }
.LBB2_4:
0x6e: {  	p1 =	sne.s32 s29, $0x4E00;
	v19 =	vld [tilespmem:s28+$0xC050];
	v5 =	vpack.i.f32.bf16 v8, v5;
	[tilespmem:s26+$0xFBE0] =	vst v18;
	v8 =	vadd.f32 v17, v14;
	v10 =	vadd.f32 v16, v10  }
0x6f: {  	v1 =	vadd.f32 v2, v1;
	v14 =	vld [tilespmem:s28+$0xABE0];
	[tilespmem:s26+$0xFC20] =	vst v5;
	v5 =	vpack.i.f32.bf16 v11, v7;
	v7 =	vpack.i.f32.bf16 v12, v9  }
0x70: {  	v2 =	vld [tilespmem:s28+$0xBFE0];
	v9 =	vunpack.i.l.bf16.f32 v3;
	[tilespmem:s26+$0xFBF0] =	vst v5;
	v5 =	vpack.i.f32.bf16 v8, v15;
	v8 =	vpack.i.f32.bf16 v10, v13  }
0x71: {  	v10 =	vld [tilespmem:s28+$0xAC20];
	v11 =	vunpack.i.l.bf16.f32 v4;
	[tilespmem:s26+$0xFC30] =	vst v7;
	v7 =	vpack.i.f32.bf16 v1, v0  }
0x72: {  	v3 =	vunpack.i.u.bf16.f32 v3;
	v12 =	vld [tilespmem:s28+$0xC020];
	v1 =	vunpack.i.l.bf16.f32 v6;
	v0 =	vadd.f32 v11, v9;
	[tilespmem:s26+$0xFC00] =	vst v5  }
0x73: {  	v4 =	vunpack.i.u.bf16.f32 v4;
	v6 =	vunpack.i.u.bf16.f32 v6;
	v5 =	vld [tilespmem:s28+$0xABF0];
	v9 =	vunpack.i.u.bf16.f32 v19;
	[tilespmem:s26+$0xFC40] =	vst v8  }
0x74: {  	v3 =	vadd.f32 v4, v3;
	v8 =	vunpack.i.u.bf16.f32 v14;
	v11 =	vld [tilespmem:s28+$0xBFF0];
	v4 =	vadd.f32 v9, v6;
	[tilespmem:s26+$0xFC10] =	vst v7;
	s26 =	smov.u32 s28  }
0x75: {  	v6 =	vunpack.i.l.bf16.f32 v14;
	v7 =	vunpack.i.u.bf16.f32 v2;
	v9 =	vunpack.i.l.bf16.f32 v2;
	v13 =	vld [tilespmem:s26+$0xAC30]  }
0x76: {  	v14 =	vunpack.i.u.bf16.f32 v10;
	v10 =	vunpack.i.l.bf16.f32 v10;
	v15 =	vld [tilespmem:s26+$0xC030];
	v3 =	vpack.i.f32.bf16 v4, v3  }
0x77: {  	v2 =	vunpack.i.l.bf16.f32 v19;
	v4 =	vunpack.i.u.bf16.f32 v12;
	v12 =	vunpack.i.l.bf16.f32 v12;
	v16 =	vld [tilespmem:s26+$0xAC00];
	[tilespmem:s26+$0xFC50] =	vst v3  }
0x78: {  	v18 =	vadd.f32 v9, v6;
	v3 =	vunpack.i.u.bf16.f32 v5;
	v6 =	vunpack.i.l.bf16.f32 v5;
	v17 =	vld [tilespmem:s26+$0xC000]  }
0x79: {  	v5 =	vadd.f32 v7, v8;
	v9 =	vunpack.i.u.bf16.f32 v11;
	v7 =	vunpack.i.l.bf16.f32 v11;
	v19 =	vld [tilespmem:s26+$0xAC40]  }
0x7a: {  	v20 =	vadd.f32 v12, v10;
	v12 =	vunpack.i.u.bf16.f32 v13;
	v10 =	vunpack.i.l.bf16.f32 v13;
	v13 =	vld [tilespmem:s26+$0xC040]  }
0x7b: {  	v8 =	vadd.f32 v4, v14;
	v21 =	vunpack.i.u.bf16.f32 v15;
	v4 =	vunpack.i.l.bf16.f32 v15  }
.Ltmp5:
0x7c: {  	v7 =	vadd.f32 v7, v6;
	v22 =	vunpack.i.u.bf16.f32 v16;
	v15 =	vunpack.i.l.bf16.f32 v16;
	(pc) =	sbr.rel @p1 .LBB2_4-.Ltmp5, $4  }
0x7d: {  	s28 =	sshra.s32 s29, $0x2;
	v9 =	vadd.f32 v9, v3;
	v23 =	vunpack.i.u.bf16.f32 v17;
	v24 =	vunpack.i.l.bf16.f32 v17  }
0x7e: {  	v11 =	vadd.f32 v4, v10;
	v3 =	vld [tilespmem:s28+$0xAC10];
	v10 =	vunpack.i.u.bf16.f32 v19;
	v14 =	vunpack.i.l.bf16.f32 v19  }
0x7f: {  	v12 =	vadd.f32 v21, v12;
	v4 =	vld [tilespmem:s28+$0xC010];
	v16 =	vunpack.i.u.bf16.f32 v13;
	v17 =	vunpack.i.l.bf16.f32 v13  }
0x80: {  	s29 =	sadd.s32 $0x200, s29;
	v18 =	vpack.i.f32.bf16 v20, v18;
	v15 =	vadd.f32 v24, v15;
	v13 =	vadd.f32 v23, v22;
	v6 =	vld [tilespmem:s28+$0xAC50]  }
0x81: {  	v19 =	vld [tilespmem:s28+$0xC050];
	[tilespmem:s26+$0xFBE0] =	vst v18;
	v5 =	vpack.i.f32.bf16 v8, v5;
	v27 =	vadd.f32 v17, v14;
	v29 =	vadd.f32 v16, v10  }
0x82: {  	v25 =	vpack.i.f32.bf16 v11, v7;
	v9 =	vpack.i.f32.bf16 v12, v9;
	v1 =	vadd.f32 v2, v1;
	v24 =	vld [tilespmem:s28+$0xABE0];
	[tilespmem:s26+$0xFC20] =	vst v5  }
0x83: {  	v26 =	vld [tilespmem:s28+$0xBFE0];
	[tilespmem:s26+$0xFBF0] =	vst v25;
	v5 =	vpack.i.f32.bf16 v27, v15;
	v31 =	vpack.i.f32.bf16 v29, v13;
	v32 =	vunpack.i.l.bf16.f32 v3  }
0x84: {  	v0 =	vpack.i.f32.bf16 v1, v0;
	v34 =	vunpack.i.u.bf16.f32 v3;
	v28 =	vld [tilespmem:s28+$0xAC20];
	[tilespmem:s26+$0xFC30] =	vst v9;
	v33 =	vunpack.i.l.bf16.f32 v4  }
0x85: {  	v36 =	vunpack.i.u.bf16.f32 v4;
	v30 =	vld [tilespmem:s28+$0xC020];
	[tilespmem:s26+$0xFC00] =	vst v5;
	v37 =	vunpack.i.u.bf16.f32 v6;
	v39 =	vunpack.i.l.bf16.f32 v6  }
0x86: {  	v1 =	vadd.f32 v36, v34;
	v2 =	vadd.f32 v33, v32;
	v5 =	vld [tilespmem:s28+$0xABF0];
	[tilespmem:s26+$0xFC40] =	vst v31;
	v38 =	vunpack.i.u.bf16.f32 v19  }
0x87: {  	v48 =	vunpack.i.l.bf16.f32 v19;
	v35 =	vld [tilespmem:s28+$0xBFF0];
	[tilespmem:s26+$0xFC10] =	vst v0;
	v40 =	vadd.f32 v38, v37;
	v42 =	vunpack.i.u.bf16.f32 v24  }
0x88: {  	v8 =	vunpack.i.l.bf16.f32 v24;
	v0 =	vadd.f32 v48, v39;
	v41 =	vld [tilespmem:s28+$0xAC30];
	v43 =	vunpack.i.u.bf16.f32 v26  }
0x89: {  	v44 =	vld [tilespmem:s28+$0xC030];
	v7 =	vunpack.i.l.bf16.f32 v26;
	v45 =	vunpack.i.u.bf16.f32 v28;
	v1 =	vpack.i.f32.bf16 v40, v1  }
0x8a: {  	v46 =	vld [tilespmem:s28+$0xAC00];
	v11 =	vunpack.i.l.bf16.f32 v28;
	v7 =	vadd.f32 v7, v8;
	v12 =	vadd.f32 v43, v42  }
0x8b: {  	v50 =	vld [tilespmem:s28+$0xC000];
	v0 =	vpack.i.f32.bf16 v0, v2;
	v47 =	vunpack.i.u.bf16.f32 v30;
	v10 =	vunpack.i.l.bf16.f32 v30  }
0x8c: {  	v18 =	vld [tilespmem:s28+$0xAC40];
	v49 =	vunpack.i.u.bf16.f32 v5;
	v5 =	vunpack.i.l.bf16.f32 v5;
	v10 =	vadd.f32 v10, v11  }
0x8d: {  	v53 =	vld [tilespmem:s28+$0xC040];
	v15 =	vadd.f32 v47, v45;
	v51 =	vunpack.i.u.bf16.f32 v35;
	v3 =	vunpack.i.l.bf16.f32 v35  }
0x8e: {  	v52 =	vunpack.i.u.bf16.f32 v41;
	v6 =	vunpack.i.l.bf16.f32 v41;
	v54 =	vunpack.i.u.bf16.f32 v44  }
0x8f: {  	v14 =	vunpack.i.l.bf16.f32 v44;
	v3 =	vadd.f32 v3, v5;
	v55 =	vunpack.i.u.bf16.f32 v46  }
0x90: {  	v4 =	vunpack.i.l.bf16.f32 v46;
	v8 =	vadd.f32 v51, v49;
	v56 =	vunpack.i.u.bf16.f32 v50  }
0x91: {  	[tilespmem:s28+$0xFC50] =	vst v1;
	v17 =	vunpack.i.l.bf16.f32 v50;
	v57 =	vunpack.i.u.bf16.f32 v18;
	v18 =	vunpack.i.l.bf16.f32 v18  }
0x92: {  	[tilespmem:s28+$0xFC10] =	vst v0;
	v7 =	vpack.i.f32.bf16 v10, v7;
	v58 =	vunpack.i.u.bf16.f32 v53;
	v6 =	vadd.f32 v14, v6  }
0x93: {  	v59 =	vunpack.i.l.bf16.f32 v53;
	v12 =	vpack.i.f32.bf16 v15, v12;
	v11 =	vadd.f32 v54, v52;
	[tilespmem:s28+$0xFBE0] =	vst v7  }
.Ltmp6:
0x94: {  	v4 =	vadd.f32 v17, v4;
	v60 =	vadd.f32 v59, v18;
	[tilespmem:s28+$0xFC20] =	vst v12;
	v3 =	vpack.i.f32.bf16 v6, v3;
	(pc) =	sbr.rel .LBB2_9-.Ltmp6, $4  }
0x95: {  	v5 =	vadd.f32 v56, v55;
	v61 =	vadd.f32 v58, v57;
	v8 =	vpack.i.f32.bf16 v11, v8;
	[tilespmem:s28+$0xFBF0] =	vst v3  }
0x96: {  	v62 =	vpack.i.f32.bf16 v60, v4;
	[tilespmem:s28+$0xFC30] =	vst v8  }
0x97: {  	v63 =	vpack.i.f32.bf16 v61, v5;
	[tilespmem:s28+$0xFC00] =	vst v62  }
0x98: {  	s26 =	simm.s32 $0x6;
	[tilespmem:s28+$0xFC40] =	vst v63  }
.LBB2_6:
0x99: {  	[tilespmem:s14], [sflag:$0x1] =	stream.indirect.gather [spmem:s1], $0x40, s28, s13, $0xb8;
	[tilespmem:$0x10FE0] =	vst v63  }
0x9a: {  	_ = 	snop  }
0x9b: {  	[tilespmem:s15], [sflag:$0x2] =	stream.indirect.gather [spmem:s1], $0x40, s26, s13, $0xb8;
	[tilespmem:$0x10FE0] =	vst v63  }
0x9c: {  	_ =	swait.ge [sflag:s21], $0x1400  }
0x9d: {  	[sflag:s21] =	ssyncset.done $0x0  }
0x9e: {  	[sflag:s21] =	ssyncadd.s32 $0xFFFFEC00  }
0x9f: {  	_ =	swait.ge [sflag:s22], $0x1400  }
0xa0: {  	[sflag:s22] =	ssyncset.done $0x0  }
0xa1: {  	s26 =	simm.s32 $0x0;
	[sflag:s22] =	ssyncadd.s32 $0xFFFFEC00  }
0xa2: {  	v0 =	vld [tilespmem:s26+$0xD410]  }
0xa3: {  	v2 =	vld [tilespmem:s26+$0xE810]  }
0xa4: {  	v3 =	vld [tilespmem:s26+$0xD450]  }
0xa5: {  	v5 =	vld [tilespmem:s26+$0xD3E0]  }
0xa6: {  	v7 =	vld [tilespmem:s26+$0xD420]  }
0xa7: {  	v10 =	vld [tilespmem:s26+$0xE820]  }
0xa8: {  	v16 =	vld [tilespmem:s26+$0xD400]  }
0xa9: {  	v4 =	vld [tilespmem:s26+$0xE850];
	v8 =	vunpack.i.l.bf16.f32 v0;
	v9 =	vunpack.i.l.bf16.f32 v2  }
0xaa: {  	v6 =	vld [tilespmem:s26+$0xE7E0];
	v11 =	vunpack.i.u.bf16.f32 v0;
	v1 =	vunpack.i.l.bf16.f32 v3;
	v2 =	vunpack.i.u.bf16.f32 v2  }
0xab: {  	v21 =	vld [tilespmem:s26+$0xE840];
	v3 =	vunpack.i.u.bf16.f32 v3;
	v13 =	vunpack.i.u.bf16.f32 v5;
	v5 =	vunpack.i.l.bf16.f32 v5  }
0xac: {  	v12 =	vld [tilespmem:s26+$0xE7F0];
	v15 =	vunpack.i.u.bf16.f32 v7;
	v7 =	vunpack.i.l.bf16.f32 v7;
	v17 =	vunpack.i.u.bf16.f32 v10  }
0xad: {  	v10 =	vunpack.i.l.bf16.f32 v10;
	v22 =	vunpack.i.u.bf16.f32 v16;
	v23 =	vunpack.i.l.bf16.f32 v16  }
0xae: {  	v0 =	vadd.f32 v9, v8;
	v8 =	vld [tilespmem:s26+$0xD3F0];
	v9 =	vunpack.i.u.bf16.f32 v4;
	v2 =	vadd.f32 v2, v11  }
0xaf: {  	v14 =	vld [tilespmem:s26+$0xE830];
	v11 =	vunpack.i.u.bf16.f32 v6;
	v6 =	vunpack.i.l.bf16.f32 v6;
	v19 =	vadd.f32 v10, v7  }
0xb0: {  	v16 =	vunpack.i.u.bf16.f32 v21;
	v3 =	vadd.f32 v9, v3;
	v9 =	vld [tilespmem:s26+$0xD430];
	v18 =	vadd.f32 v6, v5  }
0xb1: {  	v6 =	vld [tilespmem:s26+$0xE800];
	v5 =	vadd.f32 v11, v13;
	v11 =	vunpack.i.u.bf16.f32 v12;
	v12 =	vunpack.i.l.bf16.f32 v12  }
0xb2: {  	v13 =	vld [tilespmem:s26+$0xD440];
	v3 =	vpack.i.f32.bf16 v3, v2;
	v2 =	vunpack.i.l.bf16.f32 v4;
	v18 =	vpack.i.f32.bf16 v19, v18  }
0xb3: {  	[tilespmem:s26+$0xFC50] =	vst v3;
	v3 =	vunpack.i.u.bf16.f32 v8;
	v4 =	vunpack.i.l.bf16.f32 v8;
	v8 =	vadd.f32 v17, v15  }
0xb4: {  	v15 =	vunpack.i.u.bf16.f32 v14;
	v14 =	vunpack.i.l.bf16.f32 v14;
	v17 =	vunpack.i.l.bf16.f32 v21  }
0xb5: {  	s28 =	simm.s32 $0x80;
	v20 =	vunpack.i.u.bf16.f32 v9;
	v10 =	vunpack.i.l.bf16.f32 v9;
	v7 =	vadd.f32 v12, v4  }
0xb6: {  	v9 =	vadd.f32 v11, v3;
	v24 =	vunpack.i.u.bf16.f32 v6;
	v25 =	vunpack.i.l.bf16.f32 v6;
	v3 =	vld [tilespmem:s28+$0xD410]  }
0xb7: {  	v4 =	vld [tilespmem:s28+$0xE810];
	v11 =	vadd.f32 v14, v10;
	v10 =	vunpack.i.u.bf16.f32 v13;
	v12 =	vadd.f32 v15, v20  }
0xb8: {  	s29 =	simm.s32 $0x400;
	v6 =	vld [tilespmem:s28+$0xD450];
	v14 =	vunpack.i.l.bf16.f32 v13;
	v15 =	vadd.f32 v25, v23;
	v13 =	vadd.f32 v24, v22  }
.LBB2_7:
0xb9: {  	p1 =	sne.s32 s29, $0x4E00;
	v19 =	vld [tilespmem:s28+$0xE850];
	v5 =	vpack.i.f32.bf16 v8, v5;
	[tilespmem:s26+$0xFBE0] =	vst v18;
	v8 =	vadd.f32 v17, v14;
	v10 =	vadd.f32 v16, v10  }
0xba: {  	v1 =	vadd.f32 v2, v1;
	v14 =	vld [tilespmem:s28+$0xD3E0];
	[tilespmem:s26+$0xFC20] =	vst v5;
	v5 =	vpack.i.f32.bf16 v11, v7;
	v7 =	vpack.i.f32.bf16 v12, v9  }
0xbb: {  	v9 =	vunpack.i.l.bf16.f32 v3;
	v2 =	vld [tilespmem:s28+$0xE7E0];
	[tilespmem:s26+$0xFBF0] =	vst v5;
	v5 =	vpack.i.f32.bf16 v8, v15;
	v8 =	vpack.i.f32.bf16 v10, v13  }
0xbc: {  	v11 =	vunpack.i.l.bf16.f32 v4;
	v10 =	vld [tilespmem:s28+$0xD420];
	[tilespmem:s26+$0xFC30] =	vst v7;
	v7 =	vpack.i.f32.bf16 v1, v0  }
0xbd: {  	v3 =	vunpack.i.u.bf16.f32 v3;
	v1 =	vunpack.i.l.bf16.f32 v6;
	v0 =	vadd.f32 v11, v9;
	v12 =	vld [tilespmem:s28+$0xE820];
	[tilespmem:s26+$0xFC00] =	vst v5  }
0xbe: {  	v4 =	vunpack.i.u.bf16.f32 v4;
	v6 =	vunpack.i.u.bf16.f32 v6;
	v5 =	vld [tilespmem:s28+$0xD3F0];
	v9 =	vunpack.i.u.bf16.f32 v19;
	[tilespmem:s26+$0xFC40] =	vst v8  }
0xbf: {  	v3 =	vadd.f32 v4, v3;
	v8 =	vunpack.i.u.bf16.f32 v14;
	v11 =	vld [tilespmem:s28+$0xE7F0];
	v4 =	vadd.f32 v9, v6;
	[tilespmem:s26+$0xFC10] =	vst v7;
	s26 =	smov.u32 s28  }
0xc0: {  	v6 =	vunpack.i.l.bf16.f32 v14;
	v7 =	vunpack.i.u.bf16.f32 v2;
	v9 =	vunpack.i.l.bf16.f32 v2;
	v13 =	vld [tilespmem:s26+$0xD430]  }
0xc1: {  	v14 =	vunpack.i.u.bf16.f32 v10;
	v10 =	vunpack.i.l.bf16.f32 v10;
	v15 =	vld [tilespmem:s26+$0xE830];
	v3 =	vpack.i.f32.bf16 v4, v3  }
0xc2: {  	v2 =	vunpack.i.l.bf16.f32 v19;
	v4 =	vunpack.i.u.bf16.f32 v12;
	v12 =	vunpack.i.l.bf16.f32 v12;
	v16 =	vld [tilespmem:s26+$0xD400];
	[tilespmem:s26+$0xFC50] =	vst v3  }
0xc3: {  	v18 =	vadd.f32 v9, v6;
	v3 =	vunpack.i.u.bf16.f32 v5;
	v6 =	vunpack.i.l.bf16.f32 v5;
	v17 =	vld [tilespmem:s26+$0xE800]  }
0xc4: {  	v5 =	vadd.f32 v7, v8;
	v9 =	vunpack.i.u.bf16.f32 v11;
	v7 =	vunpack.i.l.bf16.f32 v11;
	v19 =	vld [tilespmem:s26+$0xD440]  }
0xc5: {  	v20 =	vadd.f32 v12, v10;
	v12 =	vunpack.i.u.bf16.f32 v13;
	v10 =	vunpack.i.l.bf16.f32 v13;
	v13 =	vld [tilespmem:s26+$0xE840]  }
0xc6: {  	v8 =	vadd.f32 v4, v14;
	v21 =	vunpack.i.u.bf16.f32 v15;
	v4 =	vunpack.i.l.bf16.f32 v15  }
.Ltmp7:
0xc7: {  	v7 =	vadd.f32 v7, v6;
	v22 =	vunpack.i.u.bf16.f32 v16;
	v15 =	vunpack.i.l.bf16.f32 v16;
	(pc) =	sbr.rel @p1 .LBB2_7-.Ltmp7, $4  }
0xc8: {  	s28 =	sshra.s32 s29, $0x2;
	v9 =	vadd.f32 v9, v3;
	v23 =	vunpack.i.u.bf16.f32 v17;
	v24 =	vunpack.i.l.bf16.f32 v17  }
0xc9: {  	v11 =	vadd.f32 v4, v10;
	v3 =	vld [tilespmem:s28+$0xD410];
	v10 =	vunpack.i.u.bf16.f32 v19;
	v14 =	vunpack.i.l.bf16.f32 v19  }
0xca: {  	v12 =	vadd.f32 v21, v12;
	v4 =	vld [tilespmem:s28+$0xE810];
	v16 =	vunpack.i.u.bf16.f32 v13;
	v17 =	vunpack.i.l.bf16.f32 v13  }
0xcb: {  	s29 =	sadd.s32 $0x200, s29;
	v18 =	vpack.i.f32.bf16 v20, v18;
	v15 =	vadd.f32 v24, v15;
	v13 =	vadd.f32 v23, v22;
	v6 =	vld [tilespmem:s28+$0xD450]  }
.Ltmp8:
0xcc: {  	_ = 	snop;
	(pc) =	sbr.rel .LBB2_8-.Ltmp8, $1  }
0xcd: {  	_ =	sdelay $0x3  }
.LBB2_11:
0xce: {  	_ =	sfence.sel $0x180000  }
0xcf: {  	[bflag:$0x0] =	sbarrier.arrive $0xFFFF  }
0xd0: {  	_ =	strace $0x90000050  }
0xd1: {  	s0 =	sadd.s32 @!p0 $0x100000, s0;
	[bflag:$0x2] =	sbarrier.arrive $0xFFFF  }
0xd2: {  	[sflag:s0] =	ssyncadd.tile.s32 @!p0 $0x1;
	_ =	shalt  }
.Lfunc_end2:
_tile_overlayer_lowered:
.L_overlay_start_2:
0xd3: {  	(tag) =	ssettag $0x2  }
0xd4: {  	s0 =	rddreg [dreg:$0x0];
	s2 =	stileid.u32  }
0xd5: {  	s1 =	rddreg [dreg:$0x1];
	p0 =	sne.s32 s2, $0x0  }
0xd6: {  	s3 =	rddreg [dreg:$0x2];
	[bflag:$0x3] =	sbarrier.arrive $0xFFFF;
	s2 =	simm.s32 @!p0 $0x1C05  }
0xd7: {  	[timem:s3], [sflag:s2] =	dma.local @!p0 [hbm:s0], s1  }
0xd8: {  	s0 =	simm.s32 @!p0 $0x5  }
0xd9: {  	_ =	swait.ge @!p0 [sflag:s0], s1  }
0xda: {  	s1 =	ssub.s32 @!p0 $0x0, s1;
	[sflag:s0] =	ssyncset.done @!p0 $0x0  }
0xdb: {  	[sflag:s0] =	ssyncadd.s32 @!p0 s1  }
0xdc: {  	[bflag:$0x3] =	sbarrier.arrive $0xFFFF  }
0xdd: {  	_ =	shalt  }

// kernel: kernel.25.cloned.1.call-start
scs
__scs_entry_jumppad:
0x0: {  	(pc) =	sbr.rel $0x88, $3  }
0x1: {  	(tag) =	ssettag $0x0;
	lr =	simm.s32 $0x1  }
0x2: {  	[smem:$0x3F98] =	sst lr;
	_ =	strace $0xD0000000  }
0x3: {  	_ = 	snop  }
0x4: {  	_ = 	snop  }
0x5: {  	_ = 	snop  }
0x6: {  	_ = 	snop  }
0x7: {  	_ = 	snop  }
__scs_overlays_trampoline_lowered:
0x8: {  	[smem:$0x3FA7] =	sst s0  }
0x9: {  	[smem:$0x3FA8] =	sst s1  }
0xa: {  	[smem:$0x3FA9] =	sst s2  }
0xb: {  	[smem:$0x3FAA] =	sst s3  }
0xc: {  	[smem:$0x3FAB] =	sst s4  }
0xd: {  	[smem:$0x3FAC] =	sst s5  }
0xe: {  	[smem:$0x3FAD] =	sst s6  }
0xf: {  	[smem:$0x3FAE] =	sst s7  }
0x10: {  	[smem:$0x3FAF] =	sst s8  }
0x11: {  	[smem:$0x3FB0] =	sst s9;
	s0 =	simm.s32 @!p0 $0x0  }
0x12: {  	s1 =	sld [smem:$0x3F96];
	s0 =	simm.s32 @p0 $0x1  }
0x13: {  	[smem:$0x3FB1] =	sst s0;
	s0 =	simm.s32 @!p1 $0x0  }
0x14: {  	s2 =	sld [smem:$0x3F95];
	s0 =	simm.s32 @p1 $0x1  }
0x15: {  	[smem:$0x3FB2] =	sst s0;
	s0 =	simm.s32 @!p2 $0x0  }
0x16: {  	s3 =	sld [smem:$0x3FDB];
	s0 =	simm.s32 @p2 $0x1  }
0x17: {  	s4 =	simm.s32 $0x1BF5;
	[smem:$0x3FB4] =	sst s0  }
0x18: {  	s0 =	sld [smem:$0x3F97];
	_ =	swait.ge [sflag:s4], $0x0  }
0x19: {  	s7 =	sld [smem:$0x3F98]  }
0x1a: {  	s8 =	sadd.s32 $0xFFFFE003, lr  }
0x1b: {  	s9 =	sadd.s32 $0xFFFFFEF7, lr;
	s5 =	simm.s32 $0xFFFFFFFF;
	p2 =	slt.u32 s8, $0xFFFFF086  }
0x1c: {  	p1 =	slt.u32 s9, $0xF7A;
	s5 =	simm.s32 @!p2 $0x0  }
0x1d: {  	s5 =	simm.s32 @p1 $0x1;
	p0 =	seq.s32 s7, s2  }
0x1e: {  	s7 =	smul.u32 @!p0 $0xF7A, s2;
	p2 =	seq.s32 @!p0 s5, $0x0  }
0x1f: {  	s9 =	smul.u32 $0xF7A, s1;
	s8 =	simm.s32 @!p0 $0x1BF5;
	p2 =	por !p2, p0  }
0x20: {  	[sflag:s8] =	ssyncset.s32 @!p0 $0xFFFFF086;
	s6 =	sadd.s32 @!p0 s3, s7;
	s7 =	simm.s32 @!p0 $0x108  }
0x21: {  	s3 =	sadd.s32 s3, s9;
	s6 =	sadd.s32 @!p0 $0x88, s6;
	s7 =	simm.s32 @p2 $0x1082  }
0x22: {  	[simem:s7], [sflag:s8] =	dma.local @!p0 [hbm:s6], $0xF7A  }
0x23: {  	s9 =	sor.u32 $0xD0000000, s2;
	s6 =	simm.s32 $0x108;
	_ =	swait.ge @!p0 [sflag:s8], $0x0  }
0x24: {  	s3 =	sadd.s32 $0x88, s3;
	s6 =	simm.s32 @!p1 $0x1082;
	[sflag:s4] =	ssyncset.s32 $0xFFFFF086  }
0x25: {  	[simem:s6], [sflag:s4] =	dma.local [hbm:s3], $0xF7A  }
0x26: {  	[smem:$0x3F98] =	sst s1;
	(tag) =	ssettag s2;
	_ =	strace s9  }
0x27: {  	s1 =	sld [smem:$0x3FA8]  }
0x28: {  	s2 =	sld [smem:$0x3FA9]  }
0x29: {  	s4 =	sld [smem:$0x3FAB]  }
0x2a: {  	p0 =	seq.s32 s5, $0x0;
	s5 =	sld [smem:$0x3FAC]  }
0x2b: {  	s6 =	sld [smem:$0x3FAD]  }
0x2c: {  	s7 =	sld [smem:$0x3FAE]  }
0x2d: {  	s3 =	simm.s32 $0x108;
	s8 =	sld [smem:$0x3FAF]  }
0x2e: {  	s3 =	simm.s32 @!p0 $0x1082;
	s9 =	sld [smem:$0x3FB0]  }
0x2f: {  	lr =	sadd.s32 s0, s3;
	s0 =	sld [smem:$0x3FA7]  }
0x30: {  	s3 =	sld [smem:$0x3FAA]  }
0x31: {  	[smem:$0x3FB3] =	sst s10  }
0x32: {  	s10 =	sld [smem:$0x3FB1];
	_ =	sdelay $0x3  }
0x33: {  	p0 =	seq.s32 s10, $0x1;
	s10 =	sld [smem:$0x3FB3];
	_ =	sdelay $0x3  }
0x34: {  	[smem:$0x3FB3] =	sst s10  }
0x35: {  	s10 =	sld [smem:$0x3FB2];
	_ =	sdelay $0x3  }
0x36: {  	p1 =	seq.s32 s10, $0x1;
	s10 =	sld [smem:$0x3FB3];
	_ =	sdelay $0x3  }
0x37: {  	[smem:$0x3FB3] =	sst s10  }
0x38: {  	s10 =	sld [smem:$0x3FB4]  }
0x39: {  	_ = 	snop;
	(pc) =	sbr.ind lr, $3  }
0x3a: {  	_ = 	snop  }
0x3b: {  	_ = 	snop  }
0x3c: {  	p2 =	seq.s32 s10, $0x1;
	s10 =	sld [smem:$0x3FB3]  }
0x3d: {  	_ =	shalt  }
0x3e: {  	_ =	shalt  }
0x3f: {  	_ =	shalt  }
0x40: {  	_ =	shalt  }
0x41: {  	_ =	shalt  }
0x42: {  	_ =	shalt  }
0x43: {  	_ =	shalt  }
0x44: {  	_ =	shalt  }
0x45: {  	_ =	shalt  }
0x46: {  	_ =	shalt  }
0x47: {  	_ =	shalt  }
0x48: {  	_ =	shalt  }
0x49: {  	_ =	shalt  }
0x4a: {  	_ =	shalt  }
0x4b: {  	_ =	shalt  }
0x4c: {  	_ =	shalt  }
0x4d: {  	_ =	shalt  }
0x4e: {  	_ =	shalt  }
0x4f: {  	_ =	shalt  }
0x50: {  	_ =	shalt  }
0x51: {  	_ =	shalt  }
0x52: {  	_ =	shalt  }
0x53: {  	_ =	shalt  }
0x54: {  	_ =	shalt  }
0x55: {  	_ =	shalt  }
0x56: {  	_ =	shalt  }
0x57: {  	_ =	shalt  }
0x58: {  	_ =	shalt  }
0x59: {  	_ =	shalt  }
0x5a: {  	_ =	shalt  }
0x5b: {  	_ =	shalt  }
0x5c: {  	_ =	shalt  }
0x5d: {  	_ =	shalt  }
0x5e: {  	_ =	shalt  }
0x5f: {  	_ =	shalt  }
0x60: {  	_ =	shalt  }
0x61: {  	_ =	shalt  }
0x62: {  	_ =	shalt  }
0x63: {  	_ =	shalt  }
0x64: {  	_ =	shalt  }
0x65: {  	_ =	shalt  }
0x66: {  	_ =	shalt  }
0x67: {  	_ =	shalt  }
0x68: {  	_ =	shalt  }
0x69: {  	_ =	shalt  }
0x6a: {  	_ =	shalt  }
0x6b: {  	_ =	shalt  }
0x6c: {  	_ =	shalt  }
0x6d: {  	_ =	shalt  }
0x6e: {  	_ =	shalt  }
0x6f: {  	_ =	shalt  }
0x70: {  	_ =	shalt  }
0x71: {  	_ =	shalt  }
0x72: {  	_ =	shalt  }
0x73: {  	_ =	shalt  }
0x74: {  	_ =	shalt  }
0x75: {  	_ =	shalt  }
0x76: {  	_ =	shalt  }
0x77: {  	_ =	shalt  }
0x78: {  	_ =	shalt  }
0x79: {  	_ =	shalt  }
0x7a: {  	_ =	shalt  }
0x7b: {  	_ =	shalt  }
0x7c: {  	_ =	shalt  }
0x7d: {  	_ =	shalt  }
0x7e: {  	_ =	shalt  }
0x7f: {  	_ =	shalt  }
0x80: {  	_ =	shalt  }
0x81: {  	_ =	shalt  }
0x82: {  	_ =	shalt  }
0x83: {  	_ =	shalt  }
0x84: {  	_ =	shalt  }
0x85: {  	_ =	shalt  }
0x86: {  	_ =	shalt  }
0x87: {  	_ =	shalt  }
.Lfunc_end0:
.L_simem_size_0:
called_computation.4_lowered:
.L_overlay_start_0:
0x88: {  	s2 =	sld [smem:$0x3FD9]  }
0x89: {  	s3 =	sld [smem:$0x3FFE];
	_ =	sdelay $0x1  }
0x8a: {  	s1 =	srdreg.scid  }
0x8b: {  	s0 =	sand.u32 $0x1, s1  }
0x8c: {  	s17 =	sshll.u32 s0, $0xA;
	s2 =	sadd.s32 s3, s2  }
0x8d: {  	s2 =	sadd.s32 s2, s17  }
0x8e: {  	[smem:$0x3FBF] =	sst s2  }
0x8f: {  	_ = 	snop  }
0x90: {  	(tm) =	ssettm $0x1  }
0x91: {  	s18 =	sld [smem:$0x3FFB];
	_ =	sdelay $0x3  }
0x92: {  	_ =	strace s18  }
0x93: {  	s2 =	sld [smem:$0x3FFC];
	_ =	sdelay $0x3  }
0x94: {  	_ =	strace s2  }
0x95: {  	s2 =	sld [smem:$0x3FFD];
	_ =	sdelay $0x3  }
0x96: {  	_ =	strace s2  }
0x97: {  	_ =	strace $0x8FFFFFFF  }
0x98: {  	s19 =	sld [smem:$0x3FDB];
	_ =	sdelay $0x1  }
0x99: {  	s20 =	simm.s32 $_scs_section_size  }
0x9a: {  	s4 =	simm.s32 $_size__tile_overlayer_lowered;
	s5 =	simm.s32 $_tile_overlayer_lowered  }
0x9b: {  	s6 =	simm.s32 $0x1BFF;
	s21 =	sshll.u32 s5, $0x1;
	s3 =	sadd.s32 s20, s19  }
0x9c: {  	s22 =	simm.s32 $0x0;
	s4 =	sshll.u32 s4, $0x1;
	s5 =	sadd.s32 s21, s3  }
0x9d: {  	[timem:s22], [sflag:s6] =	dma.local [hbm:s5], s4  }
0x9e: {  	_ =	swait.ge [sflag:s6], s4  }
0x9f: {  	s4 =	ssub.s32 $0x0, s4;
	[sflag:s6] =	ssyncset.done $0x0  }
0xa0: {  	[sflag:s6] =	ssyncadd.s32 s4;
	_ =	sdelay $0x1  }
0xa1: {  	s23 =	simm.s32 $0x1B8B  }
0xa2: {  	_ =	swait.ge [sflag:s23], $0x1  }
0xa3: {  	[sflag:s23] =	ssyncset.done $0x0  }
0xa4: {  	[sflag:s23] =	ssyncadd.s32 $0xFFFFFFFF  }
0xa5: {  	s4 =	sld [smem:$0x0]  }
0xa6: {  	s5 =	sand.u32 $0xFFFFFFFE, s1  }
0xa7: {  	p0 =	sne.s32 s1, s5  }
0xa8: {  	s5 =	sshll.u32 @p0 s5, $0xE  }
0xa9: {  	s5 =	sadd.s32 @p0 $0x11B8D, s5;
	s6 =	sshll.u32 @p0 s4, $0x11  }
0xaa: {  	s5 =	sor.u32 @p0 s6, s5  }
0xab: {  	[sflag:s5] =	ssyncadd.remote.s32 @p0 $0x1;
	_ =	sdelay $0x1  }
0xac: {  	s5 =	simm.s32 @p0 $0x1B8D  }
0xad: {  	_ =	swait.eq @p0 [sflag:s5], $0x1  }
0xae: {  	[sflag:s5] =	ssyncadd.s32 @p0 $0xFFFFFFFF  }
0xaf: {  	s6 =	sshll.u32 @!p0 s1, $0xE  }
0xb0: {  	s6 =	sor.u32 @!p0 $0x4000, s6;
	s5 =	simm.s32 @!p0 $0x1B8D  }
0xb1: {  	s4 =	sshll.u32 @!p0 s4, $0x11;
	s6 =	sadd.s32 @!p0 $0x11B8D, s6;
	_ =	swait.eq @!p0 [sflag:s5], $0x1  }
0xb2: {  	s4 =	sor.u32 @!p0 s4, s6;
	[sflag:s5] =	ssyncadd.s32 @!p0 $0xFFFFFFFF  }
0xb3: {  	s25 =	simm.s32 $0x1B8E;
	s24 =	sld [smem:$0x3FFE];
	[sflag:s4] =	ssyncadd.remote.s32 @!p0 $0x1  }
0xb4: {  	s26 =	simm.s32 $execute0_lowered;
	[smem:$0x3FD2] =	sst s25  }
0xb5: {  	s5 =	sshll.u32 s26, $0x1;
	_ =	strace $0x80000052;
	[dreg:$0x1] =	wrdreg $0xFFFFFFFF  }
0xb6: {  	s28 =	simm.s32 $_size_execute0_lowered;
	s3 =	sadd.s32 s3, s5;
	[dreg:$0x0] =	wrdreg $0x0  }
0xb7: {  	s5 =	sshll.u32 s28, $0x1;
	[dreg:$0x2] =	wrdreg s3  }
0xb8: {  	[dreg:$0x3] =	wrdreg s5  }
0xb9: {  	[dreg:$0x4] =	wrdreg $0xC0  }
0xba: {  	_ =	task [dreg:s22], $0x5FFFF  }
0xbb: {  	[dreg:$0x1] =	wrdreg $0xFFFFFFFF  }
0xbc: {  	[dreg:$0x0] =	wrdreg $0x60  }
0xbd: {  	[dreg:$0x2] =	wrdreg s24  }
0xbe: {  	[dreg:$0x3] =	wrdreg $0x0  }
0xbf: {  	[dreg:$0x4] =	wrdreg $0xD  }
0xc0: {  	_ =	task.clear_ibuf [dreg:s22], $0x5FFFF;
	_ =	strace $0x90000052  }
0xc1: {  	s29 =	simm.s32 $0xD;
	_ =	strace $0x80000054  }
0xc2: {  	_ =	swait.ge [sflag:s29], $0x1  }
0xc3: {  	[sflag:s29] =	ssyncadd.s32 $0xFFFFFFFF  }
0xc4: {  	_ =	strace $0x90000054  }
0xc5: {  	_ =	sfence  }
0xc6: {  	s30 =	sld [smem:$0x0];
	_ =	sdelay $0x2  }
0xc7: {  	s31 =	sshll.u32 s1, $0xD;
	s1 =	sshrl.u32 s1, $0x2  }
0xc8: {  	s4 =	sand.u32 $0x4000, s31;
	s1 =	sadd.s32 s1, s30  }
0xc9: {  	s0 =	sor.u32 s4, s0;
	s1 =	sshll.u32 s1, $0x11  }
0xca: {  	s0 =	sor.u32 s1, s0  }
0xcb: {  	s0 =	sadd.s32 $0x8F2B, s0  }
0xcc: {  	[sflag:s0] =	ssyncadd.remote.s32 $0x1  }
0xcd: {  	_ =	sfence.sel $0xFFFF  }
0xce: {  	[dreg:$0x0] =	wrdreg $0xFFFFFFFF;
	(pc) =	sbr.abs _section_cstart, $3  }
0xcf: {  	[dreg:$0x1] =	wrdreg $0xFFFFFFFF  }
0xd0: {  	_ =	task.clear_ibuf [dreg:s22], $0x2FFFF;
	_ =	strace $0x9FFFFFFF  }
0xd1: {  	(tm) =	ssettm $0x7FFFFFFF  }
tec
execute0_lowered:
.L_overlay_start_1:
0x0: {  	(tag) =	ssettag $0x1  }
0x1: {  	s4 =	rddreg [dreg:$0x0]  }
0x2: {  	s0 =	srdreg.scid;
	s9 =	stileid.u32  }
0x3: {  	s1 =	rddreg [dreg:$0x1];
	s2 =	simm.s32 $0x0;
	s10 =	simm.s32 $0x9C40  }
0x4: {  	s11 =	simm.s32 $0x5;
	s12 =	simm.s32 $0xA410;
	s13 =	simm.s32 $0x50  }
0x5: {  	s14 =	simm.s32 $0xABE0;
	s15 =	simm.s32 $0xBFE0;
	s16 =	simm.s32 $0xD3E0  }
0x6: {  	s17 =	simm.s32 $0xE7E0;
	s18 =	simm.s32 $0x1;
	s19 =	simm.s32 $0x2  }
0x7: {  	s20 =	simm.s32 $0xFBE0;
	s21 =	simm.s32 $0x3;
	s22 =	simm.s32 $0x4  }
0x8: {  	s23 =	simm.s32 $0x0;
	s5 =	sand.u32 $0x1, s0;
	s0 =	rddreg [dreg:$0x2]  }
0x9: {  	s3 =	sshll.u32 s9, $0x1;
	[smem:$0x7FF] =	sst s2;
	p0 =	sne.s32 s9, $0x0  }
.Ltmp0:
0xa: {  	s7 =	sor.u32 s5, s3;
	_ =	strace $0x80000053;
	(pc) =	sbr.rel .LBB2_1-.Ltmp0, $4  }
0xb: {  	s3 =	sadd.s32 $0x1E00, s4;
	s5 =	ssub.s32 $0x2, s5;
	s6 =	smul.u32 $0xFA, s7  }
0xc: {  	s9 =	sshrl.u32 @!p0 s1, $0x3;
	s8 =	sshrl.u32 s5, $0x1;
	s7 =	smul.u32 $0x3E8, s7  }
0xd: {  	s8 =	ssub.s32 s5, s8;
	s6 =	sadd.s32 s6, s4;
	s4 =	sadd.s32 $0x1A0800, s4  }
0xe: {  	s8 =	smax.u32 s8, $0x1;
	s5 =	sadd.s32 $0x19E800, s6;
	s6 =	sadd.s32 $0x19C800, s6  }
.LBB2_10:
0xf: {  	s23 =	sadd.s32 $0x1, s23  }
0x10: {  	_ =	swait.ge [sflag:s21], $0x1400;
	p1 =	sne.s32 s23, s8  }
.Ltmp1:
0x11: {  	[sflag:s21] =	ssyncset.done $0x0;
	(pc) =	sbr.rel @!p1 .LBB2_11-.Ltmp1, $4  }
0x12: {  	[sflag:s21] =	ssyncadd.s32 $0xFFFFEC00  }
0x13: {  	_ =	swait.ge [sflag:s22], $0x1400  }
0x14: {  	[sflag:s22] =	ssyncset.done $0x0  }
0x15: {  	[sflag:s22] =	ssyncadd.s32 $0xFFFFEC00  }
.LBB2_1:
0x16: {  	s24 =	simm.s32 @!p0 $0x1C05  }
0x17: {  	[spmem:s9], [sflag:s24] =	dma.local @!p0 [hbm:s3], $0x13880  }
0x18: {  	s24 =	simm.s32 @!p0 $0x5  }
0x19: {  	_ =	swait.ge @!p0 [sflag:s24], $0x13880  }
0x1a: {  	[sflag:s24] =	ssyncset.done @!p0 $0x0  }
0x1b: {  	[sflag:s24] =	ssyncadd.s32 @!p0 $0xFFFEC780  }
0x1c: {  	[tilespmem:s10], [sflag:$0x5] =	stream.linear.gather [hbm4b:s5+s2], $0x7D0, $0x38;
	[tilespmem:$0x10FE0] =	vst v63  }
0x1d: {  	_ =	swait.ge [sflag:s11], $0x7D0  }
0x1e: {  	[sflag:s11] =	ssyncset.done $0x0  }
0x1f: {  	[sflag:s11] =	ssyncadd.s32 $0xFFFFF830  }
0x20: {  	[tilespmem:s12], [sflag:$0x5] =	stream.linear.gather [hbm4b:s6+s2], $0x7D0, $0x38;
	[tilespmem:$0x10FE0] =	vst v63  }
0x21: {  	_ =	swait.ge [sflag:s11], $0x7D0  }
0x22: {  	[sflag:s11] =	ssyncset.done $0x0  }
.Ltmp2:
0x23: {  	[sflag:s11] =	ssyncadd.s32 $0xFFFFF830;
	(pc) =	sbr.rel .LBB2_2-.Ltmp2, $4  }
0x24: {  	[bflag:$0x0] =	sbarrier.arrive $0xFFFF  }
0x25: {  	[tilespmem:s14], [sflag:$0x1] =	stream.indirect.gather [spmem:s1], $0x40, s10, s13, $0xb8;
	[tilespmem:$0x10FE0] =	vst v63  }
0x26: {  	s25 =	simm.s32 $0x0  }
0x27: {  	[tilespmem:s15], [sflag:$0x2] =	stream.indirect.gather [spmem:s1], $0x40, s12, s13, $0xb8;
	[tilespmem:$0x10FE0] =	vst v63  }
.LBB2_8:
0x28: {  	v19 =	vld [tilespmem:s28+$0xE850];
	[tilespmem:s26+$0xFBE0] =	vst v18;
	v5 =	vpack.i.f32.bf16 v8, v5;
	v25 =	vpack.i.f32.bf16 v11, v7;
	v27 =	vadd.f32 v17, v14  }
0x29: {  	v9 =	vpack.i.f32.bf16 v12, v9;
	v29 =	vadd.f32 v16, v10;
	v1 =	vadd.f32 v2, v1;
	v24 =	vld [tilespmem:s28+$0xD3E0];
	[tilespmem:s26+$0xFC20] =	vst v5  }
0x2a: {  	v32 =	vunpack.i.l.bf16.f32 v3;
	v33 =	vunpack.i.l.bf16.f32 v4;
	v34 =	vunpack.i.u.bf16.f32 v3;
	v26 =	vld [tilespmem:s28+$0xE7E0];
	[tilespmem:s26+$0xFBF0] =	vst v25  }
0x2b: {  	v36 =	vunpack.i.u.bf16.f32 v4;
	v37 =	vunpack.i.u.bf16.f32 v6;
	v5 =	vpack.i.f32.bf16 v27, v15;
	v28 =	vld [tilespmem:s28+$0xD420];
	[tilespmem:s26+$0xFC30] =	vst v9  }
0x2c: {  	v39 =	vunpack.i.l.bf16.f32 v6;
	v2 =	vadd.f32 v33, v32;
	v31 =	vpack.i.f32.bf16 v29, v13;
	v30 =	vld [tilespmem:s28+$0xE820];
	[tilespmem:s26+$0xFC00] =	vst v5  }
0x2d: {  	v0 =	vpack.i.f32.bf16 v1, v0;
	v1 =	vadd.f32 v36, v34;
	v5 =	vld [tilespmem:s28+$0xD3F0];
	[tilespmem:s26+$0xFC40] =	vst v31;
	v38 =	vunpack.i.u.bf16.f32 v19  }
0x2e: {  	v48 =	vunpack.i.l.bf16.f32 v19;
	v35 =	vld [tilespmem:s28+$0xE7F0];
	[tilespmem:s26+$0xFC10] =	vst v0;
	v40 =	vadd.f32 v38, v37;
	v42 =	vunpack.i.u.bf16.f32 v24  }
0x2f: {  	v8 =	vunpack.i.l.bf16.f32 v24;
	v0 =	vadd.f32 v48, v39;
	v41 =	vld [tilespmem:s28+$0xD430];
	v43 =	vunpack.i.u.bf16.f32 v26  }
0x30: {  	v44 =	vld [tilespmem:s28+$0xE830];
	v7 =	vunpack.i.l.bf16.f32 v26;
	v45 =	vunpack.i.u.bf16.f32 v28;
	v1 =	vpack.i.f32.bf16 v40, v1  }
0x31: {  	v46 =	vld [tilespmem:s28+$0xD400];
	v11 =	vunpack.i.l.bf16.f32 v28;
	v7 =	vadd.f32 v7, v8;
	v12 =	vadd.f32 v43, v42  }
0x32: {  	v50 =	vld [tilespmem:s28+$0xE800];
	v0 =	vpack.i.f32.bf16 v0, v2;
	v47 =	vunpack.i.u.bf16.f32 v30;
	v10 =	vunpack.i.l.bf16.f32 v30  }
0x33: {  	v18 =	vld [tilespmem:s28+$0xD440];
	v49 =	vunpack.i.u.bf16.f32 v5;
	v5 =	vunpack.i.l.bf16.f32 v5;
	v10 =	vadd.f32 v10, v11  }
0x34: {  	v53 =	vld [tilespmem:s28+$0xE840];
	v15 =	vadd.f32 v47, v45;
	v51 =	vunpack.i.u.bf16.f32 v35;
	v3 =	vunpack.i.l.bf16.f32 v35  }
0x35: {  	v52 =	vunpack.i.u.bf16.f32 v41;
	v6 =	vunpack.i.l.bf16.f32 v41;
	v54 =	vunpack.i.u.bf16.f32 v44  }
0x36: {  	v14 =	vunpack.i.l.bf16.f32 v44;
	v3 =	vadd.f32 v3, v5;
	v55 =	vunpack.i.u.bf16.f32 v46  }
0x37: {  	v4 =	vunpack.i.l.bf16.f32 v46;
	v8 =	vadd.f32 v51, v49;
	v56 =	vunpack.i.u.bf16.f32 v50  }
0x38: {  	[tilespmem:s28+$0xFC50] =	vst v1;
	v17 =	vunpack.i.l.bf16.f32 v50;
	v57 =	vunpack.i.u.bf16.f32 v18;
	v18 =	vunpack.i.l.bf16.f32 v18  }
0x39: {  	[tilespmem:s28+$0xFC10] =	vst v0;
	v7 =	vpack.i.f32.bf16 v10, v7;
	v58 =	vunpack.i.u.bf16.f32 v53;
	v6 =	vadd.f32 v14, v6  }
0x3a: {  	v59 =	vunpack.i.l.bf16.f32 v53;
	v12 =	vpack.i.f32.bf16 v15, v12;
	v11 =	vadd.f32 v54, v52;
	[tilespmem:s28+$0xFBE0] =	vst v7  }
0x3b: {  	v4 =	vadd.f32 v17, v4;
	v60 =	vadd.f32 v59, v18;
	[tilespmem:s28+$0xFC20] =	vst v12;
	v3 =	vpack.i.f32.bf16 v6, v3  }
0x3c: {  	v5 =	vadd.f32 v56, v55;
	v61 =	vadd.f32 v58, v57;
	v8 =	vpack.i.f32.bf16 v11, v8;
	[tilespmem:s28+$0xFBF0] =	vst v3  }
0x3d: {  	v62 =	vpack.i.f32.bf16 v60, v4;
	[tilespmem:s28+$0xFC30] =	vst v8  }
0x3e: {  	v63 =	vpack.i.f32.bf16 v61, v5;
	[tilespmem:s28+$0xFC00] =	vst v62  }
0x3f: {  	s26 =	simm.s32 $0x5;
	[tilespmem:s28+$0xFC40] =	vst v63  }
.LBB2_9:
0x40: {  	s25 =	smul.u32 $0x28, s25;
	_ =	sdelay $0x1  }
0x41: {  	s25 =	sadd.s32 s7, s25  }
0x42: {  	p1 =	sne.s32 s24, $0x19;
	s25 =	sshll.u32 s25, $0x4  }
.Ltmp3:
0x43: {  	s25 =	sadd.s32 s4, s25;
	(pc) =	sbr.rel @!p1 .LBB2_10-.Ltmp3, $4  }
0x44: {  	[hbm4b:s25+s2] =	stream.linear.scatter [tilespmem:s20], [sflag:s26], $0x1400, $0x38;
	[tilespmem:$0x10FE0] =	vst v63  }
0x45: {  	_ =	swait.ge [sflag:s26], $0x1400  }
0x46: {  	[sflag:s26] =	ssyncset.done $0x0  }
0x47: {  	s25 =	smov.u32 s24;
	[sflag:s26] =	ssyncadd.s32 $0xFFFFEC00  }
.LBB2_2:
0x48: {  	s28 =	sand.u32 $0x1, s25  }
0x49: {  	p1 =	seq.s32 s28, $0x1  }
.Ltmp4:
0x4a: {  	s24 =	sadd.s32 $0x1, s25;
	(pc) =	sbr.rel @p1 .LBB2_6-.Ltmp4, $3  }
0x4b: {  	s26 =	smin.u32 s24, $0x18  }
0x4c: {  	s26 =	smul.u32 $0x50, s26;
	_ =	sdelay $0x1  }
0x4d: {  	s28 =	sadd.s32 $0x9C40, s26;
	s26 =	sadd.s32 $0xA410, s26  }
0x4e: {  	[tilespmem:s16], [sflag:$0x3] =	stream.indirect.gather [spmem:s1], $0x40, s28, s13, $0xb8;
	[tilespmem:$0x10FE0] =	vst v63  }
0x4f: {  	_ = 	snop  }
0x50: {  	[tilespmem:s17], [sflag:$0x4] =	stream.indirect.gather [spmem:s1], $0x40, s26, s13, $0xb8;
	[tilespmem:$0x10FE0] =	vst v63  }
0x51: {  	_ =	swait.ge [sflag:s18], $0x1400  }
0x52: {  	[sflag:s18] =	ssyncset.done $0x0  }
0x53: {  	[sflag:s18] =	ssyncadd.s32 $0xFFFFEC00  }
0x54: {  	_ =	swait.ge [sflag:s19], $0x1400  }
0x55: {  	[sflag:s19] =	ssyncset.done $0x0  }
0x56: {  	s26 =	simm.s32 $0x0;
	[sflag:s19] =	ssyncadd.s32 $0xFFFFEC00  }
0x57: {  	v0 =	vld [tilespmem:s26+$0xAC10]  }
0x58: {  	v2 =	vld [tilespmem:s26+$0xC010]  }
0x59: {  	v3 =	vld [tilespmem:s26+$0xAC50]  }
0x5a: {  	v5 =	vld [tilespmem:s26+$0xABE0]  }
0x5b: {  	v7 =	vld [tilespmem:s26+$0xAC20]  }
0x5c: {  	v10 =	vld [tilespmem:s26+$0xC020]  }
0x5d: {  	v16 =	vld [tilespmem:s26+$0xAC00]  }
0x5e: {  	v4 =	vld [tilespmem:s26+$0xC050];
	v8 =	vunpack.i.l.bf16.f32 v0;
	v9 =	vunpack.i.l.bf16.f32 v2  }
0x5f: {  	v6 =	vld [tilespmem:s26+$0xBFE0];
	v11 =	vunpack.i.u.bf16.f32 v0;
	v1 =	vunpack.i.l.bf16.f32 v3;
	v2 =	vunpack.i.u.bf16.f32 v2  }
0x60: {  	v21 =	vld [tilespmem:s26+$0xC040];
	v3 =	vunpack.i.u.bf16.f32 v3;
	v13 =	vunpack.i.u.bf16.f32 v5;
	v5 =	vunpack.i.l.bf16.f32 v5  }
0x61: {  	v12 =	vld [tilespmem:s26+$0xBFF0];
	v15 =	vunpack.i.u.bf16.f32 v7;
	v7 =	vunpack.i.l.bf16.f32 v7;
	v17 =	vunpack.i.u.bf16.f32 v10  }
0x62: {  	v10 =	vunpack.i.l.bf16.f32 v10;
	v22 =	vunpack.i.u.bf16.f32 v16;
	v23 =	vunpack.i.l.bf16.f32 v16  }
0x63: {  	v0 =	vadd.f32 v9, v8;
	v8 =	vld [tilespmem:s26+$0xABF0];
	v9 =	vunpack.i.u.bf16.f32 v4;
	v2 =	vadd.f32 v2, v11  }
0x64: {  	v14 =	vld [tilespmem:s26+$0xC030];
	v11 =	vunpack.i.u.bf16.f32 v6;
	v6 =	vunpack.i.l.bf16.f32 v6;
	v19 =	vadd.f32 v10, v7  }
0x65: {  	v16 =	vunpack.i.u.bf16.f32 v21;
	v3 =	vadd.f32 v9, v3;
	v9 =	vld [tilespmem:s26+$0xAC30];
	v18 =	vadd.f32 v6, v5  }
0x66: {  	v6 =	vld [tilespmem:s26+$0xC000];
	v5 =	vadd.f32 v11, v13;
	v11 =	vunpack.i.u.bf16.f32 v12;
	v12 =	vunpack.i.l.bf16.f32 v12  }
0x67: {  	v13 =	vld [tilespmem:s26+$0xAC40];
	v3 =	vpack.i.f32.bf16 v3, v2;
	v2 =	vunpack.i.l.bf16.f32 v4;
	v18 =	vpack.i.f32.bf16 v19, v18  }
0x68: {  	[tilespmem:s26+$0xFC50] =	vst v3;
	v3 =	vunpack.i.u.bf16.f32 v8;
	v4 =	vunpack.i.l.bf16.f32 v8;
	v8 =	vadd.f32 v17, v15  }
0x69: {  	v15 =	vunpack.i.u.bf16.f32 v14;
	v14 =	vunpack.i.l.bf16.f32 v14;
	v17 =	vunpack.i.l.bf16.f32 v21  }
0x6a: {  	s28 =	simm.s32 $0x80;
	v20 =	vunpack.i.u.bf16.f32 v9;
	v10 =	vunpack.i.l.bf16.f32 v9;
	v7 =	vadd.f32 v12, v4  }
0x6b: {  	v9 =	vadd.f32 v11, v3;
	v24 =	vunpack.i.u.bf16.f32 v6;
	v25 =	vunpack.i.l.bf16.f32 v6;
	v3 =	vld [tilespmem:s28+$0xAC10]  }
0x6c: {  	v4 =	vld [tilespmem:s28+$0xC010];
	v11 =	vadd.f32 v14, v10;
	v10 =	vunpack.i.u.bf16.f32 v13;
	v12 =	vadd.f32 v15, v20  }
0x6d: {  	s29 =	simm.s32 $0x400;
	v6 =	vld [tilespmem:s28+$0xAC50];
	v14 =	vunpack.i.l.bf16.f32 v13;
	v15 =	vadd.f32 v25, v23;
	v13 =	vadd.f32 v24, v22  }
.LBB2_4:
0x6e: {  	p1 =	sne.s32 s29, $0x4E00;
	v19 =	vld [tilespmem:s28+$0xC050];
	v5 =	vpack.i.f32.bf16 v8, v5;
	[tilespmem:s26+$0xFBE0] =	vst v18;
	v8 =	vadd.f32 v17, v14;
	v10 =	vadd.f32 v16, v10  }
0x6f: {  	v1 =	vadd.f32 v2, v1;
	v14 =	vld [tilespmem:s28+$0xABE0];
	[tilespmem:s26+$0xFC20] =	vst v5;
	v5 =	vpack.i.f32.bf16 v11, v7;
	v7 =	vpack.i.f32.bf16 v12, v9  }
0x70: {  	v2 =	vld [tilespmem:s28+$0xBFE0];
	v9 =	vunpack.i.l.bf16.f32 v3;
	[tilespmem:s26+$0xFBF0] =	vst v5;
	v5 =	vpack.i.f32.bf16 v8, v15;
	v8 =	vpack.i.f32.bf16 v10, v13  }
0x71: {  	v10 =	vld [tilespmem:s28+$0xAC20];
	v11 =	vunpack.i.l.bf16.f32 v4;
	[tilespmem:s26+$0xFC30] =	vst v7;
	v7 =	vpack.i.f32.bf16 v1, v0  }
0x72: {  	v3 =	vunpack.i.u.bf16.f32 v3;
	v12 =	vld [tilespmem:s28+$0xC020];
	v1 =	vunpack.i.l.bf16.f32 v6;
	v0 =	vadd.f32 v11, v9;
	[tilespmem:s26+$0xFC00] =	vst v5  }
0x73: {  	v4 =	vunpack.i.u.bf16.f32 v4;
	v6 =	vunpack.i.u.bf16.f32 v6;
	v5 =	vld [tilespmem:s28+$0xABF0];
	v9 =	vunpack.i.u.bf16.f32 v19;
	[tilespmem:s26+$0xFC40] =	vst v8  }
0x74: {  	v3 =	vadd.f32 v4, v3;
	v8 =	vunpack.i.u.bf16.f32 v14;
	v11 =	vld [tilespmem:s28+$0xBFF0];
	v4 =	vadd.f32 v9, v6;
	[tilespmem:s26+$0xFC10] =	vst v7;
	s26 =	smov.u32 s28  }
0x75: {  	v6 =	vunpack.i.l.bf16.f32 v14;
	v7 =	vunpack.i.u.bf16.f32 v2;
	v9 =	vunpack.i.l.bf16.f32 v2;
	v13 =	vld [tilespmem:s26+$0xAC30]  }
0x76: {  	v14 =	vunpack.i.u.bf16.f32 v10;
	v10 =	vunpack.i.l.bf16.f32 v10;
	v15 =	vld [tilespmem:s26+$0xC030];
	v3 =	vpack.i.f32.bf16 v4, v3  }
0x77: {  	v2 =	vunpack.i.l.bf16.f32 v19;
	v4 =	vunpack.i.u.bf16.f32 v12;
	v12 =	vunpack.i.l.bf16.f32 v12;
	v16 =	vld [tilespmem:s26+$0xAC00];
	[tilespmem:s26+$0xFC50] =	vst v3  }
0x78: {  	v18 =	vadd.f32 v9, v6;
	v3 =	vunpack.i.u.bf16.f32 v5;
	v6 =	vunpack.i.l.bf16.f32 v5;
	v17 =	vld [tilespmem:s26+$0xC000]  }
0x79: {  	v5 =	vadd.f32 v7, v8;
	v9 =	vunpack.i.u.bf16.f32 v11;
	v7 =	vunpack.i.l.bf16.f32 v11;
	v19 =	vld [tilespmem:s26+$0xAC40]  }
0x7a: {  	v20 =	vadd.f32 v12, v10;
	v12 =	vunpack.i.u.bf16.f32 v13;
	v10 =	vunpack.i.l.bf16.f32 v13;
	v13 =	vld [tilespmem:s26+$0xC040]  }
0x7b: {  	v8 =	vadd.f32 v4, v14;
	v21 =	vunpack.i.u.bf16.f32 v15;
	v4 =	vunpack.i.l.bf16.f32 v15  }
.Ltmp5:
0x7c: {  	v7 =	vadd.f32 v7, v6;
	v22 =	vunpack.i.u.bf16.f32 v16;
	v15 =	vunpack.i.l.bf16.f32 v16;
	(pc) =	sbr.rel @p1 .LBB2_4-.Ltmp5, $4  }
0x7d: {  	s28 =	sshra.s32 s29, $0x2;
	v9 =	vadd.f32 v9, v3;
	v23 =	vunpack.i.u.bf16.f32 v17;
	v24 =	vunpack.i.l.bf16.f32 v17  }
0x7e: {  	v11 =	vadd.f32 v4, v10;
	v3 =	vld [tilespmem:s28+$0xAC10];
	v10 =	vunpack.i.u.bf16.f32 v19;
	v14 =	vunpack.i.l.bf16.f32 v19  }
0x7f: {  	v12 =	vadd.f32 v21, v12;
	v4 =	vld [tilespmem:s28+$0xC010];
	v16 =	vunpack.i.u.bf16.f32 v13;
	v17 =	vunpack.i.l.bf16.f32 v13  }
0x80: {  	s29 =	sadd.s32 $0x200, s29;
	v18 =	vpack.i.f32.bf16 v20, v18;
	v15 =	vadd.f32 v24, v15;
	v13 =	vadd.f32 v23, v22;
	v6 =	vld [tilespmem:s28+$0xAC50]  }
0x81: {  	v19 =	vld [tilespmem:s28+$0xC050];
	[tilespmem:s26+$0xFBE0] =	vst v18;
	v5 =	vpack.i.f32.bf16 v8, v5;
	v27 =	vadd.f32 v17, v14;
	v29 =	vadd.f32 v16, v10  }
0x82: {  	v25 =	vpack.i.f32.bf16 v11, v7;
	v9 =	vpack.i.f32.bf16 v12, v9;
	v1 =	vadd.f32 v2, v1;
	v24 =	vld [tilespmem:s28+$0xABE0];
	[tilespmem:s26+$0xFC20] =	vst v5  }
0x83: {  	v26 =	vld [tilespmem:s28+$0xBFE0];
	[tilespmem:s26+$0xFBF0] =	vst v25;
	v5 =	vpack.i.f32.bf16 v27, v15;
	v31 =	vpack.i.f32.bf16 v29, v13;
	v32 =	vunpack.i.l.bf16.f32 v3  }
0x84: {  	v0 =	vpack.i.f32.bf16 v1, v0;
	v34 =	vunpack.i.u.bf16.f32 v3;
	v28 =	vld [tilespmem:s28+$0xAC20];
	[tilespmem:s26+$0xFC30] =	vst v9;
	v33 =	vunpack.i.l.bf16.f32 v4  }
0x85: {  	v36 =	vunpack.i.u.bf16.f32 v4;
	v30 =	vld [tilespmem:s28+$0xC020];
	[tilespmem:s26+$0xFC00] =	vst v5;
	v37 =	vunpack.i.u.bf16.f32 v6;
	v39 =	vunpack.i.l.bf16.f32 v6  }
0x86: {  	v1 =	vadd.f32 v36, v34;
	v2 =	vadd.f32 v33, v32;
	v5 =	vld [tilespmem:s28+$0xABF0];
	[tilespmem:s26+$0xFC40] =	vst v31;
	v38 =	vunpack.i.u.bf16.f32 v19  }
0x87: {  	v48 =	vunpack.i.l.bf16.f32 v19;
	v35 =	vld [tilespmem:s28+$0xBFF0];
	[tilespmem:s26+$0xFC10] =	vst v0;
	v40 =	vadd.f32 v38, v37;
	v42 =	vunpack.i.u.bf16.f32 v24  }
0x88: {  	v8 =	vunpack.i.l.bf16.f32 v24;
	v0 =	vadd.f32 v48, v39;
	v41 =	vld [tilespmem:s28+$0xAC30];
	v43 =	vunpack.i.u.bf16.f32 v26  }
0x89: {  	v44 =	vld [tilespmem:s28+$0xC030];
	v7 =	vunpack.i.l.bf16.f32 v26;
	v45 =	vunpack.i.u.bf16.f32 v28;
	v1 =	vpack.i.f32.bf16 v40, v1  }
0x8a: {  	v46 =	vld [tilespmem:s28+$0xAC00];
	v11 =	vunpack.i.l.bf16.f32 v28;
	v7 =	vadd.f32 v7, v8;
	v12 =	vadd.f32 v43, v42  }
0x8b: {  	v50 =	vld [tilespmem:s28+$0xC000];
	v0 =	vpack.i.f32.bf16 v0, v2;
	v47 =	vunpack.i.u.bf16.f32 v30;
	v10 =	vunpack.i.l.bf16.f32 v30  }
0x8c: {  	v18 =	vld [tilespmem:s28+$0xAC40];
	v49 =	vunpack.i.u.bf16.f32 v5;
	v5 =	vunpack.i.l.bf16.f32 v5;
	v10 =	vadd.f32 v10, v11  }
0x8d: {  	v53 =	vld [tilespmem:s28+$0xC040];
	v15 =	vadd.f32 v47, v45;
	v51 =	vunpack.i.u.bf16.f32 v35;
	v3 =	vunpack.i.l.bf16.f32 v35  }
0x8e: {  	v52 =	vunpack.i.u.bf16.f32 v41;
	v6 =	vunpack.i.l.bf16.f32 v41;
	v54 =	vunpack.i.u.bf16.f32 v44  }
0x8f: {  	v14 =	vunpack.i.l.bf16.f32 v44;
	v3 =	vadd.f32 v3, v5;
	v55 =	vunpack.i.u.bf16.f32 v46  }
0x90: {  	v4 =	vunpack.i.l.bf16.f32 v46;
	v8 =	vadd.f32 v51, v49;
	v56 =	vunpack.i.u.bf16.f32 v50  }
0x91: {  	[tilespmem:s28+$0xFC50] =	vst v1;
	v17 =	vunpack.i.l.bf16.f32 v50;
	v57 =	vunpack.i.u.bf16.f32 v18;
	v18 =	vunpack.i.l.bf16.f32 v18  }
0x92: {  	[tilespmem:s28+$0xFC10] =	vst v0;
	v7 =	vpack.i.f32.bf16 v10, v7;
	v58 =	vunpack.i.u.bf16.f32 v53;
	v6 =	vadd.f32 v14, v6  }
0x93: {  	v59 =	vunpack.i.l.bf16.f32 v53;
	v12 =	vpack.i.f32.bf16 v15, v12;
	v11 =	vadd.f32 v54, v52;
	[tilespmem:s28+$0xFBE0] =	vst v7  }
.Ltmp6:
0x94: {  	v4 =	vadd.f32 v17, v4;
	v60 =	vadd.f32 v59, v18;
	[tilespmem:s28+$0xFC20] =	vst v12;
	v3 =	vpack.i.f32.bf16 v6, v3;
	(pc) =	sbr.rel .LBB2_9-.Ltmp6, $4  }
0x95: {  	v5 =	vadd.f32 v56, v55;
	v61 =	vadd.f32 v58, v57;
	v8 =	vpack.i.f32.bf16 v11, v8;
	[tilespmem:s28+$0xFBF0] =	vst v3  }
0x96: {  	v62 =	vpack.i.f32.bf16 v60, v4;
	[tilespmem:s28+$0xFC30] =	vst v8  }
0x97: {  	v63 =	vpack.i.f32.bf16 v61, v5;
	[tilespmem:s28+$0xFC00] =	vst v62  }
0x98: {  	s26 =	simm.s32 $0x6;
	[tilespmem:s28+$0xFC40] =	vst v63  }
.LBB2_6:
0x99: {  	[tilespmem:s14], [sflag:$0x1] =	stream.indirect.gather [spmem:s1], $0x40, s28, s13, $0xb8;
	[tilespmem:$0x10FE0] =	vst v63  }
0x9a: {  	_ = 	snop  }
0x9b: {  	[tilespmem:s15], [sflag:$0x2] =	stream.indirect.gather [spmem:s1], $0x40, s26, s13, $0xb8;
	[tilespmem:$0x10FE0] =	vst v63  }
0x9c: {  	_ =	swait.ge [sflag:s21], $0x1400  }
0x9d: {  	[sflag:s21] =	ssyncset.done $0x0  }
0x9e: {  	[sflag:s21] =	ssyncadd.s32 $0xFFFFEC00  }
0x9f: {  	_ =	swait.ge [sflag:s22], $0x1400  }
0xa0: {  	[sflag:s22] =	ssyncset.done $0x0  }
0xa1: {  	s26 =	simm.s32 $0x0;
	[sflag:s22] =	ssyncadd.s32 $0xFFFFEC00  }
0xa2: {  	v0 =	vld [tilespmem:s26+$0xD410]  }
0xa3: {  	v2 =	vld [tilespmem:s26+$0xE810]  }
0xa4: {  	v3 =	vld [tilespmem:s26+$0xD450]  }
0xa5: {  	v5 =	vld [tilespmem:s26+$0xD3E0]  }
0xa6: {  	v7 =	vld [tilespmem:s26+$0xD420]  }
0xa7: {  	v10 =	vld [tilespmem:s26+$0xE820]  }
0xa8: {  	v16 =	vld [tilespmem:s26+$0xD400]  }
0xa9: {  	v4 =	vld [tilespmem:s26+$0xE850];
	v8 =	vunpack.i.l.bf16.f32 v0;
	v9 =	vunpack.i.l.bf16.f32 v2  }
0xaa: {  	v6 =	vld [tilespmem:s26+$0xE7E0];
	v11 =	vunpack.i.u.bf16.f32 v0;
	v1 =	vunpack.i.l.bf16.f32 v3;
	v2 =	vunpack.i.u.bf16.f32 v2  }
0xab: {  	v21 =	vld [tilespmem:s26+$0xE840];
	v3 =	vunpack.i.u.bf16.f32 v3;
	v13 =	vunpack.i.u.bf16.f32 v5;
	v5 =	vunpack.i.l.bf16.f32 v5  }
0xac: {  	v12 =	vld [tilespmem:s26+$0xE7F0];
	v15 =	vunpack.i.u.bf16.f32 v7;
	v7 =	vunpack.i.l.bf16.f32 v7;
	v17 =	vunpack.i.u.bf16.f32 v10  }
0xad: {  	v10 =	vunpack.i.l.bf16.f32 v10;
	v22 =	vunpack.i.u.bf16.f32 v16;
	v23 =	vunpack.i.l.bf16.f32 v16  }
0xae: {  	v0 =	vadd.f32 v9, v8;
	v8 =	vld [tilespmem:s26+$0xD3F0];
	v9 =	vunpack.i.u.bf16.f32 v4;
	v2 =	vadd.f32 v2, v11  }
0xaf: {  	v14 =	vld [tilespmem:s26+$0xE830];
	v11 =	vunpack.i.u.bf16.f32 v6;
	v6 =	vunpack.i.l.bf16.f32 v6;
	v19 =	vadd.f32 v10, v7  }
0xb0: {  	v16 =	vunpack.i.u.bf16.f32 v21;
	v3 =	vadd.f32 v9, v3;
	v9 =	vld [tilespmem:s26+$0xD430];
	v18 =	vadd.f32 v6, v5  }
0xb1: {  	v6 =	vld [tilespmem:s26+$0xE800];
	v5 =	vadd.f32 v11, v13;
	v11 =	vunpack.i.u.bf16.f32 v12;
	v12 =	vunpack.i.l.bf16.f32 v12  }
0xb2: {  	v13 =	vld [tilespmem:s26+$0xD440];
	v3 =	vpack.i.f32.bf16 v3, v2;
	v2 =	vunpack.i.l.bf16.f32 v4;
	v18 =	vpack.i.f32.bf16 v19, v18  }
0xb3: {  	[tilespmem:s26+$0xFC50] =	vst v3;
	v3 =	vunpack.i.u.bf16.f32 v8;
	v4 =	vunpack.i.l.bf16.f32 v8;
	v8 =	vadd.f32 v17, v15  }
0xb4: {  	v15 =	vunpack.i.u.bf16.f32 v14;
	v14 =	vunpack.i.l.bf16.f32 v14;
	v17 =	vunpack.i.l.bf16.f32 v21  }
0xb5: {  	s28 =	simm.s32 $0x80;
	v20 =	vunpack.i.u.bf16.f32 v9;
	v10 =	vunpack.i.l.bf16.f32 v9;
	v7 =	vadd.f32 v12, v4  }
0xb6: {  	v9 =	vadd.f32 v11, v3;
	v24 =	vunpack.i.u.bf16.f32 v6;
	v25 =	vunpack.i.l.bf16.f32 v6;
	v3 =	vld [tilespmem:s28+$0xD410]  }
0xb7: {  	v4 =	vld [tilespmem:s28+$0xE810];
	v11 =	vadd.f32 v14, v10;
	v10 =	vunpack.i.u.bf16.f32 v13;
	v12 =	vadd.f32 v15, v20  }
0xb8: {  	s29 =	simm.s32 $0x400;
	v6 =	vld [tilespmem:s28+$0xD450];
	v14 =	vunpack.i.l.bf16.f32 v13;
	v15 =	vadd.f32 v25, v23;
	v13 =	vadd.f32 v24, v22  }
.LBB2_7:
0xb9: {  	p1 =	sne.s32 s29, $0x4E00;
	v19 =	vld [tilespmem:s28+$0xE850];
	v5 =	vpack.i.f32.bf16 v8, v5;
	[tilespmem:s26+$0xFBE0] =	vst v18;
	v8 =	vadd.f32 v17, v14;
	v10 =	vadd.f32 v16, v10  }
0xba: {  	v1 =	vadd.f32 v2, v1;
	v14 =	vld [tilespmem:s28+$0xD3E0];
	[tilespmem:s26+$0xFC20] =	vst v5;
	v5 =	vpack.i.f32.bf16 v11, v7;
	v7 =	vpack.i.f32.bf16 v12, v9  }
0xbb: {  	v9 =	vunpack.i.l.bf16.f32 v3;
	v2 =	vld [tilespmem:s28+$0xE7E0];
	[tilespmem:s26+$0xFBF0] =	vst v5;
	v5 =	vpack.i.f32.bf16 v8, v15;
	v8 =	vpack.i.f32.bf16 v10, v13  }
0xbc: {  	v11 =	vunpack.i.l.bf16.f32 v4;
	v10 =	vld [tilespmem:s28+$0xD420];
	[tilespmem:s26+$0xFC30] =	vst v7;
	v7 =	vpack.i.f32.bf16 v1, v0  }
0xbd: {  	v3 =	vunpack.i.u.bf16.f32 v3;
	v1 =	vunpack.i.l.bf16.f32 v6;
	v0 =	vadd.f32 v11, v9;
	v12 =	vld [tilespmem:s28+$0xE820];
	[tilespmem:s26+$0xFC00] =	vst v5  }
0xbe: {  	v4 =	vunpack.i.u.bf16.f32 v4;
	v6 =	vunpack.i.u.bf16.f32 v6;
	v5 =	vld [tilespmem:s28+$0xD3F0];
	v9 =	vunpack.i.u.bf16.f32 v19;
	[tilespmem:s26+$0xFC40] =	vst v8  }
0xbf: {  	v3 =	vadd.f32 v4, v3;
	v8 =	vunpack.i.u.bf16.f32 v14;
	v11 =	vld [tilespmem:s28+$0xE7F0];
	v4 =	vadd.f32 v9, v6;
	[tilespmem:s26+$0xFC10] =	vst v7;
	s26 =	smov.u32 s28  }
0xc0: {  	v6 =	vunpack.i.l.bf16.f32 v14;
	v7 =	vunpack.i.u.bf16.f32 v2;
	v9 =	vunpack.i.l.bf16.f32 v2;
	v13 =	vld [tilespmem:s26+$0xD430]  }
0xc1: {  	v14 =	vunpack.i.u.bf16.f32 v10;
	v10 =	vunpack.i.l.bf16.f32 v10;
	v15 =	vld [tilespmem:s26+$0xE830];
	v3 =	vpack.i.f32.bf16 v4, v3  }
0xc2: {  	v2 =	vunpack.i.l.bf16.f32 v19;
	v4 =	vunpack.i.u.bf16.f32 v12;
	v12 =	vunpack.i.l.bf16.f32 v12;
	v16 =	vld [tilespmem:s26+$0xD400];
	[tilespmem:s26+$0xFC50] =	vst v3  }
0xc3: {  	v18 =	vadd.f32 v9, v6;
	v3 =	vunpack.i.u.bf16.f32 v5;
	v6 =	vunpack.i.l.bf16.f32 v5;
	v17 =	vld [tilespmem:s26+$0xE800]  }
0xc4: {  	v5 =	vadd.f32 v7, v8;
	v9 =	vunpack.i.u.bf16.f32 v11;
	v7 =	vunpack.i.l.bf16.f32 v11;
	v19 =	vld [tilespmem:s26+$0xD440]  }
0xc5: {  	v20 =	vadd.f32 v12, v10;
	v12 =	vunpack.i.u.bf16.f32 v13;
	v10 =	vunpack.i.l.bf16.f32 v13;
	v13 =	vld [tilespmem:s26+$0xE840]  }
0xc6: {  	v8 =	vadd.f32 v4, v14;
	v21 =	vunpack.i.u.bf16.f32 v15;
	v4 =	vunpack.i.l.bf16.f32 v15  }
.Ltmp7:
0xc7: {  	v7 =	vadd.f32 v7, v6;
	v22 =	vunpack.i.u.bf16.f32 v16;
	v15 =	vunpack.i.l.bf16.f32 v16;
	(pc) =	sbr.rel @p1 .LBB2_7-.Ltmp7, $4  }
0xc8: {  	s28 =	sshra.s32 s29, $0x2;
	v9 =	vadd.f32 v9, v3;
	v23 =	vunpack.i.u.bf16.f32 v17;
	v24 =	vunpack.i.l.bf16.f32 v17  }
0xc9: {  	v11 =	vadd.f32 v4, v10;
	v3 =	vld [tilespmem:s28+$0xD410];
	v10 =	vunpack.i.u.bf16.f32 v19;
	v14 =	vunpack.i.l.bf16.f32 v19  }
0xca: {  	v12 =	vadd.f32 v21, v12;
	v4 =	vld [tilespmem:s28+$0xE810];
	v16 =	vunpack.i.u.bf16.f32 v13;
	v17 =	vunpack.i.l.bf16.f32 v13  }
0xcb: {  	s29 =	sadd.s32 $0x200, s29;
	v18 =	vpack.i.f32.bf16 v20, v18;
	v15 =	vadd.f32 v24, v15;
	v13 =	vadd.f32 v23, v22;
	v6 =	vld [tilespmem:s28+$0xD450]  }
.Ltmp8:
0xcc: {  	_ = 	snop;
	(pc) =	sbr.rel .LBB2_8-.Ltmp8, $1  }
0xcd: {  	_ =	sdelay $0x3  }
.LBB2_11:
0xce: {  	_ =	sfence.sel $0x180000  }
0xcf: {  	[bflag:$0x0] =	sbarrier.arrive $0xFFFF  }
0xd0: {  	_ =	strace $0x90000053  }
0xd1: {  	s0 =	sadd.s32 @!p0 $0x100000, s0;
	[bflag:$0x2] =	sbarrier.arrive $0xFFFF  }
0xd2: {  	[sflag:s0] =	ssyncadd.tile.s32 @!p0 $0x1;
	_ =	shalt  }
.Lfunc_end2:
_tile_overlayer_lowered:
.L_overlay_start_2:
0xd3: {  	(tag) =	ssettag $0x2  }
0xd4: {  	s0 =	rddreg [dreg:$0x0];
	s2 =	stileid.u32  }
0xd5: {  	s1 =	rddreg [dreg:$0x1];
	p0 =	sne.s32 s2, $0x0  }
0xd6: {  	s3 =	rddreg [dreg:$0x2];
	[bflag:$0x3] =	sbarrier.arrive $0xFFFF;
	s2 =	simm.s32 @!p0 $0x1C05  }
0xd7: {  	[timem:s3], [sflag:s2] =	dma.local @!p0 [hbm:s0], s1  }
0xd8: {  	s0 =	simm.s32 @!p0 $0x5  }
0xd9: {  	_ =	swait.ge @!p0 [sflag:s0], s1  }
0xda: {  	s1 =	ssub.s32 @!p0 $0x0, s1;
	[sflag:s0] =	ssyncset.done @!p0 $0x0  }
0xdb: {  	[sflag:s0] =	ssyncadd.s32 @!p0 s1  }
0xdc: {  	[bflag:$0x3] =	sbarrier.arrive $0xFFFF  }
0xdd: {  	_ =	shalt  }

</sc_bundles>
